<compile_context>
chip_gen: v7x
topology: tpu7x:2x2x1
jax: 0.10.2.dev20260603
libtpu: 0.0.44.dev20260713+nightly
codegen_flags: <defaults>
</compile_context>

<pallas_src>
import functools

import jax
import jax.numpy as jnp
import numpy as np
from jax import lax
from jax.experimental import pallas as pl
from jax.experimental.pallas import tpu as pltpu
from jax.experimental.pallas import tpu_sc as plsc

BS, SEQ, EMB = 4, 4096, 2048
TOTAL = BS * EMB
NC, NS = 1, 16
NW = NC * NS
PER_W = TOTAL // NW
CHUNK = 128
NCH = PER_W // CHUNK

_ROT_A = (13, 15, 26, 6)
_ROT_B = (17, 29, 16, 24)


def _rotl_np(x, d):
    return ((x << np.uint32(d)) | (x >> np.uint32(32 - d))).astype(np.uint32)


def _threefry2x32_np(k1, k2, c1, c2):
    ks = (np.uint32(k1), np.uint32(k2),
          np.uint32(k1) ^ np.uint32(k2) ^ np.uint32(0x1BD11BDA))
    x0 = (np.asarray(c1, np.uint32) + ks[0]).astype(np.uint32)
    x1 = (np.asarray(c2, np.uint32) + ks[1]).astype(np.uint32)
    for i in range(5):
        for r in (_ROT_A if i % 2 == 0 else _ROT_B):
            x0 = (x0 + x1).astype(np.uint32)
            x1 = _rotl_np(x1, r) ^ x0
        x0 = (x0 + ks[(i + 1) % 3]).astype(np.uint32)
        x1 = (x1 + ks[(i + 2) % 3] + np.uint32(i + 1)).astype(np.uint32)
    return x0, x1


_SB1, _SB2 = _threefry2x32_np(np.uint32(0), np.uint32(42),
                              np.zeros(2, np.uint32),
                              np.arange(2, dtype=np.uint32))
_K1 = np.uint32(_SB1[1])
_K2 = np.uint32(_SB2[1])
_KS = (_K1, _K2, _K1 ^ _K2 ^ np.uint32(0x1BD11BDA))


def _i32(v):
    return int(np.int32(np.uint32(np.uint64(int(v)) & np.uint64(0xFFFFFFFF))))


def _gather_call(x2):
    mesh = plsc.VectorSubcoreMesh(core_axis_name="c", subcore_axis_name="s",
                                  num_cores=NC)

    @functools.partial(
        pl.kernel,
        mesh=mesh,
        out_type=jax.ShapeDtypeStruct((BS, EMB), jnp.float32),
        scratch_types=[
            pltpu.VMEM((NCH, CHUNK), jnp.int32),
            pltpu.VMEM((NCH, CHUNK, CHUNK), jnp.float32),
            pltpu.VMEM((PER_W,), jnp.float32),
            pltpu.SemaphoreType.DMA,
            pltpu.SemaphoreType.DMA,
        ],
        compiler_params=pltpu.CompilerParams(
            use_tc_tiling_on_sc=True, needs_layout_passes=False),
    )
    def body(x_hbm, out_hbm, row_v, slab_v, val_v, sem_g, sem_o):
        wid = lax.axis_index("s") * NC + lax.axis_index("c")
        base = wid * PER_W
        b = base // EMB
        j0 = base % EMB
        row_base = b * SEQ
        lane = lax.iota(jnp.int32, 16)

        def sample_group(g, c):
            x1 = base + c * CHUNK + g * 16 + lane + _i32(_KS[1])
            x0 = jnp.full((16,), _i32(_KS[0]), jnp.int32)
            for i in range(5):
                for r in (_ROT_A if i % 2 == 0 else _ROT_B):
                    x0 = x0 + x1
                    x1 = ((x1 << r) |
                          lax.shift_right_logical(x1, 32 - r)) ^ x0
                x0 = x0 + _i32(_KS[(i + 1) % 3])
                x1 = x1 + _i32(int(_KS[(i + 2) % 3]) + i + 1)
            row_v[c, pl.ds(g * 16, 16)] = row_base + ((x0 ^ x1) & (SEQ - 1))
            return g + 1

        gathers = []
        for c in range(NCH):
            lax.fori_loop(0, CHUNK // 16, lambda g, _, c=c: (sample_group(g, c), _)[1], None)
            gathers.append(pltpu.async_copy(
                x_hbm.at[row_v.at[c], pl.ds(j0 + c * CHUNK, CHUNK)],
                slab_v.at[c], sem_g))
        writes = []
        for c in range(NCH):
            gathers[c].wait()

            def extract(k, _, c=c):
                d = k * 16 + lane
                val_v[pl.ds(c * CHUNK + k * 16, 16)] = plsc.load_gather(
                    slab_v.at[c], [d, d])
                return _

            lax.fori_loop(0, CHUNK // 16, extract, None)
            writes.append(pltpu.async_copy(
                val_v.at[pl.ds(c * CHUNK, CHUNK)],
                out_hbm.at[b, pl.ds(j0 + c * CHUNK, CHUNK)], sem_o))
        for w in writes:
            w.wait()

    return body(x2)


def kernel(output_tokens_from_bert):
    x = output_tokens_from_bert
    bs, seq, emb = x.shape
    return _gather_call(x.reshape(bs * seq, emb))

# --- scband reference (transcript-rebuilt; emitter-appended) ---
"""Pipeline reference for scband-embracement-layer-38534446579794 (READ-ONLY COPY).

The authoritative reference and input builder live on the scoring server;
editing this copy changes nothing except your own understanding.
"""

import jax, jax.numpy as jnp
import numpy as np


def setup_inputs(seed: int = 0) -> dict:
    key = jax.random.key(seed)
    x = jax.random.normal(key, (4, 4096, 2048), dtype=jnp.float32)
    return {"output_tokens_from_bert": x}


def reference(output_tokens_from_bert):
    # EmbracementLayer with p='multinomial':
    # torch.multinomial over a uniform probability vector of length seq_len,
    # with replacement, drawing emb_size samples per batch element -- this is
    # exactly uniform integer sampling in [0, seq_len).
    bs, seq_len, emb_size = output_tokens_from_bert.shape
    idx = jax.random.randint(jax.random.key(42), (bs, emb_size), 0, seq_len)
    # embraced[b, j] = x[b, idx[b, j], j]  (pick a random token per embedding dim)
    gathered = jnp.take_along_axis(output_tokens_from_bert, idx[:, None, :], axis=1)
    embraced_features_token = gathered[:, 0, :]
    return embraced_features_token.astype(jnp.float32)

if __name__ == "__main__":
    import jax
    _d = setup_inputs()
    print(jax.jit(kernel)(*tuple(_d.values())))

</pallas_src>

<mosaic_0001>
#map = affine_map<(d0, d1) -> (0, 0)>
module attributes {stable_mosaic.version = 14 : i64} {
  func.func @body(%arg0: i32, %arg1: i32, %arg2: memref<16384x2048xf32, #tpu.memory_space<hbm>>, %arg3: memref<4x2048xf32, #tpu.memory_space<hbm>>, %arg4: memref<4x128xi32, #tpu.memory_space<vmem>>, %arg5: memref<4x128x128xf32, #tpu.memory_space<vmem>>, %arg6: memref<512xf32, #tpu.memory_space<vmem>>, %arg7: memref<!tpu.dma_semaphore, #tpu.memory_space<semaphore_mem>>, %arg8: memref<!tpu.dma_semaphore, #tpu.memory_space<semaphore_mem>>) attributes {dimension_semantics = [#tpu.dimension_semantics<core_parallel>, #tpu.dimension_semantics<subcore_parallel>], iteration_bounds = array<i64: 1, 16>, scalar_prefetch = 0 : i64, scratch_operands = 5 : i64, tpu.core_type = #tpu.core_type<sc_vector_subcore>, window_params = [{transform_indices = #map}, {transform_indices = #map}]} {
    %mul3A = arith.constant 1 : i32
    %mul3A_0 = arith.muli %arg1, %mul3A : i32
    %add3A = arith.addi %mul3A_0, %arg0 : i32
    %mul3A_1 = arith.constant 512 : i32
    %mul3A_2 = arith.muli %add3A, %mul3A_1 : i32
    %jit3A = arith.constant 2048 : i32
    %div3A = arith.divsi %mul3A_2, %jit3A : i32
    %sign3A = arith.constant 0 : i32
    %sign3A_3 = arith.cmpi sgt, %mul3A_2, %sign3A : i32
    %sign3A_4 = arith.extui %sign3A_3 : i1 to i32
    %sign3A_5 = arith.constant 0 : i32
    %sign3A_6 = arith.cmpi slt, %mul3A_2, %sign3A_5 : i32
    %sign3A_7 = arith.extui %sign3A_6 : i1 to i32
    %sign3A_8 = arith.subi %sign3A_4, %sign3A_7 : i32
    %sign3A_9 = arith.constant 0 : i32
    %sign3A_10 = arith.cmpi sgt, %jit3A, %sign3A_9 : i32
    %sign3A_11 = arith.extui %sign3A_10 : i1 to i32
    %sign3A_12 = arith.constant 0 : i32
    %sign3A_13 = arith.cmpi slt, %jit3A, %sign3A_12 : i32
    %sign3A_14 = arith.extui %sign3A_13 : i1 to i32
    %sign3A_15 = arith.subi %sign3A_11, %sign3A_14 : i32
    %ne3A = arith.cmpi ne, %sign3A_8, %sign3A_15 : i32
    %rem3A = arith.remsi %mul3A_2, %jit3A : i32
    %ne3A_16 = arith.constant 0 : i32
    %ne3A_17 = arith.cmpi ne, %rem3A, %ne3A_16 : i32
    %and3A = arith.andi %ne3A, %ne3A_17 : i1
    %sub3A = arith.constant 1 : i32
    %sub3A_18 = arith.subi %div3A, %sub3A : i32
    %select_n3A = arith.select %and3A, %sub3A_18, %div3A : i32
    %jit3A_19 = arith.constant 2048 : i32
    %eq3A = arith.constant 0 : i32
    %eq3A_20 = arith.cmpi eq, %jit3A_19, %eq3A : i32
    %jit3A_21 = arith.constant 1 : i32
    %select_n3A_22 = arith.select %eq3A_20, %jit3A_21, %jit3A_19 : i32
    %rem3A_23 = arith.remsi %mul3A_2, %select_n3A_22 : i32
    %ne3A_24 = arith.constant 0 : i32
    %ne3A_25 = arith.cmpi ne, %rem3A_23, %ne3A_24 : i32
    %lt3A = arith.constant 0 : i32
    %lt3A_26 = arith.cmpi slt, %rem3A_23, %lt3A : i32
    %lt3A_27 = arith.constant 0 : i32
    %lt3A_28 = arith.cmpi slt, %select_n3A_22, %lt3A_27 : i32
    %ne3A_29 = arith.xori %lt3A_26, %lt3A_28 : i1
    %and3A_30 = arith.andi %ne3A_29, %ne3A_25 : i1
    %add3A_31 = arith.addi %rem3A_23, %select_n3A_22 : i32
    %select_n3A_32 = arith.select %and3A_30, %add3A_31, %rem3A_23 : i32
    %mul3A_33 = arith.constant 4096 : i32
    %mul3A_34 = arith.muli %select_n3A, %mul3A_33 : i32
    %iota3A = tpu.iota {dimensions = array<i32: 0>} : vector<16xi32>
    %scan3A = arith.constant 0 : i32
    %scan3A_35 = arith.constant 8 : i32
    %scan3A_36 = arith.addi %scan3A, %scan3A_35 : i32
    %scan3A_37 = arith.constant 1 : i32
    scf.for %scan3A_240 = %scan3A to %scan3A_36 step %scan3A_37  : i32 {
      %add3A_241 = arith.constant 0 : i32
      %add3A_242 = arith.addi %mul3A_2, %add3A_241 : i32
      %mul3A_243 = arith.constant 16 : i32
      %mul3A_244 = arith.muli %scan3A_240, %mul3A_243 : i32
      %add3A_245 = arith.addi %add3A_242, %mul3A_244 : i32
      %add3A_246 = vector.broadcast %add3A_245 : i32 to vector<16xi32>
      %add3A_247 = arith.addi %add3A_246, %iota3A : vector<16xi32>
      %add3A_248 = arith.constant -1378843660 : i32
      %add3A_249 = vector.broadcast %add3A_248 : i32 to vector<16xi32>
      %add3A_250 = arith.addi %add3A_247, %add3A_249 : vector<16xi32>
      %broadcast_in_dim3A = arith.constant 64467757 : i32
      %broadcast_in_dim3A_251 = vector.broadcast %broadcast_in_dim3A : i32 to vector<16xi32>
      %add3A_252 = arith.addi %broadcast_in_dim3A_251, %add3A_250 : vector<16xi32>
      %shift_left3A = arith.constant 13 : i32
      %shift_left3A_253 = vector.broadcast %shift_left3A : i32 to vector<16xi32>
      %shift_left3A_254 = arith.shli %add3A_250, %shift_left3A_253 : vector<16xi32>
      %shift_right_logical3A = arith.constant 19 : i32
      %shift_right_logical3A_255 = vector.broadcast %shift_right_logical3A : i32 to vector<16xi32>
      %shift_right_logical3A_256 = arith.shrui %add3A_250, %shift_right_logical3A_255 : vector<16xi32>
      %or3A = arith.ori %shift_left3A_254, %shift_right_logical3A_256 : vector<16xi32>
      %xor3A = arith.xori %or3A, %add3A_252 : vector<16xi32>
      %add3A_257 = arith.addi %add3A_252, %xor3A : vector<16xi32>
      %shift_left3A_258 = arith.constant 15 : i32
      %shift_left3A_259 = vector.broadcast %shift_left3A_258 : i32 to vector<16xi32>
      %shift_left3A_260 = arith.shli %xor3A, %shift_left3A_259 : vector<16xi32>
      %shift_right_logical3A_261 = arith.constant 17 : i32
      %shift_right_logical3A_262 = vector.broadcast %shift_right_logical3A_261 : i32 to vector<16xi32>
      %shift_right_logical3A_263 = arith.shrui %xor3A, %shift_right_logical3A_262 : vector<16xi32>
      %or3A_264 = arith.ori %shift_left3A_260, %shift_right_logical3A_263 : vector<16xi32>
      %xor3A_265 = arith.xori %or3A_264, %add3A_257 : vector<16xi32>
      %add3A_266 = arith.addi %add3A_257, %xor3A_265 : vector<16xi32>
      %shift_left3A_267 = arith.constant 26 : i32
      %shift_left3A_268 = vector.broadcast %shift_left3A_267 : i32 to vector<16xi32>
      %shift_left3A_269 = arith.shli %xor3A_265, %shift_left3A_268 : vector<16xi32>
      %shift_right_logical3A_270 = arith.constant 6 : i32
      %shift_right_logical3A_271 = vector.broadcast %shift_right_logical3A_270 : i32 to vector<16xi32>
      %shift_right_logical3A_272 = arith.shrui %xor3A_265, %shift_right_logical3A_271 : vector<16xi32>
      %or3A_273 = arith.ori %shift_left3A_269, %shift_right_logical3A_272 : vector<16xi32>
      %xor3A_274 = arith.xori %or3A_273, %add3A_266 : vector<16xi32>
      %add3A_275 = arith.addi %add3A_266, %xor3A_274 : vector<16xi32>
      %shift_left3A_276 = arith.constant 6 : i32
      %shift_left3A_277 = vector.broadcast %shift_left3A_276 : i32 to vector<16xi32>
      %shift_left3A_278 = arith.shli %xor3A_274, %shift_left3A_277 : vector<16xi32>
      %shift_right_logical3A_279 = arith.constant 26 : i32
      %shift_right_logical3A_280 = vector.broadcast %shift_right_logical3A_279 : i32 to vector<16xi32>
      %shift_right_logical3A_281 = arith.shrui %xor3A_274, %shift_right_logical3A_280 : vector<16xi32>
      %or3A_282 = arith.ori %shift_left3A_278, %shift_right_logical3A_281 : vector<16xi32>
      %xor3A_283 = arith.xori %or3A_282, %add3A_275 : vector<16xi32>
      %add3A_284 = arith.constant -1378843660 : i32
      %add3A_285 = vector.broadcast %add3A_284 : i32 to vector<16xi32>
      %add3A_286 = arith.addi %add3A_275, %add3A_285 : vector<16xi32>
      %add3A_287 = arith.constant -1244255484 : i32
      %add3A_288 = vector.broadcast %add3A_287 : i32 to vector<16xi32>
      %add3A_289 = arith.addi %xor3A_283, %add3A_288 : vector<16xi32>
      %add3A_290 = arith.addi %add3A_286, %add3A_289 : vector<16xi32>
      %shift_left3A_291 = arith.constant 17 : i32
      %shift_left3A_292 = vector.broadcast %shift_left3A_291 : i32 to vector<16xi32>
      %shift_left3A_293 = arith.shli %add3A_289, %shift_left3A_292 : vector<16xi32>
      %shift_right_logical3A_294 = arith.constant 15 : i32
      %shift_right_logical3A_295 = vector.broadcast %shift_right_logical3A_294 : i32 to vector<16xi32>
      %shift_right_logical3A_296 = arith.shrui %add3A_289, %shift_right_logical3A_295 : vector<16xi32>
      %or3A_297 = arith.ori %shift_left3A_293, %shift_right_logical3A_296 : vector<16xi32>
      %xor3A_298 = arith.xori %or3A_297, %add3A_290 : vector<16xi32>
      %add3A_299 = arith.addi %add3A_290, %xor3A_298 : vector<16xi32>
      %shift_left3A_300 = arith.constant 29 : i32
      %shift_left3A_301 = vector.broadcast %shift_left3A_300 : i32 to vector<16xi32>
      %shift_left3A_302 = arith.shli %xor3A_298, %shift_left3A_301 : vector<16xi32>
      %shift_right_logical3A_303 = arith.constant 3 : i32
      %shift_right_logical3A_304 = vector.broadcast %shift_right_logical3A_303 : i32 to vector<16xi32>
      %shift_right_logical3A_305 = arith.shrui %xor3A_298, %shift_right_logical3A_304 : vector<16xi32>
      %or3A_306 = arith.ori %shift_left3A_302, %shift_right_logical3A_305 : vector<16xi32>
      %xor3A_307 = arith.xori %or3A_306, %add3A_299 : vector<16xi32>
      %add3A_308 = arith.addi %add3A_299, %xor3A_307 : vector<16xi32>
      %shift_left3A_309 = arith.constant 16 : i32
      %shift_left3A_310 = vector.broadcast %shift_left3A_309 : i32 to vector<16xi32>
      %shift_left3A_311 = arith.shli %xor3A_307, %shift_left3A_310 : vector<16xi32>
      %shift_right_logical3A_312 = arith.constant 16 : i32
      %shift_right_logical3A_313 = vector.broadcast %shift_right_logical3A_312 : i32 to vector<16xi32>
      %shift_right_logical3A_314 = arith.shrui %xor3A_307, %shift_right_logical3A_313 : vector<16xi32>
      %or3A_315 = arith.ori %shift_left3A_311, %shift_right_logical3A_314 : vector<16xi32>
      %xor3A_316 = arith.xori %or3A_315, %add3A_308 : vector<16xi32>
      %add3A_317 = arith.addi %add3A_308, %xor3A_316 : vector<16xi32>
      %shift_left3A_318 = arith.constant 24 : i32
      %shift_left3A_319 = vector.broadcast %shift_left3A_318 : i32 to vector<16xi32>
      %shift_left3A_320 = arith.shli %xor3A_316, %shift_left3A_319 : vector<16xi32>
      %shift_right_logical3A_321 = arith.constant 8 : i32
      %shift_right_logical3A_322 = vector.broadcast %shift_right_logical3A_321 : i32 to vector<16xi32>
      %shift_right_logical3A_323 = arith.shrui %xor3A_316, %shift_right_logical3A_322 : vector<16xi32>
      %or3A_324 = arith.ori %shift_left3A_320, %shift_right_logical3A_323 : vector<16xi32>
      %xor3A_325 = arith.xori %or3A_324, %add3A_317 : vector<16xi32>
      %add3A_326 = arith.constant -1244255485 : i32
      %add3A_327 = vector.broadcast %add3A_326 : i32 to vector<16xi32>
      %add3A_328 = arith.addi %add3A_317, %add3A_327 : vector<16xi32>
      %add3A_329 = arith.constant 64467759 : i32
      %add3A_330 = vector.broadcast %add3A_329 : i32 to vector<16xi32>
      %add3A_331 = arith.addi %xor3A_325, %add3A_330 : vector<16xi32>
      %add3A_332 = arith.addi %add3A_328, %add3A_331 : vector<16xi32>
      %shift_left3A_333 = arith.constant 13 : i32
      %shift_left3A_334 = vector.broadcast %shift_left3A_333 : i32 to vector<16xi32>
      %shift_left3A_335 = arith.shli %add3A_331, %shift_left3A_334 : vector<16xi32>
      %shift_right_logical3A_336 = arith.constant 19 : i32
      %shift_right_logical3A_337 = vector.broadcast %shift_right_logical3A_336 : i32 to vector<16xi32>
      %shift_right_logical3A_338 = arith.shrui %add3A_331, %shift_right_logical3A_337 : vector<16xi32>
      %or3A_339 = arith.ori %shift_left3A_335, %shift_right_logical3A_338 : vector<16xi32>
      %xor3A_340 = arith.xori %or3A_339, %add3A_332 : vector<16xi32>
      %add3A_341 = arith.addi %add3A_332, %xor3A_340 : vector<16xi32>
      %shift_left3A_342 = arith.constant 15 : i32
      %shift_left3A_343 = vector.broadcast %shift_left3A_342 : i32 to vector<16xi32>
      %shift_left3A_344 = arith.shli %xor3A_340, %shift_left3A_343 : vector<16xi32>
      %shift_right_logical3A_345 = arith.constant 17 : i32
      %shift_right_logical3A_346 = vector.broadcast %shift_right_logical3A_345 : i32 to vector<16xi32>
      %shift_right_logical3A_347 = arith.shrui %xor3A_340, %shift_right_logical3A_346 : vector<16xi32>
      %or3A_348 = arith.ori %shift_left3A_344, %shift_right_logical3A_347 : vector<16xi32>
      %xor3A_349 = arith.xori %or3A_348, %add3A_341 : vector<16xi32>
      %add3A_350 = arith.addi %add3A_341, %xor3A_349 : vector<16xi32>
      %shift_left3A_351 = arith.constant 26 : i32
      %shift_left3A_352 = vector.broadcast %shift_left3A_351 : i32 to vector<16xi32>
      %shift_left3A_353 = arith.shli %xor3A_349, %shift_left3A_352 : vector<16xi32>
      %shift_right_logical3A_354 = arith.constant 6 : i32
      %shift_right_logical3A_355 = vector.broadcast %shift_right_logical3A_354 : i32 to vector<16xi32>
      %shift_right_logical3A_356 = arith.shrui %xor3A_349, %shift_right_logical3A_355 : vector<16xi32>
      %or3A_357 = arith.ori %shift_left3A_353, %shift_right_logical3A_356 : vector<16xi32>
      %xor3A_358 = arith.xori %or3A_357, %add3A_350 : vector<16xi32>
      %add3A_359 = arith.addi %add3A_350, %xor3A_358 : vector<16xi32>
      %shift_left3A_360 = arith.constant 6 : i32
      %shift_left3A_361 = vector.broadcast %shift_left3A_360 : i32 to vector<16xi32>
      %shift_left3A_362 = arith.shli %xor3A_358, %shift_left3A_361 : vector<16xi32>
      %shift_right_logical3A_363 = arith.constant 26 : i32
      %shift_right_logical3A_364 = vector.broadcast %shift_right_logical3A_363 : i32 to vector<16xi32>
      %shift_right_logical3A_365 = arith.shrui %xor3A_358, %shift_right_logical3A_364 : vector<16xi32>
      %or3A_366 = arith.ori %shift_left3A_362, %shift_right_logical3A_365 : vector<16xi32>
      %xor3A_367 = arith.xori %or3A_366, %add3A_359 : vector<16xi32>
      %add3A_368 = arith.constant 64467757 : i32
      %add3A_369 = vector.broadcast %add3A_368 : i32 to vector<16xi32>
      %add3A_370 = arith.addi %add3A_359, %add3A_369 : vector<16xi32>
      %add3A_371 = arith.constant -1378843657 : i32
      %add3A_372 = vector.broadcast %add3A_371 : i32 to vector<16xi32>
      %add3A_373 = arith.addi %xor3A_367, %add3A_372 : vector<16xi32>
      %add3A_374 = arith.addi %add3A_370, %add3A_373 : vector<16xi32>
      %shift_left3A_375 = arith.constant 17 : i32
      %shift_left3A_376 = vector.broadcast %shift_left3A_375 : i32 to vector<16xi32>
      %shift_left3A_377 = arith.shli %add3A_373, %shift_left3A_376 : vector<16xi32>
      %shift_right_logical3A_378 = arith.constant 15 : i32
      %shift_right_logical3A_379 = vector.broadcast %shift_right_logical3A_378 : i32 to vector<16xi32>
      %shift_right_logical3A_380 = arith.shrui %add3A_373, %shift_right_logical3A_379 : vector<16xi32>
      %or3A_381 = arith.ori %shift_left3A_377, %shift_right_logical3A_380 : vector<16xi32>
      %xor3A_382 = arith.xori %or3A_381, %add3A_374 : vector<16xi32>
      %add3A_383 = arith.addi %add3A_374, %xor3A_382 : vector<16xi32>
      %shift_left3A_384 = arith.constant 29 : i32
      %shift_left3A_385 = vector.broadcast %shift_left3A_384 : i32 to vector<16xi32>
      %shift_left3A_386 = arith.shli %xor3A_382, %shift_left3A_385 : vector<16xi32>
      %shift_right_logical3A_387 = arith.constant 3 : i32
      %shift_right_logical3A_388 = vector.broadcast %shift_right_logical3A_387 : i32 to vector<16xi32>
      %shift_right_logical3A_389 = arith.shrui %xor3A_382, %shift_right_logical3A_388 : vector<16xi32>
      %or3A_390 = arith.ori %shift_left3A_386, %shift_right_logical3A_389 : vector<16xi32>
      %xor3A_391 = arith.xori %or3A_390, %add3A_383 : vector<16xi32>
      %add3A_392 = arith.addi %add3A_383, %xor3A_391 : vector<16xi32>
      %shift_left3A_393 = arith.constant 16 : i32
      %shift_left3A_394 = vector.broadcast %shift_left3A_393 : i32 to vector<16xi32>
      %shift_left3A_395 = arith.shli %xor3A_391, %shift_left3A_394 : vector<16xi32>
      %shift_right_logical3A_396 = arith.constant 16 : i32
      %shift_right_logical3A_397 = vector.broadcast %shift_right_logical3A_396 : i32 to vector<16xi32>
      %shift_right_logical3A_398 = arith.shrui %xor3A_391, %shift_right_logical3A_397 : vector<16xi32>
      %or3A_399 = arith.ori %shift_left3A_395, %shift_right_logical3A_398 : vector<16xi32>
      %xor3A_400 = arith.xori %or3A_399, %add3A_392 : vector<16xi32>
      %add3A_401 = arith.addi %add3A_392, %xor3A_400 : vector<16xi32>
      %shift_left3A_402 = arith.constant 24 : i32
      %shift_left3A_403 = vector.broadcast %shift_left3A_402 : i32 to vector<16xi32>
      %shift_left3A_404 = arith.shli %xor3A_400, %shift_left3A_403 : vector<16xi32>
      %shift_right_logical3A_405 = arith.constant 8 : i32
      %shift_right_logical3A_406 = vector.broadcast %shift_right_logical3A_405 : i32 to vector<16xi32>
      %shift_right_logical3A_407 = arith.shrui %xor3A_400, %shift_right_logical3A_406 : vector<16xi32>
      %or3A_408 = arith.ori %shift_left3A_404, %shift_right_logical3A_407 : vector<16xi32>
      %xor3A_409 = arith.xori %or3A_408, %add3A_401 : vector<16xi32>
      %add3A_410 = arith.constant -1378843660 : i32
      %add3A_411 = vector.broadcast %add3A_410 : i32 to vector<16xi32>
      %add3A_412 = arith.addi %add3A_401, %add3A_411 : vector<16xi32>
      %add3A_413 = arith.constant -1244255481 : i32
      %add3A_414 = vector.broadcast %add3A_413 : i32 to vector<16xi32>
      %add3A_415 = arith.addi %xor3A_409, %add3A_414 : vector<16xi32>
      %add3A_416 = arith.addi %add3A_412, %add3A_415 : vector<16xi32>
      %shift_left3A_417 = arith.constant 13 : i32
      %shift_left3A_418 = vector.broadcast %shift_left3A_417 : i32 to vector<16xi32>
      %shift_left3A_419 = arith.shli %add3A_415, %shift_left3A_418 : vector<16xi32>
      %shift_right_logical3A_420 = arith.constant 19 : i32
      %shift_right_logical3A_421 = vector.broadcast %shift_right_logical3A_420 : i32 to vector<16xi32>
      %shift_right_logical3A_422 = arith.shrui %add3A_415, %shift_right_logical3A_421 : vector<16xi32>
      %or3A_423 = arith.ori %shift_left3A_419, %shift_right_logical3A_422 : vector<16xi32>
      %xor3A_424 = arith.xori %or3A_423, %add3A_416 : vector<16xi32>
      %add3A_425 = arith.addi %add3A_416, %xor3A_424 : vector<16xi32>
      %shift_left3A_426 = arith.constant 15 : i32
      %shift_left3A_427 = vector.broadcast %shift_left3A_426 : i32 to vector<16xi32>
      %shift_left3A_428 = arith.shli %xor3A_424, %shift_left3A_427 : vector<16xi32>
      %shift_right_logical3A_429 = arith.constant 17 : i32
      %shift_right_logical3A_430 = vector.broadcast %shift_right_logical3A_429 : i32 to vector<16xi32>
      %shift_right_logical3A_431 = arith.shrui %xor3A_424, %shift_right_logical3A_430 : vector<16xi32>
      %or3A_432 = arith.ori %shift_left3A_428, %shift_right_logical3A_431 : vector<16xi32>
      %xor3A_433 = arith.xori %or3A_432, %add3A_425 : vector<16xi32>
      %add3A_434 = arith.addi %add3A_425, %xor3A_433 : vector<16xi32>
      %shift_left3A_435 = arith.constant 26 : i32
      %shift_left3A_436 = vector.broadcast %shift_left3A_435 : i32 to vector<16xi32>
      %shift_left3A_437 = arith.shli %xor3A_433, %shift_left3A_436 : vector<16xi32>
      %shift_right_logical3A_438 = arith.constant 6 : i32
      %shift_right_logical3A_439 = vector.broadcast %shift_right_logical3A_438 : i32 to vector<16xi32>
      %shift_right_logical3A_440 = arith.shrui %xor3A_433, %shift_right_logical3A_439 : vector<16xi32>
      %or3A_441 = arith.ori %shift_left3A_437, %shift_right_logical3A_440 : vector<16xi32>
      %xor3A_442 = arith.xori %or3A_441, %add3A_434 : vector<16xi32>
      %add3A_443 = arith.addi %add3A_434, %xor3A_442 : vector<16xi32>
      %shift_left3A_444 = arith.constant 6 : i32
      %shift_left3A_445 = vector.broadcast %shift_left3A_444 : i32 to vector<16xi32>
      %shift_left3A_446 = arith.shli %xor3A_442, %shift_left3A_445 : vector<16xi32>
      %shift_right_logical3A_447 = arith.constant 26 : i32
      %shift_right_logical3A_448 = vector.broadcast %shift_right_logical3A_447 : i32 to vector<16xi32>
      %shift_right_logical3A_449 = arith.shrui %xor3A_442, %shift_right_logical3A_448 : vector<16xi32>
      %or3A_450 = arith.ori %shift_left3A_446, %shift_right_logical3A_449 : vector<16xi32>
      %xor3A_451 = arith.xori %or3A_450, %add3A_443 : vector<16xi32>
      %add3A_452 = arith.constant -1244255485 : i32
      %add3A_453 = vector.broadcast %add3A_452 : i32 to vector<16xi32>
      %add3A_454 = arith.addi %add3A_443, %add3A_453 : vector<16xi32>
      %add3A_455 = arith.constant 64467762 : i32
      %add3A_456 = vector.broadcast %add3A_455 : i32 to vector<16xi32>
      %add3A_457 = arith.addi %xor3A_451, %add3A_456 : vector<16xi32>
      %xor3A_458 = arith.xori %add3A_454, %add3A_457 : vector<16xi32>
      %and3A_459 = arith.constant 4095 : i32
      %and3A_460 = vector.broadcast %and3A_459 : i32 to vector<16xi32>
      %and3A_461 = arith.andi %xor3A_458, %and3A_460 : vector<16xi32>
      %add3A_462 = vector.broadcast %mul3A_34 : i32 to vector<16xi32>
      %add3A_463 = arith.addi %add3A_462, %and3A_461 : vector<16xi32>
      %mul3A_464 = arith.constant 16 : i32
      %mul3A_465 = arith.muli %scan3A_240, %mul3A_464 : i32
      %swap3A = arith.constant 0 : i32
      %swap3A_466 = arith.index_cast %swap3A : i32 to index
      %swap3A_467 = arith.index_cast %mul3A_465 : i32 to index
      %swap3A_468 = tpu.vector_load %arg4[%swap3A_466, %swap3A_467] {strides = array<i32>} : memref<4x128xi32, #tpu.memory_space<vmem>>, vector<16xi32>,
      tpu.vector_store %arg4[%swap3A_466, %swap3A_467], %add3A_463 {strides = array<i32>} : memref<4x128xi32, #tpu.memory_space<vmem>>, vector<16xi32>,
      %add3A_469 = arith.constant 1 : i32
      %add3A_470 = arith.addi %scan3A_240, %add3A_469 : i32
    }
    %scan3A_38 = arith.constant 8 : i32
    %add3A_39 = arith.constant 0 : i32
    %add3A_40 = arith.addi %select_n3A_32, %add3A_39 : i32
    %dma_start3A = arith.constant 0 : i32
    %dma_start3A_41 = arith.constant 0 : i32
    %dma_start3A_42 = arith.constant 0 : i32
    %dma_start3A_43 = arith.constant 0 : i32
    %dma_start3A_44 = tpu.memref_slice %arg5[%dma_start3A_41, %dma_start3A_42, %dma_start3A_43] : memref<4x128x128xf32, #tpu.memory_space<vmem>> -> memref<1x128x128xf32, #tpu.memory_space<vmem>>
    %dma_start3A_45 = tpu.memref_squeeze %dma_start3A_44 : memref<1x128x128xf32, #tpu.memory_space<vmem>> -> memref<128x128xf32, #tpu.memory_space<vmem>>
    %dma_start3A_46 = arith.constant 0 : i32
    %dma_start3A_47 = tpu.memref_slice %arg4[%dma_start3A, %dma_start3A_46] : memref<4x128xi32, #tpu.memory_space<vmem>> -> memref<1x128xi32, #tpu.memory_space<vmem>>
    %dma_start3A_48 = tpu.memref_squeeze %dma_start3A_47 : memref<1x128xi32, #tpu.memory_space<vmem>> -> memref<128xi32, #tpu.memory_space<vmem>>
    %dma_start3A_49 = arith.constant 0 : i32
    %dma_start3A_50 = tpu.memref_slice %arg2[%dma_start3A_49, %add3A_40] : memref<16384x2048xf32, #tpu.memory_space<hbm>> -> memref<16384x128xf32, #tpu.memory_space<hbm>>
    tpu.enqueue_indirect_dma source(%dma_start3A_50 : memref<16384x128xf32, #tpu.memory_space<hbm>>) target(%dma_start3A_45 : memref<128x128xf32, #tpu.memory_space<vmem>>) offsets(%dma_start3A_48 : memref<128xi32, #tpu.memory_space<vmem>>) semaphore(%arg7 : memref<!tpu.dma_semaphore, #tpu.memory_space<semaphore_mem>>)
    %scan3A_51 = arith.constant 0 : i32
    %scan3A_52 = arith.constant 8 : i32
    %scan3A_53 = arith.addi %scan3A_51, %scan3A_52 : i32
    %scan3A_54 = arith.constant 1 : i32
    scf.for %scan3A_240 = %scan3A_51 to %scan3A_53 step %scan3A_54  : i32 {
      %add3A_241 = arith.constant 128 : i32
      %add3A_242 = arith.addi %mul3A_2, %add3A_241 : i32
      %mul3A_243 = arith.constant 16 : i32
      %mul3A_244 = arith.muli %scan3A_240, %mul3A_243 : i32
      %add3A_245 = arith.addi %add3A_242, %mul3A_244 : i32
      %add3A_246 = vector.broadcast %add3A_245 : i32 to vector<16xi32>
      %add3A_247 = arith.addi %add3A_246, %iota3A : vector<16xi32>
      %add3A_248 = arith.constant -1378843660 : i32
      %add3A_249 = vector.broadcast %add3A_248 : i32 to vector<16xi32>
      %add3A_250 = arith.addi %add3A_247, %add3A_249 : vector<16xi32>
      %broadcast_in_dim3A = arith.constant 64467757 : i32
      %broadcast_in_dim3A_251 = vector.broadcast %broadcast_in_dim3A : i32 to vector<16xi32>
      %add3A_252 = arith.addi %broadcast_in_dim3A_251, %add3A_250 : vector<16xi32>
      %shift_left3A = arith.constant 13 : i32
      %shift_left3A_253 = vector.broadcast %shift_left3A : i32 to vector<16xi32>
      %shift_left3A_254 = arith.shli %add3A_250, %shift_left3A_253 : vector<16xi32>
      %shift_right_logical3A = arith.constant 19 : i32
      %shift_right_logical3A_255 = vector.broadcast %shift_right_logical3A : i32 to vector<16xi32>
      %shift_right_logical3A_256 = arith.shrui %add3A_250, %shift_right_logical3A_255 : vector<16xi32>
      %or3A = arith.ori %shift_left3A_254, %shift_right_logical3A_256 : vector<16xi32>
      %xor3A = arith.xori %or3A, %add3A_252 : vector<16xi32>
      %add3A_257 = arith.addi %add3A_252, %xor3A : vector<16xi32>
      %shift_left3A_258 = arith.constant 15 : i32
      %shift_left3A_259 = vector.broadcast %shift_left3A_258 : i32 to vector<16xi32>
      %shift_left3A_260 = arith.shli %xor3A, %shift_left3A_259 : vector<16xi32>
      %shift_right_logical3A_261 = arith.constant 17 : i32
      %shift_right_logical3A_262 = vector.broadcast %shift_right_logical3A_261 : i32 to vector<16xi32>
      %shift_right_logical3A_263 = arith.shrui %xor3A, %shift_right_logical3A_262 : vector<16xi32>
      %or3A_264 = arith.ori %shift_left3A_260, %shift_right_logical3A_263 : vector<16xi32>
      %xor3A_265 = arith.xori %or3A_264, %add3A_257 : vector<16xi32>
      %add3A_266 = arith.addi %add3A_257, %xor3A_265 : vector<16xi32>
      %shift_left3A_267 = arith.constant 26 : i32
      %shift_left3A_268 = vector.broadcast %shift_left3A_267 : i32 to vector<16xi32>
      %shift_left3A_269 = arith.shli %xor3A_265, %shift_left3A_268 : vector<16xi32>
      %shift_right_logical3A_270 = arith.constant 6 : i32
      %shift_right_logical3A_271 = vector.broadcast %shift_right_logical3A_270 : i32 to vector<16xi32>
      %shift_right_logical3A_272 = arith.shrui %xor3A_265, %shift_right_logical3A_271 : vector<16xi32>
      %or3A_273 = arith.ori %shift_left3A_269, %shift_right_logical3A_272 : vector<16xi32>
      %xor3A_274 = arith.xori %or3A_273, %add3A_266 : vector<16xi32>
      %add3A_275 = arith.addi %add3A_266, %xor3A_274 : vector<16xi32>
      %shift_left3A_276 = arith.constant 6 : i32
      %shift_left3A_277 = vector.broadcast %shift_left3A_276 : i32 to vector<16xi32>
      %shift_left3A_278 = arith.shli %xor3A_274, %shift_left3A_277 : vector<16xi32>
      %shift_right_logical3A_279 = arith.constant 26 : i32
      %shift_right_logical3A_280 = vector.broadcast %shift_right_logical3A_279 : i32 to vector<16xi32>
      %shift_right_logical3A_281 = arith.shrui %xor3A_274, %shift_right_logical3A_280 : vector<16xi32>
      %or3A_282 = arith.ori %shift_left3A_278, %shift_right_logical3A_281 : vector<16xi32>
      %xor3A_283 = arith.xori %or3A_282, %add3A_275 : vector<16xi32>
      %add3A_284 = arith.constant -1378843660 : i32
      %add3A_285 = vector.broadcast %add3A_284 : i32 to vector<16xi32>
      %add3A_286 = arith.addi %add3A_275, %add3A_285 : vector<16xi32>
      %add3A_287 = arith.constant -1244255484 : i32
      %add3A_288 = vector.broadcast %add3A_287 : i32 to vector<16xi32>
      %add3A_289 = arith.addi %xor3A_283, %add3A_288 : vector<16xi32>
      %add3A_290 = arith.addi %add3A_286, %add3A_289 : vector<16xi32>
      %shift_left3A_291 = arith.constant 17 : i32
      %shift_left3A_292 = vector.broadcast %shift_left3A_291 : i32 to vector<16xi32>
      %shift_left3A_293 = arith.shli %add3A_289, %shift_left3A_292 : vector<16xi32>
      %shift_right_logical3A_294 = arith.constant 15 : i32
      %shift_right_logical3A_295 = vector.broadcast %shift_right_logical3A_294 : i32 to vector<16xi32>
      %shift_right_logical3A_296 = arith.shrui %add3A_289, %shift_right_logical3A_295 : vector<16xi32>
      %or3A_297 = arith.ori %shift_left3A_293, %shift_right_logical3A_296 : vector<16xi32>
      %xor3A_298 = arith.xori %or3A_297, %add3A_290 : vector<16xi32>
      %add3A_299 = arith.addi %add3A_290, %xor3A_298 : vector<16xi32>
      %shift_left3A_300 = arith.constant 29 : i32
      %shift_left3A_301 = vector.broadcast %shift_left3A_300 : i32 to vector<16xi32>
      %shift_left3A_302 = arith.shli %xor3A_298, %shift_left3A_301 : vector<16xi32>
      %shift_right_logical3A_303 = arith.constant 3 : i32
      %shift_right_logical3A_304 = vector.broadcast %shift_right_logical3A_303 : i32 to vector<16xi32>
      %shift_right_logical3A_305 = arith.shrui %xor3A_298, %shift_right_logical3A_304 : vector<16xi32>
      %or3A_306 = arith.ori %shift_left3A_302, %shift_right_logical3A_305 : vector<16xi32>
      %xor3A_307 = arith.xori %or3A_306, %add3A_299 : vector<16xi32>
      %add3A_308 = arith.addi %add3A_299, %xor3A_307 : vector<16xi32>
      %shift_left3A_309 = arith.constant 16 : i32
      %shift_left3A_310 = vector.broadcast %shift_left3A_309 : i32 to vector<16xi32>
      %shift_left3A_311 = arith.shli %xor3A_307, %shift_left3A_310 : vector<16xi32>
      %shift_right_logical3A_312 = arith.constant 16 : i32
      %shift_right_logical3A_313 = vector.broadcast %shift_right_logical3A_312 : i32 to vector<16xi32>
      %shift_right_logical3A_314 = arith.shrui %xor3A_307, %shift_right_logical3A_313 : vector<16xi32>
      %or3A_315 = arith.ori %shift_left3A_311, %shift_right_logical3A_314 : vector<16xi32>
      %xor3A_316 = arith.xori %or3A_315, %add3A_308 : vector<16xi32>
      %add3A_317 = arith.addi %add3A_308, %xor3A_316 : vector<16xi32>
      %shift_left3A_318 = arith.constant 24 : i32
      %shift_left3A_319 = vector.broadcast %shift_left3A_318 : i32 to vector<16xi32>
      %shift_left3A_320 = arith.shli %xor3A_316, %shift_left3A_319 : vector<16xi32>
      %shift_right_logical3A_321 = arith.constant 8 : i32
      %shift_right_logical3A_322 = vector.broadcast %shift_right_logical3A_321 : i32 to vector<16xi32>
      %shift_right_logical3A_323 = arith.shrui %xor3A_316, %shift_right_logical3A_322 : vector<16xi32>
      %or3A_324 = arith.ori %shift_left3A_320, %shift_right_logical3A_323 : vector<16xi32>
      %xor3A_325 = arith.xori %or3A_324, %add3A_317 : vector<16xi32>
      %add3A_326 = arith.constant -1244255485 : i32
      %add3A_327 = vector.broadcast %add3A_326 : i32 to vector<16xi32>
      %add3A_328 = arith.addi %add3A_317, %add3A_327 : vector<16xi32>
      %add3A_329 = arith.constant 64467759 : i32
      %add3A_330 = vector.broadcast %add3A_329 : i32 to vector<16xi32>
      %add3A_331 = arith.addi %xor3A_325, %add3A_330 : vector<16xi32>
      %add3A_332 = arith.addi %add3A_328, %add3A_331 : vector<16xi32>
      %shift_left3A_333 = arith.constant 13 : i32
      %shift_left3A_334 = vector.broadcast %shift_left3A_333 : i32 to vector<16xi32>
      %shift_left3A_335 = arith.shli %add3A_331, %shift_left3A_334 : vector<16xi32>
      %shift_right_logical3A_336 = arith.constant 19 : i32
      %shift_right_logical3A_337 = vector.broadcast %shift_right_logical3A_336 : i32 to vector<16xi32>
      %shift_right_logical3A_338 = arith.shrui %add3A_331, %shift_right_logical3A_337 : vector<16xi32>
      %or3A_339 = arith.ori %shift_left3A_335, %shift_right_logical3A_338 : vector<16xi32>
      %xor3A_340 = arith.xori %or3A_339, %add3A_332 : vector<16xi32>
      %add3A_341 = arith.addi %add3A_332, %xor3A_340 : vector<16xi32>
      %shift_left3A_342 = arith.constant 15 : i32
      %shift_left3A_343 = vector.broadcast %shift_left3A_342 : i32 to vector<16xi32>
      %shift_left3A_344 = arith.shli %xor3A_340, %shift_left3A_343 : vector<16xi32>
      %shift_right_logical3A_345 = arith.constant 17 : i32
      %shift_right_logical3A_346 = vector.broadcast %shift_right_logical3A_345 : i32 to vector<16xi32>
      %shift_right_logical3A_347 = arith.shrui %xor3A_340, %shift_right_logical3A_346 : vector<16xi32>
      %or3A_348 = arith.ori %shift_left3A_344, %shift_right_logical3A_347 : vector<16xi32>
      %xor3A_349 = arith.xori %or3A_348, %add3A_341 : vector<16xi32>
      %add3A_350 = arith.addi %add3A_341, %xor3A_349 : vector<16xi32>
      %shift_left3A_351 = arith.constant 26 : i32
      %shift_left3A_352 = vector.broadcast %shift_left3A_351 : i32 to vector<16xi32>
      %shift_left3A_353 = arith.shli %xor3A_349, %shift_left3A_352 : vector<16xi32>
      %shift_right_logical3A_354 = arith.constant 6 : i32
      %shift_right_logical3A_355 = vector.broadcast %shift_right_logical3A_354 : i32 to vector<16xi32>
      %shift_right_logical3A_356 = arith.shrui %xor3A_349, %shift_right_logical3A_355 : vector<16xi32>
      %or3A_357 = arith.ori %shift_left3A_353, %shift_right_logical3A_356 : vector<16xi32>
      %xor3A_358 = arith.xori %or3A_357, %add3A_350 : vector<16xi32>
      %add3A_359 = arith.addi %add3A_350, %xor3A_358 : vector<16xi32>
      %shift_left3A_360 = arith.constant 6 : i32
      %shift_left3A_361 = vector.broadcast %shift_left3A_360 : i32 to vector<16xi32>
      %shift_left3A_362 = arith.shli %xor3A_358, %shift_left3A_361 : vector<16xi32>
      %shift_right_logical3A_363 = arith.constant 26 : i32
      %shift_right_logical3A_364 = vector.broadcast %shift_right_logical3A_363 : i32 to vector<16xi32>
      %shift_right_logical3A_365 = arith.shrui %xor3A_358, %shift_right_logical3A_364 : vector<16xi32>
      %or3A_366 = arith.ori %shift_left3A_362, %shift_right_logical3A_365 : vector<16xi32>
      %xor3A_367 = arith.xori %or3A_366, %add3A_359 : vector<16xi32>
      %add3A_368 = arith.constant 64467757 : i32
      %add3A_369 = vector.broadcast %add3A_368 : i32 to vector<16xi32>
      %add3A_370 = arith.addi %add3A_359, %add3A_369 : vector<16xi32>
      %add3A_371 = arith.constant -1378843657 : i32
      %add3A_372 = vector.broadcast %add3A_371 : i32 to vector<16xi32>
      %add3A_373 = arith.addi %xor3A_367, %add3A_372 : vector<16xi32>
      %add3A_374 = arith.addi %add3A_370, %add3A_373 : vector<16xi32>
      %shift_left3A_375 = arith.constant 17 : i32
      %shift_left3A_376 = vector.broadcast %shift_left3A_375 : i32 to vector<16xi32>
      %shift_left3A_377 = arith.shli %add3A_373, %shift_left3A_376 : vector<16xi32>
      %shift_right_logical3A_378 = arith.constant 15 : i32
      %shift_right_logical3A_379 = vector.broadcast %shift_right_logical3A_378 : i32 to vector<16xi32>
      %shift_right_logical3A_380 = arith.shrui %add3A_373, %shift_right_logical3A_379 : vector<16xi32>
      %or3A_381 = arith.ori %shift_left3A_377, %shift_right_logical3A_380 : vector<16xi32>
      %xor3A_382 = arith.xori %or3A_381, %add3A_374 : vector<16xi32>
      %add3A_383 = arith.addi %add3A_374, %xor3A_382 : vector<16xi32>
      %shift_left3A_384 = arith.constant 29 : i32
      %shift_left3A_385 = vector.broadcast %shift_left3A_384 : i32 to vector<16xi32>
      %shift_left3A_386 = arith.shli %xor3A_382, %shift_left3A_385 : vector<16xi32>
      %shift_right_logical3A_387 = arith.constant 3 : i32
      %shift_right_logical3A_388 = vector.broadcast %shift_right_logical3A_387 : i32 to vector<16xi32>
      %shift_right_logical3A_389 = arith.shrui %xor3A_382, %shift_right_logical3A_388 : vector<16xi32>
      %or3A_390 = arith.ori %shift_left3A_386, %shift_right_logical3A_389 : vector<16xi32>
      %xor3A_391 = arith.xori %or3A_390, %add3A_383 : vector<16xi32>
      %add3A_392 = arith.addi %add3A_383, %xor3A_391 : vector<16xi32>
      %shift_left3A_393 = arith.constant 16 : i32
      %shift_left3A_394 = vector.broadcast %shift_left3A_393 : i32 to vector<16xi32>
      %shift_left3A_395 = arith.shli %xor3A_391, %shift_left3A_394 : vector<16xi32>
      %shift_right_logical3A_396 = arith.constant 16 : i32
      %shift_right_logical3A_397 = vector.broadcast %shift_right_logical3A_396 : i32 to vector<16xi32>
      %shift_right_logical3A_398 = arith.shrui %xor3A_391, %shift_right_logical3A_397 : vector<16xi32>
      %or3A_399 = arith.ori %shift_left3A_395, %shift_right_logical3A_398 : vector<16xi32>
      %xor3A_400 = arith.xori %or3A_399, %add3A_392 : vector<16xi32>
      %add3A_401 = arith.addi %add3A_392, %xor3A_400 : vector<16xi32>
      %shift_left3A_402 = arith.constant 24 : i32
      %shift_left3A_403 = vector.broadcast %shift_left3A_402 : i32 to vector<16xi32>
      %shift_left3A_404 = arith.shli %xor3A_400, %shift_left3A_403 : vector<16xi32>
      %shift_right_logical3A_405 = arith.constant 8 : i32
      %shift_right_logical3A_406 = vector.broadcast %shift_right_logical3A_405 : i32 to vector<16xi32>
      %shift_right_logical3A_407 = arith.shrui %xor3A_400, %shift_right_logical3A_406 : vector<16xi32>
      %or3A_408 = arith.ori %shift_left3A_404, %shift_right_logical3A_407 : vector<16xi32>
      %xor3A_409 = arith.xori %or3A_408, %add3A_401 : vector<16xi32>
      %add3A_410 = arith.constant -1378843660 : i32
      %add3A_411 = vector.broadcast %add3A_410 : i32 to vector<16xi32>
      %add3A_412 = arith.addi %add3A_401, %add3A_411 : vector<16xi32>
      %add3A_413 = arith.constant -1244255481 : i32
      %add3A_414 = vector.broadcast %add3A_413 : i32 to vector<16xi32>
      %add3A_415 = arith.addi %xor3A_409, %add3A_414 : vector<16xi32>
      %add3A_416 = arith.addi %add3A_412, %add3A_415 : vector<16xi32>
      %shift_left3A_417 = arith.constant 13 : i32
      %shift_left3A_418 = vector.broadcast %shift_left3A_417 : i32 to vector<16xi32>
      %shift_left3A_419 = arith.shli %add3A_415, %shift_left3A_418 : vector<16xi32>
      %shift_right_logical3A_420 = arith.constant 19 : i32
      %shift_right_logical3A_421 = vector.broadcast %shift_right_logical3A_420 : i32 to vector<16xi32>
      %shift_right_logical3A_422 = arith.shrui %add3A_415, %shift_right_logical3A_421 : vector<16xi32>
      %or3A_423 = arith.ori %shift_left3A_419, %shift_right_logical3A_422 : vector<16xi32>
      %xor3A_424 = arith.xori %or3A_423, %add3A_416 : vector<16xi32>
      %add3A_425 = arith.addi %add3A_416, %xor3A_424 : vector<16xi32>
      %shift_left3A_426 = arith.constant 15 : i32
      %shift_left3A_427 = vector.broadcast %shift_left3A_426 : i32 to vector<16xi32>
      %shift_left3A_428 = arith.shli %xor3A_424, %shift_left3A_427 : vector<16xi32>
      %shift_right_logical3A_429 = arith.constant 17 : i32
      %shift_right_logical3A_430 = vector.broadcast %shift_right_logical3A_429 : i32 to vector<16xi32>
      %shift_right_logical3A_431 = arith.shrui %xor3A_424, %shift_right_logical3A_430 : vector<16xi32>
      %or3A_432 = arith.ori %shift_left3A_428, %shift_right_logical3A_431 : vector<16xi32>
      %xor3A_433 = arith.xori %or3A_432, %add3A_425 : vector<16xi32>
      %add3A_434 = arith.addi %add3A_425, %xor3A_433 : vector<16xi32>
      %shift_left3A_435 = arith.constant 26 : i32
      %shift_left3A_436 = vector.broadcast %shift_left3A_435 : i32 to vector<16xi32>
      %shift_left3A_437 = arith.shli %xor3A_433, %shift_left3A_436 : vector<16xi32>
      %shift_right_logical3A_438 = arith.constant 6 : i32
      %shift_right_logical3A_439 = vector.broadcast %shift_right_logical3A_438 : i32 to vector<16xi32>
      %shift_right_logical3A_440 = arith.shrui %xor3A_433, %shift_right_logical3A_439 : vector<16xi32>
      %or3A_441 = arith.ori %shift_left3A_437, %shift_right_logical3A_440 : vector<16xi32>
      %xor3A_442 = arith.xori %or3A_441, %add3A_434 : vector<16xi32>
      %add3A_443 = arith.addi %add3A_434, %xor3A_442 : vector<16xi32>
      %shift_left3A_444 = arith.constant 6 : i32
      %shift_left3A_445 = vector.broadcast %shift_left3A_444 : i32 to vector<16xi32>
      %shift_left3A_446 = arith.shli %xor3A_442, %shift_left3A_445 : vector<16xi32>
      %shift_right_logical3A_447 = arith.constant 26 : i32
      %shift_right_logical3A_448 = vector.broadcast %shift_right_logical3A_447 : i32 to vector<16xi32>
      %shift_right_logical3A_449 = arith.shrui %xor3A_442, %shift_right_logical3A_448 : vector<16xi32>
      %or3A_450 = arith.ori %shift_left3A_446, %shift_right_logical3A_449 : vector<16xi32>
      %xor3A_451 = arith.xori %or3A_450, %add3A_443 : vector<16xi32>
      %add3A_452 = arith.constant -1244255485 : i32
      %add3A_453 = vector.broadcast %add3A_452 : i32 to vector<16xi32>
      %add3A_454 = arith.addi %add3A_443, %add3A_453 : vector<16xi32>
      %add3A_455 = arith.constant 64467762 : i32
      %add3A_456 = vector.broadcast %add3A_455 : i32 to vector<16xi32>
      %add3A_457 = arith.addi %xor3A_451, %add3A_456 : vector<16xi32>
      %xor3A_458 = arith.xori %add3A_454, %add3A_457 : vector<16xi32>
      %and3A_459 = arith.constant 4095 : i32
      %and3A_460 = vector.broadcast %and3A_459 : i32 to vector<16xi32>
      %and3A_461 = arith.andi %xor3A_458, %and3A_460 : vector<16xi32>
      %add3A_462 = vector.broadcast %mul3A_34 : i32 to vector<16xi32>
      %add3A_463 = arith.addi %add3A_462, %and3A_461 : vector<16xi32>
      %mul3A_464 = arith.constant 16 : i32
      %mul3A_465 = arith.muli %scan3A_240, %mul3A_464 : i32
      %swap3A = arith.constant 1 : i32
      %swap3A_466 = arith.index_cast %swap3A : i32 to index
      %swap3A_467 = arith.index_cast %mul3A_465 : i32 to index
      %swap3A_468 = tpu.vector_load %arg4[%swap3A_466, %swap3A_467] {strides = array<i32>} : memref<4x128xi32, #tpu.memory_space<vmem>>, vector<16xi32>,
      tpu.vector_store %arg4[%swap3A_466, %swap3A_467], %add3A_463 {strides = array<i32>} : memref<4x128xi32, #tpu.memory_space<vmem>>, vector<16xi32>,
      %add3A_469 = arith.constant 1 : i32
      %add3A_470 = arith.addi %scan3A_240, %add3A_469 : i32
    }
    %scan3A_55 = arith.constant 8 : i32
    %add3A_56 = arith.constant 128 : i32
    %add3A_57 = arith.addi %select_n3A_32, %add3A_56 : i32
    %dma_start3A_58 = arith.constant 1 : i32
    %dma_start3A_59 = arith.constant 1 : i32
    %dma_start3A_60 = arith.constant 0 : i32
    %dma_start3A_61 = arith.constant 0 : i32
    %dma_start3A_62 = tpu.memref_slice %arg5[%dma_start3A_59, %dma_start3A_60, %dma_start3A_61] : memref<4x128x128xf32, #tpu.memory_space<vmem>> -> memref<1x128x128xf32, #tpu.memory_space<vmem>>
    %dma_start3A_63 = tpu.memref_squeeze %dma_start3A_62 : memref<1x128x128xf32, #tpu.memory_space<vmem>> -> memref<128x128xf32, #tpu.memory_space<vmem>>
    %dma_start3A_64 = arith.constant 0 : i32
    %dma_start3A_65 = tpu.memref_slice %arg4[%dma_start3A_58, %dma_start3A_64] : memref<4x128xi32, #tpu.memory_space<vmem>> -> memref<1x128xi32, #tpu.memory_space<vmem>>
    %dma_start3A_66 = tpu.memref_squeeze %dma_start3A_65 : memref<1x128xi32, #tpu.memory_space<vmem>> -> memref<128xi32, #tpu.memory_space<vmem>>
    %dma_start3A_67 = arith.constant 0 : i32
    %dma_start3A_68 = tpu.memref_slice %arg2[%dma_start3A_67, %add3A_57] : memref<16384x2048xf32, #tpu.memory_space<hbm>> -> memref<16384x128xf32, #tpu.memory_space<hbm>>
    tpu.enqueue_indirect_dma source(%dma_start3A_68 : memref<16384x128xf32, #tpu.memory_space<hbm>>) target(%dma_start3A_63 : memref<128x128xf32, #tpu.memory_space<vmem>>) offsets(%dma_start3A_66 : memref<128xi32, #tpu.memory_space<vmem>>) semaphore(%arg7 : memref<!tpu.dma_semaphore, #tpu.memory_space<semaphore_mem>>)
    %scan3A_69 = arith.constant 0 : i32
    %scan3A_70 = arith.constant 8 : i32
    %scan3A_71 = arith.addi %scan3A_69, %scan3A_70 : i32
    %scan3A_72 = arith.constant 1 : i32
    scf.for %scan3A_240 = %scan3A_69 to %scan3A_71 step %scan3A_72  : i32 {
      %add3A_241 = arith.constant 256 : i32
      %add3A_242 = arith.addi %mul3A_2, %add3A_241 : i32
      %mul3A_243 = arith.constant 16 : i32
      %mul3A_244 = arith.muli %scan3A_240, %mul3A_243 : i32
      %add3A_245 = arith.addi %add3A_242, %mul3A_244 : i32
      %add3A_246 = vector.broadcast %add3A_245 : i32 to vector<16xi32>
      %add3A_247 = arith.addi %add3A_246, %iota3A : vector<16xi32>
      %add3A_248 = arith.constant -1378843660 : i32
      %add3A_249 = vector.broadcast %add3A_248 : i32 to vector<16xi32>
      %add3A_250 = arith.addi %add3A_247, %add3A_249 : vector<16xi32>
      %broadcast_in_dim3A = arith.constant 64467757 : i32
      %broadcast_in_dim3A_251 = vector.broadcast %broadcast_in_dim3A : i32 to vector<16xi32>
      %add3A_252 = arith.addi %broadcast_in_dim3A_251, %add3A_250 : vector<16xi32>
      %shift_left3A = arith.constant 13 : i32
      %shift_left3A_253 = vector.broadcast %shift_left3A : i32 to vector<16xi32>
      %shift_left3A_254 = arith.shli %add3A_250, %shift_left3A_253 : vector<16xi32>
      %shift_right_logical3A = arith.constant 19 : i32
      %shift_right_logical3A_255 = vector.broadcast %shift_right_logical3A : i32 to vector<16xi32>
      %shift_right_logical3A_256 = arith.shrui %add3A_250, %shift_right_logical3A_255 : vector<16xi32>
      %or3A = arith.ori %shift_left3A_254, %shift_right_logical3A_256 : vector<16xi32>
      %xor3A = arith.xori %or3A, %add3A_252 : vector<16xi32>
      %add3A_257 = arith.addi %add3A_252, %xor3A : vector<16xi32>
      %shift_left3A_258 = arith.constant 15 : i32
      %shift_left3A_259 = vector.broadcast %shift_left3A_258 : i32 to vector<16xi32>
      %shift_left3A_260 = arith.shli %xor3A, %shift_left3A_259 : vector<16xi32>
      %shift_right_logical3A_261 = arith.constant 17 : i32
      %shift_right_logical3A_262 = vector.broadcast %shift_right_logical3A_261 : i32 to vector<16xi32>
      %shift_right_logical3A_263 = arith.shrui %xor3A, %shift_right_logical3A_262 : vector<16xi32>
      %or3A_264 = arith.ori %shift_left3A_260, %shift_right_logical3A_263 : vector<16xi32>
      %xor3A_265 = arith.xori %or3A_264, %add3A_257 : vector<16xi32>
      %add3A_266 = arith.addi %add3A_257, %xor3A_265 : vector<16xi32>
      %shift_left3A_267 = arith.constant 26 : i32
      %shift_left3A_268 = vector.broadcast %shift_left3A_267 : i32 to vector<16xi32>
      %shift_left3A_269 = arith.shli %xor3A_265, %shift_left3A_268 : vector<16xi32>
      %shift_right_logical3A_270 = arith.constant 6 : i32
      %shift_right_logical3A_271 = vector.broadcast %shift_right_logical3A_270 : i32 to vector<16xi32>
      %shift_right_logical3A_272 = arith.shrui %xor3A_265, %shift_right_logical3A_271 : vector<16xi32>
      %or3A_273 = arith.ori %shift_left3A_269, %shift_right_logical3A_272 : vector<16xi32>
      %xor3A_274 = arith.xori %or3A_273, %add3A_266 : vector<16xi32>
      %add3A_275 = arith.addi %add3A_266, %xor3A_274 : vector<16xi32>
      %shift_left3A_276 = arith.constant 6 : i32
      %shift_left3A_277 = vector.broadcast %shift_left3A_276 : i32 to vector<16xi32>
      %shift_left3A_278 = arith.shli %xor3A_274, %shift_left3A_277 : vector<16xi32>
      %shift_right_logical3A_279 = arith.constant 26 : i32
      %shift_right_logical3A_280 = vector.broadcast %shift_right_logical3A_279 : i32 to vector<16xi32>
      %shift_right_logical3A_281 = arith.shrui %xor3A_274, %shift_right_logical3A_280 : vector<16xi32>
      %or3A_282 = arith.ori %shift_left3A_278, %shift_right_logical3A_281 : vector<16xi32>
      %xor3A_283 = arith.xori %or3A_282, %add3A_275 : vector<16xi32>
      %add3A_284 = arith.constant -1378843660 : i32
      %add3A_285 = vector.broadcast %add3A_284 : i32 to vector<16xi32>
      %add3A_286 = arith.addi %add3A_275, %add3A_285 : vector<16xi32>
      %add3A_287 = arith.constant -1244255484 : i32
      %add3A_288 = vector.broadcast %add3A_287 : i32 to vector<16xi32>
      %add3A_289 = arith.addi %xor3A_283, %add3A_288 : vector<16xi32>
      %add3A_290 = arith.addi %add3A_286, %add3A_289 : vector<16xi32>
      %shift_left3A_291 = arith.constant 17 : i32
      %shift_left3A_292 = vector.broadcast %shift_left3A_291 : i32 to vector<16xi32>
      %shift_left3A_293 = arith.shli %add3A_289, %shift_left3A_292 : vector<16xi32>
      %shift_right_logical3A_294 = arith.constant 15 : i32
      %shift_right_logical3A_295 = vector.broadcast %shift_right_logical3A_294 : i32 to vector<16xi32>
      %shift_right_logical3A_296 = arith.shrui %add3A_289, %shift_right_logical3A_295 : vector<16xi32>
      %or3A_297 = arith.ori %shift_left3A_293, %shift_right_logical3A_296 : vector<16xi32>
      %xor3A_298 = arith.xori %or3A_297, %add3A_290 : vector<16xi32>
      %add3A_299 = arith.addi %add3A_290, %xor3A_298 : vector<16xi32>
      %shift_left3A_300 = arith.constant 29 : i32
      %shift_left3A_301 = vector.broadcast %shift_left3A_300 : i32 to vector<16xi32>
      %shift_left3A_302 = arith.shli %xor3A_298, %shift_left3A_301 : vector<16xi32>
      %shift_right_logical3A_303 = arith.constant 3 : i32
      %shift_right_logical3A_304 = vector.broadcast %shift_right_logical3A_303 : i32 to vector<16xi32>
      %shift_right_logical3A_305 = arith.shrui %xor3A_298, %shift_right_logical3A_304 : vector<16xi32>
      %or3A_306 = arith.ori %shift_left3A_302, %shift_right_logical3A_305 : vector<16xi32>
      %xor3A_307 = arith.xori %or3A_306, %add3A_299 : vector<16xi32>
      %add3A_308 = arith.addi %add3A_299, %xor3A_307 : vector<16xi32>
      %shift_left3A_309 = arith.constant 16 : i32
      %shift_left3A_310 = vector.broadcast %shift_left3A_309 : i32 to vector<16xi32>
      %shift_left3A_311 = arith.shli %xor3A_307, %shift_left3A_310 : vector<16xi32>
      %shift_right_logical3A_312 = arith.constant 16 : i32
      %shift_right_logical3A_313 = vector.broadcast %shift_right_logical3A_312 : i32 to vector<16xi32>
      %shift_right_logical3A_314 = arith.shrui %xor3A_307, %shift_right_logical3A_313 : vector<16xi32>
      %or3A_315 = arith.ori %shift_left3A_311, %shift_right_logical3A_314 : vector<16xi32>
      %xor3A_316 = arith.xori %or3A_315, %add3A_308 : vector<16xi32>
      %add3A_317 = arith.addi %add3A_308, %xor3A_316 : vector<16xi32>
      %shift_left3A_318 = arith.constant 24 : i32
      %shift_left3A_319 = vector.broadcast %shift_left3A_318 : i32 to vector<16xi32>
      %shift_left3A_320 = arith.shli %xor3A_316, %shift_left3A_319 : vector<16xi32>
      %shift_right_logical3A_321 = arith.constant 8 : i32
      %shift_right_logical3A_322 = vector.broadcast %shift_right_logical3A_321 : i32 to vector<16xi32>
      %shift_right_logical3A_323 = arith.shrui %xor3A_316, %shift_right_logical3A_322 : vector<16xi32>
      %or3A_324 = arith.ori %shift_left3A_320, %shift_right_logical3A_323 : vector<16xi32>
      %xor3A_325 = arith.xori %or3A_324, %add3A_317 : vector<16xi32>
      %add3A_326 = arith.constant -1244255485 : i32
      %add3A_327 = vector.broadcast %add3A_326 : i32 to vector<16xi32>
      %add3A_328 = arith.addi %add3A_317, %add3A_327 : vector<16xi32>
      %add3A_329 = arith.constant 64467759 : i32
      %add3A_330 = vector.broadcast %add3A_329 : i32 to vector<16xi32>
      %add3A_331 = arith.addi %xor3A_325, %add3A_330 : vector<16xi32>
      %add3A_332 = arith.addi %add3A_328, %add3A_331 : vector<16xi32>
      %shift_left3A_333 = arith.constant 13 : i32
      %shift_left3A_334 = vector.broadcast %shift_left3A_333 : i32 to vector<16xi32>
      %shift_left3A_335 = arith.shli %add3A_331, %shift_left3A_334 : vector<16xi32>
      %shift_right_logical3A_336 = arith.constant 19 : i32
      %shift_right_logical3A_337 = vector.broadcast %shift_right_logical3A_336 : i32 to vector<16xi32>
      %shift_right_logical3A_338 = arith.shrui %add3A_331, %shift_right_logical3A_337 : vector<16xi32>
      %or3A_339 = arith.ori %shift_left3A_335, %shift_right_logical3A_338 : vector<16xi32>
      %xor3A_340 = arith.xori %or3A_339, %add3A_332 : vector<16xi32>
      %add3A_341 = arith.addi %add3A_332, %xor3A_340 : vector<16xi32>
      %shift_left3A_342 = arith.constant 15 : i32
      %shift_left3A_343 = vector.broadcast %shift_left3A_342 : i32 to vector<16xi32>
      %shift_left3A_344 = arith.shli %xor3A_340, %shift_left3A_343 : vector<16xi32>
      %shift_right_logical3A_345 = arith.constant 17 : i32
      %shift_right_logical3A_346 = vector.broadcast %shift_right_logical3A_345 : i32 to vector<16xi32>
      %shift_right_logical3A_347 = arith.shrui %xor3A_340, %shift_right_logical3A_346 : vector<16xi32>
      %or3A_348 = arith.ori %shift_left3A_344, %shift_right_logical3A_347 : vector<16xi32>
      %xor3A_349 = arith.xori %or3A_348, %add3A_341 : vector<16xi32>
      %add3A_350 = arith.addi %add3A_341, %xor3A_349 : vector<16xi32>
      %shift_left3A_351 = arith.constant 26 : i32
      %shift_left3A_352 = vector.broadcast %shift_left3A_351 : i32 to vector<16xi32>
      %shift_left3A_353 = arith.shli %xor3A_349, %shift_left3A_352 : vector<16xi32>
      %shift_right_logical3A_354 = arith.constant 6 : i32
      %shift_right_logical3A_355 = vector.broadcast %shift_right_logical3A_354 : i32 to vector<16xi32>
      %shift_right_logical3A_356 = arith.shrui %xor3A_349, %shift_right_logical3A_355 : vector<16xi32>
      %or3A_357 = arith.ori %shift_left3A_353, %shift_right_logical3A_356 : vector<16xi32>
      %xor3A_358 = arith.xori %or3A_357, %add3A_350 : vector<16xi32>
      %add3A_359 = arith.addi %add3A_350, %xor3A_358 : vector<16xi32>
      %shift_left3A_360 = arith.constant 6 : i32
      %shift_left3A_361 = vector.broadcast %shift_left3A_360 : i32 to vector<16xi32>
      %shift_left3A_362 = arith.shli %xor3A_358, %shift_left3A_361 : vector<16xi32>
      %shift_right_logical3A_363 = arith.constant 26 : i32
      %shift_right_logical3A_364 = vector.broadcast %shift_right_logical3A_363 : i32 to vector<16xi32>
      %shift_right_logical3A_365 = arith.shrui %xor3A_358, %shift_right_logical3A_364 : vector<16xi32>
      %or3A_366 = arith.ori %shift_left3A_362, %shift_right_logical3A_365 : vector<16xi32>
      %xor3A_367 = arith.xori %or3A_366, %add3A_359 : vector<16xi32>
      %add3A_368 = arith.constant 64467757 : i32
      %add3A_369 = vector.broadcast %add3A_368 : i32 to vector<16xi32>
      %add3A_370 = arith.addi %add3A_359, %add3A_369 : vector<16xi32>
      %add3A_371 = arith.constant -1378843657 : i32
      %add3A_372 = vector.broadcast %add3A_371 : i32 to vector<16xi32>
      %add3A_373 = arith.addi %xor3A_367, %add3A_372 : vector<16xi32>
      %add3A_374 = arith.addi %add3A_370, %add3A_373 : vector<16xi32>
      %shift_left3A_375 = arith.constant 17 : i32
      %shift_left3A_376 = vector.broadcast %shift_left3A_375 : i32 to vector<16xi32>
      %shift_left3A_377 = arith.shli %add3A_373, %shift_left3A_376 : vector<16xi32>
      %shift_right_logical3A_378 = arith.constant 15 : i32
      %shift_right_logical3A_379 = vector.broadcast %shift_right_logical3A_378 : i32 to vector<16xi32>
      %shift_right_logical3A_380 = arith.shrui %add3A_373, %shift_right_logical3A_379 : vector<16xi32>
      %or3A_381 = arith.ori %shift_left3A_377, %shift_right_logical3A_380 : vector<16xi32>
      %xor3A_382 = arith.xori %or3A_381, %add3A_374 : vector<16xi32>
      %add3A_383 = arith.addi %add3A_374, %xor3A_382 : vector<16xi32>
      %shift_left3A_384 = arith.constant 29 : i32
      %shift_left3A_385 = vector.broadcast %shift_left3A_384 : i32 to vector<16xi32>
      %shift_left3A_386 = arith.shli %xor3A_382, %shift_left3A_385 : vector<16xi32>
      %shift_right_logical3A_387 = arith.constant 3 : i32
      %shift_right_logical3A_388 = vector.broadcast %shift_right_logical3A_387 : i32 to vector<16xi32>
      %shift_right_logical3A_389 = arith.shrui %xor3A_382, %shift_right_logical3A_388 : vector<16xi32>
      %or3A_390 = arith.ori %shift_left3A_386, %shift_right_logical3A_389 : vector<16xi32>
      %xor3A_391 = arith.xori %or3A_390, %add3A_383 : vector<16xi32>
      %add3A_392 = arith.addi %add3A_383, %xor3A_391 : vector<16xi32>
      %shift_left3A_393 = arith.constant 16 : i32
      %shift_left3A_394 = vector.broadcast %shift_left3A_393 : i32 to vector<16xi32>
      %shift_left3A_395 = arith.shli %xor3A_391, %shift_left3A_394 : vector<16xi32>
      %shift_right_logical3A_396 = arith.constant 16 : i32
      %shift_right_logical3A_397 = vector.broadcast %shift_right_logical3A_396 : i32 to vector<16xi32>
      %shift_right_logical3A_398 = arith.shrui %xor3A_391, %shift_right_logical3A_397 : vector<16xi32>
      %or3A_399 = arith.ori %shift_left3A_395, %shift_right_logical3A_398 : vector<16xi32>
      %xor3A_400 = arith.xori %or3A_399, %add3A_392 : vector<16xi32>
      %add3A_401 = arith.addi %add3A_392, %xor3A_400 : vector<16xi32>
      %shift_left3A_402 = arith.constant 24 : i32
      %shift_left3A_403 = vector.broadcast %shift_left3A_402 : i32 to vector<16xi32>
      %shift_left3A_404 = arith.shli %xor3A_400, %shift_left3A_403 : vector<16xi32>
      %shift_right_logical3A_405 = arith.constant 8 : i32
      %shift_right_logical3A_406 = vector.broadcast %shift_right_logical3A_405 : i32 to vector<16xi32>
      %shift_right_logical3A_407 = arith.shrui %xor3A_400, %shift_right_logical3A_406 : vector<16xi32>
      %or3A_408 = arith.ori %shift_left3A_404, %shift_right_logical3A_407 : vector<16xi32>
      %xor3A_409 = arith.xori %or3A_408, %add3A_401 : vector<16xi32>
      %add3A_410 = arith.constant -1378843660 : i32
      %add3A_411 = vector.broadcast %add3A_410 : i32 to vector<16xi32>
      %add3A_412 = arith.addi %add3A_401, %add3A_411 : vector<16xi32>
      %add3A_413 = arith.constant -1244255481 : i32
      %add3A_414 = vector.broadcast %add3A_413 : i32 to vector<16xi32>
      %add3A_415 = arith.addi %xor3A_409, %add3A_414 : vector<16xi32>
      %add3A_416 = arith.addi %add3A_412, %add3A_415 : vector<16xi32>
      %shift_left3A_417 = arith.constant 13 : i32
      %shift_left3A_418 = vector.broadcast %shift_left3A_417 : i32 to vector<16xi32>
      %shift_left3A_419 = arith.shli %add3A_415, %shift_left3A_418 : vector<16xi32>
      %shift_right_logical3A_420 = arith.constant 19 : i32
      %shift_right_logical3A_421 = vector.broadcast %shift_right_logical3A_420 : i32 to vector<16xi32>
      %shift_right_logical3A_422 = arith.shrui %add3A_415, %shift_right_logical3A_421 : vector<16xi32>
      %or3A_423 = arith.ori %shift_left3A_419, %shift_right_logical3A_422 : vector<16xi32>
      %xor3A_424 = arith.xori %or3A_423, %add3A_416 : vector<16xi32>
      %add3A_425 = arith.addi %add3A_416, %xor3A_424 : vector<16xi32>
      %shift_left3A_426 = arith.constant 15 : i32
      %shift_left3A_427 = vector.broadcast %shift_left3A_426 : i32 to vector<16xi32>
      %shift_left3A_428 = arith.shli %xor3A_424, %shift_left3A_427 : vector<16xi32>
      %shift_right_logical3A_429 = arith.constant 17 : i32
      %shift_right_logical3A_430 = vector.broadcast %shift_right_logical3A_429 : i32 to vector<16xi32>
      %shift_right_logical3A_431 = arith.shrui %xor3A_424, %shift_right_logical3A_430 : vector<16xi32>
      %or3A_432 = arith.ori %shift_left3A_428, %shift_right_logical3A_431 : vector<16xi32>
      %xor3A_433 = arith.xori %or3A_432, %add3A_425 : vector<16xi32>
      %add3A_434 = arith.addi %add3A_425, %xor3A_433 : vector<16xi32>
      %shift_left3A_435 = arith.constant 26 : i32
      %shift_left3A_436 = vector.broadcast %shift_left3A_435 : i32 to vector<16xi32>
      %shift_left3A_437 = arith.shli %xor3A_433, %shift_left3A_436 : vector<16xi32>
      %shift_right_logical3A_438 = arith.constant 6 : i32
      %shift_right_logical3A_439 = vector.broadcast %shift_right_logical3A_438 : i32 to vector<16xi32>
      %shift_right_logical3A_440 = arith.shrui %xor3A_433, %shift_right_logical3A_439 : vector<16xi32>
      %or3A_441 = arith.ori %shift_left3A_437, %shift_right_logical3A_440 : vector<16xi32>
      %xor3A_442 = arith.xori %or3A_441, %add3A_434 : vector<16xi32>
      %add3A_443 = arith.addi %add3A_434, %xor3A_442 : vector<16xi32>
      %shift_left3A_444 = arith.constant 6 : i32
      %shift_left3A_445 = vector.broadcast %shift_left3A_444 : i32 to vector<16xi32>
      %shift_left3A_446 = arith.shli %xor3A_442, %shift_left3A_445 : vector<16xi32>
      %shift_right_logical3A_447 = arith.constant 26 : i32
      %shift_right_logical3A_448 = vector.broadcast %shift_right_logical3A_447 : i32 to vector<16xi32>
      %shift_right_logical3A_449 = arith.shrui %xor3A_442, %shift_right_logical3A_448 : vector<16xi32>
      %or3A_450 = arith.ori %shift_left3A_446, %shift_right_logical3A_449 : vector<16xi32>
      %xor3A_451 = arith.xori %or3A_450, %add3A_443 : vector<16xi32>
      %add3A_452 = arith.constant -1244255485 : i32
      %add3A_453 = vector.broadcast %add3A_452 : i32 to vector<16xi32>
      %add3A_454 = arith.addi %add3A_443, %add3A_453 : vector<16xi32>
      %add3A_455 = arith.constant 64467762 : i32
      %add3A_456 = vector.broadcast %add3A_455 : i32 to vector<16xi32>
      %add3A_457 = arith.addi %xor3A_451, %add3A_456 : vector<16xi32>
      %xor3A_458 = arith.xori %add3A_454, %add3A_457 : vector<16xi32>
      %and3A_459 = arith.constant 4095 : i32
      %and3A_460 = vector.broadcast %and3A_459 : i32 to vector<16xi32>
      %and3A_461 = arith.andi %xor3A_458, %and3A_460 : vector<16xi32>
      %add3A_462 = vector.broadcast %mul3A_34 : i32 to vector<16xi32>
      %add3A_463 = arith.addi %add3A_462, %and3A_461 : vector<16xi32>
      %mul3A_464 = arith.constant 16 : i32
      %mul3A_465 = arith.muli %scan3A_240, %mul3A_464 : i32
      %swap3A = arith.constant 2 : i32
      %swap3A_466 = arith.index_cast %swap3A : i32 to index
      %swap3A_467 = arith.index_cast %mul3A_465 : i32 to index
      %swap3A_468 = tpu.vector_load %arg4[%swap3A_466, %swap3A_467] {strides = array<i32>} : memref<4x128xi32, #tpu.memory_space<vmem>>, vector<16xi32>,
      tpu.vector_store %arg4[%swap3A_466, %swap3A_467], %add3A_463 {strides = array<i32>} : memref<4x128xi32, #tpu.memory_space<vmem>>, vector<16xi32>,
      %add3A_469 = arith.constant 1 : i32
      %add3A_470 = arith.addi %scan3A_240, %add3A_469 : i32
    }
    %scan3A_73 = arith.constant 8 : i32
    %add3A_74 = arith.constant 256 : i32
    %add3A_75 = arith.addi %select_n3A_32, %add3A_74 : i32
    %dma_start3A_76 = arith.constant 2 : i32
    %dma_start3A_77 = arith.constant 2 : i32
    %dma_start3A_78 = arith.constant 0 : i32
    %dma_start3A_79 = arith.constant 0 : i32
    %dma_start3A_80 = tpu.memref_slice %arg5[%dma_start3A_77, %dma_start3A_78, %dma_start3A_79] : memref<4x128x128xf32, #tpu.memory_space<vmem>> -> memref<1x128x128xf32, #tpu.memory_space<vmem>>
    %dma_start3A_81 = tpu.memref_squeeze %dma_start3A_80 : memref<1x128x128xf32, #tpu.memory_space<vmem>> -> memref<128x128xf32, #tpu.memory_space<vmem>>
    %dma_start3A_82 = arith.constant 0 : i32
    %dma_start3A_83 = tpu.memref_slice %arg4[%dma_start3A_76, %dma_start3A_82] : memref<4x128xi32, #tpu.memory_space<vmem>> -> memref<1x128xi32, #tpu.memory_space<vmem>>
    %dma_start3A_84 = tpu.memref_squeeze %dma_start3A_83 : memref<1x128xi32, #tpu.memory_space<vmem>> -> memref<128xi32, #tpu.memory_space<vmem>>
    %dma_start3A_85 = arith.constant 0 : i32
    %dma_start3A_86 = tpu.memref_slice %arg2[%dma_start3A_85, %add3A_75] : memref<16384x2048xf32, #tpu.memory_space<hbm>> -> memref<16384x128xf32, #tpu.memory_space<hbm>>
    tpu.enqueue_indirect_dma source(%dma_start3A_86 : memref<16384x128xf32, #tpu.memory_space<hbm>>) target(%dma_start3A_81 : memref<128x128xf32, #tpu.memory_space<vmem>>) offsets(%dma_start3A_84 : memref<128xi32, #tpu.memory_space<vmem>>) semaphore(%arg7 : memref<!tpu.dma_semaphore, #tpu.memory_space<semaphore_mem>>)
    %scan3A_87 = arith.constant 0 : i32
    %scan3A_88 = arith.constant 8 : i32
    %scan3A_89 = arith.addi %scan3A_87, %scan3A_88 : i32
    %scan3A_90 = arith.constant 1 : i32
    scf.for %scan3A_240 = %scan3A_87 to %scan3A_89 step %scan3A_90  : i32 {
      %add3A_241 = arith.constant 384 : i32
      %add3A_242 = arith.addi %mul3A_2, %add3A_241 : i32
      %mul3A_243 = arith.constant 16 : i32
      %mul3A_244 = arith.muli %scan3A_240, %mul3A_243 : i32
      %add3A_245 = arith.addi %add3A_242, %mul3A_244 : i32
      %add3A_246 = vector.broadcast %add3A_245 : i32 to vector<16xi32>
      %add3A_247 = arith.addi %add3A_246, %iota3A : vector<16xi32>
      %add3A_248 = arith.constant -1378843660 : i32
      %add3A_249 = vector.broadcast %add3A_248 : i32 to vector<16xi32>
      %add3A_250 = arith.addi %add3A_247, %add3A_249 : vector<16xi32>
      %broadcast_in_dim3A = arith.constant 64467757 : i32
      %broadcast_in_dim3A_251 = vector.broadcast %broadcast_in_dim3A : i32 to vector<16xi32>
      %add3A_252 = arith.addi %broadcast_in_dim3A_251, %add3A_250 : vector<16xi32>
      %shift_left3A = arith.constant 13 : i32
      %shift_left3A_253 = vector.broadcast %shift_left3A : i32 to vector<16xi32>
      %shift_left3A_254 = arith.shli %add3A_250, %shift_left3A_253 : vector<16xi32>
      %shift_right_logical3A = arith.constant 19 : i32
      %shift_right_logical3A_255 = vector.broadcast %shift_right_logical3A : i32 to vector<16xi32>
      %shift_right_logical3A_256 = arith.shrui %add3A_250, %shift_right_logical3A_255 : vector<16xi32>
      %or3A = arith.ori %shift_left3A_254, %shift_right_logical3A_256 : vector<16xi32>
      %xor3A = arith.xori %or3A, %add3A_252 : vector<16xi32>
      %add3A_257 = arith.addi %add3A_252, %xor3A : vector<16xi32>
      %shift_left3A_258 = arith.constant 15 : i32
      %shift_left3A_259 = vector.broadcast %shift_left3A_258 : i32 to vector<16xi32>
      %shift_left3A_260 = arith.shli %xor3A, %shift_left3A_259 : vector<16xi32>
      %shift_right_logical3A_261 = arith.constant 17 : i32
      %shift_right_logical3A_262 = vector.broadcast %shift_right_logical3A_261 : i32 to vector<16xi32>
      %shift_right_logical3A_263 = arith.shrui %xor3A, %shift_right_logical3A_262 : vector<16xi32>
      %or3A_264 = arith.ori %shift_left3A_260, %shift_right_logical3A_263 : vector<16xi32>
      %xor3A_265 = arith.xori %or3A_264, %add3A_257 : vector<16xi32>
      %add3A_266 = arith.addi %add3A_257, %xor3A_265 : vector<16xi32>
      %shift_left3A_267 = arith.constant 26 : i32
      %shift_left3A_268 = vector.broadcast %shift_left3A_267 : i32 to vector<16xi32>
      %shift_left3A_269 = arith.shli %xor3A_265, %shift_left3A_268 : vector<16xi32>
      %shift_right_logical3A_270 = arith.constant 6 : i32
      %shift_right_logical3A_271 = vector.broadcast %shift_right_logical3A_270 : i32 to vector<16xi32>
      %shift_right_logical3A_272 = arith.shrui %xor3A_265, %shift_right_logical3A_271 : vector<16xi32>
      %or3A_273 = arith.ori %shift_left3A_269, %shift_right_logical3A_272 : vector<16xi32>
      %xor3A_274 = arith.xori %or3A_273, %add3A_266 : vector<16xi32>
      %add3A_275 = arith.addi %add3A_266, %xor3A_274 : vector<16xi32>
      %shift_left3A_276 = arith.constant 6 : i32
      %shift_left3A_277 = vector.broadcast %shift_left3A_276 : i32 to vector<16xi32>
      %shift_left3A_278 = arith.shli %xor3A_274, %shift_left3A_277 : vector<16xi32>
      %shift_right_logical3A_279 = arith.constant 26 : i32
      %shift_right_logical3A_280 = vector.broadcast %shift_right_logical3A_279 : i32 to vector<16xi32>
      %shift_right_logical3A_281 = arith.shrui %xor3A_274, %shift_right_logical3A_280 : vector<16xi32>
      %or3A_282 = arith.ori %shift_left3A_278, %shift_right_logical3A_281 : vector<16xi32>
      %xor3A_283 = arith.xori %or3A_282, %add3A_275 : vector<16xi32>
      %add3A_284 = arith.constant -1378843660 : i32
      %add3A_285 = vector.broadcast %add3A_284 : i32 to vector<16xi32>
      %add3A_286 = arith.addi %add3A_275, %add3A_285 : vector<16xi32>
      %add3A_287 = arith.constant -1244255484 : i32
      %add3A_288 = vector.broadcast %add3A_287 : i32 to vector<16xi32>
      %add3A_289 = arith.addi %xor3A_283, %add3A_288 : vector<16xi32>
      %add3A_290 = arith.addi %add3A_286, %add3A_289 : vector<16xi32>
      %shift_left3A_291 = arith.constant 17 : i32
      %shift_left3A_292 = vector.broadcast %shift_left3A_291 : i32 to vector<16xi32>
      %shift_left3A_293 = arith.shli %add3A_289, %shift_left3A_292 : vector<16xi32>
      %shift_right_logical3A_294 = arith.constant 15 : i32
      %shift_right_logical3A_295 = vector.broadcast %shift_right_logical3A_294 : i32 to vector<16xi32>
      %shift_right_logical3A_296 = arith.shrui %add3A_289, %shift_right_logical3A_295 : vector<16xi32>
      %or3A_297 = arith.ori %shift_left3A_293, %shift_right_logical3A_296 : vector<16xi32>
      %xor3A_298 = arith.xori %or3A_297, %add3A_290 : vector<16xi32>
      %add3A_299 = arith.addi %add3A_290, %xor3A_298 : vector<16xi32>
      %shift_left3A_300 = arith.constant 29 : i32
      %shift_left3A_301 = vector.broadcast %shift_left3A_300 : i32 to vector<16xi32>
      %shift_left3A_302 = arith.shli %xor3A_298, %shift_left3A_301 : vector<16xi32>
      %shift_right_logical3A_303 = arith.constant 3 : i32
      %shift_right_logical3A_304 = vector.broadcast %shift_right_logical3A_303 : i32 to vector<16xi32>
      %shift_right_logical3A_305 = arith.shrui %xor3A_298, %shift_right_logical3A_304 : vector<16xi32>
      %or3A_306 = arith.ori %shift_left3A_302, %shift_right_logical3A_305 : vector<16xi32>
      %xor3A_307 = arith.xori %or3A_306, %add3A_299 : vector<16xi32>
      %add3A_308 = arith.addi %add3A_299, %xor3A_307 : vector<16xi32>
      %shift_left3A_309 = arith.constant 16 : i32
      %shift_left3A_310 = vector.broadcast %shift_left3A_309 : i32 to vector<16xi32>
      %shift_left3A_311 = arith.shli %xor3A_307, %shift_left3A_310 : vector<16xi32>
      %shift_right_logical3A_312 = arith.constant 16 : i32
      %shift_right_logical3A_313 = vector.broadcast %shift_right_logical3A_312 : i32 to vector<16xi32>
      %shift_right_logical3A_314 = arith.shrui %xor3A_307, %shift_right_logical3A_313 : vector<16xi32>
      %or3A_315 = arith.ori %shift_left3A_311, %shift_right_logical3A_314 : vector<16xi32>
      %xor3A_316 = arith.xori %or3A_315, %add3A_308 : vector<16xi32>
      %add3A_317 = arith.addi %add3A_308, %xor3A_316 : vector<16xi32>
      %shift_left3A_318 = arith.constant 24 : i32
      %shift_left3A_319 = vector.broadcast %shift_left3A_318 : i32 to vector<16xi32>
      %shift_left3A_320 = arith.shli %xor3A_316, %shift_left3A_319 : vector<16xi32>
      %shift_right_logical3A_321 = arith.constant 8 : i32
      %shift_right_logical3A_322 = vector.broadcast %shift_right_logical3A_321 : i32 to vector<16xi32>
      %shift_right_logical3A_323 = arith.shrui %xor3A_316, %shift_right_logical3A_322 : vector<16xi32>
      %or3A_324 = arith.ori %shift_left3A_320, %shift_right_logical3A_323 : vector<16xi32>
      %xor3A_325 = arith.xori %or3A_324, %add3A_317 : vector<16xi32>
      %add3A_326 = arith.constant -1244255485 : i32
      %add3A_327 = vector.broadcast %add3A_326 : i32 to vector<16xi32>
      %add3A_328 = arith.addi %add3A_317, %add3A_327 : vector<16xi32>
      %add3A_329 = arith.constant 64467759 : i32
      %add3A_330 = vector.broadcast %add3A_329 : i32 to vector<16xi32>
      %add3A_331 = arith.addi %xor3A_325, %add3A_330 : vector<16xi32>
      %add3A_332 = arith.addi %add3A_328, %add3A_331 : vector<16xi32>
      %shift_left3A_333 = arith.constant 13 : i32
      %shift_left3A_334 = vector.broadcast %shift_left3A_333 : i32 to vector<16xi32>
      %shift_left3A_335 = arith.shli %add3A_331, %shift_left3A_334 : vector<16xi32>
      %shift_right_logical3A_336 = arith.constant 19 : i32
      %shift_right_logical3A_337 = vector.broadcast %shift_right_logical3A_336 : i32 to vector<16xi32>
      %shift_right_logical3A_338 = arith.shrui %add3A_331, %shift_right_logical3A_337 : vector<16xi32>
      %or3A_339 = arith.ori %shift_left3A_335, %shift_right_logical3A_338 : vector<16xi32>
      %xor3A_340 = arith.xori %or3A_339, %add3A_332 : vector<16xi32>
      %add3A_341 = arith.addi %add3A_332, %xor3A_340 : vector<16xi32>
      %shift_left3A_342 = arith.constant 15 : i32
      %shift_left3A_343 = vector.broadcast %shift_left3A_342 : i32 to vector<16xi32>
      %shift_left3A_344 = arith.shli %xor3A_340, %shift_left3A_343 : vector<16xi32>
      %shift_right_logical3A_345 = arith.constant 17 : i32
      %shift_right_logical3A_346 = vector.broadcast %shift_right_logical3A_345 : i32 to vector<16xi32>
      %shift_right_logical3A_347 = arith.shrui %xor3A_340, %shift_right_logical3A_346 : vector<16xi32>
      %or3A_348 = arith.ori %shift_left3A_344, %shift_right_logical3A_347 : vector<16xi32>
      %xor3A_349 = arith.xori %or3A_348, %add3A_341 : vector<16xi32>
      %add3A_350 = arith.addi %add3A_341, %xor3A_349 : vector<16xi32>
      %shift_left3A_351 = arith.constant 26 : i32
      %shift_left3A_352 = vector.broadcast %shift_left3A_351 : i32 to vector<16xi32>
      %shift_left3A_353 = arith.shli %xor3A_349, %shift_left3A_352 : vector<16xi32>
      %shift_right_logical3A_354 = arith.constant 6 : i32
      %shift_right_logical3A_355 = vector.broadcast %shift_right_logical3A_354 : i32 to vector<16xi32>
      %shift_right_logical3A_356 = arith.shrui %xor3A_349, %shift_right_logical3A_355 : vector<16xi32>
      %or3A_357 = arith.ori %shift_left3A_353, %shift_right_logical3A_356 : vector<16xi32>
      %xor3A_358 = arith.xori %or3A_357, %add3A_350 : vector<16xi32>
      %add3A_359 = arith.addi %add3A_350, %xor3A_358 : vector<16xi32>
      %shift_left3A_360 = arith.constant 6 : i32
      %shift_left3A_361 = vector.broadcast %shift_left3A_360 : i32 to vector<16xi32>
      %shift_left3A_362 = arith.shli %xor3A_358, %shift_left3A_361 : vector<16xi32>
      %shift_right_logical3A_363 = arith.constant 26 : i32
      %shift_right_logical3A_364 = vector.broadcast %shift_right_logical3A_363 : i32 to vector<16xi32>
      %shift_right_logical3A_365 = arith.shrui %xor3A_358, %shift_right_logical3A_364 : vector<16xi32>
      %or3A_366 = arith.ori %shift_left3A_362, %shift_right_logical3A_365 : vector<16xi32>
      %xor3A_367 = arith.xori %or3A_366, %add3A_359 : vector<16xi32>
      %add3A_368 = arith.constant 64467757 : i32
      %add3A_369 = vector.broadcast %add3A_368 : i32 to vector<16xi32>
      %add3A_370 = arith.addi %add3A_359, %add3A_369 : vector<16xi32>
      %add3A_371 = arith.constant -1378843657 : i32
      %add3A_372 = vector.broadcast %add3A_371 : i32 to vector<16xi32>
      %add3A_373 = arith.addi %xor3A_367, %add3A_372 : vector<16xi32>
      %add3A_374 = arith.addi %add3A_370, %add3A_373 : vector<16xi32>
      %shift_left3A_375 = arith.constant 17 : i32
      %shift_left3A_376 = vector.broadcast %shift_left3A_375 : i32 to vector<16xi32>
      %shift_left3A_377 = arith.shli %add3A_373, %shift_left3A_376 : vector<16xi32>
      %shift_right_logical3A_378 = arith.constant 15 : i32
      %shift_right_logical3A_379 = vector.broadcast %shift_right_logical3A_378 : i32 to vector<16xi32>
      %shift_right_logical3A_380 = arith.shrui %add3A_373, %shift_right_logical3A_379 : vector<16xi32>
      %or3A_381 = arith.ori %shift_left3A_377, %shift_right_logical3A_380 : vector<16xi32>
      %xor3A_382 = arith.xori %or3A_381, %add3A_374 : vector<16xi32>
      %add3A_383 = arith.addi %add3A_374, %xor3A_382 : vector<16xi32>
      %shift_left3A_384 = arith.constant 29 : i32
      %shift_left3A_385 = vector.broadcast %shift_left3A_384 : i32 to vector<16xi32>
      %shift_left3A_386 = arith.shli %xor3A_382, %shift_left3A_385 : vector<16xi32>
      %shift_right_logical3A_387 = arith.constant 3 : i32
      %shift_right_logical3A_388 = vector.broadcast %shift_right_logical3A_387 : i32 to vector<16xi32>
      %shift_right_logical3A_389 = arith.shrui %xor3A_382, %shift_right_logical3A_388 : vector<16xi32>
      %or3A_390 = arith.ori %shift_left3A_386, %shift_right_logical3A_389 : vector<16xi32>
      %xor3A_391 = arith.xori %or3A_390, %add3A_383 : vector<16xi32>
      %add3A_392 = arith.addi %add3A_383, %xor3A_391 : vector<16xi32>
      %shift_left3A_393 = arith.constant 16 : i32
      %shift_left3A_394 = vector.broadcast %shift_left3A_393 : i32 to vector<16xi32>
      %shift_left3A_395 = arith.shli %xor3A_391, %shift_left3A_394 : vector<16xi32>
      %shift_right_logical3A_396 = arith.constant 16 : i32
      %shift_right_logical3A_397 = vector.broadcast %shift_right_logical3A_396 : i32 to vector<16xi32>
      %shift_right_logical3A_398 = arith.shrui %xor3A_391, %shift_right_logical3A_397 : vector<16xi32>
      %or3A_399 = arith.ori %shift_left3A_395, %shift_right_logical3A_398 : vector<16xi32>
      %xor3A_400 = arith.xori %or3A_399, %add3A_392 : vector<16xi32>
      %add3A_401 = arith.addi %add3A_392, %xor3A_400 : vector<16xi32>
      %shift_left3A_402 = arith.constant 24 : i32
      %shift_left3A_403 = vector.broadcast %shift_left3A_402 : i32 to vector<16xi32>
      %shift_left3A_404 = arith.shli %xor3A_400, %shift_left3A_403 : vector<16xi32>
      %shift_right_logical3A_405 = arith.constant 8 : i32
      %shift_right_logical3A_406 = vector.broadcast %shift_right_logical3A_405 : i32 to vector<16xi32>
      %shift_right_logical3A_407 = arith.shrui %xor3A_400, %shift_right_logical3A_406 : vector<16xi32>
      %or3A_408 = arith.ori %shift_left3A_404, %shift_right_logical3A_407 : vector<16xi32>
      %xor3A_409 = arith.xori %or3A_408, %add3A_401 : vector<16xi32>
      %add3A_410 = arith.constant -1378843660 : i32
      %add3A_411 = vector.broadcast %add3A_410 : i32 to vector<16xi32>
      %add3A_412 = arith.addi %add3A_401, %add3A_411 : vector<16xi32>
      %add3A_413 = arith.constant -1244255481 : i32
      %add3A_414 = vector.broadcast %add3A_413 : i32 to vector<16xi32>
      %add3A_415 = arith.addi %xor3A_409, %add3A_414 : vector<16xi32>
      %add3A_416 = arith.addi %add3A_412, %add3A_415 : vector<16xi32>
      %shift_left3A_417 = arith.constant 13 : i32
      %shift_left3A_418 = vector.broadcast %shift_left3A_417 : i32 to vector<16xi32>
      %shift_left3A_419 = arith.shli %add3A_415, %shift_left3A_418 : vector<16xi32>
      %shift_right_logical3A_420 = arith.constant 19 : i32
      %shift_right_logical3A_421 = vector.broadcast %shift_right_logical3A_420 : i32 to vector<16xi32>
      %shift_right_logical3A_422 = arith.shrui %add3A_415, %shift_right_logical3A_421 : vector<16xi32>
      %or3A_423 = arith.ori %shift_left3A_419, %shift_right_logical3A_422 : vector<16xi32>
      %xor3A_424 = arith.xori %or3A_423, %add3A_416 : vector<16xi32>
      %add3A_425 = arith.addi %add3A_416, %xor3A_424 : vector<16xi32>
      %shift_left3A_426 = arith.constant 15 : i32
      %shift_left3A_427 = vector.broadcast %shift_left3A_426 : i32 to vector<16xi32>
      %shift_left3A_428 = arith.shli %xor3A_424, %shift_left3A_427 : vector<16xi32>
      %shift_right_logical3A_429 = arith.constant 17 : i32
      %shift_right_logical3A_430 = vector.broadcast %shift_right_logical3A_429 : i32 to vector<16xi32>
      %shift_right_logical3A_431 = arith.shrui %xor3A_424, %shift_right_logical3A_430 : vector<16xi32>
      %or3A_432 = arith.ori %shift_left3A_428, %shift_right_logical3A_431 : vector<16xi32>
      %xor3A_433 = arith.xori %or3A_432, %add3A_425 : vector<16xi32>
      %add3A_434 = arith.addi %add3A_425, %xor3A_433 : vector<16xi32>
      %shift_left3A_435 = arith.constant 26 : i32
      %shift_left3A_436 = vector.broadcast %shift_left3A_435 : i32 to vector<16xi32>
      %shift_left3A_437 = arith.shli %xor3A_433, %shift_left3A_436 : vector<16xi32>
      %shift_right_logical3A_438 = arith.constant 6 : i32
      %shift_right_logical3A_439 = vector.broadcast %shift_right_logical3A_438 : i32 to vector<16xi32>
      %shift_right_logical3A_440 = arith.shrui %xor3A_433, %shift_right_logical3A_439 : vector<16xi32>
      %or3A_441 = arith.ori %shift_left3A_437, %shift_right_logical3A_440 : vector<16xi32>
      %xor3A_442 = arith.xori %or3A_441, %add3A_434 : vector<16xi32>
      %add3A_443 = arith.addi %add3A_434, %xor3A_442 : vector<16xi32>
      %shift_left3A_444 = arith.constant 6 : i32
      %shift_left3A_445 = vector.broadcast %shift_left3A_444 : i32 to vector<16xi32>
      %shift_left3A_446 = arith.shli %xor3A_442, %shift_left3A_445 : vector<16xi32>
      %shift_right_logical3A_447 = arith.constant 26 : i32
      %shift_right_logical3A_448 = vector.broadcast %shift_right_logical3A_447 : i32 to vector<16xi32>
      %shift_right_logical3A_449 = arith.shrui %xor3A_442, %shift_right_logical3A_448 : vector<16xi32>
      %or3A_450 = arith.ori %shift_left3A_446, %shift_right_logical3A_449 : vector<16xi32>
      %xor3A_451 = arith.xori %or3A_450, %add3A_443 : vector<16xi32>
      %add3A_452 = arith.constant -1244255485 : i32
      %add3A_453 = vector.broadcast %add3A_452 : i32 to vector<16xi32>
      %add3A_454 = arith.addi %add3A_443, %add3A_453 : vector<16xi32>
      %add3A_455 = arith.constant 64467762 : i32
      %add3A_456 = vector.broadcast %add3A_455 : i32 to vector<16xi32>
      %add3A_457 = arith.addi %xor3A_451, %add3A_456 : vector<16xi32>
      %xor3A_458 = arith.xori %add3A_454, %add3A_457 : vector<16xi32>
      %and3A_459 = arith.constant 4095 : i32
      %and3A_460 = vector.broadcast %and3A_459 : i32 to vector<16xi32>
      %and3A_461 = arith.andi %xor3A_458, %and3A_460 : vector<16xi32>
      %add3A_462 = vector.broadcast %mul3A_34 : i32 to vector<16xi32>
      %add3A_463 = arith.addi %add3A_462, %and3A_461 : vector<16xi32>
      %mul3A_464 = arith.constant 16 : i32
      %mul3A_465 = arith.muli %scan3A_240, %mul3A_464 : i32
      %swap3A = arith.constant 3 : i32
      %swap3A_466 = arith.index_cast %swap3A : i32 to index
      %swap3A_467 = arith.index_cast %mul3A_465 : i32 to index
      %swap3A_468 = tpu.vector_load %arg4[%swap3A_466, %swap3A_467] {strides = array<i32>} : memref<4x128xi32, #tpu.memory_space<vmem>>, vector<16xi32>,
      tpu.vector_store %arg4[%swap3A_466, %swap3A_467], %add3A_463 {strides = array<i32>} : memref<4x128xi32, #tpu.memory_space<vmem>>, vector<16xi32>,
      %add3A_469 = arith.constant 1 : i32
      %add3A_470 = arith.addi %scan3A_240, %add3A_469 : i32
    }
    %scan3A_91 = arith.constant 8 : i32
    %add3A_92 = arith.constant 384 : i32
    %add3A_93 = arith.addi %select_n3A_32, %add3A_92 : i32
    %dma_start3A_94 = arith.constant 3 : i32
    %dma_start3A_95 = arith.constant 3 : i32
    %dma_start3A_96 = arith.constant 0 : i32
    %dma_start3A_97 = arith.constant 0 : i32
    %dma_start3A_98 = tpu.memref_slice %arg5[%dma_start3A_95, %dma_start3A_96, %dma_start3A_97] : memref<4x128x128xf32, #tpu.memory_space<vmem>> -> memref<1x128x128xf32, #tpu.memory_space<vmem>>
    %dma_start3A_99 = tpu.memref_squeeze %dma_start3A_98 : memref<1x128x128xf32, #tpu.memory_space<vmem>> -> memref<128x128xf32, #tpu.memory_space<vmem>>
    %dma_start3A_100 = arith.constant 0 : i32
    %dma_start3A_101 = tpu.memref_slice %arg4[%dma_start3A_94, %dma_start3A_100] : memref<4x128xi32, #tpu.memory_space<vmem>> -> memref<1x128xi32, #tpu.memory_space<vmem>>
    %dma_start3A_102 = tpu.memref_squeeze %dma_start3A_101 : memref<1x128xi32, #tpu.memory_space<vmem>> -> memref<128xi32, #tpu.memory_space<vmem>>
    %dma_start3A_103 = arith.constant 0 : i32
    %dma_start3A_104 = tpu.memref_slice %arg2[%dma_start3A_103, %add3A_93] : memref<16384x2048xf32, #tpu.memory_space<hbm>> -> memref<16384x128xf32, #tpu.memory_space<hbm>>
    tpu.enqueue_indirect_dma source(%dma_start3A_104 : memref<16384x128xf32, #tpu.memory_space<hbm>>) target(%dma_start3A_99 : memref<128x128xf32, #tpu.memory_space<vmem>>) offsets(%dma_start3A_102 : memref<128xi32, #tpu.memory_space<vmem>>) semaphore(%arg7 : memref<!tpu.dma_semaphore, #tpu.memory_space<semaphore_mem>>)
    %dma_wait3A = arith.constant 0 : i32
    %dma_wait3A_105 = arith.constant 0 : i32
    %dma_wait3A_106 = arith.constant 0 : i32
    %dma_wait3A_107 = arith.constant 0 : i32
    %dma_wait3A_108 = tpu.memref_slice %arg5[%dma_wait3A_105, %dma_wait3A_106, %dma_wait3A_107] : memref<4x128x128xf32, #tpu.memory_space<vmem>> -> memref<1x128x128xf32, #tpu.memory_space<vmem>>
    %dma_wait3A_109 = tpu.memref_squeeze %dma_wait3A_108 : memref<1x128x128xf32, #tpu.memory_space<vmem>> -> memref<128x128xf32, #tpu.memory_space<vmem>>
    %dma_wait3A_110 = arith.constant 0 : i32
    %dma_wait3A_111 = tpu.memref_slice %arg4[%dma_wait3A, %dma_wait3A_110] : memref<4x128xi32, #tpu.memory_space<vmem>> -> memref<1x128xi32, #tpu.memory_space<vmem>>
    %dma_wait3A_112 = tpu.memref_squeeze %dma_wait3A_111 : memref<1x128xi32, #tpu.memory_space<vmem>> -> memref<128xi32, #tpu.memory_space<vmem>>
    %dma_wait3A_113 = arith.constant 0 : i32
    %dma_wait3A_114 = tpu.memref_slice %arg2[%dma_wait3A_113, %add3A_40] : memref<16384x2048xf32, #tpu.memory_space<hbm>> -> memref<16384x128xf32, #tpu.memory_space<hbm>>
    tpu.wait_indirect_dma semaphore(%arg7 : memref<!tpu.dma_semaphore, #tpu.memory_space<semaphore_mem>>) src(%dma_wait3A_114 : memref<16384x128xf32, #tpu.memory_space<hbm>>) dst(%dma_wait3A_109 : memref<128x128xf32, #tpu.memory_space<vmem>>)
    %scan3A_115 = arith.constant 0 : i32
    %scan3A_116 = arith.constant 8 : i32
    %scan3A_117 = arith.addi %scan3A_115, %scan3A_116 : i32
    %scan3A_118 = arith.constant 1 : i32
    scf.for %scan3A_240 = %scan3A_115 to %scan3A_117 step %scan3A_118  : i32 {
      %mul3A_241 = arith.constant 16 : i32
      %mul3A_242 = arith.muli %scan3A_240, %mul3A_241 : i32
      %add3A_243 = vector.broadcast %mul3A_242 : i32 to vector<16xi32>
      %add3A_244 = arith.addi %add3A_243, %iota3A : vector<16xi32>
      %gather3A = arith.constant 0 : i32
      %gather3A_245 = arith.constant 0 : i32
      %gather3A_246 = arith.constant 0 : i32
      %gather3A_247 = tpu.memref_slice %arg5[%gather3A, %gather3A_245, %gather3A_246] : memref<4x128x128xf32, #tpu.memory_space<vmem>> -> memref<1x128x128xf32, #tpu.memory_space<vmem>>
      %gather3A_248 = tpu.memref_squeeze %gather3A_247 : memref<1x128x128xf32, #tpu.memory_space<vmem>> -> memref<128x128xf32, #tpu.memory_space<vmem>>
      %gather3A_249 = tpu.vector_load_idx %gather3A_248[%add3A_244, %add3A_244] : memref<128x128xf32, #tpu.memory_space<vmem>>[vector<16xi32>, vector<16xi32>], vector<16xf32>,
      %mul3A_250 = arith.constant 16 : i32
      %mul3A_251 = arith.muli %scan3A_240, %mul3A_250 : i32
      %add3A_252 = arith.constant 0 : i32
      %add3A_253 = arith.addi %add3A_252, %mul3A_251 : i32
      %swap3A = arith.index_cast %add3A_253 : i32 to index
      %swap3A_254 = tpu.vector_load %arg6[%swap3A] {strides = array<i32>} : memref<512xf32, #tpu.memory_space<vmem>>, vector<16xf32>,
      tpu.vector_store %arg6[%swap3A], %gather3A_249 {strides = array<i32>} : memref<512xf32, #tpu.memory_space<vmem>>, vector<16xf32>,
    }
    %scan3A_119 = arith.constant 8 : i32
    %add3A_120 = arith.constant 0 : i32
    %add3A_121 = arith.addi %select_n3A_32, %add3A_120 : i32
    %dma_start3A_122 = arith.constant 0 : i32
    %dma_start3A_123 = tpu.memref_slice %arg6[%dma_start3A_122] : memref<512xf32, #tpu.memory_space<vmem>> -> memref<128xf32, #tpu.memory_space<vmem>>
    %dma_start3A_124 = tpu.memref_slice %arg3[%select_n3A, %add3A_121] : memref<4x2048xf32, #tpu.memory_space<hbm>> -> memref<1x128xf32, #tpu.memory_space<hbm>>
    %dma_start3A_125 = tpu.memref_squeeze %dma_start3A_124 : memref<1x128xf32, #tpu.memory_space<hbm>> -> memref<128xf32, #tpu.memory_space<hbm>>
    %dma_start3A_126 = tpu.memref_slice %arg3[%select_n3A, %add3A_121] : memref<4x2048xf32, #tpu.memory_space<hbm>> -> memref<1x128xf32, #tpu.memory_space<hbm>>
    %dma_start3A_127 = tpu.memref_squeeze %dma_start3A_126 : memref<1x128xf32, #tpu.memory_space<hbm>> -> memref<128xf32, #tpu.memory_space<hbm>>
    %dma_start3A_128 = arith.constant 0 : i32
    %dma_start3A_129 = tpu.memref_slice %arg6[%dma_start3A_128] : memref<512xf32, #tpu.memory_space<vmem>> -> memref<128xf32, #tpu.memory_space<vmem>>
    tpu.enqueue_dma source(%dma_start3A_129 : memref<128xf32, #tpu.memory_space<vmem>>) target(%dma_start3A_127 : memref<128xf32, #tpu.memory_space<hbm>>) target_semaphore(%arg8 : memref<!tpu.dma_semaphore, #tpu.memory_space<semaphore_mem>>)
    %dma_wait3A_130 = arith.constant 1 : i32
    %dma_wait3A_131 = arith.constant 1 : i32
    %dma_wait3A_132 = arith.constant 0 : i32
    %dma_wait3A_133 = arith.constant 0 : i32
    %dma_wait3A_134 = tpu.memref_slice %arg5[%dma_wait3A_131, %dma_wait3A_132, %dma_wait3A_133] : memref<4x128x128xf32, #tpu.memory_space<vmem>> -> memref<1x128x128xf32, #tpu.memory_space<vmem>>
    %dma_wait3A_135 = tpu.memref_squeeze %dma_wait3A_134 : memref<1x128x128xf32, #tpu.memory_space<vmem>> -> memref<128x128xf32, #tpu.memory_space<vmem>>
    %dma_wait3A_136 = arith.constant 0 : i32
    %dma_wait3A_137 = tpu.memref_slice %arg4[%dma_wait3A_130, %dma_wait3A_136] : memref<4x128xi32, #tpu.memory_space<vmem>> -> memref<1x128xi32, #tpu.memory_space<vmem>>
    %dma_wait3A_138 = tpu.memref_squeeze %dma_wait3A_137 : memref<1x128xi32, #tpu.memory_space<vmem>> -> memref<128xi32, #tpu.memory_space<vmem>>
    %dma_wait3A_139 = arith.constant 0 : i32
    %dma_wait3A_140 = tpu.memref_slice %arg2[%dma_wait3A_139, %add3A_57] : memref<16384x2048xf32, #tpu.memory_space<hbm>> -> memref<16384x128xf32, #tpu.memory_space<hbm>>
    tpu.wait_indirect_dma semaphore(%arg7 : memref<!tpu.dma_semaphore, #tpu.memory_space<semaphore_mem>>) src(%dma_wait3A_140 : memref<16384x128xf32, #tpu.memory_space<hbm>>) dst(%dma_wait3A_135 : memref<128x128xf32, #tpu.memory_space<vmem>>)
    %scan3A_141 = arith.constant 0 : i32
    %scan3A_142 = arith.constant 8 : i32
    %scan3A_143 = arith.addi %scan3A_141, %scan3A_142 : i32
    %scan3A_144 = arith.constant 1 : i32
    scf.for %scan3A_240 = %scan3A_141 to %scan3A_143 step %scan3A_144  : i32 {
      %mul3A_241 = arith.constant 16 : i32
      %mul3A_242 = arith.muli %scan3A_240, %mul3A_241 : i32
      %add3A_243 = vector.broadcast %mul3A_242 : i32 to vector<16xi32>
      %add3A_244 = arith.addi %add3A_243, %iota3A : vector<16xi32>
      %gather3A = arith.constant 1 : i32
      %gather3A_245 = arith.constant 0 : i32
      %gather3A_246 = arith.constant 0 : i32
      %gather3A_247 = tpu.memref_slice %arg5[%gather3A, %gather3A_245, %gather3A_246] : memref<4x128x128xf32, #tpu.memory_space<vmem>> -> memref<1x128x128xf32, #tpu.memory_space<vmem>>
      %gather3A_248 = tpu.memref_squeeze %gather3A_247 : memref<1x128x128xf32, #tpu.memory_space<vmem>> -> memref<128x128xf32, #tpu.memory_space<vmem>>
      %gather3A_249 = tpu.vector_load_idx %gather3A_248[%add3A_244, %add3A_244] : memref<128x128xf32, #tpu.memory_space<vmem>>[vector<16xi32>, vector<16xi32>], vector<16xf32>,
      %mul3A_250 = arith.constant 16 : i32
      %mul3A_251 = arith.muli %scan3A_240, %mul3A_250 : i32
      %add3A_252 = arith.constant 128 : i32
      %add3A_253 = arith.addi %add3A_252, %mul3A_251 : i32
      %swap3A = arith.index_cast %add3A_253 : i32 to index
      %swap3A_254 = tpu.vector_load %arg6[%swap3A] {strides = array<i32>} : memref<512xf32, #tpu.memory_space<vmem>>, vector<16xf32>,
      tpu.vector_store %arg6[%swap3A], %gather3A_249 {strides = array<i32>} : memref<512xf32, #tpu.memory_space<vmem>>, vector<16xf32>,
    }
    %scan3A_145 = arith.constant 8 : i32
    %add3A_146 = arith.constant 128 : i32
    %add3A_147 = arith.addi %select_n3A_32, %add3A_146 : i32
    %dma_start3A_148 = arith.constant 128 : i32
    %dma_start3A_149 = tpu.memref_slice %arg6[%dma_start3A_148] : memref<512xf32, #tpu.memory_space<vmem>> -> memref<128xf32, #tpu.memory_space<vmem>>
    %dma_start3A_150 = tpu.memref_slice %arg3[%select_n3A, %add3A_147] : memref<4x2048xf32, #tpu.memory_space<hbm>> -> memref<1x128xf32, #tpu.memory_space<hbm>>
    %dma_start3A_151 = tpu.memref_squeeze %dma_start3A_150 : memref<1x128xf32, #tpu.memory_space<hbm>> -> memref<128xf32, #tpu.memory_space<hbm>>
    %dma_start3A_152 = tpu.memref_slice %arg3[%select_n3A, %add3A_147] : memref<4x2048xf32, #tpu.memory_space<hbm>> -> memref<1x128xf32, #tpu.memory_space<hbm>>
    %dma_start3A_153 = tpu.memref_squeeze %dma_start3A_152 : memref<1x128xf32, #tpu.memory_space<hbm>> -> memref<128xf32, #tpu.memory_space<hbm>>
    %dma_start3A_154 = arith.constant 128 : i32
    %dma_start3A_155 = tpu.memref_slice %arg6[%dma_start3A_154] : memref<512xf32, #tpu.memory_space<vmem>> -> memref<128xf32, #tpu.memory_space<vmem>>
    tpu.enqueue_dma source(%dma_start3A_155 : memref<128xf32, #tpu.memory_space<vmem>>) target(%dma_start3A_153 : memref<128xf32, #tpu.memory_space<hbm>>) target_semaphore(%arg8 : memref<!tpu.dma_semaphore, #tpu.memory_space<semaphore_mem>>)
    %dma_wait3A_156 = arith.constant 2 : i32
    %dma_wait3A_157 = arith.constant 2 : i32
    %dma_wait3A_158 = arith.constant 0 : i32
    %dma_wait3A_159 = arith.constant 0 : i32
    %dma_wait3A_160 = tpu.memref_slice %arg5[%dma_wait3A_157, %dma_wait3A_158, %dma_wait3A_159] : memref<4x128x128xf32, #tpu.memory_space<vmem>> -> memref<1x128x128xf32, #tpu.memory_space<vmem>>
    %dma_wait3A_161 = tpu.memref_squeeze %dma_wait3A_160 : memref<1x128x128xf32, #tpu.memory_space<vmem>> -> memref<128x128xf32, #tpu.memory_space<vmem>>
    %dma_wait3A_162 = arith.constant 0 : i32
    %dma_wait3A_163 = tpu.memref_slice %arg4[%dma_wait3A_156, %dma_wait3A_162] : memref<4x128xi32, #tpu.memory_space<vmem>> -> memref<1x128xi32, #tpu.memory_space<vmem>>
    %dma_wait3A_164 = tpu.memref_squeeze %dma_wait3A_163 : memref<1x128xi32, #tpu.memory_space<vmem>> -> memref<128xi32, #tpu.memory_space<vmem>>
    %dma_wait3A_165 = arith.constant 0 : i32
    %dma_wait3A_166 = tpu.memref_slice %arg2[%dma_wait3A_165, %add3A_75] : memref<16384x2048xf32, #tpu.memory_space<hbm>> -> memref<16384x128xf32, #tpu.memory_space<hbm>>
    tpu.wait_indirect_dma semaphore(%arg7 : memref<!tpu.dma_semaphore, #tpu.memory_space<semaphore_mem>>) src(%dma_wait3A_166 : memref<16384x128xf32, #tpu.memory_space<hbm>>) dst(%dma_wait3A_161 : memref<128x128xf32, #tpu.memory_space<vmem>>)
    %scan3A_167 = arith.constant 0 : i32
    %scan3A_168 = arith.constant 8 : i32
    %scan3A_169 = arith.addi %scan3A_167, %scan3A_168 : i32
    %scan3A_170 = arith.constant 1 : i32
    scf.for %scan3A_240 = %scan3A_167 to %scan3A_169 step %scan3A_170  : i32 {
      %mul3A_241 = arith.constant 16 : i32
      %mul3A_242 = arith.muli %scan3A_240, %mul3A_241 : i32
      %add3A_243 = vector.broadcast %mul3A_242 : i32 to vector<16xi32>
      %add3A_244 = arith.addi %add3A_243, %iota3A : vector<16xi32>
      %gather3A = arith.constant 2 : i32
      %gather3A_245 = arith.constant 0 : i32
      %gather3A_246 = arith.constant 0 : i32
      %gather3A_247 = tpu.memref_slice %arg5[%gather3A, %gather3A_245, %gather3A_246] : memref<4x128x128xf32, #tpu.memory_space<vmem>> -> memref<1x128x128xf32, #tpu.memory_space<vmem>>
      %gather3A_248 = tpu.memref_squeeze %gather3A_247 : memref<1x128x128xf32, #tpu.memory_space<vmem>> -> memref<128x128xf32, #tpu.memory_space<vmem>>
      %gather3A_249 = tpu.vector_load_idx %gather3A_248[%add3A_244, %add3A_244] : memref<128x128xf32, #tpu.memory_space<vmem>>[vector<16xi32>, vector<16xi32>], vector<16xf32>,
      %mul3A_250 = arith.constant 16 : i32
      %mul3A_251 = arith.muli %scan3A_240, %mul3A_250 : i32
      %add3A_252 = arith.constant 256 : i32
      %add3A_253 = arith.addi %add3A_252, %mul3A_251 : i32
      %swap3A = arith.index_cast %add3A_253 : i32 to index
      %swap3A_254 = tpu.vector_load %arg6[%swap3A] {strides = array<i32>} : memref<512xf32, #tpu.memory_space<vmem>>, vector<16xf32>,
      tpu.vector_store %arg6[%swap3A], %gather3A_249 {strides = array<i32>} : memref<512xf32, #tpu.memory_space<vmem>>, vector<16xf32>,
    }
    %scan3A_171 = arith.constant 8 : i32
    %add3A_172 = arith.constant 256 : i32
    %add3A_173 = arith.addi %select_n3A_32, %add3A_172 : i32
    %dma_start3A_174 = arith.constant 256 : i32
    %dma_start3A_175 = tpu.memref_slice %arg6[%dma_start3A_174] : memref<512xf32, #tpu.memory_space<vmem>> -> memref<128xf32, #tpu.memory_space<vmem>>
    %dma_start3A_176 = tpu.memref_slice %arg3[%select_n3A, %add3A_173] : memref<4x2048xf32, #tpu.memory_space<hbm>> -> memref<1x128xf32, #tpu.memory_space<hbm>>
    %dma_start3A_177 = tpu.memref_squeeze %dma_start3A_176 : memref<1x128xf32, #tpu.memory_space<hbm>> -> memref<128xf32, #tpu.memory_space<hbm>>
    %dma_start3A_178 = tpu.memref_slice %arg3[%select_n3A, %add3A_173] : memref<4x2048xf32, #tpu.memory_space<hbm>> -> memref<1x128xf32, #tpu.memory_space<hbm>>
    %dma_start3A_179 = tpu.memref_squeeze %dma_start3A_178 : memref<1x128xf32, #tpu.memory_space<hbm>> -> memref<128xf32, #tpu.memory_space<hbm>>
    %dma_start3A_180 = arith.constant 256 : i32
    %dma_start3A_181 = tpu.memref_slice %arg6[%dma_start3A_180] : memref<512xf32, #tpu.memory_space<vmem>> -> memref<128xf32, #tpu.memory_space<vmem>>
    tpu.enqueue_dma source(%dma_start3A_181 : memref<128xf32, #tpu.memory_space<vmem>>) target(%dma_start3A_179 : memref<128xf32, #tpu.memory_space<hbm>>) target_semaphore(%arg8 : memref<!tpu.dma_semaphore, #tpu.memory_space<semaphore_mem>>)
    %dma_wait3A_182 = arith.constant 3 : i32
    %dma_wait3A_183 = arith.constant 3 : i32
    %dma_wait3A_184 = arith.constant 0 : i32
    %dma_wait3A_185 = arith.constant 0 : i32
    %dma_wait3A_186 = tpu.memref_slice %arg5[%dma_wait3A_183, %dma_wait3A_184, %dma_wait3A_185] : memref<4x128x128xf32, #tpu.memory_space<vmem>> -> memref<1x128x128xf32, #tpu.memory_space<vmem>>
    %dma_wait3A_187 = tpu.memref_squeeze %dma_wait3A_186 : memref<1x128x128xf32, #tpu.memory_space<vmem>> -> memref<128x128xf32, #tpu.memory_space<vmem>>
    %dma_wait3A_188 = arith.constant 0 : i32
    %dma_wait3A_189 = tpu.memref_slice %arg4[%dma_wait3A_182, %dma_wait3A_188] : memref<4x128xi32, #tpu.memory_space<vmem>> -> memref<1x128xi32, #tpu.memory_space<vmem>>
    %dma_wait3A_190 = tpu.memref_squeeze %dma_wait3A_189 : memref<1x128xi32, #tpu.memory_space<vmem>> -> memref<128xi32, #tpu.memory_space<vmem>>
    %dma_wait3A_191 = arith.constant 0 : i32
    %dma_wait3A_192 = tpu.memref_slice %arg2[%dma_wait3A_191, %add3A_93] : memref<16384x2048xf32, #tpu.memory_space<hbm>> -> memref<16384x128xf32, #tpu.memory_space<hbm>>
    tpu.wait_indirect_dma semaphore(%arg7 : memref<!tpu.dma_semaphore, #tpu.memory_space<semaphore_mem>>) src(%dma_wait3A_192 : memref<16384x128xf32, #tpu.memory_space<hbm>>) dst(%dma_wait3A_187 : memref<128x128xf32, #tpu.memory_space<vmem>>)
    %scan3A_193 = arith.constant 0 : i32
    %scan3A_194 = arith.constant 8 : i32
    %scan3A_195 = arith.addi %scan3A_193, %scan3A_194 : i32
    %scan3A_196 = arith.constant 1 : i32
    scf.for %scan3A_240 = %scan3A_193 to %scan3A_195 step %scan3A_196  : i32 {
      %mul3A_241 = arith.constant 16 : i32
      %mul3A_242 = arith.muli %scan3A_240, %mul3A_241 : i32
      %add3A_243 = vector.broadcast %mul3A_242 : i32 to vector<16xi32>
      %add3A_244 = arith.addi %add3A_243, %iota3A : vector<16xi32>
      %gather3A = arith.constant 3 : i32
      %gather3A_245 = arith.constant 0 : i32
      %gather3A_246 = arith.constant 0 : i32
      %gather3A_247 = tpu.memref_slice %arg5[%gather3A, %gather3A_245, %gather3A_246] : memref<4x128x128xf32, #tpu.memory_space<vmem>> -> memref<1x128x128xf32, #tpu.memory_space<vmem>>
      %gather3A_248 = tpu.memref_squeeze %gather3A_247 : memref<1x128x128xf32, #tpu.memory_space<vmem>> -> memref<128x128xf32, #tpu.memory_space<vmem>>
      %gather3A_249 = tpu.vector_load_idx %gather3A_248[%add3A_244, %add3A_244] : memref<128x128xf32, #tpu.memory_space<vmem>>[vector<16xi32>, vector<16xi32>], vector<16xf32>,
      %mul3A_250 = arith.constant 16 : i32
      %mul3A_251 = arith.muli %scan3A_240, %mul3A_250 : i32
      %add3A_252 = arith.constant 384 : i32
      %add3A_253 = arith.addi %add3A_252, %mul3A_251 : i32
      %swap3A = arith.index_cast %add3A_253 : i32 to index
      %swap3A_254 = tpu.vector_load %arg6[%swap3A] {strides = array<i32>} : memref<512xf32, #tpu.memory_space<vmem>>, vector<16xf32>,
      tpu.vector_store %arg6[%swap3A], %gather3A_249 {strides = array<i32>} : memref<512xf32, #tpu.memory_space<vmem>>, vector<16xf32>,
    }
    %scan3A_197 = arith.constant 8 : i32
    %add3A_198 = arith.constant 384 : i32
    %add3A_199 = arith.addi %select_n3A_32, %add3A_198 : i32
    %dma_start3A_200 = arith.constant 384 : i32
    %dma_start3A_201 = tpu.memref_slice %arg6[%dma_start3A_200] : memref<512xf32, #tpu.memory_space<vmem>> -> memref<128xf32, #tpu.memory_space<vmem>>
    %dma_start3A_202 = tpu.memref_slice %arg3[%select_n3A, %add3A_199] : memref<4x2048xf32, #tpu.memory_space<hbm>> -> memref<1x128xf32, #tpu.memory_space<hbm>>
    %dma_start3A_203 = tpu.memref_squeeze %dma_start3A_202 : memref<1x128xf32, #tpu.memory_space<hbm>> -> memref<128xf32, #tpu.memory_space<hbm>>
    %dma_start3A_204 = tpu.memref_slice %arg3[%select_n3A, %add3A_199] : memref<4x2048xf32, #tpu.memory_space<hbm>> -> memref<1x128xf32, #tpu.memory_space<hbm>>
    %dma_start3A_205 = tpu.memref_squeeze %dma_start3A_204 : memref<1x128xf32, #tpu.memory_space<hbm>> -> memref<128xf32, #tpu.memory_space<hbm>>
    %dma_start3A_206 = arith.constant 384 : i32
    %dma_start3A_207 = tpu.memref_slice %arg6[%dma_start3A_206] : memref<512xf32, #tpu.memory_space<vmem>> -> memref<128xf32, #tpu.memory_space<vmem>>
    tpu.enqueue_dma source(%dma_start3A_207 : memref<128xf32, #tpu.memory_space<vmem>>) target(%dma_start3A_205 : memref<128xf32, #tpu.memory_space<hbm>>) target_semaphore(%arg8 : memref<!tpu.dma_semaphore, #tpu.memory_space<semaphore_mem>>)
    %dma_wait3A_208 = arith.constant 0 : i32
    %dma_wait3A_209 = tpu.memref_slice %arg6[%dma_wait3A_208] : memref<512xf32, #tpu.memory_space<vmem>> -> memref<128xf32, #tpu.memory_space<vmem>>
    %dma_wait3A_210 = tpu.memref_slice %arg3[%select_n3A, %add3A_121] : memref<4x2048xf32, #tpu.memory_space<hbm>> -> memref<1x128xf32, #tpu.memory_space<hbm>>
    %dma_wait3A_211 = tpu.memref_squeeze %dma_wait3A_210 : memref<1x128xf32, #tpu.memory_space<hbm>> -> memref<128xf32, #tpu.memory_space<hbm>>
    %dma_wait3A_212 = tpu.memref_slice %arg3[%select_n3A, %add3A_121] : memref<4x2048xf32, #tpu.memory_space<hbm>> -> memref<1x128xf32, #tpu.memory_space<hbm>>
    %dma_wait3A_213 = tpu.memref_squeeze %dma_wait3A_212 : memref<1x128xf32, #tpu.memory_space<hbm>> -> memref<128xf32, #tpu.memory_space<hbm>>
    %dma_wait3A_214 = arith.constant 0 : i32
    %dma_wait3A_215 = tpu.memref_slice %arg6[%dma_wait3A_214] : memref<512xf32, #tpu.memory_space<vmem>> -> memref<128xf32, #tpu.memory_space<vmem>>
    tpu.wait_dma2 semaphore(%arg8 : memref<!tpu.dma_semaphore, #tpu.memory_space<semaphore_mem>>) src(%dma_wait3A_215 : memref<128xf32, #tpu.memory_space<vmem>>) dst(%dma_wait3A_213 : memref<128xf32, #tpu.memory_space<hbm>>)
    %dma_wait3A_216 = arith.constant 128 : i32
    %dma_wait3A_217 = tpu.memref_slice %arg6[%dma_wait3A_216] : memref<512xf32, #tpu.memory_space<vmem>> -> memref<128xf32, #tpu.memory_space<vmem>>
    %dma_wait3A_218 = tpu.memref_slice %arg3[%select_n3A, %add3A_147] : memref<4x2048xf32, #tpu.memory_space<hbm>> -> memref<1x128xf32, #tpu.memory_space<hbm>>
    %dma_wait3A_219 = tpu.memref_squeeze %dma_wait3A_218 : memref<1x128xf32, #tpu.memory_space<hbm>> -> memref<128xf32, #tpu.memory_space<hbm>>
    %dma_wait3A_220 = tpu.memref_slice %arg3[%select_n3A, %add3A_147] : memref<4x2048xf32, #tpu.memory_space<hbm>> -> memref<1x128xf32, #tpu.memory_space<hbm>>
    %dma_wait3A_221 = tpu.memref_squeeze %dma_wait3A_220 : memref<1x128xf32, #tpu.memory_space<hbm>> -> memref<128xf32, #tpu.memory_space<hbm>>
    %dma_wait3A_222 = arith.constant 128 : i32
    %dma_wait3A_223 = tpu.memref_slice %arg6[%dma_wait3A_222] : memref<512xf32, #tpu.memory_space<vmem>> -> memref<128xf32, #tpu.memory_space<vmem>>
    tpu.wait_dma2 semaphore(%arg8 : memref<!tpu.dma_semaphore, #tpu.memory_space<semaphore_mem>>) src(%dma_wait3A_223 : memref<128xf32, #tpu.memory_space<vmem>>) dst(%dma_wait3A_221 : memref<128xf32, #tpu.memory_space<hbm>>)
    %dma_wait3A_224 = arith.constant 256 : i32
    %dma_wait3A_225 = tpu.memref_slice %arg6[%dma_wait3A_224] : memref<512xf32, #tpu.memory_space<vmem>> -> memref<128xf32, #tpu.memory_space<vmem>>
    %dma_wait3A_226 = tpu.memref_slice %arg3[%select_n3A, %add3A_173] : memref<4x2048xf32, #tpu.memory_space<hbm>> -> memref<1x128xf32, #tpu.memory_space<hbm>>
    %dma_wait3A_227 = tpu.memref_squeeze %dma_wait3A_226 : memref<1x128xf32, #tpu.memory_space<hbm>> -> memref<128xf32, #tpu.memory_space<hbm>>
    %dma_wait3A_228 = tpu.memref_slice %arg3[%select_n3A, %add3A_173] : memref<4x2048xf32, #tpu.memory_space<hbm>> -> memref<1x128xf32, #tpu.memory_space<hbm>>
    %dma_wait3A_229 = tpu.memref_squeeze %dma_wait3A_228 : memref<1x128xf32, #tpu.memory_space<hbm>> -> memref<128xf32, #tpu.memory_space<hbm>>
    %dma_wait3A_230 = arith.constant 256 : i32
    %dma_wait3A_231 = tpu.memref_slice %arg6[%dma_wait3A_230] : memref<512xf32, #tpu.memory_space<vmem>> -> memref<128xf32, #tpu.memory_space<vmem>>
    tpu.wait_dma2 semaphore(%arg8 : memref<!tpu.dma_semaphore, #tpu.memory_space<semaphore_mem>>) src(%dma_wait3A_231 : memref<128xf32, #tpu.memory_space<vmem>>) dst(%dma_wait3A_229 : memref<128xf32, #tpu.memory_space<hbm>>)
    %dma_wait3A_232 = arith.constant 384 : i32
    %dma_wait3A_233 = tpu.memref_slice %arg6[%dma_wait3A_232] : memref<512xf32, #tpu.memory_space<vmem>> -> memref<128xf32, #tpu.memory_space<vmem>>
    %dma_wait3A_234 = tpu.memref_slice %arg3[%select_n3A, %add3A_199] : memref<4x2048xf32, #tpu.memory_space<hbm>> -> memref<1x128xf32, #tpu.memory_space<hbm>>
    %dma_wait3A_235 = tpu.memref_squeeze %dma_wait3A_234 : memref<1x128xf32, #tpu.memory_space<hbm>> -> memref<128xf32, #tpu.memory_space<hbm>>
    %dma_wait3A_236 = tpu.memref_slice %arg3[%select_n3A, %add3A_199] : memref<4x2048xf32, #tpu.memory_space<hbm>> -> memref<1x128xf32, #tpu.memory_space<hbm>>
    %dma_wait3A_237 = tpu.memref_squeeze %dma_wait3A_236 : memref<1x128xf32, #tpu.memory_space<hbm>> -> memref<128xf32, #tpu.memory_space<hbm>>
    %dma_wait3A_238 = arith.constant 384 : i32
    %dma_wait3A_239 = tpu.memref_slice %arg6[%dma_wait3A_238] : memref<512xf32, #tpu.memory_space<vmem>> -> memref<128xf32, #tpu.memory_space<vmem>>
    tpu.wait_dma2 semaphore(%arg8 : memref<!tpu.dma_semaphore, #tpu.memory_space<semaphore_mem>>) src(%dma_wait3A_239 : memref<128xf32, #tpu.memory_space<vmem>>) dst(%dma_wait3A_237 : memref<128xf32, #tpu.memory_space<hbm>>)
    return
  }
}

</mosaic_0001>

<sc_bundles>
// kernel: kernel.3.cloned.1.call-start
scs
__scs_entry_jumppad:
0x0: {  	(pc) =	sbr.rel $0x88, $3  }
0x1: {  	(tag) =	ssettag $0x0;
	lr =	simm.s32 $0x1  }
0x2: {  	[smem:$0x3FA0] =	sst lr;
	_ =	strace $0xD0000000  }
0x3: {  	_ = 	snop  }
0x4: {  	_ = 	snop  }
0x5: {  	_ = 	snop  }
0x6: {  	_ = 	snop  }
0x7: {  	_ = 	snop  }
__scs_overlays_trampoline_lowered:
0x8: {  	[smem:$0x3FAF] =	sst s0  }
0x9: {  	[smem:$0x3FB0] =	sst s1  }
0xa: {  	[smem:$0x3FB1] =	sst s2  }
0xb: {  	[smem:$0x3FB2] =	sst s3  }
0xc: {  	[smem:$0x3FB3] =	sst s4  }
0xd: {  	[smem:$0x3FB4] =	sst s5  }
0xe: {  	[smem:$0x3FB5] =	sst s6  }
0xf: {  	[smem:$0x3FB6] =	sst s7  }
0x10: {  	[smem:$0x3FB7] =	sst s8  }
0x11: {  	[smem:$0x3FB8] =	sst s9;
	s0 =	simm.s32 @!p0 $0x0  }
0x12: {  	s1 =	sld [smem:$0x3F9E];
	s0 =	simm.s32 @p0 $0x1  }
0x13: {  	[smem:$0x3FB9] =	sst s0;
	s0 =	simm.s32 @!p1 $0x0  }
0x14: {  	s2 =	sld [smem:$0x3F9D];
	s0 =	simm.s32 @p1 $0x1  }
0x15: {  	[smem:$0x3FBA] =	sst s0;
	s0 =	simm.s32 @!p2 $0x0  }
0x16: {  	s3 =	sld [smem:$0x3FDB];
	s0 =	simm.s32 @p2 $0x1  }
0x17: {  	s4 =	simm.s32 $0x1BF5;
	[smem:$0x3FBC] =	sst s0  }
0x18: {  	s0 =	sld [smem:$0x3F9F];
	_ =	swait.ge [sflag:s4], $0x0  }
0x19: {  	s7 =	sld [smem:$0x3FA0]  }
0x1a: {  	s8 =	sadd.s32 $0xFFFFE003, lr  }
0x1b: {  	s9 =	sadd.s32 $0xFFFFFEF7, lr;
	s5 =	simm.s32 $0xFFFFFFFF;
	p2 =	slt.u32 s8, $0xFFFFF086  }
0x1c: {  	p1 =	slt.u32 s9, $0xF7A;
	s5 =	simm.s32 @!p2 $0x0  }
0x1d: {  	s5 =	simm.s32 @p1 $0x1;
	p0 =	seq.s32 s7, s2  }
0x1e: {  	s7 =	smul.u32 @!p0 $0xF7A, s2;
	p2 =	seq.s32 @!p0 s5, $0x0  }
0x1f: {  	s9 =	smul.u32 $0xF7A, s1;
	s8 =	simm.s32 @!p0 $0x1BF5;
	p2 =	por !p2, p0  }
0x20: {  	[sflag:s8] =	ssyncset.s32 @!p0 $0xFFFFF086;
	s6 =	sadd.s32 @!p0 s3, s7;
	s7 =	simm.s32 @!p0 $0x108  }
0x21: {  	s3 =	sadd.s32 s3, s9;
	s6 =	sadd.s32 @!p0 $0x88, s6;
	s7 =	simm.s32 @p2 $0x1082  }
0x22: {  	[simem:s7], [sflag:s8] =	dma.local @!p0 [hbm:s6], $0xF7A  }
0x23: {  	s9 =	sor.u32 $0xD0000000, s2;
	s6 =	simm.s32 $0x108;
	_ =	swait.ge @!p0 [sflag:s8], $0x0  }
0x24: {  	s3 =	sadd.s32 $0x88, s3;
	s6 =	simm.s32 @!p1 $0x1082;
	[sflag:s4] =	ssyncset.s32 $0xFFFFF086  }
0x25: {  	[simem:s6], [sflag:s4] =	dma.local [hbm:s3], $0xF7A  }
0x26: {  	[smem:$0x3FA0] =	sst s1;
	(tag) =	ssettag s2;
	_ =	strace s9  }
0x27: {  	s1 =	sld [smem:$0x3FB0]  }
0x28: {  	s2 =	sld [smem:$0x3FB1]  }
0x29: {  	s4 =	sld [smem:$0x3FB3]  }
0x2a: {  	p0 =	seq.s32 s5, $0x0;
	s5 =	sld [smem:$0x3FB4]  }
0x2b: {  	s6 =	sld [smem:$0x3FB5]  }
0x2c: {  	s7 =	sld [smem:$0x3FB6]  }
0x2d: {  	s3 =	simm.s32 $0x108;
	s8 =	sld [smem:$0x3FB7]  }
0x2e: {  	s3 =	simm.s32 @!p0 $0x1082;
	s9 =	sld [smem:$0x3FB8]  }
0x2f: {  	lr =	sadd.s32 s0, s3;
	s0 =	sld [smem:$0x3FAF]  }
0x30: {  	s3 =	sld [smem:$0x3FB2]  }
0x31: {  	[smem:$0x3FBB] =	sst s10  }
0x32: {  	s10 =	sld [smem:$0x3FB9];
	_ =	sdelay $0x3  }
0x33: {  	p0 =	seq.s32 s10, $0x1;
	s10 =	sld [smem:$0x3FBB];
	_ =	sdelay $0x3  }
0x34: {  	[smem:$0x3FBB] =	sst s10  }
0x35: {  	s10 =	sld [smem:$0x3FBA];
	_ =	sdelay $0x3  }
0x36: {  	p1 =	seq.s32 s10, $0x1;
	s10 =	sld [smem:$0x3FBB];
	_ =	sdelay $0x3  }
0x37: {  	[smem:$0x3FBB] =	sst s10  }
0x38: {  	s10 =	sld [smem:$0x3FBC]  }
0x39: {  	_ = 	snop;
	(pc) =	sbr.ind lr, $3  }
0x3a: {  	_ = 	snop  }
0x3b: {  	_ = 	snop  }
0x3c: {  	p2 =	seq.s32 s10, $0x1;
	s10 =	sld [smem:$0x3FBB]  }
0x3d: {  	_ =	shalt  }
0x3e: {  	_ =	shalt  }
0x3f: {  	_ =	shalt  }
0x40: {  	_ =	shalt  }
0x41: {  	_ =	shalt  }
0x42: {  	_ =	shalt  }
0x43: {  	_ =	shalt  }
0x44: {  	_ =	shalt  }
0x45: {  	_ =	shalt  }
0x46: {  	_ =	shalt  }
0x47: {  	_ =	shalt  }
0x48: {  	_ =	shalt  }
0x49: {  	_ =	shalt  }
0x4a: {  	_ =	shalt  }
0x4b: {  	_ =	shalt  }
0x4c: {  	_ =	shalt  }
0x4d: {  	_ =	shalt  }
0x4e: {  	_ =	shalt  }
0x4f: {  	_ =	shalt  }
0x50: {  	_ =	shalt  }
0x51: {  	_ =	shalt  }
0x52: {  	_ =	shalt  }
0x53: {  	_ =	shalt  }
0x54: {  	_ =	shalt  }
0x55: {  	_ =	shalt  }
0x56: {  	_ =	shalt  }
0x57: {  	_ =	shalt  }
0x58: {  	_ =	shalt  }
0x59: {  	_ =	shalt  }
0x5a: {  	_ =	shalt  }
0x5b: {  	_ =	shalt  }
0x5c: {  	_ =	shalt  }
0x5d: {  	_ =	shalt  }
0x5e: {  	_ =	shalt  }
0x5f: {  	_ =	shalt  }
0x60: {  	_ =	shalt  }
0x61: {  	_ =	shalt  }
0x62: {  	_ =	shalt  }
0x63: {  	_ =	shalt  }
0x64: {  	_ =	shalt  }
0x65: {  	_ =	shalt  }
0x66: {  	_ =	shalt  }
0x67: {  	_ =	shalt  }
0x68: {  	_ =	shalt  }
0x69: {  	_ =	shalt  }
0x6a: {  	_ =	shalt  }
0x6b: {  	_ =	shalt  }
0x6c: {  	_ =	shalt  }
0x6d: {  	_ =	shalt  }
0x6e: {  	_ =	shalt  }
0x6f: {  	_ =	shalt  }
0x70: {  	_ =	shalt  }
0x71: {  	_ =	shalt  }
0x72: {  	_ =	shalt  }
0x73: {  	_ =	shalt  }
0x74: {  	_ =	shalt  }
0x75: {  	_ =	shalt  }
0x76: {  	_ =	shalt  }
0x77: {  	_ =	shalt  }
0x78: {  	_ =	shalt  }
0x79: {  	_ =	shalt  }
0x7a: {  	_ =	shalt  }
0x7b: {  	_ =	shalt  }
0x7c: {  	_ =	shalt  }
0x7d: {  	_ =	shalt  }
0x7e: {  	_ =	shalt  }
0x7f: {  	_ =	shalt  }
0x80: {  	_ =	shalt  }
0x81: {  	_ =	shalt  }
0x82: {  	_ =	shalt  }
0x83: {  	_ =	shalt  }
0x84: {  	_ =	shalt  }
0x85: {  	_ =	shalt  }
0x86: {  	_ =	shalt  }
0x87: {  	_ =	shalt  }
.Lfunc_end0:
.L_simem_size_0:
called_computation_lowered:
.L_overlay_start_0:
0x88: {  	s0 =	sld [smem:$0x3FD9]  }
0x89: {  	s1 =	sld [smem:$0x3FFE];
	_ =	sdelay $0x3  }
0x8a: {  	s0 =	sadd.s32 s1, s0  }
0x8b: {  	[smem:$0x3FC7] =	sst s0  }
0x8c: {  	_ = 	snop  }
0x8d: {  	s0 =	sld [smem:$0x3FC9]  }
0x8e: {  	s17 =	sld [smem:$0x3FD0];
	(tm) =	ssettm $0x1  }
0x8f: {  	s2 =	sld [smem:$0x3FFB];
	_ =	sdelay $0x3  }
0x90: {  	_ =	strace s2  }
0x91: {  	s2 =	sld [smem:$0x3FFC];
	_ =	sdelay $0x3  }
0x92: {  	_ =	strace s2  }
0x93: {  	s2 =	sld [smem:$0x3FFD];
	_ =	sdelay $0x3  }
0x94: {  	_ =	strace s2  }
0x95: {  	_ =	strace $0x8FFFFFFF  }
0x96: {  	s18 =	sld [smem:$0x3FDB];
	_ =	sdelay $0x1  }
0x97: {  	s3 =	simm.s32 $_scs_section_size  }
0x98: {  	s4 =	simm.s32 $_size__tile_overlayer_lowered;
	s5 =	simm.s32 $_tile_overlayer_lowered  }
0x99: {  	s21 =	simm.s32 $0x1BFF;
	s20 =	sshll.u32 s5, $0x1;
	s2 =	sadd.s32 s3, s18  }
0x9a: {  	s6 =	simm.s32 $0x0;
	s19 =	sshll.u32 s4, $0x1;
	s4 =	sadd.s32 s20, s2  }
0x9b: {  	[timem:s6], [sflag:s21] =	dma.local [hbm:s4], s19  }
0x9c: {  	_ =	swait.ge [sflag:s21], s19  }
0x9d: {  	s3 =	ssub.s32 $0x0, s19;
	[sflag:s21] =	ssyncset.done $0x0  }
0x9e: {  	[sflag:s21] =	ssyncadd.s32 s3;
	_ =	sdelay $0x1  }
0x9f: {  	s22 =	simm.s32 $0x1B8B  }
0xa0: {  	_ =	swait.ge [sflag:s22], $0x1  }
0xa1: {  	[sflag:s22] =	ssyncset.done $0x0  }
0xa2: {  	s23 =	simm.s32 $0x1B8E;
	[sflag:s22] =	ssyncadd.s32 $0xFFFFFFFF  }
0xa3: {  	s24 =	simm.s32 $execute0_lowered;
	[smem:$0x3FD2] =	sst s23  }
0xa4: {  	s3 =	sshll.u32 s24, $0x1;
	_ =	strace $0x80000046;
	[dreg:$0x1] =	wrdreg $0xFFFFFFFF  }
0xa5: {  	s25 =	simm.s32 $_size_execute0_lowered;
	s2 =	sadd.s32 s2, s3;
	[dreg:$0x0] =	wrdreg $0x0  }
0xa6: {  	s3 =	sshll.u32 s25, $0x1;
	[dreg:$0x2] =	wrdreg s2  }
0xa7: {  	[dreg:$0x3] =	wrdreg s3  }
0xa8: {  	[dreg:$0x4] =	wrdreg $0xC0  }
0xa9: {  	_ =	task [dreg:s6], $0x5FFFF  }
0xaa: {  	[dreg:$0x1] =	wrdreg $0xFFFFFFFF  }
0xab: {  	[dreg:$0x0] =	wrdreg $0x60  }
0xac: {  	[dreg:$0x2] =	wrdreg s0  }
0xad: {  	[dreg:$0x3] =	wrdreg s17  }
0xae: {  	[dreg:$0x4] =	wrdreg $0x9  }
0xaf: {  	_ =	task.clear_ibuf [dreg:s6], $0x5FFFF;
	_ =	strace $0x90000046  }
0xb0: {  	s26 =	simm.s32 $0x9;
	_ =	strace $0x80000048  }
0xb1: {  	_ =	swait.ge [sflag:s26], $0x1  }
0xb2: {  	[sflag:s26] =	ssyncadd.s32 $0xFFFFFFFF  }
0xb3: {  	_ =	strace $0x90000048  }
0xb4: {  	_ =	sfence  }
0xb5: {  	s28 =	sld [smem:$0x0];
	_ =	sdelay $0x1  }
0xb6: {  	s29 =	srdreg.scid  }
0xb7: {  	s30 =	sshll.u32 s29, $0xD;
	s31 =	sshrl.u32 s29, $0x2  }
0xb8: {  	s1 =	sand.u32 $0x1, s29;
	s2 =	sand.u32 $0x4000, s30;
	s0 =	sadd.s32 s31, s28  }
0xb9: {  	s1 =	sor.u32 s2, s1;
	s0 =	sshll.u32 s0, $0x11  }
0xba: {  	s0 =	sor.u32 s0, s1  }
0xbb: {  	s0 =	sadd.s32 $0x8F2B, s0  }
0xbc: {  	[sflag:s0] =	ssyncadd.remote.s32 $0x1  }
0xbd: {  	_ =	sfence.sel $0xFFFF  }
0xbe: {  	[dreg:$0x0] =	wrdreg $0xFFFFFFFF;
	(pc) =	sbr.abs _section_cstart, $3  }
0xbf: {  	[dreg:$0x1] =	wrdreg $0xFFFFFFFF  }
0xc0: {  	_ =	task.clear_ibuf [dreg:s6], $0x2FFFF;
	_ =	strace $0x9FFFFFFF  }
0xc1: {  	(tm) =	ssettm $0x7FFFFFFF  }
tec
execute0_lowered:
.L_overlay_start_1:
0x0: {  	(tag) =	ssettag $0x1  }
0x1: {  	s0 =	stileid.u32;
	v0 =	vlaneseq.u32  }
0x2: {  	s6 =	sshll.u32 s0, $0x9;
	v1 =	vadd.s32 $0xADD083F4, v0  }
0x3: {  	v3 =	vadd.s32 s6, v1  }
0x4: {  	v2 =	vadd.s32 $0xB1A83721, v0;
	v0 =	vshll.u32 v3, $0xD  }
0x5: {  	v3 =	vadd.s32 s6, v2;
	v0 =	vor.u32 $0x15BA, v0  }
0x6: {  	v0 =	vxor.u32 v3, v0  }
0x7: {  	v4 =	vshrl.u32 v0, $0x11;
	v5 =	vshll.u32 v0, $0xF  }
0x8: {  	v0 =	vadd.s32 v3, v0;
	v3 =	vor.u32 v4, v5  }
0x9: {  	v3 =	vxor.u32 v0, v3  }
0xa: {  	v4 =	vshrl.u32 v3, $0x6;
	v5 =	vshll.u32 v3, $0x1A  }
0xb: {  	v0 =	vadd.s32 v0, v3;
	v3 =	vor.u32 v4, v5  }
0xc: {  	v3 =	vxor.u32 v0, v3  }
0xd: {  	v4 =	vshrl.u32 v3, $0x1A;
	v5 =	vshll.u32 v3, $0x6  }
0xe: {  	v0 =	vadd.s32 v0, v3;
	v3 =	vor.u32 v4, v5  }
0xf: {  	v3 =	vxor.u32 v0, v3  }
0x10: {  	v3 =	vadd.s32 $0xB5D62B04, v3  }
0x11: {  	v0 =	vadd.s32 v3, v0;
	v4 =	vshrl.u32 v3, $0xF;
	v3 =	vshll.u32 v3, $0x11  }
0x12: {  	v0 =	vadd.s32 $0xADD083F4, v0;
	v3 =	vor.u32 v4, v3  }
0x13: {  	v3 =	vxor.u32 v0, v3  }
0x14: {  	v4 =	vshrl.u32 v3, $0x3;
	v5 =	vshll.u32 v3, $0x1D  }
0x15: {  	v0 =	vadd.s32 v0, v3;
	v3 =	vor.u32 v4, v5  }
0x16: {  	v3 =	vxor.u32 v0, v3  }
0x17: {  	v4 =	vshrl.u32 v3, $0x10;
	v5 =	vshll.u32 v3, $0x10  }
0x18: {  	v0 =	vadd.s32 v0, v3;
	v3 =	vor.u32 v4, v5  }
0x19: {  	v3 =	vxor.u32 v0, v3  }
0x1a: {  	v4 =	vshrl.u32 v3, $0x8;
	v5 =	vshll.u32 v3, $0x18  }
0x1b: {  	v0 =	vadd.s32 v0, v3;
	v3 =	vor.u32 v4, v5  }
0x1c: {  	s10 =	sadd.s32 $0x10, s6;
	v3 =	vxor.u32 v0, v3  }
0x1d: {  	v5 =	vadd.s32 s10, v1;
	v3 =	vadd.s32 $0x3D7B32F, v3  }
0x1e: {  	v0 =	vadd.s32 v3, v0;
	v4 =	vshrl.u32 v3, $0x13;
	v3 =	vshll.u32 v3, $0xD  }
0x1f: {  	v5 =	vshll.u32 v5, $0xD;
	v0 =	vadd.s32 $0xB5D62B03, v0;
	v3 =	vor.u32 v4, v3  }
0x20: {  	v5 =	vor.u32 $0x15BA, v5;
	v3 =	vxor.u32 v0, v3  }
0x21: {  	v4 =	vadd.s32 s10, v2;
	v6 =	vshrl.u32 v3, $0x11;
	v7 =	vshll.u32 v3, $0xF  }
0x22: {  	v5 =	vxor.u32 v4, v5;
	v0 =	vadd.s32 v0, v3;
	v3 =	vor.u32 v6, v7  }
0x23: {  	v6 =	vadd.s32 v4, v5;
	v4 =	vshrl.u32 v5, $0x11;
	v3 =	vxor.u32 v0, v3  }
0x24: {  	s3 =	sshrl.u32 s0, $0x2;
	v5 =	vshll.u32 v5, $0xF;
	v7 =	vshrl.u32 v3, $0x6;
	v8 =	vshll.u32 v3, $0x1A  }
0x25: {  	s5 =	rddreg [dreg:$0x0];
	s4 =	sshll.u32 s3, $0xC;
	v4 =	vor.u32 v4, v5;
	v3 =	vadd.s32 v0, v3;
	v5 =	vor.u32 v7, v8  }
0x26: {  	s2 =	rddreg [dreg:$0x1];
	v0 =	vmov s4;
	v7 =	vxor.u32 v6, v4;
	v4 =	vxor.u32 v3, v5  }
0x27: {  	s1 =	rddreg [dreg:$0x2];
	s8 =	simm.s32 $0x0;
	s9 =	simm.s32 $0x40;
	v5 =	vshrl.u32 v7, $0x6;
	v8 =	vshrl.u32 v4, $0x1A;
	v9 =	vshll.u32 v4, $0x6  }
0x28: {  	s11 =	simm.s32 $0x80;
	[smem:$0x7FF] =	sst s8;
	s4 =	sand.u32 $0x600, s6;
	v10 =	vshll.u32 v7, $0x1A;
	v4 =	vadd.s32 v3, v4;
	v3 =	vor.u32 v8, v9  }
0x29: {  	_ =	strace $0x80000047;
	s10 =	sadd.s32 $0x10, s10;
	s7 =	sadd.s32 s5, s4;
	v6 =	vadd.s32 v6, v7;
	v7 =	vor.u32 v5, v10;
	v5 =	vxor.u32 v4, v3  }
.LBB2_1:
0x2a: {  	v3 =	vadd.s32 s10, v2;
	p0 =	sne.s32 s11, $0x1C0;
	v7 =	vxor.u32 v6, v7;
	v5 =	vadd.s32 $0xADD083F7, v5  }
0x2b: {  	v4 =	vadd.s32 v5, v4;
	v8 =	vshrl.u32 v5, $0xF;
	v5 =	vshll.u32 v5, $0x11  }
0x2c: {  	v6 =	vadd.s32 v6, v7;
	v4 =	vadd.s32 $0x3D7B32D, v4;
	v5 =	vor.u32 v8, v5  }
0x2d: {  	v8 =	vshrl.u32 v7, $0x1A;
	v7 =	vshll.u32 v7, $0x6;
	v5 =	vxor.u32 v4, v5  }
0x2e: {  	v7 =	vor.u32 v8, v7;
	v8 =	vshrl.u32 v5, $0x3;
	v9 =	vshll.u32 v5, $0x1D  }
0x2f: {  	v7 =	vxor.u32 v6, v7;
	v4 =	vadd.s32 v4, v5;
	v5 =	vor.u32 v8, v9  }
0x30: {  	v8 =	vadd.s32 s10, v1;
	v7 =	vadd.s32 $0xB5D62B04, v7;
	v5 =	vxor.u32 v4, v5  }
0x31: {  	v6 =	vadd.s32 v7, v6;
	v9 =	vshrl.u32 v5, $0x10;
	v10 =	vshll.u32 v5, $0x10  }
0x32: {  	v11 =	vshrl.u32 v7, $0xF;
	v4 =	vadd.s32 v4, v5;
	v5 =	vor.u32 v9, v10  }
0x33: {  	v7 =	vshll.u32 v7, $0x11;
	v6 =	vadd.s32 $0xADD083F4, v6;
	v5 =	vxor.u32 v4, v5  }
0x34: {  	v7 =	vor.u32 v11, v7;
	v9 =	vshrl.u32 v5, $0x8;
	v10 =	vshll.u32 v5, $0x18  }
0x35: {  	v7 =	vxor.u32 v6, v7;
	v4 =	vadd.s32 v4, v5;
	v5 =	vor.u32 v9, v10  }
0x36: {  	v9 =	vshrl.u32 v7, $0x3;
	v10 =	vshll.u32 v7, $0x1D;
	v5 =	vxor.u32 v4, v5  }
0x37: {  	v6 =	vadd.s32 v6, v7;
	v7 =	vor.u32 v9, v10;
	v5 =	vadd.s32 $0xB5D62B07, v5  }
0x38: {  	v4 =	vadd.s32 v5, v4;
	v9 =	vshrl.u32 v5, $0x13;
	v5 =	vshll.u32 v5, $0xD  }
0x39: {  	v7 =	vxor.u32 v6, v7;
	v4 =	vadd.s32 $0xADD083F4, v4;
	v5 =	vor.u32 v9, v5  }
0x3a: {  	v6 =	vadd.s32 v6, v7;
	v9 =	vshrl.u32 v7, $0x10;
	v5 =	vxor.u32 v4, v5  }
0x3b: {  	v7 =	vshll.u32 v7, $0x10;
	v10 =	vshrl.u32 v5, $0x11;
	v11 =	vshll.u32 v5, $0xF  }
0x3c: {  	v7 =	vor.u32 v9, v7;
	v4 =	vadd.s32 v4, v5;
	v5 =	vor.u32 v10, v11  }
0x3d: {  	v8 =	vshll.u32 v8, $0xD;
	v7 =	vxor.u32 v6, v7;
	v5 =	vxor.u32 v4, v5  }
0x3e: {  	v9 =	vshrl.u32 v7, $0x8;
	v10 =	vshrl.u32 v5, $0x6;
	v11 =	vshll.u32 v5, $0x1A  }
0x3f: {  	v12 =	vshll.u32 v7, $0x18;
	v4 =	vadd.s32 v4, v5;
	v5 =	vor.u32 v10, v11  }
0x40: {  	v6 =	vadd.s32 v6, v7;
	v7 =	vor.u32 v9, v12;
	v5 =	vxor.u32 v4, v5  }
0x41: {  	v7 =	vxor.u32 v6, v7;
	v9 =	vshrl.u32 v5, $0x1A;
	v10 =	vshll.u32 v5, $0x6  }
0x42: {  	v7 =	vadd.s32 $0x3D7B32F, v7;
	v4 =	vadd.s32 v4, v5;
	v5 =	vor.u32 v9, v10  }
0x43: {  	v6 =	vadd.s32 v7, v6;
	v9 =	vshrl.u32 v7, $0x13;
	v5 =	vxor.u32 v4, v5  }
0x44: {  	v7 =	vshll.u32 v7, $0xD;
	v4 =	vadd.s32 $0xB03, v4;
	v5 =	vadd.s32 $0x332, v5  }
0x45: {  	v6 =	vadd.s32 $0xB5D62B03, v6;
	v7 =	vor.u32 v9, v7;
	v4 =	vxor.u32 v4, v5  }
0x46: {  	v7 =	vxor.u32 v6, v7;
	v5 =	vor.u32 $0x15BA, v8;
	v4 =	vand.u32 $0xFFF, v4  }
0x47: {  	s12 =	sshra.s32 s8, $0x2;
	s8 =	smov.u32 s9;
	s9 =	smov.u32 s11;
	v8 =	vshrl.u32 v7, $0x11;
	v9 =	vshll.u32 v7, $0xF;
	v4 =	vor.u32 v0, v4  }
0x48: {  	v6 =	vadd.s32 v6, v7;
	v5 =	vxor.u32 v3, v5;
	v7 =	vor.u32 v8, v9;
	[tilespmem:s12+$0x0] =	vst v4  }
0x49: {  	v3 =	vadd.s32 v3, v5;
	v7 =	vxor.u32 v6, v7;
	v4 =	vshrl.u32 v5, $0x11  }
0x4a: {  	v5 =	vshll.u32 v5, $0xF;
	v8 =	vshrl.u32 v7, $0x6;
	v9 =	vshll.u32 v7, $0x1A  }
.Ltmp0:
0x4b: {  	v4 =	vor.u32 v4, v5;
	v5 =	vadd.s32 v6, v7;
	v6 =	vor.u32 v8, v9;
	(pc) =	sbr.rel @p0 .LBB2_1-.Ltmp0, $4  }
0x4c: {  	v7 =	vxor.u32 v3, v4;
	v4 =	vxor.u32 v5, v6  }
0x4d: {  	v8 =	vshrl.u32 v7, $0x6;
	v6 =	vshrl.u32 v4, $0x1A;
	v9 =	vshll.u32 v4, $0x6  }
0x4e: {  	v10 =	vshll.u32 v7, $0x1A;
	v4 =	vadd.s32 v5, v4;
	v5 =	vor.u32 v6, v9  }
0x4f: {  	s11 =	sadd.s32 $0x40, s11;
	s10 =	sadd.s32 $0x10, s10;
	v6 =	vadd.s32 v3, v7;
	v7 =	vor.u32 v8, v10;
	v5 =	vxor.u32 v4, v5  }
0x50: {  	v1 =	vxor.u32 v6, v7  }
0x51: {  	v2 =	vshrl.u32 v1, $0x1A;
	v3 =	vshll.u32 v1, $0x6  }
0x52: {  	v1 =	vadd.s32 v6, v1;
	v2 =	vor.u32 v2, v3  }
0x53: {  	v2 =	vxor.u32 v1, v2  }
0x54: {  	v2 =	vadd.s32 $0xB5D62B04, v2  }
0x55: {  	v1 =	vadd.s32 v2, v1;
	v3 =	vshrl.u32 v2, $0xF;
	v2 =	vshll.u32 v2, $0x11  }
0x56: {  	v1 =	vadd.s32 $0xADD083F4, v1;
	v2 =	vor.u32 v3, v2  }
0x57: {  	v2 =	vxor.u32 v1, v2  }
0x58: {  	v3 =	vshrl.u32 v2, $0x3;
	v6 =	vshll.u32 v2, $0x1D  }
0x59: {  	v1 =	vadd.s32 v1, v2;
	v2 =	vor.u32 v3, v6  }
0x5a: {  	v2 =	vxor.u32 v1, v2  }
0x5b: {  	v3 =	vshrl.u32 v2, $0x10;
	v6 =	vshll.u32 v2, $0x10  }
0x5c: {  	v1 =	vadd.s32 v1, v2;
	v2 =	vor.u32 v3, v6  }
0x5d: {  	v2 =	vxor.u32 v1, v2  }
0x5e: {  	v3 =	vshrl.u32 v2, $0x8;
	v6 =	vshll.u32 v2, $0x18  }
0x5f: {  	v1 =	vadd.s32 v1, v2;
	v2 =	vor.u32 v3, v6  }
0x60: {  	v3 =	vadd.s32 $0xADD083F7, v5;
	v2 =	vxor.u32 v1, v2  }
0x61: {  	v4 =	vadd.s32 v3, v4;
	v2 =	vadd.s32 $0x3D7B32F, v2  }
0x62: {  	v1 =	vadd.s32 v2, v1;
	v5 =	vshrl.u32 v2, $0x13;
	v2 =	vshll.u32 v2, $0xD  }
0x63: {  	v6 =	vshrl.u32 v3, $0xF;
	v1 =	vadd.s32 $0xB5D62B03, v1;
	v2 =	vor.u32 v5, v2  }
0x64: {  	v3 =	vshll.u32 v3, $0x11;
	v4 =	vadd.s32 $0x3D7B32D, v4;
	v2 =	vxor.u32 v1, v2  }
0x65: {  	v3 =	vor.u32 v6, v3;
	v5 =	vshrl.u32 v2, $0x11;
	v6 =	vshll.u32 v2, $0xF  }
0x66: {  	v3 =	vxor.u32 v4, v3;
	v1 =	vadd.s32 v1, v2;
	v2 =	vor.u32 v5, v6  }
0x67: {  	v5 =	vshrl.u32 v3, $0x3;
	v6 =	vshll.u32 v3, $0x1D;
	v2 =	vxor.u32 v1, v2  }
0x68: {  	v3 =	vadd.s32 v4, v3;
	v4 =	vshrl.u32 v2, $0x6;
	v7 =	vshll.u32 v2, $0x1A  }
0x69: {  	v5 =	vor.u32 v5, v6;
	v1 =	vadd.s32 v1, v2;
	v2 =	vor.u32 v4, v7  }
0x6a: {  	v4 =	vxor.u32 v3, v5;
	v2 =	vxor.u32 v1, v2  }
0x6b: {  	v5 =	vshrl.u32 v4, $0x10;
	v6 =	vshrl.u32 v2, $0x1A;
	v7 =	vshll.u32 v2, $0x6  }
0x6c: {  	v8 =	vshll.u32 v4, $0x10;
	v1 =	vadd.s32 v1, v2;
	v2 =	vor.u32 v6, v7  }
0x6d: {  	v3 =	vadd.s32 v3, v4;
	v4 =	vor.u32 v5, v8;
	v2 =	vxor.u32 v1, v2  }
0x6e: {  	v4 =	vxor.u32 v3, v4;
	v2 =	vadd.s32 $0xADD083F7, v2  }
0x6f: {  	v1 =	vadd.s32 v2, v1;
	v5 =	vshrl.u32 v2, $0xF;
	v2 =	vshll.u32 v2, $0x11  }
0x70: {  	v6 =	vshrl.u32 v4, $0x8;
	v1 =	vadd.s32 $0x3D7B32D, v1;
	v2 =	vor.u32 v5, v2  }
0x71: {  	v3 =	vadd.s32 v3, v4;
	v5 =	vshll.u32 v4, $0x18;
	v2 =	vxor.u32 v1, v2  }
0x72: {  	v4 =	vor.u32 v6, v5;
	v5 =	vshrl.u32 v2, $0x3;
	v6 =	vshll.u32 v2, $0x1D  }
0x73: {  	v4 =	vxor.u32 v3, v4;
	v1 =	vadd.s32 v1, v2;
	v2 =	vor.u32 v5, v6  }
0x74: {  	v4 =	vadd.s32 $0xB5D62B07, v4;
	v2 =	vxor.u32 v1, v2  }
0x75: {  	v3 =	vadd.s32 v4, v3;
	v5 =	vshrl.u32 v2, $0x10;
	v6 =	vshll.u32 v2, $0x10  }
0x76: {  	v7 =	vshrl.u32 v4, $0x13;
	v1 =	vadd.s32 v1, v2;
	v2 =	vor.u32 v5, v6  }
0x77: {  	v4 =	vshll.u32 v4, $0xD;
	v3 =	vadd.s32 $0xADD083F4, v3;
	v2 =	vxor.u32 v1, v2  }
0x78: {  	v4 =	vor.u32 v7, v4;
	v5 =	vshrl.u32 v2, $0x8;
	v6 =	vshll.u32 v2, $0x18  }
0x79: {  	v4 =	vxor.u32 v3, v4;
	v1 =	vadd.s32 v1, v2;
	v2 =	vor.u32 v5, v6  }
0x7a: {  	v3 =	vadd.s32 v3, v4;
	v2 =	vxor.u32 v1, v2  }
0x7b: {  	v5 =	vshrl.u32 v4, $0x11;
	v6 =	vshll.u32 v4, $0xF;
	v2 =	vadd.s32 $0xB5D62B07, v2  }
0x7c: {  	v1 =	vadd.s32 v2, v1;
	v4 =	vshrl.u32 v2, $0x13;
	v2 =	vshll.u32 v2, $0xD  }
0x7d: {  	v5 =	vor.u32 v5, v6;
	v1 =	vadd.s32 $0xADD083F4, v1;
	v2 =	vor.u32 v4, v2  }
0x7e: {  	v4 =	vxor.u32 v3, v5;
	v2 =	vxor.u32 v1, v2  }
0x7f: {  	v5 =	vshrl.u32 v4, $0x6;
	v6 =	vshrl.u32 v2, $0x11;
	v7 =	vshll.u32 v2, $0xF  }
0x80: {  	v39 =	vshll.u32 v4, $0x1A;
	v1 =	vadd.s32 v1, v2;
	v2 =	vor.u32 v6, v7  }
0x81: {  	v3 =	vadd.s32 v3, v4;
	v4 =	vor.u32 v5, v39;
	v2 =	vxor.u32 v1, v2  }
0x82: {  	v4 =	vxor.u32 v3, v4;
	v5 =	vshrl.u32 v2, $0x6;
	v6 =	vshll.u32 v2, $0x1A  }
0x83: {  	v7 =	vshrl.u32 v4, $0x1A;
	v1 =	vadd.s32 v1, v2;
	v2 =	vor.u32 v5, v6  }
0x84: {  	v3 =	vadd.s32 v3, v4;
	v5 =	vshll.u32 v4, $0x6;
	v2 =	vxor.u32 v1, v2  }
0x85: {  	v4 =	vor.u32 v7, v5;
	v5 =	vshrl.u32 v2, $0x1A;
	v6 =	vshll.u32 v2, $0x6  }
0x86: {  	v4 =	vxor.u32 v3, v4;
	v1 =	vadd.s32 v1, v2;
	v2 =	vor.u32 v5, v6  }
0x87: {  	v3 =	vadd.s32 $0xB03, v3;
	v4 =	vadd.s32 $0x332, v4;
	v2 =	vxor.u32 v1, v2  }
0x88: {  	v3 =	vxor.u32 v3, v4;
	v1 =	vadd.s32 $0xB03, v1;
	v2 =	vadd.s32 $0x332, v2  }
0x89: {  	v3 =	vand.u32 $0xFFF, v3;
	v1 =	vxor.u32 v1, v2  }
0x8a: {  	s8 =	sshra.s32 s8, $0x2;
	v2 =	vor.u32 v0, v3;
	v1 =	vand.u32 $0xFFF, v1  }
0x8b: {  	s29 =	sshra.s32 s9, $0x2;
	[tilespmem:s8+$0x0] =	vst v2;
	v1 =	vor.u32 v0, v1  }
0x8c: {  	[tilespmem:s29+$0x0] =	vst v1  }
0x8d: {  	v1 =	vld [tilespmem:$0x0];
	_ =	sdelay $0x4  }
0x8e: {  	v2 =	vshll.u32 v1, $0x4  }
0x8f: {  	v1 =	vand.u32 $0x7, v1;
	v2 =	vand.u32 $0xFFFFFF80, v2  }
0x90: {  	v17 =	vimm.s32 $0x0;
	v14 =	vlaneseq.u32;
	v19 =	vor.u32 v1, v2  }
0x91: {  	v1 =	vmul.u32 $0x8, v14;
	v2 =	vperm.xlane v19, v17  }
0x92: {  	v18 =	vimm.s32 $0x1  }
0x93: {  	v3 =	vperm.xlane v19, v18;
	v2 =	vadd.s32 v1, v2  }
0x94: {  	v15 =	vimm.s32 $0x2  }
0x95: {  	v4 =	vperm.xlane v19, v15;
	v3 =	vadd.s32 v1, v3  }
0x96: {  	v16 =	vimm.s32 $0x3  }
0x97: {  	vm0 =	vmmov $0x1;
	s30 =	simm.s32 $0x200;
	s8 =	simm.s32 $0x0;
	v5 =	vperm.xlane v19, v16;
	v4 =	vadd.s32 v1, v4  }
0x98: {  	v12 =	vimm.s32 $0x4;
	[tilespmem:s30], [sflag:$0x1] =	stream.indirect_vreg.gather [hbm4b:s7+s8], $0x80, v2, vm0, $0xb8;
	[tilespmem:$0x10400] =	vst v63  }
0x99: {  	s31 =	simm.s32 $0x280;
	v2 =	vadd.s32 v1, v5;
	v5 =	vperm.xlane v19, v12  }
0x9a: {  	v10 =	vimm.s32 $0x5;
	[tilespmem:s31], [sflag:$0x1] =	stream.indirect_vreg.gather [hbm4b:s7+s8], $0x80, v3, vm0, $0xb8;
	[tilespmem:$0x10400] =	vst v63  }
0x9b: {  	s10 =	simm.s32 $0x300;
	v3 =	vadd.s32 v1, v5;
	v5 =	vperm.xlane v19, v10  }
0x9c: {  	v13 =	vimm.s32 $0x6;
	[tilespmem:s10], [sflag:$0x1] =	stream.indirect_vreg.gather [hbm4b:s7+s8], $0x80, v4, vm0, $0xb8;
	[tilespmem:$0x10400] =	vst v63  }
0x9d: {  	s11 =	simm.s32 $0x380;
	v4 =	vadd.s32 v1, v5;
	v5 =	vperm.xlane v19, v13  }
0x9e: {  	v8 =	vimm.s32 $0x7;
	[tilespmem:s11], [sflag:$0x1] =	stream.indirect_vreg.gather [hbm4b:s7+s8], $0x80, v2, vm0, $0xb8;
	[tilespmem:$0x10400] =	vst v63  }
0x9f: {  	s12 =	simm.s32 $0x400;
	v2 =	vadd.s32 v1, v5;
	v5 =	vperm.xlane v19, v8  }
0xa0: {  	v11 =	vimm.s32 $0x8;
	[tilespmem:s12], [sflag:$0x1] =	stream.indirect_vreg.gather [hbm4b:s7+s8], $0x80, v3, vm0, $0xb8;
	[tilespmem:$0x10400] =	vst v63  }
0xa1: {  	s13 =	simm.s32 $0x480;
	v3 =	vadd.s32 v1, v5;
	v5 =	vperm.xlane v19, v11  }
0xa2: {  	v6 =	vimm.s32 $0x9;
	[tilespmem:s13], [sflag:$0x1] =	stream.indirect_vreg.gather [hbm4b:s7+s8], $0x80, v4, vm0, $0xb8;
	[tilespmem:$0x10400] =	vst v63  }
0xa3: {  	s14 =	simm.s32 $0x500;
	v4 =	vadd.s32 v1, v5;
	v5 =	vperm.xlane v19, v6  }
0xa4: {  	v9 =	vimm.s32 $0xA;
	[tilespmem:s14], [sflag:$0x1] =	stream.indirect_vreg.gather [hbm4b:s7+s8], $0x80, v2, vm0, $0xb8;
	[tilespmem:$0x10400] =	vst v63  }
0xa5: {  	s15 =	simm.s32 $0x580;
	v2 =	vadd.s32 v1, v5;
	v5 =	vperm.xlane v19, v9  }
0xa6: {  	[tilespmem:s15], [sflag:$0x1] =	stream.indirect_vreg.gather [hbm4b:s7+s8], $0x80, v3, vm0, $0xb8;
	v3 =	vimm.s32 $0xB;
	[tilespmem:$0x10400] =	vst v63  }
0xa7: {  	s16 =	simm.s32 $0x600;
	v5 =	vadd.s32 v1, v5;
	v20 =	vperm.xlane v19, v3  }
0xa8: {  	v7 =	vimm.s32 $0xC;
	[tilespmem:s16], [sflag:$0x1] =	stream.indirect_vreg.gather [hbm4b:s7+s8], $0x80, v4, vm0, $0xb8;
	[tilespmem:$0x10400] =	vst v63  }
0xa9: {  	s17 =	simm.s32 $0x680;
	v4 =	vperm.xlane v19, v7;
	v20 =	vadd.s32 v1, v20  }
0xaa: {  	[tilespmem:s17], [sflag:$0x1] =	stream.indirect_vreg.gather [hbm4b:s7+s8], $0x80, v2, vm0, $0xb8;
	v2 =	vimm.s32 $0xD;
	[tilespmem:$0x10400] =	vst v63  }
0xab: {  	s18 =	simm.s32 $0x700;
	v21 =	vadd.s32 v1, v4;
	v22 =	vperm.xlane v19, v2  }
0xac: {  	v4 =	vimm.s32 $0xE;
	[tilespmem:s18], [sflag:$0x1] =	stream.indirect_vreg.gather [hbm4b:s7+s8], $0x80, v5, vm0, $0xb8;
	[tilespmem:$0x10400] =	vst v63  }
0xad: {  	s19 =	simm.s32 $0x780;
	v23 =	vperm.xlane v19, v4;
	v22 =	vadd.s32 v1, v22  }
0xae: {  	v5 =	vimm.s32 $0xF;
	[tilespmem:s19], [sflag:$0x1] =	stream.indirect_vreg.gather [hbm4b:s7+s8], $0x80, v20, vm0, $0xb8;
	[tilespmem:$0x10400] =	vst v63  }
0xaf: {  	s20 =	simm.s32 $0x800;
	v40 =	vadd.s32 v1, v23;
	v19 =	vperm.xlane v19, v5  }
0xb0: {  	[tilespmem:s20], [sflag:$0x1] =	stream.indirect_vreg.gather [hbm4b:s7+s8], $0x80, v21, vm0, $0xb8;
	[tilespmem:$0x10400] =	vst v63  }
0xb1: {  	s21 =	simm.s32 $0x880;
	v19 =	vadd.s32 v1, v19  }
0xb2: {  	[tilespmem:s21], [sflag:$0x1] =	stream.indirect_vreg.gather [hbm4b:s7+s8], $0x80, v22, vm0, $0xb8;
	[tilespmem:$0x10400] =	vst v63  }
0xb3: {  	s22 =	simm.s32 $0x900  }
0xb4: {  	[tilespmem:s22], [sflag:$0x1] =	stream.indirect_vreg.gather [hbm4b:s7+s8], $0x80, v40, vm0, $0xb8;
	[tilespmem:$0x10400] =	vst v63  }
0xb5: {  	s23 =	simm.s32 $0x980  }
0xb6: {  	[tilespmem:s23], [sflag:$0x1] =	stream.indirect_vreg.gather [hbm4b:s7+s8], $0x80, v19, vm0, $0xb8;
	[tilespmem:$0x10400] =	vst v63  }
0xb7: {  	v19 =	vld [tilespmem:$0x10];
	_ =	sdelay $0x4  }
0xb8: {  	v41 =	vshll.u32 v19, $0x4  }
0xb9: {  	v19 =	vand.u32 $0x7, v19;
	v20 =	vand.u32 $0xFFFFFF80, v41  }
0xba: {  	v19 =	vor.u32 v19, v20  }
0xbb: {  	v20 =	vperm.xlane v19, v17;
	_ =	sdelay $0x1  }
0xbc: {  	v42 =	vperm.xlane v19, v18;
	v20 =	vadd.s32 v1, v20;
	_ =	sdelay $0x1  }
0xbd: {  	v43 =	vperm.xlane v19, v15;
	v21 =	vadd.s32 v1, v42;
	_ =	sdelay $0x1  }
0xbe: {  	s24 =	simm.s32 $0xA00;
	v44 =	vperm.xlane v19, v16;
	v22 =	vadd.s32 v1, v43  }
0xbf: {  	[tilespmem:s24], [sflag:$0x1] =	stream.indirect_vreg.gather [hbm4b:s7+s8], $0x80, v20, vm0, $0xb8;
	[tilespmem:$0x10400] =	vst v63  }
0xc0: {  	s25 =	simm.s32 $0xA80;
	v46 =	vperm.xlane v19, v12;
	v45 =	vadd.s32 v1, v44  }
0xc1: {  	[tilespmem:s25], [sflag:$0x1] =	stream.indirect_vreg.gather [hbm4b:s7+s8], $0x80, v21, vm0, $0xb8;
	[tilespmem:$0x10400] =	vst v63  }
0xc2: {  	s26 =	simm.s32 $0xB00;
	v48 =	vperm.xlane v19, v10;
	v47 =	vadd.s32 v1, v46  }
0xc3: {  	[tilespmem:s26], [sflag:$0x1] =	stream.indirect_vreg.gather [hbm4b:s7+s8], $0x80, v22, vm0, $0xb8;
	[tilespmem:$0x10400] =	vst v63  }
0xc4: {  	s28 =	simm.s32 $0xB80;
	v50 =	vperm.xlane v19, v13;
	v49 =	vadd.s32 v1, v48  }
0xc5: {  	[tilespmem:s28], [sflag:$0x1] =	stream.indirect_vreg.gather [hbm4b:s7+s8], $0x80, v45, vm0, $0xb8;
	[tilespmem:$0x10400] =	vst v63  }
0xc6: {  	s29 =	simm.s32 $0xC00;
	v52 =	vperm.xlane v19, v8;
	v51 =	vadd.s32 v1, v50  }
0xc7: {  	[tilespmem:s29], [sflag:$0x1] =	stream.indirect_vreg.gather [hbm4b:s7+s8], $0x80, v47, vm0, $0xb8;
	[tilespmem:$0x10400] =	vst v63  }
0xc8: {  	s30 =	simm.s32 $0xC80;
	v54 =	vperm.xlane v19, v11;
	v53 =	vadd.s32 v1, v52  }
0xc9: {  	[tilespmem:s30], [sflag:$0x1] =	stream.indirect_vreg.gather [hbm4b:s7+s8], $0x80, v49, vm0, $0xb8;
	[tilespmem:$0x10400] =	vst v63  }
0xca: {  	s31 =	simm.s32 $0xD00;
	v56 =	vperm.xlane v19, v6;
	v55 =	vadd.s32 v1, v54  }
0xcb: {  	[tilespmem:s31], [sflag:$0x1] =	stream.indirect_vreg.gather [hbm4b:s7+s8], $0x80, v51, vm0, $0xb8;
	[tilespmem:$0x10400] =	vst v63  }
0xcc: {  	s10 =	simm.s32 $0xD80;
	v58 =	vperm.xlane v19, v9;
	v57 =	vadd.s32 v1, v56  }
0xcd: {  	[tilespmem:s10], [sflag:$0x1] =	stream.indirect_vreg.gather [hbm4b:s7+s8], $0x80, v53, vm0, $0xb8;
	[tilespmem:$0x10400] =	vst v63  }
0xce: {  	s11 =	simm.s32 $0xE00;
	v60 =	vperm.xlane v19, v3;
	v59 =	vadd.s32 v1, v58  }
0xcf: {  	[tilespmem:s11], [sflag:$0x1] =	stream.indirect_vreg.gather [hbm4b:s7+s8], $0x80, v55, vm0, $0xb8;
	[tilespmem:$0x10400] =	vst v63  }
0xd0: {  	s12 =	simm.s32 $0xE80;
	v62 =	vperm.xlane v19, v7;
	v61 =	vadd.s32 v1, v60  }
0xd1: {  	[tilespmem:s12], [sflag:$0x1] =	stream.indirect_vreg.gather [hbm4b:s7+s8], $0x80, v57, vm0, $0xb8;
	[tilespmem:$0x10400] =	vst v63  }
0xd2: {  	s13 =	simm.s32 $0xF00;
	v24 =	vperm.xlane v19, v2;
	v63 =	vadd.s32 v1, v62  }
0xd3: {  	[tilespmem:s13], [sflag:$0x1] =	stream.indirect_vreg.gather [hbm4b:s7+s8], $0x80, v59, vm0, $0xb8;
	[tilespmem:$0x10400] =	vst v63  }
0xd4: {  	s14 =	simm.s32 $0xF80;
	v26 =	vperm.xlane v19, v4;
	v25 =	vadd.s32 v1, v24  }
0xd5: {  	[tilespmem:s14], [sflag:$0x1] =	stream.indirect_vreg.gather [hbm4b:s7+s8], $0x80, v61, vm0, $0xb8;
	[tilespmem:$0x10400] =	vst v63  }
0xd6: {  	s15 =	simm.s32 $0x1000;
	v19 =	vperm.xlane v19, v5;
	v27 =	vadd.s32 v1, v26  }
0xd7: {  	[tilespmem:s15], [sflag:$0x1] =	stream.indirect_vreg.gather [hbm4b:s7+s8], $0x80, v63, vm0, $0xb8;
	[tilespmem:$0x10400] =	vst v63  }
0xd8: {  	s16 =	simm.s32 $0x1080;
	v19 =	vadd.s32 v1, v19  }
0xd9: {  	[tilespmem:s16], [sflag:$0x1] =	stream.indirect_vreg.gather [hbm4b:s7+s8], $0x80, v25, vm0, $0xb8;
	[tilespmem:$0x10400] =	vst v63  }
0xda: {  	s17 =	simm.s32 $0x1100  }
0xdb: {  	[tilespmem:s17], [sflag:$0x1] =	stream.indirect_vreg.gather [hbm4b:s7+s8], $0x80, v27, vm0, $0xb8;
	[tilespmem:$0x10400] =	vst v63  }
0xdc: {  	s18 =	simm.s32 $0x1180  }
0xdd: {  	[tilespmem:s18], [sflag:$0x1] =	stream.indirect_vreg.gather [hbm4b:s7+s8], $0x80, v19, vm0, $0xb8;
	[tilespmem:$0x10400] =	vst v63  }
0xde: {  	v19 =	vld [tilespmem:$0x20];
	_ =	sdelay $0x4  }
0xdf: {  	v28 =	vshll.u32 v19, $0x4  }
0xe0: {  	v19 =	vand.u32 $0x7, v19;
	v20 =	vand.u32 $0xFFFFFF80, v28  }
0xe1: {  	v19 =	vor.u32 v19, v20  }
0xe2: {  	v20 =	vperm.xlane v19, v17;
	_ =	sdelay $0x1  }
0xe3: {  	v29 =	vperm.xlane v19, v18;
	v20 =	vadd.s32 v1, v20;
	_ =	sdelay $0x1  }
0xe4: {  	v30 =	vperm.xlane v19, v15;
	v21 =	vadd.s32 v1, v29;
	_ =	sdelay $0x1  }
0xe5: {  	s19 =	simm.s32 $0x1200;
	v31 =	vperm.xlane v19, v16;
	v22 =	vadd.s32 v1, v30  }
0xe6: {  	[tilespmem:s19], [sflag:$0x1] =	stream.indirect_vreg.gather [hbm4b:s7+s8], $0x80, v20, vm0, $0xb8;
	[tilespmem:$0x10400] =	vst v63  }
0xe7: {  	s20 =	simm.s32 $0x1280;
	v33 =	vperm.xlane v19, v12;
	v32 =	vadd.s32 v1, v31  }
0xe8: {  	[tilespmem:s20], [sflag:$0x1] =	stream.indirect_vreg.gather [hbm4b:s7+s8], $0x80, v21, vm0, $0xb8;
	[tilespmem:$0x10400] =	vst v63  }
0xe9: {  	s21 =	simm.s32 $0x1300;
	v35 =	vperm.xlane v19, v10;
	v34 =	vadd.s32 v1, v33  }
0xea: {  	[tilespmem:s21], [sflag:$0x1] =	stream.indirect_vreg.gather [hbm4b:s7+s8], $0x80, v22, vm0, $0xb8;
	[tilespmem:$0x10400] =	vst v63  }
0xeb: {  	s22 =	simm.s32 $0x1380;
	v37 =	vperm.xlane v19, v13;
	v36 =	vadd.s32 v1, v35  }
0xec: {  	[tilespmem:s22], [sflag:$0x1] =	stream.indirect_vreg.gather [hbm4b:s7+s8], $0x80, v32, vm0, $0xb8;
	[tilespmem:$0x10400] =	vst v63  }
0xed: {  	s23 =	simm.s32 $0x1400;
	v39 =	vperm.xlane v19, v8;
	v38 =	vadd.s32 v1, v37  }
0xee: {  	[tilespmem:s23], [sflag:$0x1] =	stream.indirect_vreg.gather [hbm4b:s7+s8], $0x80, v34, vm0, $0xb8;
	[tilespmem:$0x10400] =	vst v63  }
0xef: {  	s24 =	simm.s32 $0x1480;
	v41 =	vperm.xlane v19, v11;
	v40 =	vadd.s32 v1, v39  }
0xf0: {  	[tilespmem:s24], [sflag:$0x1] =	stream.indirect_vreg.gather [hbm4b:s7+s8], $0x80, v36, vm0, $0xb8;
	[tilespmem:$0x10400] =	vst v63  }
0xf1: {  	s25 =	simm.s32 $0x1500;
	v43 =	vperm.xlane v19, v6;
	v42 =	vadd.s32 v1, v41  }
0xf2: {  	[tilespmem:s25], [sflag:$0x1] =	stream.indirect_vreg.gather [hbm4b:s7+s8], $0x80, v38, vm0, $0xb8;
	[tilespmem:$0x10400] =	vst v63  }
0xf3: {  	s26 =	simm.s32 $0x1580;
	v45 =	vperm.xlane v19, v9;
	v44 =	vadd.s32 v1, v43  }
0xf4: {  	[tilespmem:s26], [sflag:$0x1] =	stream.indirect_vreg.gather [hbm4b:s7+s8], $0x80, v40, vm0, $0xb8;
	[tilespmem:$0x10400] =	vst v63  }
0xf5: {  	s28 =	simm.s32 $0x1600;
	v47 =	vperm.xlane v19, v3;
	v46 =	vadd.s32 v1, v45  }
0xf6: {  	[tilespmem:s28], [sflag:$0x1] =	stream.indirect_vreg.gather [hbm4b:s7+s8], $0x80, v42, vm0, $0xb8;
	[tilespmem:$0x10400] =	vst v63  }
0xf7: {  	s29 =	simm.s32 $0x1680;
	v49 =	vperm.xlane v19, v7;
	v48 =	vadd.s32 v1, v47  }
0xf8: {  	[tilespmem:s29], [sflag:$0x1] =	stream.indirect_vreg.gather [hbm4b:s7+s8], $0x80, v44, vm0, $0xb8;
	[tilespmem:$0x10400] =	vst v63  }
0xf9: {  	s30 =	simm.s32 $0x1700;
	v51 =	vperm.xlane v19, v2;
	v50 =	vadd.s32 v1, v49  }
0xfa: {  	[tilespmem:s30], [sflag:$0x1] =	stream.indirect_vreg.gather [hbm4b:s7+s8], $0x80, v46, vm0, $0xb8;
	[tilespmem:$0x10400] =	vst v63  }
0xfb: {  	s31 =	simm.s32 $0x1780;
	v53 =	vperm.xlane v19, v4;
	v52 =	vadd.s32 v1, v51  }
0xfc: {  	[tilespmem:s31], [sflag:$0x1] =	stream.indirect_vreg.gather [hbm4b:s7+s8], $0x80, v48, vm0, $0xb8;
	[tilespmem:$0x10400] =	vst v63  }
0xfd: {  	s10 =	simm.s32 $0x1800;
	v19 =	vperm.xlane v19, v5;
	v54 =	vadd.s32 v1, v53  }
0xfe: {  	[tilespmem:s10], [sflag:$0x1] =	stream.indirect_vreg.gather [hbm4b:s7+s8], $0x80, v50, vm0, $0xb8;
	[tilespmem:$0x10400] =	vst v63  }
0xff: {  	s11 =	simm.s32 $0x1880;
	v19 =	vadd.s32 v1, v19  }
0x100: {  	[tilespmem:s11], [sflag:$0x1] =	stream.indirect_vreg.gather [hbm4b:s7+s8], $0x80, v52, vm0, $0xb8;
	[tilespmem:$0x10400] =	vst v63  }
0x101: {  	s12 =	simm.s32 $0x1900  }
0x102: {  	[tilespmem:s12], [sflag:$0x1] =	stream.indirect_vreg.gather [hbm4b:s7+s8], $0x80, v54, vm0, $0xb8;
	[tilespmem:$0x10400] =	vst v63  }
0x103: {  	s13 =	simm.s32 $0x1980  }
0x104: {  	[tilespmem:s13], [sflag:$0x1] =	stream.indirect_vreg.gather [hbm4b:s7+s8], $0x80, v19, vm0, $0xb8;
	[tilespmem:$0x10400] =	vst v63  }
0x105: {  	v19 =	vld [tilespmem:$0x30];
	_ =	sdelay $0x4  }
0x106: {  	v55 =	vshll.u32 v19, $0x4  }
0x107: {  	v19 =	vand.u32 $0x7, v19;
	v20 =	vand.u32 $0xFFFFFF80, v55  }
0x108: {  	v19 =	vor.u32 v19, v20  }
0x109: {  	v20 =	vperm.xlane v19, v17;
	_ =	sdelay $0x1  }
0x10a: {  	v56 =	vperm.xlane v19, v18;
	v20 =	vadd.s32 v1, v20;
	_ =	sdelay $0x1  }
0x10b: {  	v57 =	vperm.xlane v19, v15;
	v21 =	vadd.s32 v1, v56;
	_ =	sdelay $0x1  }
0x10c: {  	s14 =	simm.s32 $0x1A00;
	v58 =	vperm.xlane v19, v16;
	v22 =	vadd.s32 v1, v57  }
0x10d: {  	[tilespmem:s14], [sflag:$0x1] =	stream.indirect_vreg.gather [hbm4b:s7+s8], $0x80, v20, vm0, $0xb8;
	[tilespmem:$0x10400] =	vst v63  }
0x10e: {  	s15 =	simm.s32 $0x1A80;
	v60 =	vperm.xlane v19, v12;
	v59 =	vadd.s32 v1, v58  }
0x10f: {  	[tilespmem:s15], [sflag:$0x1] =	stream.indirect_vreg.gather [hbm4b:s7+s8], $0x80, v21, vm0, $0xb8;
	[tilespmem:$0x10400] =	vst v63  }
0x110: {  	s16 =	simm.s32 $0x1B00;
	v62 =	vperm.xlane v19, v10;
	v61 =	vadd.s32 v1, v60  }
0x111: {  	[tilespmem:s16], [sflag:$0x1] =	stream.indirect_vreg.gather [hbm4b:s7+s8], $0x80, v22, vm0, $0xb8;
	[tilespmem:$0x10400] =	vst v63  }
0x112: {  	s17 =	simm.s32 $0x1B80;
	v24 =	vperm.xlane v19, v13;
	v63 =	vadd.s32 v1, v62  }
0x113: {  	[tilespmem:s17], [sflag:$0x1] =	stream.indirect_vreg.gather [hbm4b:s7+s8], $0x80, v59, vm0, $0xb8;
	[tilespmem:$0x10400] =	vst v63  }
0x114: {  	s18 =	simm.s32 $0x1C00;
	v26 =	vperm.xlane v19, v8;
	v25 =	vadd.s32 v1, v24  }
0x115: {  	[tilespmem:s18], [sflag:$0x1] =	stream.indirect_vreg.gather [hbm4b:s7+s8], $0x80, v61, vm0, $0xb8;
	[tilespmem:$0x10400] =	vst v63  }
0x116: {  	s19 =	simm.s32 $0x1C80;
	v28 =	vperm.xlane v19, v11;
	v27 =	vadd.s32 v1, v26  }
0x117: {  	[tilespmem:s19], [sflag:$0x1] =	stream.indirect_vreg.gather [hbm4b:s7+s8], $0x80, v63, vm0, $0xb8;
	[tilespmem:$0x10400] =	vst v63  }
0x118: {  	s20 =	simm.s32 $0x1D00;
	v30 =	vperm.xlane v19, v6;
	v29 =	vadd.s32 v1, v28  }
0x119: {  	[tilespmem:s20], [sflag:$0x1] =	stream.indirect_vreg.gather [hbm4b:s7+s8], $0x80, v25, vm0, $0xb8;
	[tilespmem:$0x10400] =	vst v63  }
0x11a: {  	s21 =	simm.s32 $0x1D80;
	v32 =	vperm.xlane v19, v9;
	v31 =	vadd.s32 v1, v30  }
0x11b: {  	[tilespmem:s21], [sflag:$0x1] =	stream.indirect_vreg.gather [hbm4b:s7+s8], $0x80, v27, vm0, $0xb8;
	[tilespmem:$0x10400] =	vst v63  }
0x11c: {  	s22 =	simm.s32 $0x1E00;
	v34 =	vperm.xlane v19, v3;
	v33 =	vadd.s32 v1, v32  }
0x11d: {  	[tilespmem:s22], [sflag:$0x1] =	stream.indirect_vreg.gather [hbm4b:s7+s8], $0x80, v29, vm0, $0xb8;
	[tilespmem:$0x10400] =	vst v63  }
0x11e: {  	s23 =	simm.s32 $0x1E80;
	v36 =	vperm.xlane v19, v7;
	v35 =	vadd.s32 v1, v34  }
0x11f: {  	[tilespmem:s23], [sflag:$0x1] =	stream.indirect_vreg.gather [hbm4b:s7+s8], $0x80, v31, vm0, $0xb8;
	[tilespmem:$0x10400] =	vst v63  }
0x120: {  	s24 =	simm.s32 $0x1F00;
	v38 =	vperm.xlane v19, v2;
	v37 =	vadd.s32 v1, v36  }
0x121: {  	[tilespmem:s24], [sflag:$0x1] =	stream.indirect_vreg.gather [hbm4b:s7+s8], $0x80, v33, vm0, $0xb8;
	[tilespmem:$0x10400] =	vst v63  }
0x122: {  	s25 =	simm.s32 $0x1F80;
	v40 =	vperm.xlane v19, v4;
	v39 =	vadd.s32 v1, v38  }
0x123: {  	[tilespmem:s25], [sflag:$0x1] =	stream.indirect_vreg.gather [hbm4b:s7+s8], $0x80, v35, vm0, $0xb8;
	[tilespmem:$0x10400] =	vst v63  }
0x124: {  	s26 =	simm.s32 $0x2000;
	v19 =	vperm.xlane v19, v5;
	v41 =	vadd.s32 v1, v40  }
0x125: {  	[tilespmem:s26], [sflag:$0x1] =	stream.indirect_vreg.gather [hbm4b:s7+s8], $0x80, v37, vm0, $0xb8;
	[tilespmem:$0x10400] =	vst v63  }
0x126: {  	s28 =	simm.s32 $0x2080;
	v19 =	vadd.s32 v1, v19  }
0x127: {  	[tilespmem:s28], [sflag:$0x1] =	stream.indirect_vreg.gather [hbm4b:s7+s8], $0x80, v39, vm0, $0xb8;
	[tilespmem:$0x10400] =	vst v63  }
0x128: {  	s29 =	simm.s32 $0x2100  }
0x129: {  	[tilespmem:s29], [sflag:$0x1] =	stream.indirect_vreg.gather [hbm4b:s7+s8], $0x80, v41, vm0, $0xb8;
	[tilespmem:$0x10400] =	vst v63  }
0x12a: {  	s30 =	simm.s32 $0x2180  }
0x12b: {  	[tilespmem:s30], [sflag:$0x1] =	stream.indirect_vreg.gather [hbm4b:s7+s8], $0x80, v19, vm0, $0xb8;
	[tilespmem:$0x10400] =	vst v63  }
0x12c: {  	v19 =	vld [tilespmem:$0x40];
	_ =	sdelay $0x4  }
0x12d: {  	v42 =	vshll.u32 v19, $0x4  }
0x12e: {  	v19 =	vand.u32 $0x7, v19;
	v20 =	vand.u32 $0xFFFFFF80, v42  }
0x12f: {  	v19 =	vor.u32 v19, v20  }
0x130: {  	v20 =	vperm.xlane v19, v17;
	_ =	sdelay $0x1  }
0x131: {  	v43 =	vperm.xlane v19, v18;
	v20 =	vadd.s32 v1, v20;
	_ =	sdelay $0x1  }
0x132: {  	v44 =	vperm.xlane v19, v15;
	v21 =	vadd.s32 v1, v43;
	_ =	sdelay $0x1  }
0x133: {  	s31 =	simm.s32 $0x2200;
	v45 =	vperm.xlane v19, v16;
	v22 =	vadd.s32 v1, v44  }
0x134: {  	[tilespmem:s31], [sflag:$0x1] =	stream.indirect_vreg.gather [hbm4b:s7+s8], $0x80, v20, vm0, $0xb8;
	[tilespmem:$0x10400] =	vst v63  }
0x135: {  	s10 =	simm.s32 $0x2280;
	v47 =	vperm.xlane v19, v12;
	v46 =	vadd.s32 v1, v45  }
0x136: {  	[tilespmem:s10], [sflag:$0x1] =	stream.indirect_vreg.gather [hbm4b:s7+s8], $0x80, v21, vm0, $0xb8;
	[tilespmem:$0x10400] =	vst v63  }
0x137: {  	s11 =	simm.s32 $0x2300;
	v49 =	vperm.xlane v19, v10;
	v48 =	vadd.s32 v1, v47  }
0x138: {  	[tilespmem:s11], [sflag:$0x1] =	stream.indirect_vreg.gather [hbm4b:s7+s8], $0x80, v22, vm0, $0xb8;
	[tilespmem:$0x10400] =	vst v63  }
0x139: {  	s12 =	simm.s32 $0x2380;
	v51 =	vperm.xlane v19, v13;
	v50 =	vadd.s32 v1, v49  }
0x13a: {  	[tilespmem:s12], [sflag:$0x1] =	stream.indirect_vreg.gather [hbm4b:s7+s8], $0x80, v46, vm0, $0xb8;
	[tilespmem:$0x10400] =	vst v63  }
0x13b: {  	s13 =	simm.s32 $0x2400;
	v53 =	vperm.xlane v19, v8;
	v52 =	vadd.s32 v1, v51  }
0x13c: {  	[tilespmem:s13], [sflag:$0x1] =	stream.indirect_vreg.gather [hbm4b:s7+s8], $0x80, v48, vm0, $0xb8;
	[tilespmem:$0x10400] =	vst v63  }
0x13d: {  	s14 =	simm.s32 $0x2480;
	v55 =	vperm.xlane v19, v11;
	v54 =	vadd.s32 v1, v53  }
0x13e: {  	[tilespmem:s14], [sflag:$0x1] =	stream.indirect_vreg.gather [hbm4b:s7+s8], $0x80, v50, vm0, $0xb8;
	[tilespmem:$0x10400] =	vst v63  }
0x13f: {  	s15 =	simm.s32 $0x2500;
	v57 =	vperm.xlane v19, v6;
	v56 =	vadd.s32 v1, v55  }
0x140: {  	[tilespmem:s15], [sflag:$0x1] =	stream.indirect_vreg.gather [hbm4b:s7+s8], $0x80, v52, vm0, $0xb8;
	[tilespmem:$0x10400] =	vst v63  }
0x141: {  	s16 =	simm.s32 $0x2580;
	v59 =	vperm.xlane v19, v9;
	v58 =	vadd.s32 v1, v57  }
0x142: {  	[tilespmem:s16], [sflag:$0x1] =	stream.indirect_vreg.gather [hbm4b:s7+s8], $0x80, v54, vm0, $0xb8;
	[tilespmem:$0x10400] =	vst v63  }
0x143: {  	s17 =	simm.s32 $0x2600;
	v61 =	vperm.xlane v19, v3;
	v60 =	vadd.s32 v1, v59  }
0x144: {  	[tilespmem:s17], [sflag:$0x1] =	stream.indirect_vreg.gather [hbm4b:s7+s8], $0x80, v56, vm0, $0xb8;
	[tilespmem:$0x10400] =	vst v63  }
0x145: {  	s18 =	simm.s32 $0x2680;
	v63 =	vperm.xlane v19, v7;
	v62 =	vadd.s32 v1, v61  }
0x146: {  	[tilespmem:s18], [sflag:$0x1] =	stream.indirect_vreg.gather [hbm4b:s7+s8], $0x80, v58, vm0, $0xb8;
	[tilespmem:$0x10400] =	vst v63  }
0x147: {  	s19 =	simm.s32 $0x2700;
	v25 =	vperm.xlane v19, v2;
	v24 =	vadd.s32 v1, v63  }
0x148: {  	[tilespmem:s19], [sflag:$0x1] =	stream.indirect_vreg.gather [hbm4b:s7+s8], $0x80, v60, vm0, $0xb8;
	[tilespmem:$0x10400] =	vst v63  }
0x149: {  	s20 =	simm.s32 $0x2780;
	v27 =	vperm.xlane v19, v4;
	v26 =	vadd.s32 v1, v25  }
0x14a: {  	[tilespmem:s20], [sflag:$0x1] =	stream.indirect_vreg.gather [hbm4b:s7+s8], $0x80, v62, vm0, $0xb8;
	[tilespmem:$0x10400] =	vst v63  }
0x14b: {  	s21 =	simm.s32 $0x2800;
	v19 =	vperm.xlane v19, v5;
	v28 =	vadd.s32 v1, v27  }
0x14c: {  	[tilespmem:s21], [sflag:$0x1] =	stream.indirect_vreg.gather [hbm4b:s7+s8], $0x80, v24, vm0, $0xb8;
	[tilespmem:$0x10400] =	vst v63  }
0x14d: {  	s22 =	simm.s32 $0x2880;
	v19 =	vadd.s32 v1, v19  }
0x14e: {  	[tilespmem:s22], [sflag:$0x1] =	stream.indirect_vreg.gather [hbm4b:s7+s8], $0x80, v26, vm0, $0xb8;
	[tilespmem:$0x10400] =	vst v63  }
0x14f: {  	s23 =	simm.s32 $0x2900  }
0x150: {  	[tilespmem:s23], [sflag:$0x1] =	stream.indirect_vreg.gather [hbm4b:s7+s8], $0x80, v28, vm0, $0xb8;
	[tilespmem:$0x10400] =	vst v63  }
0x151: {  	s24 =	simm.s32 $0x2980  }
0x152: {  	[tilespmem:s24], [sflag:$0x1] =	stream.indirect_vreg.gather [hbm4b:s7+s8], $0x80, v19, vm0, $0xb8;
	[tilespmem:$0x10400] =	vst v63  }
0x153: {  	v19 =	vld [tilespmem:$0x50];
	_ =	sdelay $0x4  }
0x154: {  	v29 =	vshll.u32 v19, $0x4  }
0x155: {  	v19 =	vand.u32 $0x7, v19;
	v20 =	vand.u32 $0xFFFFFF80, v29  }
0x156: {  	v19 =	vor.u32 v19, v20  }
0x157: {  	v20 =	vperm.xlane v19, v17;
	_ =	sdelay $0x1  }
0x158: {  	v30 =	vperm.xlane v19, v18;
	v20 =	vadd.s32 v1, v20;
	_ =	sdelay $0x1  }
0x159: {  	v31 =	vperm.xlane v19, v15;
	v21 =	vadd.s32 v1, v30;
	_ =	sdelay $0x1  }
0x15a: {  	s25 =	simm.s32 $0x2A00;
	v32 =	vperm.xlane v19, v16;
	v22 =	vadd.s32 v1, v31  }
0x15b: {  	[tilespmem:s25], [sflag:$0x1] =	stream.indirect_vreg.gather [hbm4b:s7+s8], $0x80, v20, vm0, $0xb8;
	[tilespmem:$0x10400] =	vst v63  }
0x15c: {  	s26 =	simm.s32 $0x2A80;
	v34 =	vperm.xlane v19, v12;
	v33 =	vadd.s32 v1, v32  }
0x15d: {  	[tilespmem:s26], [sflag:$0x1] =	stream.indirect_vreg.gather [hbm4b:s7+s8], $0x80, v21, vm0, $0xb8;
	[tilespmem:$0x10400] =	vst v63  }
0x15e: {  	s28 =	simm.s32 $0x2B00;
	v36 =	vperm.xlane v19, v10;
	v35 =	vadd.s32 v1, v34  }
0x15f: {  	[tilespmem:s28], [sflag:$0x1] =	stream.indirect_vreg.gather [hbm4b:s7+s8], $0x80, v22, vm0, $0xb8;
	[tilespmem:$0x10400] =	vst v63  }
0x160: {  	s29 =	simm.s32 $0x2B80;
	v38 =	vperm.xlane v19, v13;
	v37 =	vadd.s32 v1, v36  }
0x161: {  	[tilespmem:s29], [sflag:$0x1] =	stream.indirect_vreg.gather [hbm4b:s7+s8], $0x80, v33, vm0, $0xb8;
	[tilespmem:$0x10400] =	vst v63  }
0x162: {  	s30 =	simm.s32 $0x2C00;
	v40 =	vperm.xlane v19, v8;
	v39 =	vadd.s32 v1, v38  }
0x163: {  	[tilespmem:s30], [sflag:$0x1] =	stream.indirect_vreg.gather [hbm4b:s7+s8], $0x80, v35, vm0, $0xb8;
	[tilespmem:$0x10400] =	vst v63  }
0x164: {  	s31 =	simm.s32 $0x2C80;
	v42 =	vperm.xlane v19, v11;
	v41 =	vadd.s32 v1, v40  }
0x165: {  	[tilespmem:s31], [sflag:$0x1] =	stream.indirect_vreg.gather [hbm4b:s7+s8], $0x80, v37, vm0, $0xb8;
	[tilespmem:$0x10400] =	vst v63  }
0x166: {  	s10 =	simm.s32 $0x2D00;
	v44 =	vperm.xlane v19, v6;
	v43 =	vadd.s32 v1, v42  }
0x167: {  	[tilespmem:s10], [sflag:$0x1] =	stream.indirect_vreg.gather [hbm4b:s7+s8], $0x80, v39, vm0, $0xb8;
	[tilespmem:$0x10400] =	vst v63  }
0x168: {  	s11 =	simm.s32 $0x2D80;
	v46 =	vperm.xlane v19, v9;
	v45 =	vadd.s32 v1, v44  }
0x169: {  	[tilespmem:s11], [sflag:$0x1] =	stream.indirect_vreg.gather [hbm4b:s7+s8], $0x80, v41, vm0, $0xb8;
	[tilespmem:$0x10400] =	vst v63  }
0x16a: {  	s12 =	simm.s32 $0x2E00;
	v48 =	vperm.xlane v19, v3;
	v47 =	vadd.s32 v1, v46  }
0x16b: {  	[tilespmem:s12], [sflag:$0x1] =	stream.indirect_vreg.gather [hbm4b:s7+s8], $0x80, v43, vm0, $0xb8;
	[tilespmem:$0x10400] =	vst v63  }
0x16c: {  	s13 =	simm.s32 $0x2E80;
	v50 =	vperm.xlane v19, v7;
	v49 =	vadd.s32 v1, v48  }
0x16d: {  	[tilespmem:s13], [sflag:$0x1] =	stream.indirect_vreg.gather [hbm4b:s7+s8], $0x80, v45, vm0, $0xb8;
	[tilespmem:$0x10400] =	vst v63  }
0x16e: {  	s14 =	simm.s32 $0x2F00;
	v52 =	vperm.xlane v19, v2;
	v51 =	vadd.s32 v1, v50  }
0x16f: {  	[tilespmem:s14], [sflag:$0x1] =	stream.indirect_vreg.gather [hbm4b:s7+s8], $0x80, v47, vm0, $0xb8;
	[tilespmem:$0x10400] =	vst v63  }
0x170: {  	s15 =	simm.s32 $0x2F80;
	v54 =	vperm.xlane v19, v4;
	v53 =	vadd.s32 v1, v52  }
0x171: {  	[tilespmem:s15], [sflag:$0x1] =	stream.indirect_vreg.gather [hbm4b:s7+s8], $0x80, v49, vm0, $0xb8;
	[tilespmem:$0x10400] =	vst v63  }
0x172: {  	s16 =	simm.s32 $0x3000;
	v19 =	vperm.xlane v19, v5;
	v55 =	vadd.s32 v1, v54  }
0x173: {  	[tilespmem:s16], [sflag:$0x1] =	stream.indirect_vreg.gather [hbm4b:s7+s8], $0x80, v51, vm0, $0xb8;
	[tilespmem:$0x10400] =	vst v63  }
0x174: {  	s17 =	simm.s32 $0x3080;
	v19 =	vadd.s32 v1, v19  }
0x175: {  	[tilespmem:s17], [sflag:$0x1] =	stream.indirect_vreg.gather [hbm4b:s7+s8], $0x80, v53, vm0, $0xb8;
	[tilespmem:$0x10400] =	vst v63  }
0x176: {  	s18 =	simm.s32 $0x3100  }
0x177: {  	[tilespmem:s18], [sflag:$0x1] =	stream.indirect_vreg.gather [hbm4b:s7+s8], $0x80, v55, vm0, $0xb8;
	[tilespmem:$0x10400] =	vst v63  }
0x178: {  	s19 =	simm.s32 $0x3180  }
0x179: {  	[tilespmem:s19], [sflag:$0x1] =	stream.indirect_vreg.gather [hbm4b:s7+s8], $0x80, v19, vm0, $0xb8;
	[tilespmem:$0x10400] =	vst v63  }
0x17a: {  	v19 =	vld [tilespmem:$0x60];
	_ =	sdelay $0x4  }
0x17b: {  	v56 =	vshll.u32 v19, $0x4  }
0x17c: {  	v19 =	vand.u32 $0x7, v19;
	v20 =	vand.u32 $0xFFFFFF80, v56  }
0x17d: {  	v19 =	vor.u32 v19, v20  }
0x17e: {  	v20 =	vperm.xlane v19, v17;
	_ =	sdelay $0x1  }
0x17f: {  	v57 =	vperm.xlane v19, v18;
	v20 =	vadd.s32 v1, v20;
	_ =	sdelay $0x1  }
0x180: {  	v58 =	vperm.xlane v19, v15;
	v21 =	vadd.s32 v1, v57;
	_ =	sdelay $0x1  }
0x181: {  	s20 =	simm.s32 $0x3200;
	v59 =	vperm.xlane v19, v16;
	v22 =	vadd.s32 v1, v58  }
0x182: {  	[tilespmem:s20], [sflag:$0x1] =	stream.indirect_vreg.gather [hbm4b:s7+s8], $0x80, v20, vm0, $0xb8;
	[tilespmem:$0x10400] =	vst v63  }
0x183: {  	s21 =	simm.s32 $0x3280;
	v61 =	vperm.xlane v19, v12;
	v60 =	vadd.s32 v1, v59  }
0x184: {  	[tilespmem:s21], [sflag:$0x1] =	stream.indirect_vreg.gather [hbm4b:s7+s8], $0x80, v21, vm0, $0xb8;
	[tilespmem:$0x10400] =	vst v63  }
0x185: {  	s22 =	simm.s32 $0x3300;
	v63 =	vperm.xlane v19, v10;
	v62 =	vadd.s32 v1, v61  }
0x186: {  	[tilespmem:s22], [sflag:$0x1] =	stream.indirect_vreg.gather [hbm4b:s7+s8], $0x80, v22, vm0, $0xb8;
	[tilespmem:$0x10400] =	vst v63  }
0x187: {  	s23 =	simm.s32 $0x3380;
	v25 =	vperm.xlane v19, v13;
	v24 =	vadd.s32 v1, v63  }
0x188: {  	[tilespmem:s23], [sflag:$0x1] =	stream.indirect_vreg.gather [hbm4b:s7+s8], $0x80, v60, vm0, $0xb8;
	[tilespmem:$0x10400] =	vst v63  }
0x189: {  	s24 =	simm.s32 $0x3400;
	v27 =	vperm.xlane v19, v8;
	v26 =	vadd.s32 v1, v25  }
0x18a: {  	[tilespmem:s24], [sflag:$0x1] =	stream.indirect_vreg.gather [hbm4b:s7+s8], $0x80, v62, vm0, $0xb8;
	[tilespmem:$0x10400] =	vst v63  }
0x18b: {  	s25 =	simm.s32 $0x3480;
	v29 =	vperm.xlane v19, v11;
	v28 =	vadd.s32 v1, v27  }
0x18c: {  	[tilespmem:s25], [sflag:$0x1] =	stream.indirect_vreg.gather [hbm4b:s7+s8], $0x80, v24, vm0, $0xb8;
	[tilespmem:$0x10400] =	vst v63  }
0x18d: {  	s26 =	simm.s32 $0x3500;
	v31 =	vperm.xlane v19, v6;
	v30 =	vadd.s32 v1, v29  }
0x18e: {  	[tilespmem:s26], [sflag:$0x1] =	stream.indirect_vreg.gather [hbm4b:s7+s8], $0x80, v26, vm0, $0xb8;
	[tilespmem:$0x10400] =	vst v63  }
0x18f: {  	s28 =	simm.s32 $0x3580;
	v33 =	vperm.xlane v19, v9;
	v32 =	vadd.s32 v1, v31  }
0x190: {  	[tilespmem:s28], [sflag:$0x1] =	stream.indirect_vreg.gather [hbm4b:s7+s8], $0x80, v28, vm0, $0xb8;
	[tilespmem:$0x10400] =	vst v63  }
0x191: {  	s29 =	simm.s32 $0x3600;
	v35 =	vperm.xlane v19, v3;
	v34 =	vadd.s32 v1, v33  }
0x192: {  	[tilespmem:s29], [sflag:$0x1] =	stream.indirect_vreg.gather [hbm4b:s7+s8], $0x80, v30, vm0, $0xb8;
	[tilespmem:$0x10400] =	vst v63  }
0x193: {  	s30 =	simm.s32 $0x3680;
	v37 =	vperm.xlane v19, v7;
	v36 =	vadd.s32 v1, v35  }
0x194: {  	[tilespmem:s30], [sflag:$0x1] =	stream.indirect_vreg.gather [hbm4b:s7+s8], $0x80, v32, vm0, $0xb8;
	[tilespmem:$0x10400] =	vst v63  }
0x195: {  	s31 =	simm.s32 $0x3700;
	v39 =	vperm.xlane v19, v2;
	v38 =	vadd.s32 v1, v37  }
0x196: {  	[tilespmem:s31], [sflag:$0x1] =	stream.indirect_vreg.gather [hbm4b:s7+s8], $0x80, v34, vm0, $0xb8;
	[tilespmem:$0x10400] =	vst v63  }
0x197: {  	s10 =	simm.s32 $0x3780;
	v41 =	vperm.xlane v19, v4;
	v40 =	vadd.s32 v1, v39  }
0x198: {  	[tilespmem:s10], [sflag:$0x1] =	stream.indirect_vreg.gather [hbm4b:s7+s8], $0x80, v36, vm0, $0xb8;
	[tilespmem:$0x10400] =	vst v63  }
0x199: {  	s11 =	simm.s32 $0x3800;
	v19 =	vperm.xlane v19, v5;
	v42 =	vadd.s32 v1, v41  }
0x19a: {  	[tilespmem:s11], [sflag:$0x1] =	stream.indirect_vreg.gather [hbm4b:s7+s8], $0x80, v38, vm0, $0xb8;
	[tilespmem:$0x10400] =	vst v63  }
0x19b: {  	s12 =	simm.s32 $0x3880;
	v19 =	vadd.s32 v1, v19  }
0x19c: {  	[tilespmem:s12], [sflag:$0x1] =	stream.indirect_vreg.gather [hbm4b:s7+s8], $0x80, v40, vm0, $0xb8;
	[tilespmem:$0x10400] =	vst v63  }
0x19d: {  	s13 =	simm.s32 $0x3900  }
0x19e: {  	[tilespmem:s13], [sflag:$0x1] =	stream.indirect_vreg.gather [hbm4b:s7+s8], $0x80, v42, vm0, $0xb8;
	[tilespmem:$0x10400] =	vst v63  }
0x19f: {  	s14 =	simm.s32 $0x3980  }
0x1a0: {  	[tilespmem:s14], [sflag:$0x1] =	stream.indirect_vreg.gather [hbm4b:s7+s8], $0x80, v19, vm0, $0xb8;
	[tilespmem:$0x10400] =	vst v63  }
0x1a1: {  	v19 =	vld [tilespmem:$0x70];
	_ =	sdelay $0x4  }
0x1a2: {  	v43 =	vshll.u32 v19, $0x4  }
0x1a3: {  	v19 =	vand.u32 $0x7, v19;
	v20 =	vand.u32 $0xFFFFFF80, v43  }
0x1a4: {  	v19 =	vor.u32 v19, v20  }
0x1a5: {  	v20 =	vperm.xlane v19, v17  }
0x1a6: {  	s15 =	sadd.s32 $0x80, s6;
	v17 =	vadd.s32 $0xADD083F4, v14;
	v18 =	vperm.xlane v19, v18;
	v14 =	vadd.s32 $0xB1A83721, v14  }
0x1a7: {  	v15 =	vperm.xlane v19, v15;
	v16 =	vperm.xlane v19, v16;
	v44 =	vadd.s32 s15, v17  }
0x1a8: {  	v20 =	vadd.s32 v1, v20;
	v45 =	vshrl.u32 v44, $0x13;
	v21 =	vshll.u32 v44, $0xD  }
0x1a9: {  	v12 =	vperm.xlane v19, v12;
	v46 =	vadd.s32 s15, v14;
	v21 =	vor.u32 v45, v21  }
0x1aa: {  	v10 =	vperm.xlane v19, v10;
	v18 =	vadd.s32 v1, v18;
	v21 =	vxor.u32 v46, v21  }
0x1ab: {  	v13 =	vperm.xlane v19, v13;
	v47 =	vshrl.u32 v21, $0x11;
	v24 =	vshll.u32 v21, $0xF  }
0x1ac: {  	s10 =	simm.s32 $0x3A00;
	v15 =	vadd.s32 v1, v15;
	v21 =	vadd.s32 v46, v21;
	v22 =	vor.u32 v47, v24  }
0x1ad: {  	v8 =	vperm.xlane v19, v8;
	[tilespmem:s10], [sflag:$0x1] =	stream.indirect_vreg.gather [hbm4b:s7+s8], $0x80, v20, vm0, $0xb8;
	v48 =	vxor.u32 v21, v22;
	[tilespmem:$0x10400] =	vst v63  }
0x1ae: {  	s16 =	simm.s32 $0x3A80;
	v16 =	vadd.s32 v1, v16;
	v22 =	vshrl.u32 v48, $0x6;
	v49 =	vshll.u32 v48, $0x1A  }
0x1af: {  	[tilespmem:s16], [sflag:$0x1] =	stream.indirect_vreg.gather [hbm4b:s7+s8], $0x80, v18, vm0, $0xb8;
	v18 =	vadd.s32 v21, v48;
	v50 =	vor.u32 v22, v49;
	[tilespmem:$0x10400] =	vst v63  }
0x1b0: {  	s17 =	simm.s32 $0x3B00;
	v11 =	vperm.xlane v19, v11;
	v12 =	vadd.s32 v1, v12;
	v20 =	vxor.u32 v18, v50  }
0x1b1: {  	v6 =	vperm.xlane v19, v6;
	[tilespmem:s17], [sflag:$0x1] =	stream.indirect_vreg.gather [hbm4b:s7+s8], $0x80, v15, vm0, $0xb8;
	v15 =	vshrl.u32 v20, $0x1A;
	v51 =	vshll.u32 v20, $0x6;
	[tilespmem:$0x10400] =	vst v63  }
0x1b2: {  	s18 =	simm.s32 $0x3B80;
	v10 =	vadd.s32 v1, v10;
	v18 =	vadd.s32 v18, v20;
	v15 =	vor.u32 v15, v51  }
0x1b3: {  	v9 =	vperm.xlane v19, v9;
	[tilespmem:s18], [sflag:$0x1] =	stream.indirect_vreg.gather [hbm4b:s7+s8], $0x80, v16, vm0, $0xb8;
	v15 =	vxor.u32 v18, v15;
	[tilespmem:$0x10400] =	vst v63  }
0x1b4: {  	s19 =	simm.s32 $0x3C00;
	v3 =	vperm.xlane v19, v3;
	v13 =	vadd.s32 v1, v13;
	v15 =	vadd.s32 $0xB5D62B04, v15  }
0x1b5: {  	[tilespmem:s19], [sflag:$0x1] =	stream.indirect_vreg.gather [hbm4b:s7+s8], $0x80, v12, vm0, $0xb8;
	v12 =	vadd.s32 v15, v18;
	v16 =	vshrl.u32 v15, $0xF;
	v15 =	vshll.u32 v15, $0x11;
	[tilespmem:$0x10400] =	vst v63  }
0x1b6: {  	s20 =	simm.s32 $0x3C80;
	v8 =	vadd.s32 v1, v8;
	v12 =	vadd.s32 $0xADD083F4, v12;
	v15 =	vor.u32 v16, v15  }
0x1b7: {  	v7 =	vperm.xlane v19, v7;
	[tilespmem:s20], [sflag:$0x1] =	stream.indirect_vreg.gather [hbm4b:s7+s8], $0x80, v10, vm0, $0xb8;
	v53 =	vxor.u32 v12, v15;
	[tilespmem:$0x10400] =	vst v63  }
0x1b8: {  	s21 =	simm.s32 $0x3D00;
	v52 =	vadd.s32 v1, v11;
	v15 =	vshrl.u32 v53, $0x3;
	v16 =	vshll.u32 v53, $0x1D  }
0x1b9: {  	v11 =	vadd.s32 v12, v53;
	[tilespmem:s21], [sflag:$0x1] =	stream.indirect_vreg.gather [hbm4b:s7+s8], $0x80, v13, vm0, $0xb8;
	v12 =	vor.u32 v15, v16;
	[tilespmem:$0x10400] =	vst v63  }
0x1ba: {  	s22 =	simm.s32 $0x3D80;
	v2 =	vperm.xlane v19, v2;
	v6 =	vadd.s32 v1, v6;
	v12 =	vxor.u32 v11, v12  }
0x1bb: {  	v4 =	vperm.xlane v19, v4;
	[tilespmem:s22], [sflag:$0x1] =	stream.indirect_vreg.gather [hbm4b:s7+s8], $0x80, v8, vm0, $0xb8;
	v54 =	vshrl.u32 v12, $0x10;
	v13 =	vshll.u32 v12, $0x10;
	[tilespmem:$0x10400] =	vst v63  }
0x1bc: {  	s23 =	simm.s32 $0x3E00;
	v9 =	vadd.s32 v1, v9;
	v11 =	vadd.s32 v11, v12;
	v8 =	vor.u32 v54, v13  }
0x1bd: {  	v5 =	vperm.xlane v19, v5;
	[tilespmem:s23], [sflag:$0x1] =	stream.indirect_vreg.gather [hbm4b:s7+s8], $0x80, v52, vm0, $0xb8;
	v8 =	vxor.u32 v11, v8;
	[tilespmem:$0x10400] =	vst v63  }
0x1be: {  	s24 =	simm.s32 $0x3E80;
	v3 =	vadd.s32 v1, v3;
	v55 =	vshrl.u32 v8, $0x8;
	v12 =	vshll.u32 v8, $0x18  }
0x1bf: {  	[tilespmem:s24], [sflag:$0x1] =	stream.indirect_vreg.gather [hbm4b:s7+s8], $0x80, v6, vm0, $0xb8;
	v6 =	vadd.s32 v11, v8;
	v56 =	vor.u32 v55, v12;
	[tilespmem:$0x10400] =	vst v63  }
0x1c0: {  	s25 =	simm.s32 $0x3F00;
	v7 =	vadd.s32 v1, v7;
	v2 =	vadd.s32 v1, v2;
	v8 =	vxor.u32 v6, v56  }
0x1c1: {  	v4 =	vadd.s32 v1, v4;
	v1 =	vadd.s32 v1, v5;
	[tilespmem:s25], [sflag:$0x1] =	stream.indirect_vreg.gather [hbm4b:s7+s8], $0x80, v9, vm0, $0xb8;
	v8 =	vadd.s32 $0x3D7B32F, v8;
	[tilespmem:$0x10400] =	vst v63  }
0x1c2: {  	s9 =	sadd.s32 $0x10, s15;
	s26 =	simm.s32 $0x3F80;
	v6 =	vadd.s32 v8, v6;
	v57 =	vshrl.u32 v8, $0x13;
	v8 =	vshll.u32 v8, $0xD  }
0x1c3: {  	[tilespmem:s26], [sflag:$0x1] =	stream.indirect_vreg.gather [hbm4b:s7+s8], $0x80, v3, vm0, $0xb8;
	v3 =	vadd.s32 s9, v17;
	v6 =	vadd.s32 $0xB5D62B03, v6;
	v8 =	vor.u32 v57, v8;
	[tilespmem:$0x10400] =	vst v63  }
0x1c4: {  	s28 =	simm.s32 $0x4000;
	v58 =	vshrl.u32 v3, $0x13;
	v3 =	vshll.u32 v3, $0xD;
	v8 =	vxor.u32 v6, v8  }
0x1c5: {  	v5 =	vadd.s32 s9, v14;
	[tilespmem:s28], [sflag:$0x1] =	stream.indirect_vreg.gather [hbm4b:s7+s8], $0x80, v7, vm0, $0xb8;
	v3 =	vor.u32 v58, v3;
	v7 =	vshrl.u32 v8, $0x11;
	[tilespmem:$0x10400] =	vst v63  }
0x1c6: {  	s29 =	simm.s32 $0x4080;
	v59 =	vshll.u32 v8, $0xF;
	v6 =	vadd.s32 v6, v8;
	v3 =	vxor.u32 v5, v3  }
0x1c7: {  	v7 =	vor.u32 v7, v59;
	[tilespmem:s29], [sflag:$0x1] =	stream.indirect_vreg.gather [hbm4b:s7+s8], $0x80, v2, vm0, $0xb8;
	v2 =	vadd.s32 v5, v3;
	[tilespmem:$0x10400] =	vst v63  }
0x1c8: {  	v5 =	vshrl.u32 v3, $0x11;
	v7 =	vxor.u32 v6, v7;
	v3 =	vshll.u32 v3, $0xF  }
0x1c9: {  	s30 =	simm.s32 $0x4100;
	v60 =	vshrl.u32 v7, $0x6;
	v61 =	vshll.u32 v7, $0x1A;
	v3 =	vor.u32 v5, v3  }
0x1ca: {  	[tilespmem:s30], [sflag:$0x1] =	stream.indirect_vreg.gather [hbm4b:s7+s8], $0x80, v4, vm0, $0xb8;
	v4 =	vadd.s32 v6, v7;
	v5 =	vor.u32 v60, v61;
	[tilespmem:$0x10400] =	vst v63  }
0x1cb: {  	v3 =	vxor.u32 v2, v3;
	v5 =	vxor.u32 v4, v5  }
0x1cc: {  	s31 =	simm.s32 $0x4180;
	v6 =	vshrl.u32 v3, $0x6;
	v7 =	vshrl.u32 v5, $0x1A;
	v62 =	vshll.u32 v5, $0x6  }
0x1cd: {  	v63 =	vshll.u32 v3, $0x1A;
	[tilespmem:s31], [sflag:$0x1] =	stream.indirect_vreg.gather [hbm4b:s7+s8], $0x80, v1, vm0, $0xb8;
	v1 =	vadd.s32 v4, v5;
	v5 =	vor.u32 v7, v62;
	[tilespmem:$0x10400] =	vst v63  }
0x1ce: {  	s10 =	simm.s32 $0x80;
	v3 =	vadd.s32 v2, v3;
	s7 =	simm.s32 $0x40;
	v4 =	vor.u32 v6, v63;
	v2 =	vxor.u32 v1, v5  }
.LBB2_3:
0x1cf: {  	p0 =	sne.s32 s10, $0x1C0;
	v4 =	vxor.u32 v3, v4;
	v2 =	vadd.s32 $0xADD083F7, v2  }
0x1d0: {  	v1 =	vadd.s32 v2, v1;
	v5 =	vshrl.u32 v2, $0xF;
	v2 =	vshll.u32 v2, $0x11  }
0x1d1: {  	v3 =	vadd.s32 v3, v4;
	v1 =	vadd.s32 $0x3D7B32D, v1;
	v2 =	vor.u32 v5, v2  }
0x1d2: {  	v5 =	vshrl.u32 v4, $0x1A;
	v4 =	vshll.u32 v4, $0x6;
	v2 =	vxor.u32 v1, v2  }
0x1d3: {  	v4 =	vor.u32 v5, v4;
	v5 =	vshrl.u32 v2, $0x3;
	v6 =	vshll.u32 v2, $0x1D  }
0x1d4: {  	v4 =	vxor.u32 v3, v4;
	v1 =	vadd.s32 v1, v2;
	v2 =	vor.u32 v5, v6  }
0x1d5: {  	v4 =	vadd.s32 $0xB5D62B04, v4;
	v2 =	vxor.u32 v1, v2  }
0x1d6: {  	v3 =	vadd.s32 v4, v3;
	v5 =	vshrl.u32 v2, $0x10;
	v6 =	vshll.u32 v2, $0x10  }
0x1d7: {  	v7 =	vshrl.u32 v4, $0xF;
	v1 =	vadd.s32 v1, v2;
	v2 =	vor.u32 v5, v6  }
0x1d8: {  	v4 =	vshll.u32 v4, $0x11;
	v3 =	vadd.s32 $0xADD083F4, v3;
	v2 =	vxor.u32 v1, v2  }
0x1d9: {  	v4 =	vor.u32 v7, v4;
	v5 =	vshrl.u32 v2, $0x8;
	v6 =	vshll.u32 v2, $0x18  }
0x1da: {  	s9 =	sadd.s32 $0x10, s9;
	v4 =	vxor.u32 v3, v4;
	v1 =	vadd.s32 v1, v2;
	v2 =	vor.u32 v5, v6  }
0x1db: {  	v3 =	vadd.s32 v3, v4;
	v5 =	vadd.s32 s9, v14;
	v2 =	vxor.u32 v1, v2  }
0x1dc: {  	v6 =	vshrl.u32 v4, $0x3;
	v4 =	vshll.u32 v4, $0x1D;
	v2 =	vadd.s32 $0xB5D62B07, v2  }
0x1dd: {  	v1 =	vadd.s32 v2, v1;
	v7 =	vshrl.u32 v2, $0x13;
	v2 =	vshll.u32 v2, $0xD  }
0x1de: {  	v4 =	vor.u32 v6, v4;
	v1 =	vadd.s32 $0xADD083F4, v1;
	v2 =	vor.u32 v7, v2  }
0x1df: {  	v6 =	vadd.s32 s9, v17;
	v4 =	vxor.u32 v3, v4;
	v2 =	vxor.u32 v1, v2  }
0x1e0: {  	v7 =	vshrl.u32 v4, $0x10;
	v8 =	vshrl.u32 v2, $0x11;
	v9 =	vshll.u32 v2, $0xF  }
0x1e1: {  	v10 =	vshll.u32 v4, $0x10;
	v1 =	vadd.s32 v1, v2;
	v2 =	vor.u32 v8, v9  }
0x1e2: {  	v3 =	vadd.s32 v3, v4;
	v4 =	vor.u32 v7, v10;
	v2 =	vxor.u32 v1, v2  }
0x1e3: {  	v4 =	vxor.u32 v3, v4;
	v7 =	vshrl.u32 v2, $0x6;
	v8 =	vshll.u32 v2, $0x1A  }
0x1e4: {  	v3 =	vadd.s32 v3, v4;
	v1 =	vadd.s32 v1, v2;
	v2 =	vor.u32 v7, v8  }
0x1e5: {  	v7 =	vshrl.u32 v4, $0x8;
	v4 =	vshll.u32 v4, $0x18;
	v2 =	vxor.u32 v1, v2  }
0x1e6: {  	v4 =	vor.u32 v7, v4;
	v7 =	vshrl.u32 v2, $0x1A;
	v8 =	vshll.u32 v2, $0x6  }
0x1e7: {  	v4 =	vxor.u32 v3, v4;
	v1 =	vadd.s32 v1, v2;
	v2 =	vor.u32 v7, v8  }
0x1e8: {  	v7 =	vshrl.u32 v6, $0x13;
	v4 =	vadd.s32 $0x3D7B32F, v4;
	v2 =	vxor.u32 v1, v2  }
0x1e9: {  	v3 =	vadd.s32 v4, v3;
	v1 =	vadd.s32 $0xB03, v1;
	v2 =	vadd.s32 $0x332, v2  }
0x1ea: {  	v8 =	vshrl.u32 v4, $0x13;
	v4 =	vshll.u32 v4, $0xD;
	v1 =	vxor.u32 v1, v2  }
0x1eb: {  	v2 =	vadd.s32 $0xB5D62B03, v3;
	v3 =	vor.u32 v8, v4;
	v1 =	vand.u32 $0xFFF, v1  }
0x1ec: {  	s11 =	sshra.s32 s8, $0x2;
	s8 =	smov.u32 s7;
	s7 =	smov.u32 s10;
	v4 =	vshll.u32 v6, $0xD;
	v3 =	vxor.u32 v2, v3;
	v1 =	vor.u32 v0, v1  }
0x1ed: {  	v4 =	vor.u32 v7, v4;
	v6 =	vshrl.u32 v3, $0x11;
	v7 =	vshll.u32 v3, $0xF;
	[tilespmem:s11+$0x80] =	vst v1  }
0x1ee: {  	v2 =	vadd.s32 v2, v3;
	v1 =	vxor.u32 v5, v4;
	v3 =	vor.u32 v6, v7  }
0x1ef: {  	v4 =	vadd.s32 v5, v1;
	v5 =	vshrl.u32 v1, $0x11;
	v3 =	vxor.u32 v2, v3  }
0x1f0: {  	v1 =	vshll.u32 v1, $0xF;
	v6 =	vshrl.u32 v3, $0x6;
	v7 =	vshll.u32 v3, $0x1A  }
.Ltmp1:
0x1f1: {  	v1 =	vor.u32 v5, v1;
	v2 =	vadd.s32 v2, v3;
	v3 =	vor.u32 v6, v7;
	(pc) =	sbr.rel @p0 .LBB2_3-.Ltmp1, $4  }
0x1f2: {  	v5 =	vxor.u32 v4, v1;
	v1 =	vxor.u32 v2, v3  }
0x1f3: {  	v6 =	vshrl.u32 v5, $0x6;
	v3 =	vshrl.u32 v1, $0x1A;
	v7 =	vshll.u32 v1, $0x6  }
0x1f4: {  	v8 =	vshll.u32 v5, $0x1A;
	v1 =	vadd.s32 v2, v1;
	v2 =	vor.u32 v3, v7  }
0x1f5: {  	s10 =	sadd.s32 $0x40, s10;
	v3 =	vadd.s32 v4, v5;
	v4 =	vor.u32 v6, v8;
	v2 =	vxor.u32 v1, v2  }
0x1f6: {  	v4 =	vxor.u32 v3, v4  }
0x1f7: {  	v5 =	vshrl.u32 v4, $0x1A;
	v6 =	vshll.u32 v4, $0x6  }
0x1f8: {  	v3 =	vadd.s32 v3, v4;
	v4 =	vor.u32 v5, v6  }
0x1f9: {  	v4 =	vxor.u32 v3, v4  }
0x1fa: {  	v4 =	vadd.s32 $0xB5D62B04, v4  }
0x1fb: {  	v3 =	vadd.s32 v4, v3;
	v5 =	vshrl.u32 v4, $0xF;
	v4 =	vshll.u32 v4, $0x11  }
0x1fc: {  	v3 =	vadd.s32 $0xADD083F4, v3;
	v4 =	vor.u32 v5, v4  }
0x1fd: {  	v4 =	vxor.u32 v3, v4  }
0x1fe: {  	v5 =	vshrl.u32 v4, $0x3;
	v6 =	vshll.u32 v4, $0x1D  }
0x1ff: {  	v3 =	vadd.s32 v3, v4;
	v4 =	vor.u32 v5, v6  }
0x200: {  	v4 =	vxor.u32 v3, v4  }
0x201: {  	v5 =	vshrl.u32 v4, $0x10;
	v6 =	vshll.u32 v4, $0x10  }
0x202: {  	v3 =	vadd.s32 v3, v4;
	v4 =	vor.u32 v5, v6  }
0x203: {  	v4 =	vxor.u32 v3, v4  }
0x204: {  	v5 =	vshrl.u32 v4, $0x8;
	v6 =	vshll.u32 v4, $0x18  }
0x205: {  	v3 =	vadd.s32 v3, v4;
	v4 =	vor.u32 v5, v6  }
0x206: {  	v2 =	vadd.s32 $0xADD083F7, v2;
	v4 =	vxor.u32 v3, v4  }
0x207: {  	v1 =	vadd.s32 v2, v1;
	v4 =	vadd.s32 $0x3D7B32F, v4  }
0x208: {  	v3 =	vadd.s32 v4, v3;
	v5 =	vshrl.u32 v4, $0x13;
	v4 =	vshll.u32 v4, $0xD  }
0x209: {  	v1 =	vadd.s32 $0x3D7B32D, v1;
	v3 =	vadd.s32 $0xB5D62B03, v3;
	v4 =	vor.u32 v5, v4  }
0x20a: {  	v6 =	vshrl.u32 v2, $0xF;
	v2 =	vshll.u32 v2, $0x11;
	v4 =	vxor.u32 v3, v4  }
0x20b: {  	v2 =	vor.u32 v6, v2;
	v5 =	vshrl.u32 v4, $0x11;
	v6 =	vshll.u32 v4, $0xF  }
0x20c: {  	v2 =	vxor.u32 v1, v2;
	v3 =	vadd.s32 v3, v4;
	v4 =	vor.u32 v5, v6  }
0x20d: {  	v1 =	vadd.s32 v1, v2;
	v5 =	vshrl.u32 v2, $0x3;
	v4 =	vxor.u32 v3, v4  }
0x20e: {  	v6 =	vshll.u32 v2, $0x1D;
	v2 =	vshrl.u32 v4, $0x6;
	v7 =	vshll.u32 v4, $0x1A  }
0x20f: {  	v5 =	vor.u32 v5, v6;
	v3 =	vadd.s32 v3, v4;
	v2 =	vor.u32 v2, v7  }
0x210: {  	v4 =	vxor.u32 v1, v5;
	v2 =	vxor.u32 v3, v2  }
0x211: {  	v5 =	vshrl.u32 v4, $0x10;
	v6 =	vshrl.u32 v2, $0x1A;
	v7 =	vshll.u32 v2, $0x6  }
0x212: {  	v8 =	vshll.u32 v4, $0x10;
	v2 =	vadd.s32 v3, v2;
	v3 =	vor.u32 v6, v7  }
0x213: {  	v1 =	vadd.s32 v1, v4;
	v4 =	vor.u32 v5, v8;
	v3 =	vxor.u32 v2, v3  }
0x214: {  	v4 =	vxor.u32 v1, v4;
	v3 =	vadd.s32 $0xADD083F7, v3  }
0x215: {  	v2 =	vadd.s32 v3, v2;
	v5 =	vshrl.u32 v3, $0xF;
	v3 =	vshll.u32 v3, $0x11  }
0x216: {  	v6 =	vshrl.u32 v4, $0x8;
	v2 =	vadd.s32 $0x3D7B32D, v2;
	v3 =	vor.u32 v5, v3  }
0x217: {  	v1 =	vadd.s32 v1, v4;
	v5 =	vshll.u32 v4, $0x18;
	v3 =	vxor.u32 v2, v3  }
0x218: {  	v4 =	vor.u32 v6, v5;
	v5 =	vshrl.u32 v3, $0x3;
	v6 =	vshll.u32 v3, $0x1D  }
0x219: {  	v4 =	vxor.u32 v1, v4;
	v2 =	vadd.s32 v2, v3;
	v3 =	vor.u32 v5, v6  }
0x21a: {  	v4 =	vadd.s32 $0xB5D62B07, v4;
	v3 =	vxor.u32 v2, v3  }
0x21b: {  	v1 =	vadd.s32 v4, v1;
	v5 =	vshrl.u32 v3, $0x10;
	v6 =	vshll.u32 v3, $0x10  }
0x21c: {  	v7 =	vshrl.u32 v4, $0x13;
	v2 =	vadd.s32 v2, v3;
	v3 =	vor.u32 v5, v6  }
0x21d: {  	v4 =	vshll.u32 v4, $0xD;
	v1 =	vadd.s32 $0xADD083F4, v1;
	v3 =	vxor.u32 v2, v3  }
0x21e: {  	v4 =	vor.u32 v7, v4;
	v5 =	vshrl.u32 v3, $0x8;
	v6 =	vshll.u32 v3, $0x18  }
0x21f: {  	v4 =	vxor.u32 v1, v4;
	v2 =	vadd.s32 v2, v3;
	v3 =	vor.u32 v5, v6  }
0x220: {  	v1 =	vadd.s32 v1, v4;
	v3 =	vxor.u32 v2, v3  }
0x221: {  	v5 =	vshrl.u32 v4, $0x11;
	v6 =	vshll.u32 v4, $0xF;
	v3 =	vadd.s32 $0xB5D62B07, v3  }
0x222: {  	v2 =	vadd.s32 v3, v2;
	v4 =	vshrl.u32 v3, $0x13;
	v3 =	vshll.u32 v3, $0xD  }
0x223: {  	v5 =	vor.u32 v5, v6;
	v2 =	vadd.s32 $0xADD083F4, v2;
	v3 =	vor.u32 v4, v3  }
0x224: {  	v4 =	vxor.u32 v1, v5;
	v3 =	vxor.u32 v2, v3  }
0x225: {  	v5 =	vshrl.u32 v4, $0x6;
	v6 =	vshrl.u32 v3, $0x11;
	v7 =	vshll.u32 v3, $0xF  }
0x226: {  	v39 =	vshll.u32 v4, $0x1A;
	v2 =	vadd.s32 v2, v3;
	v3 =	vor.u32 v6, v7  }
0x227: {  	v1 =	vadd.s32 v1, v4;
	v4 =	vor.u32 v5, v39;
	v3 =	vxor.u32 v2, v3  }
0x228: {  	v4 =	vxor.u32 v1, v4;
	v5 =	vshrl.u32 v3, $0x6;
	v6 =	vshll.u32 v3, $0x1A  }
0x229: {  	v7 =	vshrl.u32 v4, $0x1A;
	v2 =	vadd.s32 v2, v3;
	v3 =	vor.u32 v5, v6  }
0x22a: {  	v1 =	vadd.s32 v1, v4;
	v5 =	vshll.u32 v4, $0x6;
	v3 =	vxor.u32 v2, v3  }
0x22b: {  	v4 =	vor.u32 v7, v5;
	v5 =	vshrl.u32 v3, $0x1A;
	v6 =	vshll.u32 v3, $0x6  }
0x22c: {  	v4 =	vxor.u32 v1, v4;
	v2 =	vadd.s32 v2, v3;
	v3 =	vor.u32 v5, v6  }
0x22d: {  	v1 =	vadd.s32 $0xB03, v1;
	v4 =	vadd.s32 $0x332, v4;
	v3 =	vxor.u32 v2, v3  }
0x22e: {  	v1 =	vxor.u32 v1, v4;
	v2 =	vadd.s32 $0xB03, v2;
	v3 =	vadd.s32 $0x332, v3  }
0x22f: {  	v1 =	vand.u32 $0xFFF, v1;
	v2 =	vxor.u32 v2, v3  }
0x230: {  	s8 =	sshra.s32 s8, $0x2;
	v1 =	vor.u32 v0, v1;
	v2 =	vand.u32 $0xFFF, v2  }
0x231: {  	s7 =	sshra.s32 s7, $0x2;
	[tilespmem:s8+$0x80] =	vst v1;
	v1 =	vor.u32 v0, v2  }
0x232: {  	[tilespmem:s7+$0x80] =	vst v1  }
0x233: {  	v1 =	vld [tilespmem:$0x80];
	_ =	sdelay $0x4  }
0x234: {  	v2 =	vshll.u32 v1, $0x4  }
0x235: {  	v1 =	vand.u32 $0x7, v1;
	v2 =	vand.u32 $0xFFFFFF80, v2  }
0x236: {  	v17 =	vimm.s32 $0x0;
	v14 =	vlaneseq.u32;
	v19 =	vor.u32 v1, v2  }
0x237: {  	v1 =	vmul.u32 $0x8, v14;
	v2 =	vperm.xlane v19, v17  }
0x238: {  	v18 =	vimm.s32 $0x1  }
0x239: {  	v3 =	vperm.xlane v19, v18;
	v2 =	vadd.s32 v1, v2  }
0x23a: {  	v15 =	vimm.s32 $0x2;
	s8 =	sshrl.u32 s4, $0x7  }
0x23b: {  	s7 =	sor.u32 $0x1, s8;
	v4 =	vperm.xlane v19, v15;
	v3 =	vadd.s32 v1, v3  }
0x23c: {  	v16 =	vimm.s32 $0x3;
	s9 =	sshll.u32 s7, $0x7  }
0x23d: {  	s11 =	simm.s32 $0x4200;
	s10 =	sadd.s32 s5, s9;
	s9 =	simm.s32 $0x0;
	v5 =	vperm.xlane v19, v16;
	v4 =	vadd.s32 v1, v4  }
0x23e: {  	v12 =	vimm.s32 $0x4;
	[tilespmem:s11], [sflag:$0x1] =	stream.indirect_vreg.gather [hbm4b:s10+s9], $0x80, v2, vm0, $0xb8;
	[tilespmem:$0x10400] =	vst v63  }
0x23f: {  	s18 =	simm.s32 $0x4280;
	v2 =	vadd.s32 v1, v5;
	v5 =	vperm.xlane v19, v12  }
0x240: {  	v10 =	vimm.s32 $0x5;
	[tilespmem:s18], [sflag:$0x1] =	stream.indirect_vreg.gather [hbm4b:s10+s9], $0x80, v3, vm0, $0xb8;
	[tilespmem:$0x10400] =	vst v63  }
0x241: {  	s19 =	simm.s32 $0x4300;
	v3 =	vadd.s32 v1, v5;
	v5 =	vperm.xlane v19, v10  }
0x242: {  	v13 =	vimm.s32 $0x6;
	[tilespmem:s19], [sflag:$0x1] =	stream.indirect_vreg.gather [hbm4b:s10+s9], $0x80, v4, vm0, $0xb8;
	[tilespmem:$0x10400] =	vst v63  }
0x243: {  	s20 =	simm.s32 $0x4380;
	v4 =	vadd.s32 v1, v5;
	v5 =	vperm.xlane v19, v13  }
0x244: {  	v8 =	vimm.s32 $0x7;
	[tilespmem:s20], [sflag:$0x1] =	stream.indirect_vreg.gather [hbm4b:s10+s9], $0x80, v2, vm0, $0xb8;
	[tilespmem:$0x10400] =	vst v63  }
0x245: {  	s21 =	simm.s32 $0x4400;
	v2 =	vadd.s32 v1, v5;
	v5 =	vperm.xlane v19, v8  }
0x246: {  	v11 =	vimm.s32 $0x8;
	[tilespmem:s21], [sflag:$0x1] =	stream.indirect_vreg.gather [hbm4b:s10+s9], $0x80, v3, vm0, $0xb8;
	[tilespmem:$0x10400] =	vst v63  }
0x247: {  	s22 =	simm.s32 $0x4480;
	v3 =	vadd.s32 v1, v5;
	v5 =	vperm.xlane v19, v11  }
0x248: {  	v6 =	vimm.s32 $0x9;
	[tilespmem:s22], [sflag:$0x1] =	stream.indirect_vreg.gather [hbm4b:s10+s9], $0x80, v4, vm0, $0xb8;
	[tilespmem:$0x10400] =	vst v63  }
0x249: {  	s23 =	simm.s32 $0x4500;
	v4 =	vadd.s32 v1, v5;
	v5 =	vperm.xlane v19, v6  }
0x24a: {  	v9 =	vimm.s32 $0xA;
	[tilespmem:s23], [sflag:$0x1] =	stream.indirect_vreg.gather [hbm4b:s10+s9], $0x80, v2, vm0, $0xb8;
	[tilespmem:$0x10400] =	vst v63  }
0x24b: {  	s24 =	simm.s32 $0x4580;
	v2 =	vadd.s32 v1, v5;
	v5 =	vperm.xlane v19, v9  }
0x24c: {  	[tilespmem:s24], [sflag:$0x1] =	stream.indirect_vreg.gather [hbm4b:s10+s9], $0x80, v3, vm0, $0xb8;
	v3 =	vimm.s32 $0xB;
	[tilespmem:$0x10400] =	vst v63  }
0x24d: {  	s25 =	simm.s32 $0x4600;
	v5 =	vadd.s32 v1, v5;
	v20 =	vperm.xlane v19, v3  }
0x24e: {  	v7 =	vimm.s32 $0xC;
	[tilespmem:s25], [sflag:$0x1] =	stream.indirect_vreg.gather [hbm4b:s10+s9], $0x80, v4, vm0, $0xb8;
	[tilespmem:$0x10400] =	vst v63  }
0x24f: {  	s26 =	simm.s32 $0x4680;
	v4 =	vperm.xlane v19, v7;
	v20 =	vadd.s32 v1, v20  }
0x250: {  	[tilespmem:s26], [sflag:$0x1] =	stream.indirect_vreg.gather [hbm4b:s10+s9], $0x80, v2, vm0, $0xb8;
	v2 =	vimm.s32 $0xD;
	[tilespmem:$0x10400] =	vst v63  }
0x251: {  	s28 =	simm.s32 $0x4700;
	v21 =	vadd.s32 v1, v4;
	v22 =	vperm.xlane v19, v2  }
0x252: {  	v4 =	vimm.s32 $0xE;
	[tilespmem:s28], [sflag:$0x1] =	stream.indirect_vreg.gather [hbm4b:s10+s9], $0x80, v5, vm0, $0xb8;
	[tilespmem:$0x10400] =	vst v63  }
0x253: {  	s29 =	simm.s32 $0x4780;
	v23 =	vperm.xlane v19, v4;
	v22 =	vadd.s32 v1, v22  }
0x254: {  	v5 =	vimm.s32 $0xF;
	[tilespmem:s29], [sflag:$0x1] =	stream.indirect_vreg.gather [hbm4b:s10+s9], $0x80, v20, vm0, $0xb8;
	[tilespmem:$0x10400] =	vst v63  }
0x255: {  	s30 =	simm.s32 $0x4800;
	v40 =	vadd.s32 v1, v23;
	v19 =	vperm.xlane v19, v5  }
0x256: {  	[tilespmem:s30], [sflag:$0x1] =	stream.indirect_vreg.gather [hbm4b:s10+s9], $0x80, v21, vm0, $0xb8;
	[tilespmem:$0x10400] =	vst v63  }
0x257: {  	s31 =	simm.s32 $0x4880;
	v19 =	vadd.s32 v1, v19  }
0x258: {  	[tilespmem:s31], [sflag:$0x1] =	stream.indirect_vreg.gather [hbm4b:s10+s9], $0x80, v22, vm0, $0xb8;
	[tilespmem:$0x10400] =	vst v63  }
0x259: {  	s12 =	simm.s32 $0x4900  }
0x25a: {  	[tilespmem:s12], [sflag:$0x1] =	stream.indirect_vreg.gather [hbm4b:s10+s9], $0x80, v40, vm0, $0xb8;
	[tilespmem:$0x10400] =	vst v63  }
0x25b: {  	s13 =	simm.s32 $0x4980  }
0x25c: {  	[tilespmem:s13], [sflag:$0x1] =	stream.indirect_vreg.gather [hbm4b:s10+s9], $0x80, v19, vm0, $0xb8;
	[tilespmem:$0x10400] =	vst v63  }
0x25d: {  	v19 =	vld [tilespmem:$0x90];
	_ =	sdelay $0x4  }
0x25e: {  	v41 =	vshll.u32 v19, $0x4  }
0x25f: {  	v19 =	vand.u32 $0x7, v19;
	v20 =	vand.u32 $0xFFFFFF80, v41  }
0x260: {  	v19 =	vor.u32 v19, v20  }
0x261: {  	v20 =	vperm.xlane v19, v17;
	_ =	sdelay $0x1  }
0x262: {  	v42 =	vperm.xlane v19, v18;
	v20 =	vadd.s32 v1, v20;
	_ =	sdelay $0x1  }
0x263: {  	v43 =	vperm.xlane v19, v15;
	v21 =	vadd.s32 v1, v42;
	_ =	sdelay $0x1  }
0x264: {  	s14 =	simm.s32 $0x4A00;
	v44 =	vperm.xlane v19, v16;
	v22 =	vadd.s32 v1, v43  }
0x265: {  	[tilespmem:s14], [sflag:$0x1] =	stream.indirect_vreg.gather [hbm4b:s10+s9], $0x80, v20, vm0, $0xb8;
	[tilespmem:$0x10400] =	vst v63  }
0x266: {  	s15 =	simm.s32 $0x4A80;
	v46 =	vperm.xlane v19, v12;
	v45 =	vadd.s32 v1, v44  }
0x267: {  	[tilespmem:s15], [sflag:$0x1] =	stream.indirect_vreg.gather [hbm4b:s10+s9], $0x80, v21, vm0, $0xb8;
	[tilespmem:$0x10400] =	vst v63  }
0x268: {  	s16 =	simm.s32 $0x4B00;
	v48 =	vperm.xlane v19, v10;
	v47 =	vadd.s32 v1, v46  }
0x269: {  	[tilespmem:s16], [sflag:$0x1] =	stream.indirect_vreg.gather [hbm4b:s10+s9], $0x80, v22, vm0, $0xb8;
	[tilespmem:$0x10400] =	vst v63  }
0x26a: {  	s17 =	simm.s32 $0x4B80;
	v50 =	vperm.xlane v19, v13;
	v49 =	vadd.s32 v1, v48  }
0x26b: {  	[tilespmem:s17], [sflag:$0x1] =	stream.indirect_vreg.gather [hbm4b:s10+s9], $0x80, v45, vm0, $0xb8;
	[tilespmem:$0x10400] =	vst v63  }
0x26c: {  	s18 =	simm.s32 $0x4C00;
	v52 =	vperm.xlane v19, v8;
	v51 =	vadd.s32 v1, v50  }
0x26d: {  	[tilespmem:s18], [sflag:$0x1] =	stream.indirect_vreg.gather [hbm4b:s10+s9], $0x80, v47, vm0, $0xb8;
	[tilespmem:$0x10400] =	vst v63  }
0x26e: {  	s19 =	simm.s32 $0x4C80;
	v54 =	vperm.xlane v19, v11;
	v53 =	vadd.s32 v1, v52  }
0x26f: {  	[tilespmem:s19], [sflag:$0x1] =	stream.indirect_vreg.gather [hbm4b:s10+s9], $0x80, v49, vm0, $0xb8;
	[tilespmem:$0x10400] =	vst v63  }
0x270: {  	s20 =	simm.s32 $0x4D00;
	v56 =	vperm.xlane v19, v6;
	v55 =	vadd.s32 v1, v54  }
0x271: {  	[tilespmem:s20], [sflag:$0x1] =	stream.indirect_vreg.gather [hbm4b:s10+s9], $0x80, v51, vm0, $0xb8;
	[tilespmem:$0x10400] =	vst v63  }
0x272: {  	s21 =	simm.s32 $0x4D80;
	v58 =	vperm.xlane v19, v9;
	v57 =	vadd.s32 v1, v56  }
0x273: {  	[tilespmem:s21], [sflag:$0x1] =	stream.indirect_vreg.gather [hbm4b:s10+s9], $0x80, v53, vm0, $0xb8;
	[tilespmem:$0x10400] =	vst v63  }
0x274: {  	s22 =	simm.s32 $0x4E00;
	v60 =	vperm.xlane v19, v3;
	v59 =	vadd.s32 v1, v58  }
0x275: {  	[tilespmem:s22], [sflag:$0x1] =	stream.indirect_vreg.gather [hbm4b:s10+s9], $0x80, v55, vm0, $0xb8;
	[tilespmem:$0x10400] =	vst v63  }
0x276: {  	s23 =	simm.s32 $0x4E80;
	v62 =	vperm.xlane v19, v7;
	v61 =	vadd.s32 v1, v60  }
0x277: {  	[tilespmem:s23], [sflag:$0x1] =	stream.indirect_vreg.gather [hbm4b:s10+s9], $0x80, v57, vm0, $0xb8;
	[tilespmem:$0x10400] =	vst v63  }
0x278: {  	s24 =	simm.s32 $0x4F00;
	v24 =	vperm.xlane v19, v2;
	v63 =	vadd.s32 v1, v62  }
0x279: {  	[tilespmem:s24], [sflag:$0x1] =	stream.indirect_vreg.gather [hbm4b:s10+s9], $0x80, v59, vm0, $0xb8;
	[tilespmem:$0x10400] =	vst v63  }
0x27a: {  	s25 =	simm.s32 $0x4F80;
	v26 =	vperm.xlane v19, v4;
	v25 =	vadd.s32 v1, v24  }
0x27b: {  	[tilespmem:s25], [sflag:$0x1] =	stream.indirect_vreg.gather [hbm4b:s10+s9], $0x80, v61, vm0, $0xb8;
	[tilespmem:$0x10400] =	vst v63  }
0x27c: {  	s26 =	simm.s32 $0x5000;
	v19 =	vperm.xlane v19, v5;
	v27 =	vadd.s32 v1, v26  }
0x27d: {  	[tilespmem:s26], [sflag:$0x1] =	stream.indirect_vreg.gather [hbm4b:s10+s9], $0x80, v63, vm0, $0xb8;
	[tilespmem:$0x10400] =	vst v63  }
0x27e: {  	s28 =	simm.s32 $0x5080;
	v19 =	vadd.s32 v1, v19  }
0x27f: {  	[tilespmem:s28], [sflag:$0x1] =	stream.indirect_vreg.gather [hbm4b:s10+s9], $0x80, v25, vm0, $0xb8;
	[tilespmem:$0x10400] =	vst v63  }
0x280: {  	s29 =	simm.s32 $0x5100  }
0x281: {  	[tilespmem:s29], [sflag:$0x1] =	stream.indirect_vreg.gather [hbm4b:s10+s9], $0x80, v27, vm0, $0xb8;
	[tilespmem:$0x10400] =	vst v63  }
0x282: {  	s30 =	simm.s32 $0x5180  }
0x283: {  	[tilespmem:s30], [sflag:$0x1] =	stream.indirect_vreg.gather [hbm4b:s10+s9], $0x80, v19, vm0, $0xb8;
	[tilespmem:$0x10400] =	vst v63  }
0x284: {  	v19 =	vld [tilespmem:$0xA0];
	_ =	sdelay $0x4  }
0x285: {  	v28 =	vshll.u32 v19, $0x4  }
0x286: {  	v19 =	vand.u32 $0x7, v19;
	v20 =	vand.u32 $0xFFFFFF80, v28  }
0x287: {  	v19 =	vor.u32 v19, v20  }
0x288: {  	v20 =	vperm.xlane v19, v17;
	_ =	sdelay $0x1  }
0x289: {  	v29 =	vperm.xlane v19, v18;
	v20 =	vadd.s32 v1, v20;
	_ =	sdelay $0x1  }
0x28a: {  	v30 =	vperm.xlane v19, v15;
	v21 =	vadd.s32 v1, v29;
	_ =	sdelay $0x1  }
0x28b: {  	s31 =	simm.s32 $0x5200;
	v31 =	vperm.xlane v19, v16;
	v22 =	vadd.s32 v1, v30  }
0x28c: {  	[tilespmem:s31], [sflag:$0x1] =	stream.indirect_vreg.gather [hbm4b:s10+s9], $0x80, v20, vm0, $0xb8;
	[tilespmem:$0x10400] =	vst v63  }
0x28d: {  	s12 =	simm.s32 $0x5280;
	v33 =	vperm.xlane v19, v12;
	v32 =	vadd.s32 v1, v31  }
0x28e: {  	[tilespmem:s12], [sflag:$0x1] =	stream.indirect_vreg.gather [hbm4b:s10+s9], $0x80, v21, vm0, $0xb8;
	[tilespmem:$0x10400] =	vst v63  }
0x28f: {  	s13 =	simm.s32 $0x5300;
	v35 =	vperm.xlane v19, v10;
	v34 =	vadd.s32 v1, v33  }
0x290: {  	[tilespmem:s13], [sflag:$0x1] =	stream.indirect_vreg.gather [hbm4b:s10+s9], $0x80, v22, vm0, $0xb8;
	[tilespmem:$0x10400] =	vst v63  }
0x291: {  	s14 =	simm.s32 $0x5380;
	v37 =	vperm.xlane v19, v13;
	v36 =	vadd.s32 v1, v35  }
0x292: {  	[tilespmem:s14], [sflag:$0x1] =	stream.indirect_vreg.gather [hbm4b:s10+s9], $0x80, v32, vm0, $0xb8;
	[tilespmem:$0x10400] =	vst v63  }
0x293: {  	s15 =	simm.s32 $0x5400;
	v39 =	vperm.xlane v19, v8;
	v38 =	vadd.s32 v1, v37  }
0x294: {  	[tilespmem:s15], [sflag:$0x1] =	stream.indirect_vreg.gather [hbm4b:s10+s9], $0x80, v34, vm0, $0xb8;
	[tilespmem:$0x10400] =	vst v63  }
0x295: {  	s16 =	simm.s32 $0x5480;
	v41 =	vperm.xlane v19, v11;
	v40 =	vadd.s32 v1, v39  }
0x296: {  	[tilespmem:s16], [sflag:$0x1] =	stream.indirect_vreg.gather [hbm4b:s10+s9], $0x80, v36, vm0, $0xb8;
	[tilespmem:$0x10400] =	vst v63  }
0x297: {  	s17 =	simm.s32 $0x5500;
	v43 =	vperm.xlane v19, v6;
	v42 =	vadd.s32 v1, v41  }
0x298: {  	[tilespmem:s17], [sflag:$0x1] =	stream.indirect_vreg.gather [hbm4b:s10+s9], $0x80, v38, vm0, $0xb8;
	[tilespmem:$0x10400] =	vst v63  }
0x299: {  	s18 =	simm.s32 $0x5580;
	v45 =	vperm.xlane v19, v9;
	v44 =	vadd.s32 v1, v43  }
0x29a: {  	[tilespmem:s18], [sflag:$0x1] =	stream.indirect_vreg.gather [hbm4b:s10+s9], $0x80, v40, vm0, $0xb8;
	[tilespmem:$0x10400] =	vst v63  }
0x29b: {  	s19 =	simm.s32 $0x5600;
	v47 =	vperm.xlane v19, v3;
	v46 =	vadd.s32 v1, v45  }
0x29c: {  	[tilespmem:s19], [sflag:$0x1] =	stream.indirect_vreg.gather [hbm4b:s10+s9], $0x80, v42, vm0, $0xb8;
	[tilespmem:$0x10400] =	vst v63  }
0x29d: {  	s20 =	simm.s32 $0x5680;
	v49 =	vperm.xlane v19, v7;
	v48 =	vadd.s32 v1, v47  }
0x29e: {  	[tilespmem:s20], [sflag:$0x1] =	stream.indirect_vreg.gather [hbm4b:s10+s9], $0x80, v44, vm0, $0xb8;
	[tilespmem:$0x10400] =	vst v63  }
0x29f: {  	s21 =	simm.s32 $0x5700;
	v51 =	vperm.xlane v19, v2;
	v50 =	vadd.s32 v1, v49  }
0x2a0: {  	[tilespmem:s21], [sflag:$0x1] =	stream.indirect_vreg.gather [hbm4b:s10+s9], $0x80, v46, vm0, $0xb8;
	[tilespmem:$0x10400] =	vst v63  }
0x2a1: {  	s22 =	simm.s32 $0x5780;
	v53 =	vperm.xlane v19, v4;
	v52 =	vadd.s32 v1, v51  }
0x2a2: {  	[tilespmem:s22], [sflag:$0x1] =	stream.indirect_vreg.gather [hbm4b:s10+s9], $0x80, v48, vm0, $0xb8;
	[tilespmem:$0x10400] =	vst v63  }
0x2a3: {  	s23 =	simm.s32 $0x5800;
	v19 =	vperm.xlane v19, v5;
	v54 =	vadd.s32 v1, v53  }
0x2a4: {  	[tilespmem:s23], [sflag:$0x1] =	stream.indirect_vreg.gather [hbm4b:s10+s9], $0x80, v50, vm0, $0xb8;
	[tilespmem:$0x10400] =	vst v63  }
0x2a5: {  	s24 =	simm.s32 $0x5880;
	v19 =	vadd.s32 v1, v19  }
0x2a6: {  	[tilespmem:s24], [sflag:$0x1] =	stream.indirect_vreg.gather [hbm4b:s10+s9], $0x80, v52, vm0, $0xb8;
	[tilespmem:$0x10400] =	vst v63  }
0x2a7: {  	s25 =	simm.s32 $0x5900  }
0x2a8: {  	[tilespmem:s25], [sflag:$0x1] =	stream.indirect_vreg.gather [hbm4b:s10+s9], $0x80, v54, vm0, $0xb8;
	[tilespmem:$0x10400] =	vst v63  }
0x2a9: {  	s26 =	simm.s32 $0x5980  }
0x2aa: {  	[tilespmem:s26], [sflag:$0x1] =	stream.indirect_vreg.gather [hbm4b:s10+s9], $0x80, v19, vm0, $0xb8;
	[tilespmem:$0x10400] =	vst v63  }
0x2ab: {  	v19 =	vld [tilespmem:$0xB0];
	_ =	sdelay $0x4  }
0x2ac: {  	v55 =	vshll.u32 v19, $0x4  }
0x2ad: {  	v19 =	vand.u32 $0x7, v19;
	v20 =	vand.u32 $0xFFFFFF80, v55  }
0x2ae: {  	v19 =	vor.u32 v19, v20  }
0x2af: {  	v20 =	vperm.xlane v19, v17;
	_ =	sdelay $0x1  }
0x2b0: {  	v56 =	vperm.xlane v19, v18;
	v20 =	vadd.s32 v1, v20;
	_ =	sdelay $0x1  }
0x2b1: {  	v57 =	vperm.xlane v19, v15;
	v21 =	vadd.s32 v1, v56;
	_ =	sdelay $0x1  }
0x2b2: {  	s28 =	simm.s32 $0x5A00;
	v58 =	vperm.xlane v19, v16;
	v22 =	vadd.s32 v1, v57  }
0x2b3: {  	[tilespmem:s28], [sflag:$0x1] =	stream.indirect_vreg.gather [hbm4b:s10+s9], $0x80, v20, vm0, $0xb8;
	[tilespmem:$0x10400] =	vst v63  }
0x2b4: {  	s29 =	simm.s32 $0x5A80;
	v60 =	vperm.xlane v19, v12;
	v59 =	vadd.s32 v1, v58  }
0x2b5: {  	[tilespmem:s29], [sflag:$0x1] =	stream.indirect_vreg.gather [hbm4b:s10+s9], $0x80, v21, vm0, $0xb8;
	[tilespmem:$0x10400] =	vst v63  }
0x2b6: {  	s30 =	simm.s32 $0x5B00;
	v62 =	vperm.xlane v19, v10;
	v61 =	vadd.s32 v1, v60  }
0x2b7: {  	[tilespmem:s30], [sflag:$0x1] =	stream.indirect_vreg.gather [hbm4b:s10+s9], $0x80, v22, vm0, $0xb8;
	[tilespmem:$0x10400] =	vst v63  }
0x2b8: {  	s31 =	simm.s32 $0x5B80;
	v24 =	vperm.xlane v19, v13;
	v63 =	vadd.s32 v1, v62  }
0x2b9: {  	[tilespmem:s31], [sflag:$0x1] =	stream.indirect_vreg.gather [hbm4b:s10+s9], $0x80, v59, vm0, $0xb8;
	[tilespmem:$0x10400] =	vst v63  }
0x2ba: {  	s12 =	simm.s32 $0x5C00;
	v26 =	vperm.xlane v19, v8;
	v25 =	vadd.s32 v1, v24  }
0x2bb: {  	[tilespmem:s12], [sflag:$0x1] =	stream.indirect_vreg.gather [hbm4b:s10+s9], $0x80, v61, vm0, $0xb8;
	[tilespmem:$0x10400] =	vst v63  }
0x2bc: {  	s13 =	simm.s32 $0x5C80;
	v28 =	vperm.xlane v19, v11;
	v27 =	vadd.s32 v1, v26  }
0x2bd: {  	[tilespmem:s13], [sflag:$0x1] =	stream.indirect_vreg.gather [hbm4b:s10+s9], $0x80, v63, vm0, $0xb8;
	[tilespmem:$0x10400] =	vst v63  }
0x2be: {  	s14 =	simm.s32 $0x5D00;
	v30 =	vperm.xlane v19, v6;
	v29 =	vadd.s32 v1, v28  }
0x2bf: {  	[tilespmem:s14], [sflag:$0x1] =	stream.indirect_vreg.gather [hbm4b:s10+s9], $0x80, v25, vm0, $0xb8;
	[tilespmem:$0x10400] =	vst v63  }
0x2c0: {  	s15 =	simm.s32 $0x5D80;
	v32 =	vperm.xlane v19, v9;
	v31 =	vadd.s32 v1, v30  }
0x2c1: {  	[tilespmem:s15], [sflag:$0x1] =	stream.indirect_vreg.gather [hbm4b:s10+s9], $0x80, v27, vm0, $0xb8;
	[tilespmem:$0x10400] =	vst v63  }
0x2c2: {  	s16 =	simm.s32 $0x5E00;
	v34 =	vperm.xlane v19, v3;
	v33 =	vadd.s32 v1, v32  }
0x2c3: {  	[tilespmem:s16], [sflag:$0x1] =	stream.indirect_vreg.gather [hbm4b:s10+s9], $0x80, v29, vm0, $0xb8;
	[tilespmem:$0x10400] =	vst v63  }
0x2c4: {  	s17 =	simm.s32 $0x5E80;
	v36 =	vperm.xlane v19, v7;
	v35 =	vadd.s32 v1, v34  }
0x2c5: {  	[tilespmem:s17], [sflag:$0x1] =	stream.indirect_vreg.gather [hbm4b:s10+s9], $0x80, v31, vm0, $0xb8;
	[tilespmem:$0x10400] =	vst v63  }
0x2c6: {  	s18 =	simm.s32 $0x5F00;
	v38 =	vperm.xlane v19, v2;
	v37 =	vadd.s32 v1, v36  }
0x2c7: {  	[tilespmem:s18], [sflag:$0x1] =	stream.indirect_vreg.gather [hbm4b:s10+s9], $0x80, v33, vm0, $0xb8;
	[tilespmem:$0x10400] =	vst v63  }
0x2c8: {  	s19 =	simm.s32 $0x5F80;
	v40 =	vperm.xlane v19, v4;
	v39 =	vadd.s32 v1, v38  }
0x2c9: {  	[tilespmem:s19], [sflag:$0x1] =	stream.indirect_vreg.gather [hbm4b:s10+s9], $0x80, v35, vm0, $0xb8;
	[tilespmem:$0x10400] =	vst v63  }
0x2ca: {  	s20 =	simm.s32 $0x6000;
	v19 =	vperm.xlane v19, v5;
	v41 =	vadd.s32 v1, v40  }
0x2cb: {  	[tilespmem:s20], [sflag:$0x1] =	stream.indirect_vreg.gather [hbm4b:s10+s9], $0x80, v37, vm0, $0xb8;
	[tilespmem:$0x10400] =	vst v63  }
0x2cc: {  	s21 =	simm.s32 $0x6080;
	v19 =	vadd.s32 v1, v19  }
0x2cd: {  	[tilespmem:s21], [sflag:$0x1] =	stream.indirect_vreg.gather [hbm4b:s10+s9], $0x80, v39, vm0, $0xb8;
	[tilespmem:$0x10400] =	vst v63  }
0x2ce: {  	s22 =	simm.s32 $0x6100  }
0x2cf: {  	[tilespmem:s22], [sflag:$0x1] =	stream.indirect_vreg.gather [hbm4b:s10+s9], $0x80, v41, vm0, $0xb8;
	[tilespmem:$0x10400] =	vst v63  }
0x2d0: {  	s23 =	simm.s32 $0x6180  }
0x2d1: {  	[tilespmem:s23], [sflag:$0x1] =	stream.indirect_vreg.gather [hbm4b:s10+s9], $0x80, v19, vm0, $0xb8;
	[tilespmem:$0x10400] =	vst v63  }
0x2d2: {  	v19 =	vld [tilespmem:$0xC0];
	_ =	sdelay $0x4  }
0x2d3: {  	v42 =	vshll.u32 v19, $0x4  }
0x2d4: {  	v19 =	vand.u32 $0x7, v19;
	v20 =	vand.u32 $0xFFFFFF80, v42  }
0x2d5: {  	v19 =	vor.u32 v19, v20  }
0x2d6: {  	v20 =	vperm.xlane v19, v17;
	_ =	sdelay $0x1  }
0x2d7: {  	v43 =	vperm.xlane v19, v18;
	v20 =	vadd.s32 v1, v20;
	_ =	sdelay $0x1  }
0x2d8: {  	v44 =	vperm.xlane v19, v15;
	v21 =	vadd.s32 v1, v43;
	_ =	sdelay $0x1  }
0x2d9: {  	s24 =	simm.s32 $0x6200;
	v45 =	vperm.xlane v19, v16;
	v22 =	vadd.s32 v1, v44  }
0x2da: {  	[tilespmem:s24], [sflag:$0x1] =	stream.indirect_vreg.gather [hbm4b:s10+s9], $0x80, v20, vm0, $0xb8;
	[tilespmem:$0x10400] =	vst v63  }
0x2db: {  	s25 =	simm.s32 $0x6280;
	v47 =	vperm.xlane v19, v12;
	v46 =	vadd.s32 v1, v45  }
0x2dc: {  	[tilespmem:s25], [sflag:$0x1] =	stream.indirect_vreg.gather [hbm4b:s10+s9], $0x80, v21, vm0, $0xb8;
	[tilespmem:$0x10400] =	vst v63  }
0x2dd: {  	s26 =	simm.s32 $0x6300;
	v49 =	vperm.xlane v19, v10;
	v48 =	vadd.s32 v1, v47  }
0x2de: {  	[tilespmem:s26], [sflag:$0x1] =	stream.indirect_vreg.gather [hbm4b:s10+s9], $0x80, v22, vm0, $0xb8;
	[tilespmem:$0x10400] =	vst v63  }
0x2df: {  	s28 =	simm.s32 $0x6380;
	v51 =	vperm.xlane v19, v13;
	v50 =	vadd.s32 v1, v49  }
0x2e0: {  	[tilespmem:s28], [sflag:$0x1] =	stream.indirect_vreg.gather [hbm4b:s10+s9], $0x80, v46, vm0, $0xb8;
	[tilespmem:$0x10400] =	vst v63  }
0x2e1: {  	s29 =	simm.s32 $0x6400;
	v53 =	vperm.xlane v19, v8;
	v52 =	vadd.s32 v1, v51  }
0x2e2: {  	[tilespmem:s29], [sflag:$0x1] =	stream.indirect_vreg.gather [hbm4b:s10+s9], $0x80, v48, vm0, $0xb8;
	[tilespmem:$0x10400] =	vst v63  }
0x2e3: {  	s30 =	simm.s32 $0x6480;
	v55 =	vperm.xlane v19, v11;
	v54 =	vadd.s32 v1, v53  }
0x2e4: {  	[tilespmem:s30], [sflag:$0x1] =	stream.indirect_vreg.gather [hbm4b:s10+s9], $0x80, v50, vm0, $0xb8;
	[tilespmem:$0x10400] =	vst v63  }
0x2e5: {  	s31 =	simm.s32 $0x6500;
	v57 =	vperm.xlane v19, v6;
	v56 =	vadd.s32 v1, v55  }
0x2e6: {  	[tilespmem:s31], [sflag:$0x1] =	stream.indirect_vreg.gather [hbm4b:s10+s9], $0x80, v52, vm0, $0xb8;
	[tilespmem:$0x10400] =	vst v63  }
0x2e7: {  	s12 =	simm.s32 $0x6580;
	v59 =	vperm.xlane v19, v9;
	v58 =	vadd.s32 v1, v57  }
0x2e8: {  	[tilespmem:s12], [sflag:$0x1] =	stream.indirect_vreg.gather [hbm4b:s10+s9], $0x80, v54, vm0, $0xb8;
	[tilespmem:$0x10400] =	vst v63  }
0x2e9: {  	s13 =	simm.s32 $0x6600;
	v61 =	vperm.xlane v19, v3;
	v60 =	vadd.s32 v1, v59  }
0x2ea: {  	[tilespmem:s13], [sflag:$0x1] =	stream.indirect_vreg.gather [hbm4b:s10+s9], $0x80, v56, vm0, $0xb8;
	[tilespmem:$0x10400] =	vst v63  }
0x2eb: {  	s14 =	simm.s32 $0x6680;
	v63 =	vperm.xlane v19, v7;
	v62 =	vadd.s32 v1, v61  }
0x2ec: {  	[tilespmem:s14], [sflag:$0x1] =	stream.indirect_vreg.gather [hbm4b:s10+s9], $0x80, v58, vm0, $0xb8;
	[tilespmem:$0x10400] =	vst v63  }
0x2ed: {  	s15 =	simm.s32 $0x6700;
	v25 =	vperm.xlane v19, v2;
	v24 =	vadd.s32 v1, v63  }
0x2ee: {  	[tilespmem:s15], [sflag:$0x1] =	stream.indirect_vreg.gather [hbm4b:s10+s9], $0x80, v60, vm0, $0xb8;
	[tilespmem:$0x10400] =	vst v63  }
0x2ef: {  	s16 =	simm.s32 $0x6780;
	v27 =	vperm.xlane v19, v4;
	v26 =	vadd.s32 v1, v25  }
0x2f0: {  	[tilespmem:s16], [sflag:$0x1] =	stream.indirect_vreg.gather [hbm4b:s10+s9], $0x80, v62, vm0, $0xb8;
	[tilespmem:$0x10400] =	vst v63  }
0x2f1: {  	s17 =	simm.s32 $0x6800;
	v19 =	vperm.xlane v19, v5;
	v28 =	vadd.s32 v1, v27  }
0x2f2: {  	[tilespmem:s17], [sflag:$0x1] =	stream.indirect_vreg.gather [hbm4b:s10+s9], $0x80, v24, vm0, $0xb8;
	[tilespmem:$0x10400] =	vst v63  }
0x2f3: {  	s18 =	simm.s32 $0x6880;
	v19 =	vadd.s32 v1, v19  }
0x2f4: {  	[tilespmem:s18], [sflag:$0x1] =	stream.indirect_vreg.gather [hbm4b:s10+s9], $0x80, v26, vm0, $0xb8;
	[tilespmem:$0x10400] =	vst v63  }
0x2f5: {  	s19 =	simm.s32 $0x6900  }
0x2f6: {  	[tilespmem:s19], [sflag:$0x1] =	stream.indirect_vreg.gather [hbm4b:s10+s9], $0x80, v28, vm0, $0xb8;
	[tilespmem:$0x10400] =	vst v63  }
0x2f7: {  	s20 =	simm.s32 $0x6980  }
0x2f8: {  	[tilespmem:s20], [sflag:$0x1] =	stream.indirect_vreg.gather [hbm4b:s10+s9], $0x80, v19, vm0, $0xb8;
	[tilespmem:$0x10400] =	vst v63  }
0x2f9: {  	v19 =	vld [tilespmem:$0xD0];
	_ =	sdelay $0x4  }
0x2fa: {  	v29 =	vshll.u32 v19, $0x4  }
0x2fb: {  	v19 =	vand.u32 $0x7, v19;
	v20 =	vand.u32 $0xFFFFFF80, v29  }
0x2fc: {  	v19 =	vor.u32 v19, v20  }
0x2fd: {  	v20 =	vperm.xlane v19, v17;
	_ =	sdelay $0x1  }
0x2fe: {  	v30 =	vperm.xlane v19, v18;
	v20 =	vadd.s32 v1, v20;
	_ =	sdelay $0x1  }
0x2ff: {  	v31 =	vperm.xlane v19, v15;
	v21 =	vadd.s32 v1, v30;
	_ =	sdelay $0x1  }
0x300: {  	s21 =	simm.s32 $0x6A00;
	v32 =	vperm.xlane v19, v16;
	v22 =	vadd.s32 v1, v31  }
0x301: {  	[tilespmem:s21], [sflag:$0x1] =	stream.indirect_vreg.gather [hbm4b:s10+s9], $0x80, v20, vm0, $0xb8;
	[tilespmem:$0x10400] =	vst v63  }
0x302: {  	s22 =	simm.s32 $0x6A80;
	v34 =	vperm.xlane v19, v12;
	v33 =	vadd.s32 v1, v32  }
0x303: {  	[tilespmem:s22], [sflag:$0x1] =	stream.indirect_vreg.gather [hbm4b:s10+s9], $0x80, v21, vm0, $0xb8;
	[tilespmem:$0x10400] =	vst v63  }
0x304: {  	s23 =	simm.s32 $0x6B00;
	v36 =	vperm.xlane v19, v10;
	v35 =	vadd.s32 v1, v34  }
0x305: {  	[tilespmem:s23], [sflag:$0x1] =	stream.indirect_vreg.gather [hbm4b:s10+s9], $0x80, v22, vm0, $0xb8;
	[tilespmem:$0x10400] =	vst v63  }
0x306: {  	s24 =	simm.s32 $0x6B80;
	v38 =	vperm.xlane v19, v13;
	v37 =	vadd.s32 v1, v36  }
0x307: {  	[tilespmem:s24], [sflag:$0x1] =	stream.indirect_vreg.gather [hbm4b:s10+s9], $0x80, v33, vm0, $0xb8;
	[tilespmem:$0x10400] =	vst v63  }
0x308: {  	s25 =	simm.s32 $0x6C00;
	v40 =	vperm.xlane v19, v8;
	v39 =	vadd.s32 v1, v38  }
0x309: {  	[tilespmem:s25], [sflag:$0x1] =	stream.indirect_vreg.gather [hbm4b:s10+s9], $0x80, v35, vm0, $0xb8;
	[tilespmem:$0x10400] =	vst v63  }
0x30a: {  	s26 =	simm.s32 $0x6C80;
	v42 =	vperm.xlane v19, v11;
	v41 =	vadd.s32 v1, v40  }
0x30b: {  	[tilespmem:s26], [sflag:$0x1] =	stream.indirect_vreg.gather [hbm4b:s10+s9], $0x80, v37, vm0, $0xb8;
	[tilespmem:$0x10400] =	vst v63  }
0x30c: {  	s28 =	simm.s32 $0x6D00;
	v44 =	vperm.xlane v19, v6;
	v43 =	vadd.s32 v1, v42  }
0x30d: {  	[tilespmem:s28], [sflag:$0x1] =	stream.indirect_vreg.gather [hbm4b:s10+s9], $0x80, v39, vm0, $0xb8;
	[tilespmem:$0x10400] =	vst v63  }
0x30e: {  	s29 =	simm.s32 $0x6D80;
	v46 =	vperm.xlane v19, v9;
	v45 =	vadd.s32 v1, v44  }
0x30f: {  	[tilespmem:s29], [sflag:$0x1] =	stream.indirect_vreg.gather [hbm4b:s10+s9], $0x80, v41, vm0, $0xb8;
	[tilespmem:$0x10400] =	vst v63  }
0x310: {  	s30 =	simm.s32 $0x6E00;
	v48 =	vperm.xlane v19, v3;
	v47 =	vadd.s32 v1, v46  }
0x311: {  	[tilespmem:s30], [sflag:$0x1] =	stream.indirect_vreg.gather [hbm4b:s10+s9], $0x80, v43, vm0, $0xb8;
	[tilespmem:$0x10400] =	vst v63  }
0x312: {  	s31 =	simm.s32 $0x6E80;
	v50 =	vperm.xlane v19, v7;
	v49 =	vadd.s32 v1, v48  }
0x313: {  	[tilespmem:s31], [sflag:$0x1] =	stream.indirect_vreg.gather [hbm4b:s10+s9], $0x80, v45, vm0, $0xb8;
	[tilespmem:$0x10400] =	vst v63  }
0x314: {  	s12 =	simm.s32 $0x6F00;
	v52 =	vperm.xlane v19, v2;
	v51 =	vadd.s32 v1, v50  }
0x315: {  	[tilespmem:s12], [sflag:$0x1] =	stream.indirect_vreg.gather [hbm4b:s10+s9], $0x80, v47, vm0, $0xb8;
	[tilespmem:$0x10400] =	vst v63  }
0x316: {  	s13 =	simm.s32 $0x6F80;
	v54 =	vperm.xlane v19, v4;
	v53 =	vadd.s32 v1, v52  }
0x317: {  	[tilespmem:s13], [sflag:$0x1] =	stream.indirect_vreg.gather [hbm4b:s10+s9], $0x80, v49, vm0, $0xb8;
	[tilespmem:$0x10400] =	vst v63  }
0x318: {  	s14 =	simm.s32 $0x7000;
	v19 =	vperm.xlane v19, v5;
	v55 =	vadd.s32 v1, v54  }
0x319: {  	[tilespmem:s14], [sflag:$0x1] =	stream.indirect_vreg.gather [hbm4b:s10+s9], $0x80, v51, vm0, $0xb8;
	[tilespmem:$0x10400] =	vst v63  }
0x31a: {  	s15 =	simm.s32 $0x7080;
	v19 =	vadd.s32 v1, v19  }
0x31b: {  	[tilespmem:s15], [sflag:$0x1] =	stream.indirect_vreg.gather [hbm4b:s10+s9], $0x80, v53, vm0, $0xb8;
	[tilespmem:$0x10400] =	vst v63  }
0x31c: {  	s16 =	simm.s32 $0x7100  }
0x31d: {  	[tilespmem:s16], [sflag:$0x1] =	stream.indirect_vreg.gather [hbm4b:s10+s9], $0x80, v55, vm0, $0xb8;
	[tilespmem:$0x10400] =	vst v63  }
0x31e: {  	s17 =	simm.s32 $0x7180  }
0x31f: {  	[tilespmem:s17], [sflag:$0x1] =	stream.indirect_vreg.gather [hbm4b:s10+s9], $0x80, v19, vm0, $0xb8;
	[tilespmem:$0x10400] =	vst v63  }
0x320: {  	v19 =	vld [tilespmem:$0xE0];
	_ =	sdelay $0x4  }
0x321: {  	v56 =	vshll.u32 v19, $0x4  }
0x322: {  	v19 =	vand.u32 $0x7, v19;
	v20 =	vand.u32 $0xFFFFFF80, v56  }
0x323: {  	v19 =	vor.u32 v19, v20  }
0x324: {  	v20 =	vperm.xlane v19, v17;
	_ =	sdelay $0x1  }
0x325: {  	v57 =	vperm.xlane v19, v18;
	v20 =	vadd.s32 v1, v20;
	_ =	sdelay $0x1  }
0x326: {  	v58 =	vperm.xlane v19, v15;
	v21 =	vadd.s32 v1, v57;
	_ =	sdelay $0x1  }
0x327: {  	s18 =	simm.s32 $0x7200;
	v59 =	vperm.xlane v19, v16;
	v22 =	vadd.s32 v1, v58  }
0x328: {  	[tilespmem:s18], [sflag:$0x1] =	stream.indirect_vreg.gather [hbm4b:s10+s9], $0x80, v20, vm0, $0xb8;
	[tilespmem:$0x10400] =	vst v63  }
0x329: {  	s19 =	simm.s32 $0x7280;
	v61 =	vperm.xlane v19, v12;
	v60 =	vadd.s32 v1, v59  }
0x32a: {  	[tilespmem:s19], [sflag:$0x1] =	stream.indirect_vreg.gather [hbm4b:s10+s9], $0x80, v21, vm0, $0xb8;
	[tilespmem:$0x10400] =	vst v63  }
0x32b: {  	s20 =	simm.s32 $0x7300;
	v63 =	vperm.xlane v19, v10;
	v62 =	vadd.s32 v1, v61  }
0x32c: {  	[tilespmem:s20], [sflag:$0x1] =	stream.indirect_vreg.gather [hbm4b:s10+s9], $0x80, v22, vm0, $0xb8;
	[tilespmem:$0x10400] =	vst v63  }
0x32d: {  	s21 =	simm.s32 $0x7380;
	v25 =	vperm.xlane v19, v13;
	v24 =	vadd.s32 v1, v63  }
0x32e: {  	[tilespmem:s21], [sflag:$0x1] =	stream.indirect_vreg.gather [hbm4b:s10+s9], $0x80, v60, vm0, $0xb8;
	[tilespmem:$0x10400] =	vst v63  }
0x32f: {  	s22 =	simm.s32 $0x7400;
	v27 =	vperm.xlane v19, v8;
	v26 =	vadd.s32 v1, v25  }
0x330: {  	[tilespmem:s22], [sflag:$0x1] =	stream.indirect_vreg.gather [hbm4b:s10+s9], $0x80, v62, vm0, $0xb8;
	[tilespmem:$0x10400] =	vst v63  }
0x331: {  	s23 =	simm.s32 $0x7480;
	v29 =	vperm.xlane v19, v11;
	v28 =	vadd.s32 v1, v27  }
0x332: {  	[tilespmem:s23], [sflag:$0x1] =	stream.indirect_vreg.gather [hbm4b:s10+s9], $0x80, v24, vm0, $0xb8;
	[tilespmem:$0x10400] =	vst v63  }
0x333: {  	s24 =	simm.s32 $0x7500;
	v31 =	vperm.xlane v19, v6;
	v30 =	vadd.s32 v1, v29  }
0x334: {  	[tilespmem:s24], [sflag:$0x1] =	stream.indirect_vreg.gather [hbm4b:s10+s9], $0x80, v26, vm0, $0xb8;
	[tilespmem:$0x10400] =	vst v63  }
0x335: {  	s25 =	simm.s32 $0x7580;
	v33 =	vperm.xlane v19, v9;
	v32 =	vadd.s32 v1, v31  }
0x336: {  	[tilespmem:s25], [sflag:$0x1] =	stream.indirect_vreg.gather [hbm4b:s10+s9], $0x80, v28, vm0, $0xb8;
	[tilespmem:$0x10400] =	vst v63  }
0x337: {  	s26 =	simm.s32 $0x7600;
	v35 =	vperm.xlane v19, v3;
	v34 =	vadd.s32 v1, v33  }
0x338: {  	[tilespmem:s26], [sflag:$0x1] =	stream.indirect_vreg.gather [hbm4b:s10+s9], $0x80, v30, vm0, $0xb8;
	[tilespmem:$0x10400] =	vst v63  }
0x339: {  	s28 =	simm.s32 $0x7680;
	v37 =	vperm.xlane v19, v7;
	v36 =	vadd.s32 v1, v35  }
0x33a: {  	[tilespmem:s28], [sflag:$0x1] =	stream.indirect_vreg.gather [hbm4b:s10+s9], $0x80, v32, vm0, $0xb8;
	[tilespmem:$0x10400] =	vst v63  }
0x33b: {  	s29 =	simm.s32 $0x7700;
	v39 =	vperm.xlane v19, v2;
	v38 =	vadd.s32 v1, v37  }
0x33c: {  	[tilespmem:s29], [sflag:$0x1] =	stream.indirect_vreg.gather [hbm4b:s10+s9], $0x80, v34, vm0, $0xb8;
	[tilespmem:$0x10400] =	vst v63  }
0x33d: {  	s30 =	simm.s32 $0x7780;
	v41 =	vperm.xlane v19, v4;
	v40 =	vadd.s32 v1, v39  }
0x33e: {  	[tilespmem:s30], [sflag:$0x1] =	stream.indirect_vreg.gather [hbm4b:s10+s9], $0x80, v36, vm0, $0xb8;
	[tilespmem:$0x10400] =	vst v63  }
0x33f: {  	s31 =	simm.s32 $0x7800;
	v19 =	vperm.xlane v19, v5;
	v42 =	vadd.s32 v1, v41  }
0x340: {  	[tilespmem:s31], [sflag:$0x1] =	stream.indirect_vreg.gather [hbm4b:s10+s9], $0x80, v38, vm0, $0xb8;
	[tilespmem:$0x10400] =	vst v63  }
0x341: {  	s12 =	simm.s32 $0x7880;
	v19 =	vadd.s32 v1, v19  }
0x342: {  	[tilespmem:s12], [sflag:$0x1] =	stream.indirect_vreg.gather [hbm4b:s10+s9], $0x80, v40, vm0, $0xb8;
	[tilespmem:$0x10400] =	vst v63  }
0x343: {  	s13 =	simm.s32 $0x7900  }
0x344: {  	[tilespmem:s13], [sflag:$0x1] =	stream.indirect_vreg.gather [hbm4b:s10+s9], $0x80, v42, vm0, $0xb8;
	[tilespmem:$0x10400] =	vst v63  }
0x345: {  	s14 =	simm.s32 $0x7980  }
0x346: {  	[tilespmem:s14], [sflag:$0x1] =	stream.indirect_vreg.gather [hbm4b:s10+s9], $0x80, v19, vm0, $0xb8;
	[tilespmem:$0x10400] =	vst v63  }
0x347: {  	v19 =	vld [tilespmem:$0xF0];
	_ =	sdelay $0x4  }
0x348: {  	v43 =	vshll.u32 v19, $0x4  }
0x349: {  	v19 =	vand.u32 $0x7, v19;
	v20 =	vand.u32 $0xFFFFFF80, v43  }
0x34a: {  	v19 =	vor.u32 v19, v20  }
0x34b: {  	v20 =	vperm.xlane v19, v17  }
0x34c: {  	s15 =	sadd.s32 $0x100, s6;
	v17 =	vadd.s32 $0xADD083F4, v14;
	v18 =	vperm.xlane v19, v18;
	v14 =	vadd.s32 $0xB1A83721, v14  }
0x34d: {  	v15 =	vperm.xlane v19, v15;
	v16 =	vperm.xlane v19, v16;
	v44 =	vadd.s32 s15, v17  }
0x34e: {  	v20 =	vadd.s32 v1, v20;
	v45 =	vshrl.u32 v44, $0x13;
	v21 =	vshll.u32 v44, $0xD  }
0x34f: {  	v12 =	vperm.xlane v19, v12;
	v46 =	vadd.s32 s15, v14;
	v21 =	vor.u32 v45, v21  }
0x350: {  	v10 =	vperm.xlane v19, v10;
	v18 =	vadd.s32 v1, v18;
	v21 =	vxor.u32 v46, v21  }
0x351: {  	v13 =	vperm.xlane v19, v13;
	v47 =	vshrl.u32 v21, $0x11;
	v24 =	vshll.u32 v21, $0xF  }
0x352: {  	s12 =	simm.s32 $0x7A00;
	v15 =	vadd.s32 v1, v15;
	v21 =	vadd.s32 v46, v21;
	v22 =	vor.u32 v47, v24  }
0x353: {  	v8 =	vperm.xlane v19, v8;
	[tilespmem:s12], [sflag:$0x1] =	stream.indirect_vreg.gather [hbm4b:s10+s9], $0x80, v20, vm0, $0xb8;
	v48 =	vxor.u32 v21, v22;
	[tilespmem:$0x10400] =	vst v63  }
0x354: {  	s16 =	simm.s32 $0x7A80;
	v16 =	vadd.s32 v1, v16;
	v22 =	vshrl.u32 v48, $0x6;
	v49 =	vshll.u32 v48, $0x1A  }
0x355: {  	[tilespmem:s16], [sflag:$0x1] =	stream.indirect_vreg.gather [hbm4b:s10+s9], $0x80, v18, vm0, $0xb8;
	v18 =	vadd.s32 v21, v48;
	v50 =	vor.u32 v22, v49;
	[tilespmem:$0x10400] =	vst v63  }
0x356: {  	s17 =	simm.s32 $0x7B00;
	v11 =	vperm.xlane v19, v11;
	v12 =	vadd.s32 v1, v12;
	v20 =	vxor.u32 v18, v50  }
0x357: {  	v6 =	vperm.xlane v19, v6;
	[tilespmem:s17], [sflag:$0x1] =	stream.indirect_vreg.gather [hbm4b:s10+s9], $0x80, v15, vm0, $0xb8;
	v15 =	vshrl.u32 v20, $0x1A;
	v51 =	vshll.u32 v20, $0x6;
	[tilespmem:$0x10400] =	vst v63  }
0x358: {  	s18 =	simm.s32 $0x7B80;
	v10 =	vadd.s32 v1, v10;
	v18 =	vadd.s32 v18, v20;
	v15 =	vor.u32 v15, v51  }
0x359: {  	v9 =	vperm.xlane v19, v9;
	[tilespmem:s18], [sflag:$0x1] =	stream.indirect_vreg.gather [hbm4b:s10+s9], $0x80, v16, vm0, $0xb8;
	v15 =	vxor.u32 v18, v15;
	[tilespmem:$0x10400] =	vst v63  }
0x35a: {  	s19 =	simm.s32 $0x7C00;
	v3 =	vperm.xlane v19, v3;
	v13 =	vadd.s32 v1, v13;
	v15 =	vadd.s32 $0xB5D62B04, v15  }
0x35b: {  	[tilespmem:s19], [sflag:$0x1] =	stream.indirect_vreg.gather [hbm4b:s10+s9], $0x80, v12, vm0, $0xb8;
	v12 =	vadd.s32 v15, v18;
	v16 =	vshrl.u32 v15, $0xF;
	v15 =	vshll.u32 v15, $0x11;
	[tilespmem:$0x10400] =	vst v63  }
0x35c: {  	s20 =	simm.s32 $0x7C80;
	v8 =	vadd.s32 v1, v8;
	v12 =	vadd.s32 $0xADD083F4, v12;
	v15 =	vor.u32 v16, v15  }
0x35d: {  	v7 =	vperm.xlane v19, v7;
	[tilespmem:s20], [sflag:$0x1] =	stream.indirect_vreg.gather [hbm4b:s10+s9], $0x80, v10, vm0, $0xb8;
	v53 =	vxor.u32 v12, v15;
	[tilespmem:$0x10400] =	vst v63  }
0x35e: {  	s21 =	simm.s32 $0x7D00;
	v52 =	vadd.s32 v1, v11;
	v15 =	vshrl.u32 v53, $0x3;
	v16 =	vshll.u32 v53, $0x1D  }
0x35f: {  	v11 =	vadd.s32 v12, v53;
	[tilespmem:s21], [sflag:$0x1] =	stream.indirect_vreg.gather [hbm4b:s10+s9], $0x80, v13, vm0, $0xb8;
	v12 =	vor.u32 v15, v16;
	[tilespmem:$0x10400] =	vst v63  }
0x360: {  	s22 =	simm.s32 $0x7D80;
	v2 =	vperm.xlane v19, v2;
	v6 =	vadd.s32 v1, v6;
	v12 =	vxor.u32 v11, v12  }
0x361: {  	v4 =	vperm.xlane v19, v4;
	[tilespmem:s22], [sflag:$0x1] =	stream.indirect_vreg.gather [hbm4b:s10+s9], $0x80, v8, vm0, $0xb8;
	v54 =	vshrl.u32 v12, $0x10;
	v13 =	vshll.u32 v12, $0x10;
	[tilespmem:$0x10400] =	vst v63  }
0x362: {  	s23 =	simm.s32 $0x7E00;
	v9 =	vadd.s32 v1, v9;
	v11 =	vadd.s32 v11, v12;
	v8 =	vor.u32 v54, v13  }
0x363: {  	v5 =	vperm.xlane v19, v5;
	[tilespmem:s23], [sflag:$0x1] =	stream.indirect_vreg.gather [hbm4b:s10+s9], $0x80, v52, vm0, $0xb8;
	v8 =	vxor.u32 v11, v8;
	[tilespmem:$0x10400] =	vst v63  }
0x364: {  	s24 =	simm.s32 $0x7E80;
	v3 =	vadd.s32 v1, v3;
	v55 =	vshrl.u32 v8, $0x8;
	v12 =	vshll.u32 v8, $0x18  }
0x365: {  	[tilespmem:s24], [sflag:$0x1] =	stream.indirect_vreg.gather [hbm4b:s10+s9], $0x80, v6, vm0, $0xb8;
	v6 =	vadd.s32 v11, v8;
	v56 =	vor.u32 v55, v12;
	[tilespmem:$0x10400] =	vst v63  }
0x366: {  	s25 =	simm.s32 $0x7F00;
	v7 =	vadd.s32 v1, v7;
	v2 =	vadd.s32 v1, v2;
	v8 =	vxor.u32 v6, v56  }
0x367: {  	v4 =	vadd.s32 v1, v4;
	v1 =	vadd.s32 v1, v5;
	[tilespmem:s25], [sflag:$0x1] =	stream.indirect_vreg.gather [hbm4b:s10+s9], $0x80, v9, vm0, $0xb8;
	v8 =	vadd.s32 $0x3D7B32F, v8;
	[tilespmem:$0x10400] =	vst v63  }
0x368: {  	s11 =	sadd.s32 $0x10, s15;
	s26 =	simm.s32 $0x7F80;
	v6 =	vadd.s32 v8, v6;
	v57 =	vshrl.u32 v8, $0x13;
	v8 =	vshll.u32 v8, $0xD  }
0x369: {  	[tilespmem:s26], [sflag:$0x1] =	stream.indirect_vreg.gather [hbm4b:s10+s9], $0x80, v3, vm0, $0xb8;
	v3 =	vadd.s32 s11, v17;
	v6 =	vadd.s32 $0xB5D62B03, v6;
	v8 =	vor.u32 v57, v8;
	[tilespmem:$0x10400] =	vst v63  }
0x36a: {  	s28 =	simm.s32 $0x8000;
	v58 =	vshrl.u32 v3, $0x13;
	v3 =	vshll.u32 v3, $0xD;
	v8 =	vxor.u32 v6, v8  }
0x36b: {  	v5 =	vadd.s32 s11, v14;
	[tilespmem:s28], [sflag:$0x1] =	stream.indirect_vreg.gather [hbm4b:s10+s9], $0x80, v7, vm0, $0xb8;
	v3 =	vor.u32 v58, v3;
	v7 =	vshrl.u32 v8, $0x11;
	[tilespmem:$0x10400] =	vst v63  }
0x36c: {  	s29 =	simm.s32 $0x8080;
	v59 =	vshll.u32 v8, $0xF;
	v6 =	vadd.s32 v6, v8;
	v3 =	vxor.u32 v5, v3  }
0x36d: {  	v7 =	vor.u32 v7, v59;
	[tilespmem:s29], [sflag:$0x1] =	stream.indirect_vreg.gather [hbm4b:s10+s9], $0x80, v2, vm0, $0xb8;
	v2 =	vadd.s32 v5, v3;
	[tilespmem:$0x10400] =	vst v63  }
0x36e: {  	v5 =	vshrl.u32 v3, $0x11;
	v7 =	vxor.u32 v6, v7;
	v3 =	vshll.u32 v3, $0xF  }
0x36f: {  	s30 =	simm.s32 $0x8100;
	v60 =	vshrl.u32 v7, $0x6;
	v61 =	vshll.u32 v7, $0x1A;
	v3 =	vor.u32 v5, v3  }
0x370: {  	[tilespmem:s30], [sflag:$0x1] =	stream.indirect_vreg.gather [hbm4b:s10+s9], $0x80, v4, vm0, $0xb8;
	v4 =	vadd.s32 v6, v7;
	v5 =	vor.u32 v60, v61;
	[tilespmem:$0x10400] =	vst v63  }
0x371: {  	v3 =	vxor.u32 v2, v3;
	v5 =	vxor.u32 v4, v5  }
0x372: {  	s31 =	simm.s32 $0x8180;
	v6 =	vshrl.u32 v3, $0x6;
	v7 =	vshrl.u32 v5, $0x1A;
	v62 =	vshll.u32 v5, $0x6  }
0x373: {  	v63 =	vshll.u32 v3, $0x1A;
	[tilespmem:s31], [sflag:$0x1] =	stream.indirect_vreg.gather [hbm4b:s10+s9], $0x80, v1, vm0, $0xb8;
	v1 =	vadd.s32 v4, v5;
	v5 =	vor.u32 v7, v62;
	[tilespmem:$0x10400] =	vst v63  }
0x374: {  	s12 =	simm.s32 $0x80;
	v3 =	vadd.s32 v2, v3;
	s10 =	simm.s32 $0x40;
	v4 =	vor.u32 v6, v63;
	v2 =	vxor.u32 v1, v5  }
.LBB2_5:
0x375: {  	p0 =	sne.s32 s12, $0x1C0;
	v4 =	vxor.u32 v3, v4;
	v2 =	vadd.s32 $0xADD083F7, v2  }
0x376: {  	v1 =	vadd.s32 v2, v1;
	v5 =	vshrl.u32 v2, $0xF;
	v2 =	vshll.u32 v2, $0x11  }
0x377: {  	v3 =	vadd.s32 v3, v4;
	v1 =	vadd.s32 $0x3D7B32D, v1;
	v2 =	vor.u32 v5, v2  }
0x378: {  	v5 =	vshrl.u32 v4, $0x1A;
	v4 =	vshll.u32 v4, $0x6;
	v2 =	vxor.u32 v1, v2  }
0x379: {  	v4 =	vor.u32 v5, v4;
	v5 =	vshrl.u32 v2, $0x3;
	v6 =	vshll.u32 v2, $0x1D  }
0x37a: {  	v4 =	vxor.u32 v3, v4;
	v1 =	vadd.s32 v1, v2;
	v2 =	vor.u32 v5, v6  }
0x37b: {  	v4 =	vadd.s32 $0xB5D62B04, v4;
	v2 =	vxor.u32 v1, v2  }
0x37c: {  	v3 =	vadd.s32 v4, v3;
	v5 =	vshrl.u32 v2, $0x10;
	v6 =	vshll.u32 v2, $0x10  }
0x37d: {  	v7 =	vshrl.u32 v4, $0xF;
	v1 =	vadd.s32 v1, v2;
	v2 =	vor.u32 v5, v6  }
0x37e: {  	v4 =	vshll.u32 v4, $0x11;
	v3 =	vadd.s32 $0xADD083F4, v3;
	v2 =	vxor.u32 v1, v2  }
0x37f: {  	v4 =	vor.u32 v7, v4;
	v5 =	vshrl.u32 v2, $0x8;
	v6 =	vshll.u32 v2, $0x18  }
0x380: {  	s11 =	sadd.s32 $0x10, s11;
	v4 =	vxor.u32 v3, v4;
	v1 =	vadd.s32 v1, v2;
	v2 =	vor.u32 v5, v6  }
0x381: {  	v3 =	vadd.s32 v3, v4;
	v5 =	vadd.s32 s11, v14;
	v2 =	vxor.u32 v1, v2  }
0x382: {  	v6 =	vshrl.u32 v4, $0x3;
	v4 =	vshll.u32 v4, $0x1D;
	v2 =	vadd.s32 $0xB5D62B07, v2  }
0x383: {  	v1 =	vadd.s32 v2, v1;
	v7 =	vshrl.u32 v2, $0x13;
	v2 =	vshll.u32 v2, $0xD  }
0x384: {  	v4 =	vor.u32 v6, v4;
	v1 =	vadd.s32 $0xADD083F4, v1;
	v2 =	vor.u32 v7, v2  }
0x385: {  	v6 =	vadd.s32 s11, v17;
	v4 =	vxor.u32 v3, v4;
	v2 =	vxor.u32 v1, v2  }
0x386: {  	v7 =	vshrl.u32 v4, $0x10;
	v8 =	vshrl.u32 v2, $0x11;
	v9 =	vshll.u32 v2, $0xF  }
0x387: {  	v10 =	vshll.u32 v4, $0x10;
	v1 =	vadd.s32 v1, v2;
	v2 =	vor.u32 v8, v9  }
0x388: {  	v3 =	vadd.s32 v3, v4;
	v4 =	vor.u32 v7, v10;
	v2 =	vxor.u32 v1, v2  }
0x389: {  	v4 =	vxor.u32 v3, v4;
	v7 =	vshrl.u32 v2, $0x6;
	v8 =	vshll.u32 v2, $0x1A  }
0x38a: {  	v3 =	vadd.s32 v3, v4;
	v1 =	vadd.s32 v1, v2;
	v2 =	vor.u32 v7, v8  }
0x38b: {  	v7 =	vshrl.u32 v4, $0x8;
	v4 =	vshll.u32 v4, $0x18;
	v2 =	vxor.u32 v1, v2  }
0x38c: {  	v4 =	vor.u32 v7, v4;
	v7 =	vshrl.u32 v2, $0x1A;
	v8 =	vshll.u32 v2, $0x6  }
0x38d: {  	v4 =	vxor.u32 v3, v4;
	v1 =	vadd.s32 v1, v2;
	v2 =	vor.u32 v7, v8  }
0x38e: {  	v7 =	vshrl.u32 v6, $0x13;
	v4 =	vadd.s32 $0x3D7B32F, v4;
	v2 =	vxor.u32 v1, v2  }
0x38f: {  	v3 =	vadd.s32 v4, v3;
	v1 =	vadd.s32 $0xB03, v1;
	v2 =	vadd.s32 $0x332, v2  }
0x390: {  	v8 =	vshrl.u32 v4, $0x13;
	v4 =	vshll.u32 v4, $0xD;
	v1 =	vxor.u32 v1, v2  }
0x391: {  	v2 =	vadd.s32 $0xB5D62B03, v3;
	v3 =	vor.u32 v8, v4;
	v1 =	vand.u32 $0xFFF, v1  }
0x392: {  	s13 =	sshra.s32 s9, $0x2;
	s9 =	smov.u32 s10;
	s10 =	smov.u32 s12;
	v4 =	vshll.u32 v6, $0xD;
	v3 =	vxor.u32 v2, v3;
	v1 =	vor.u32 v0, v1  }
0x393: {  	v4 =	vor.u32 v7, v4;
	v6 =	vshrl.u32 v3, $0x11;
	v7 =	vshll.u32 v3, $0xF;
	[tilespmem:s13+$0x100] =	vst v1  }
0x394: {  	v2 =	vadd.s32 v2, v3;
	v1 =	vxor.u32 v5, v4;
	v3 =	vor.u32 v6, v7  }
0x395: {  	v4 =	vadd.s32 v5, v1;
	v5 =	vshrl.u32 v1, $0x11;
	v3 =	vxor.u32 v2, v3  }
0x396: {  	v1 =	vshll.u32 v1, $0xF;
	v6 =	vshrl.u32 v3, $0x6;
	v7 =	vshll.u32 v3, $0x1A  }
.Ltmp2:
0x397: {  	v1 =	vor.u32 v5, v1;
	v2 =	vadd.s32 v2, v3;
	v3 =	vor.u32 v6, v7;
	(pc) =	sbr.rel @p0 .LBB2_5-.Ltmp2, $4  }
0x398: {  	v5 =	vxor.u32 v4, v1;
	v1 =	vxor.u32 v2, v3  }
0x399: {  	v6 =	vshrl.u32 v5, $0x6;
	v3 =	vshrl.u32 v1, $0x1A;
	v7 =	vshll.u32 v1, $0x6  }
0x39a: {  	v8 =	vshll.u32 v5, $0x1A;
	v1 =	vadd.s32 v2, v1;
	v2 =	vor.u32 v3, v7  }
0x39b: {  	s12 =	sadd.s32 $0x40, s12;
	v3 =	vadd.s32 v4, v5;
	v4 =	vor.u32 v6, v8;
	v2 =	vxor.u32 v1, v2  }
0x39c: {  	v4 =	vxor.u32 v3, v4  }
0x39d: {  	v5 =	vshrl.u32 v4, $0x1A;
	v6 =	vshll.u32 v4, $0x6  }
0x39e: {  	v3 =	vadd.s32 v3, v4;
	v4 =	vor.u32 v5, v6  }
0x39f: {  	v4 =	vxor.u32 v3, v4  }
0x3a0: {  	v4 =	vadd.s32 $0xB5D62B04, v4  }
0x3a1: {  	v3 =	vadd.s32 v4, v3;
	v5 =	vshrl.u32 v4, $0xF;
	v4 =	vshll.u32 v4, $0x11  }
0x3a2: {  	v3 =	vadd.s32 $0xADD083F4, v3;
	v4 =	vor.u32 v5, v4  }
0x3a3: {  	v4 =	vxor.u32 v3, v4  }
0x3a4: {  	v5 =	vshrl.u32 v4, $0x3;
	v6 =	vshll.u32 v4, $0x1D  }
0x3a5: {  	v3 =	vadd.s32 v3, v4;
	v4 =	vor.u32 v5, v6  }
0x3a6: {  	v4 =	vxor.u32 v3, v4  }
0x3a7: {  	v5 =	vshrl.u32 v4, $0x10;
	v6 =	vshll.u32 v4, $0x10  }
0x3a8: {  	v3 =	vadd.s32 v3, v4;
	v4 =	vor.u32 v5, v6  }
0x3a9: {  	v4 =	vxor.u32 v3, v4  }
0x3aa: {  	v5 =	vshrl.u32 v4, $0x8;
	v6 =	vshll.u32 v4, $0x18  }
0x3ab: {  	v3 =	vadd.s32 v3, v4;
	v4 =	vor.u32 v5, v6  }
0x3ac: {  	v2 =	vadd.s32 $0xADD083F7, v2;
	v4 =	vxor.u32 v3, v4  }
0x3ad: {  	v1 =	vadd.s32 v2, v1;
	v4 =	vadd.s32 $0x3D7B32F, v4  }
0x3ae: {  	v3 =	vadd.s32 v4, v3;
	v5 =	vshrl.u32 v4, $0x13;
	v4 =	vshll.u32 v4, $0xD  }
0x3af: {  	v1 =	vadd.s32 $0x3D7B32D, v1;
	v3 =	vadd.s32 $0xB5D62B03, v3;
	v4 =	vor.u32 v5, v4  }
0x3b0: {  	v6 =	vshrl.u32 v2, $0xF;
	v2 =	vshll.u32 v2, $0x11;
	v4 =	vxor.u32 v3, v4  }
0x3b1: {  	v2 =	vor.u32 v6, v2;
	v5 =	vshrl.u32 v4, $0x11;
	v6 =	vshll.u32 v4, $0xF  }
0x3b2: {  	v2 =	vxor.u32 v1, v2;
	v3 =	vadd.s32 v3, v4;
	v4 =	vor.u32 v5, v6  }
0x3b3: {  	v1 =	vadd.s32 v1, v2;
	v5 =	vshrl.u32 v2, $0x3;
	v4 =	vxor.u32 v3, v4  }
0x3b4: {  	v6 =	vshll.u32 v2, $0x1D;
	v2 =	vshrl.u32 v4, $0x6;
	v7 =	vshll.u32 v4, $0x1A  }
0x3b5: {  	v5 =	vor.u32 v5, v6;
	v3 =	vadd.s32 v3, v4;
	v2 =	vor.u32 v2, v7  }
0x3b6: {  	v4 =	vxor.u32 v1, v5;
	v2 =	vxor.u32 v3, v2  }
0x3b7: {  	v5 =	vshrl.u32 v4, $0x10;
	v6 =	vshrl.u32 v2, $0x1A;
	v7 =	vshll.u32 v2, $0x6  }
0x3b8: {  	v8 =	vshll.u32 v4, $0x10;
	v2 =	vadd.s32 v3, v2;
	v3 =	vor.u32 v6, v7  }
0x3b9: {  	v1 =	vadd.s32 v1, v4;
	v4 =	vor.u32 v5, v8;
	v3 =	vxor.u32 v2, v3  }
0x3ba: {  	v4 =	vxor.u32 v1, v4;
	v3 =	vadd.s32 $0xADD083F7, v3  }
0x3bb: {  	v2 =	vadd.s32 v3, v2;
	v5 =	vshrl.u32 v3, $0xF;
	v3 =	vshll.u32 v3, $0x11  }
0x3bc: {  	v6 =	vshrl.u32 v4, $0x8;
	v2 =	vadd.s32 $0x3D7B32D, v2;
	v3 =	vor.u32 v5, v3  }
0x3bd: {  	v1 =	vadd.s32 v1, v4;
	v5 =	vshll.u32 v4, $0x18;
	v3 =	vxor.u32 v2, v3  }
0x3be: {  	v4 =	vor.u32 v6, v5;
	v5 =	vshrl.u32 v3, $0x3;
	v6 =	vshll.u32 v3, $0x1D  }
0x3bf: {  	v4 =	vxor.u32 v1, v4;
	v2 =	vadd.s32 v2, v3;
	v3 =	vor.u32 v5, v6  }
0x3c0: {  	v4 =	vadd.s32 $0xB5D62B07, v4;
	v3 =	vxor.u32 v2, v3  }
0x3c1: {  	v1 =	vadd.s32 v4, v1;
	v5 =	vshrl.u32 v3, $0x10;
	v6 =	vshll.u32 v3, $0x10  }
0x3c2: {  	v7 =	vshrl.u32 v4, $0x13;
	v2 =	vadd.s32 v2, v3;
	v3 =	vor.u32 v5, v6  }
0x3c3: {  	v4 =	vshll.u32 v4, $0xD;
	v1 =	vadd.s32 $0xADD083F4, v1;
	v3 =	vxor.u32 v2, v3  }
0x3c4: {  	v4 =	vor.u32 v7, v4;
	v5 =	vshrl.u32 v3, $0x8;
	v6 =	vshll.u32 v3, $0x18  }
0x3c5: {  	v4 =	vxor.u32 v1, v4;
	v2 =	vadd.s32 v2, v3;
	v3 =	vor.u32 v5, v6  }
0x3c6: {  	v1 =	vadd.s32 v1, v4;
	v3 =	vxor.u32 v2, v3  }
0x3c7: {  	v5 =	vshrl.u32 v4, $0x11;
	v6 =	vshll.u32 v4, $0xF;
	v3 =	vadd.s32 $0xB5D62B07, v3  }
0x3c8: {  	v2 =	vadd.s32 v3, v2;
	v4 =	vshrl.u32 v3, $0x13;
	v3 =	vshll.u32 v3, $0xD  }
0x3c9: {  	v5 =	vor.u32 v5, v6;
	v2 =	vadd.s32 $0xADD083F4, v2;
	v3 =	vor.u32 v4, v3  }
0x3ca: {  	v4 =	vxor.u32 v1, v5;
	v3 =	vxor.u32 v2, v3  }
0x3cb: {  	v5 =	vshrl.u32 v4, $0x6;
	v6 =	vshrl.u32 v3, $0x11;
	v7 =	vshll.u32 v3, $0xF  }
0x3cc: {  	v39 =	vshll.u32 v4, $0x1A;
	v2 =	vadd.s32 v2, v3;
	v3 =	vor.u32 v6, v7  }
0x3cd: {  	v1 =	vadd.s32 v1, v4;
	v4 =	vor.u32 v5, v39;
	v3 =	vxor.u32 v2, v3  }
0x3ce: {  	v4 =	vxor.u32 v1, v4;
	v5 =	vshrl.u32 v3, $0x6;
	v6 =	vshll.u32 v3, $0x1A  }
0x3cf: {  	v7 =	vshrl.u32 v4, $0x1A;
	v2 =	vadd.s32 v2, v3;
	v3 =	vor.u32 v5, v6  }
0x3d0: {  	v1 =	vadd.s32 v1, v4;
	v5 =	vshll.u32 v4, $0x6;
	v3 =	vxor.u32 v2, v3  }
0x3d1: {  	v4 =	vor.u32 v7, v5;
	v5 =	vshrl.u32 v3, $0x1A;
	v6 =	vshll.u32 v3, $0x6  }
0x3d2: {  	v4 =	vxor.u32 v1, v4;
	v2 =	vadd.s32 v2, v3;
	v3 =	vor.u32 v5, v6  }
0x3d3: {  	v1 =	vadd.s32 $0xB03, v1;
	v4 =	vadd.s32 $0x332, v4;
	v3 =	vxor.u32 v2, v3  }
0x3d4: {  	v1 =	vxor.u32 v1, v4;
	v2 =	vadd.s32 $0xB03, v2;
	v3 =	vadd.s32 $0x332, v3  }
0x3d5: {  	v1 =	vand.u32 $0xFFF, v1;
	v2 =	vxor.u32 v2, v3  }
0x3d6: {  	s9 =	sshra.s32 s9, $0x2;
	v1 =	vor.u32 v0, v1;
	v2 =	vand.u32 $0xFFF, v2  }
0x3d7: {  	s11 =	sshra.s32 s10, $0x2;
	[tilespmem:s9+$0x100] =	vst v1;
	v1 =	vor.u32 v0, v2  }
0x3d8: {  	[tilespmem:s11+$0x100] =	vst v1  }
0x3d9: {  	v1 =	vld [tilespmem:$0x100];
	_ =	sdelay $0x4  }
0x3da: {  	v2 =	vshll.u32 v1, $0x4  }
0x3db: {  	v1 =	vand.u32 $0x7, v1;
	v2 =	vand.u32 $0xFFFFFF80, v2  }
0x3dc: {  	v17 =	vimm.s32 $0x0;
	v14 =	vlaneseq.u32;
	v19 =	vor.u32 v1, v2  }
0x3dd: {  	v1 =	vmul.u32 $0x8, v14;
	v2 =	vperm.xlane v19, v17  }
0x3de: {  	v18 =	vimm.s32 $0x1  }
0x3df: {  	v3 =	vperm.xlane v19, v18;
	v2 =	vadd.s32 v1, v2  }
0x3e0: {  	v15 =	vimm.s32 $0x2  }
0x3e1: {  	s9 =	sor.u32 $0x2, s8;
	v4 =	vperm.xlane v19, v15;
	v3 =	vadd.s32 v1, v3  }
0x3e2: {  	v16 =	vimm.s32 $0x3;
	s12 =	sshll.u32 s9, $0x7  }
0x3e3: {  	s10 =	simm.s32 $0x0;
	s11 =	sadd.s32 s5, s12;
	s12 =	simm.s32 $0x8200;
	v5 =	vperm.xlane v19, v16;
	v4 =	vadd.s32 v1, v4  }
0x3e4: {  	v12 =	vimm.s32 $0x4;
	[tilespmem:s12], [sflag:$0x1] =	stream.indirect_vreg.gather [hbm4b:s11+s10], $0x80, v2, vm0, $0xb8;
	[tilespmem:$0x10400] =	vst v63  }
0x3e5: {  	s13 =	simm.s32 $0x8280;
	v2 =	vadd.s32 v1, v5;
	v5 =	vperm.xlane v19, v12  }
0x3e6: {  	v10 =	vimm.s32 $0x5;
	[tilespmem:s13], [sflag:$0x1] =	stream.indirect_vreg.gather [hbm4b:s11+s10], $0x80, v3, vm0, $0xb8;
	[tilespmem:$0x10400] =	vst v63  }
0x3e7: {  	s14 =	simm.s32 $0x8300;
	v3 =	vadd.s32 v1, v5;
	v5 =	vperm.xlane v19, v10  }
0x3e8: {  	v13 =	vimm.s32 $0x6;
	[tilespmem:s14], [sflag:$0x1] =	stream.indirect_vreg.gather [hbm4b:s11+s10], $0x80, v4, vm0, $0xb8;
	[tilespmem:$0x10400] =	vst v63  }
0x3e9: {  	s15 =	simm.s32 $0x8380;
	v4 =	vadd.s32 v1, v5;
	v5 =	vperm.xlane v19, v13  }
0x3ea: {  	v8 =	vimm.s32 $0x7;
	[tilespmem:s15], [sflag:$0x1] =	stream.indirect_vreg.gather [hbm4b:s11+s10], $0x80, v2, vm0, $0xb8;
	[tilespmem:$0x10400] =	vst v63  }
0x3eb: {  	s16 =	simm.s32 $0x8400;
	v2 =	vadd.s32 v1, v5;
	v5 =	vperm.xlane v19, v8  }
0x3ec: {  	v11 =	vimm.s32 $0x8;
	[tilespmem:s16], [sflag:$0x1] =	stream.indirect_vreg.gather [hbm4b:s11+s10], $0x80, v3, vm0, $0xb8;
	[tilespmem:$0x10400] =	vst v63  }
0x3ed: {  	s17 =	simm.s32 $0x8480;
	v3 =	vadd.s32 v1, v5;
	v5 =	vperm.xlane v19, v11  }
0x3ee: {  	v6 =	vimm.s32 $0x9;
	[tilespmem:s17], [sflag:$0x1] =	stream.indirect_vreg.gather [hbm4b:s11+s10], $0x80, v4, vm0, $0xb8;
	[tilespmem:$0x10400] =	vst v63  }
0x3ef: {  	s18 =	simm.s32 $0x8500;
	v4 =	vadd.s32 v1, v5;
	v5 =	vperm.xlane v19, v6  }
0x3f0: {  	v9 =	vimm.s32 $0xA;
	[tilespmem:s18], [sflag:$0x1] =	stream.indirect_vreg.gather [hbm4b:s11+s10], $0x80, v2, vm0, $0xb8;
	[tilespmem:$0x10400] =	vst v63  }
0x3f1: {  	s19 =	simm.s32 $0x8580;
	v2 =	vadd.s32 v1, v5;
	v5 =	vperm.xlane v19, v9  }
0x3f2: {  	[tilespmem:s19], [sflag:$0x1] =	stream.indirect_vreg.gather [hbm4b:s11+s10], $0x80, v3, vm0, $0xb8;
	v3 =	vimm.s32 $0xB;
	[tilespmem:$0x10400] =	vst v63  }
0x3f3: {  	s20 =	simm.s32 $0x8600;
	v5 =	vadd.s32 v1, v5;
	v20 =	vperm.xlane v19, v3  }
0x3f4: {  	v7 =	vimm.s32 $0xC;
	[tilespmem:s20], [sflag:$0x1] =	stream.indirect_vreg.gather [hbm4b:s11+s10], $0x80, v4, vm0, $0xb8;
	[tilespmem:$0x10400] =	vst v63  }
0x3f5: {  	s21 =	simm.s32 $0x8680;
	v4 =	vperm.xlane v19, v7;
	v20 =	vadd.s32 v1, v20  }
0x3f6: {  	[tilespmem:s21], [sflag:$0x1] =	stream.indirect_vreg.gather [hbm4b:s11+s10], $0x80, v2, vm0, $0xb8;
	v2 =	vimm.s32 $0xD;
	[tilespmem:$0x10400] =	vst v63  }
0x3f7: {  	s22 =	simm.s32 $0x8700;
	v21 =	vadd.s32 v1, v4;
	v22 =	vperm.xlane v19, v2  }
0x3f8: {  	v4 =	vimm.s32 $0xE;
	[tilespmem:s22], [sflag:$0x1] =	stream.indirect_vreg.gather [hbm4b:s11+s10], $0x80, v5, vm0, $0xb8;
	[tilespmem:$0x10400] =	vst v63  }
0x3f9: {  	s23 =	simm.s32 $0x8780;
	v23 =	vperm.xlane v19, v4;
	v22 =	vadd.s32 v1, v22  }
0x3fa: {  	v5 =	vimm.s32 $0xF;
	[tilespmem:s23], [sflag:$0x1] =	stream.indirect_vreg.gather [hbm4b:s11+s10], $0x80, v20, vm0, $0xb8;
	[tilespmem:$0x10400] =	vst v63  }
0x3fb: {  	s24 =	simm.s32 $0x8800;
	v40 =	vadd.s32 v1, v23;
	v19 =	vperm.xlane v19, v5  }
0x3fc: {  	[tilespmem:s24], [sflag:$0x1] =	stream.indirect_vreg.gather [hbm4b:s11+s10], $0x80, v21, vm0, $0xb8;
	[tilespmem:$0x10400] =	vst v63  }
0x3fd: {  	s25 =	simm.s32 $0x8880;
	v19 =	vadd.s32 v1, v19  }
0x3fe: {  	[tilespmem:s25], [sflag:$0x1] =	stream.indirect_vreg.gather [hbm4b:s11+s10], $0x80, v22, vm0, $0xb8;
	[tilespmem:$0x10400] =	vst v63  }
0x3ff: {  	s26 =	simm.s32 $0x8900  }
0x400: {  	[tilespmem:s26], [sflag:$0x1] =	stream.indirect_vreg.gather [hbm4b:s11+s10], $0x80, v40, vm0, $0xb8;
	[tilespmem:$0x10400] =	vst v63  }
0x401: {  	s28 =	simm.s32 $0x8980  }
0x402: {  	[tilespmem:s28], [sflag:$0x1] =	stream.indirect_vreg.gather [hbm4b:s11+s10], $0x80, v19, vm0, $0xb8;
	[tilespmem:$0x10400] =	vst v63  }
0x403: {  	v19 =	vld [tilespmem:$0x110];
	_ =	sdelay $0x4  }
0x404: {  	v41 =	vshll.u32 v19, $0x4  }
0x405: {  	v19 =	vand.u32 $0x7, v19;
	v20 =	vand.u32 $0xFFFFFF80, v41  }
0x406: {  	v19 =	vor.u32 v19, v20  }
0x407: {  	v20 =	vperm.xlane v19, v17;
	_ =	sdelay $0x1  }
0x408: {  	v42 =	vperm.xlane v19, v18;
	v20 =	vadd.s32 v1, v20;
	_ =	sdelay $0x1  }
0x409: {  	v43 =	vperm.xlane v19, v15;
	v21 =	vadd.s32 v1, v42;
	_ =	sdelay $0x1  }
0x40a: {  	s29 =	simm.s32 $0x8A00;
	v44 =	vperm.xlane v19, v16;
	v22 =	vadd.s32 v1, v43  }
0x40b: {  	[tilespmem:s29], [sflag:$0x1] =	stream.indirect_vreg.gather [hbm4b:s11+s10], $0x80, v20, vm0, $0xb8;
	[tilespmem:$0x10400] =	vst v63  }
0x40c: {  	s30 =	simm.s32 $0x8A80;
	v46 =	vperm.xlane v19, v12;
	v45 =	vadd.s32 v1, v44  }
0x40d: {  	[tilespmem:s30], [sflag:$0x1] =	stream.indirect_vreg.gather [hbm4b:s11+s10], $0x80, v21, vm0, $0xb8;
	[tilespmem:$0x10400] =	vst v63  }
0x40e: {  	s31 =	simm.s32 $0x8B00;
	v48 =	vperm.xlane v19, v10;
	v47 =	vadd.s32 v1, v46  }
0x40f: {  	[tilespmem:s31], [sflag:$0x1] =	stream.indirect_vreg.gather [hbm4b:s11+s10], $0x80, v22, vm0, $0xb8;
	[tilespmem:$0x10400] =	vst v63  }
0x410: {  	s13 =	simm.s32 $0x8B80;
	v50 =	vperm.xlane v19, v13;
	v49 =	vadd.s32 v1, v48  }
0x411: {  	[tilespmem:s13], [sflag:$0x1] =	stream.indirect_vreg.gather [hbm4b:s11+s10], $0x80, v45, vm0, $0xb8;
	[tilespmem:$0x10400] =	vst v63  }
0x412: {  	s14 =	simm.s32 $0x8C00;
	v52 =	vperm.xlane v19, v8;
	v51 =	vadd.s32 v1, v50  }
0x413: {  	[tilespmem:s14], [sflag:$0x1] =	stream.indirect_vreg.gather [hbm4b:s11+s10], $0x80, v47, vm0, $0xb8;
	[tilespmem:$0x10400] =	vst v63  }
0x414: {  	s15 =	simm.s32 $0x8C80;
	v54 =	vperm.xlane v19, v11;
	v53 =	vadd.s32 v1, v52  }
0x415: {  	[tilespmem:s15], [sflag:$0x1] =	stream.indirect_vreg.gather [hbm4b:s11+s10], $0x80, v49, vm0, $0xb8;
	[tilespmem:$0x10400] =	vst v63  }
0x416: {  	s16 =	simm.s32 $0x8D00;
	v56 =	vperm.xlane v19, v6;
	v55 =	vadd.s32 v1, v54  }
0x417: {  	[tilespmem:s16], [sflag:$0x1] =	stream.indirect_vreg.gather [hbm4b:s11+s10], $0x80, v51, vm0, $0xb8;
	[tilespmem:$0x10400] =	vst v63  }
0x418: {  	s17 =	simm.s32 $0x8D80;
	v58 =	vperm.xlane v19, v9;
	v57 =	vadd.s32 v1, v56  }
0x419: {  	[tilespmem:s17], [sflag:$0x1] =	stream.indirect_vreg.gather [hbm4b:s11+s10], $0x80, v53, vm0, $0xb8;
	[tilespmem:$0x10400] =	vst v63  }
0x41a: {  	s18 =	simm.s32 $0x8E00;
	v60 =	vperm.xlane v19, v3;
	v59 =	vadd.s32 v1, v58  }
0x41b: {  	[tilespmem:s18], [sflag:$0x1] =	stream.indirect_vreg.gather [hbm4b:s11+s10], $0x80, v55, vm0, $0xb8;
	[tilespmem:$0x10400] =	vst v63  }
0x41c: {  	s19 =	simm.s32 $0x8E80;
	v62 =	vperm.xlane v19, v7;
	v61 =	vadd.s32 v1, v60  }
0x41d: {  	[tilespmem:s19], [sflag:$0x1] =	stream.indirect_vreg.gather [hbm4b:s11+s10], $0x80, v57, vm0, $0xb8;
	[tilespmem:$0x10400] =	vst v63  }
0x41e: {  	s20 =	simm.s32 $0x8F00;
	v24 =	vperm.xlane v19, v2;
	v63 =	vadd.s32 v1, v62  }
0x41f: {  	[tilespmem:s20], [sflag:$0x1] =	stream.indirect_vreg.gather [hbm4b:s11+s10], $0x80, v59, vm0, $0xb8;
	[tilespmem:$0x10400] =	vst v63  }
0x420: {  	s21 =	simm.s32 $0x8F80;
	v26 =	vperm.xlane v19, v4;
	v25 =	vadd.s32 v1, v24  }
0x421: {  	[tilespmem:s21], [sflag:$0x1] =	stream.indirect_vreg.gather [hbm4b:s11+s10], $0x80, v61, vm0, $0xb8;
	[tilespmem:$0x10400] =	vst v63  }
0x422: {  	s22 =	simm.s32 $0x9000;
	v19 =	vperm.xlane v19, v5;
	v27 =	vadd.s32 v1, v26  }
0x423: {  	[tilespmem:s22], [sflag:$0x1] =	stream.indirect_vreg.gather [hbm4b:s11+s10], $0x80, v63, vm0, $0xb8;
	[tilespmem:$0x10400] =	vst v63  }
0x424: {  	s23 =	simm.s32 $0x9080;
	v19 =	vadd.s32 v1, v19  }
0x425: {  	[tilespmem:s23], [sflag:$0x1] =	stream.indirect_vreg.gather [hbm4b:s11+s10], $0x80, v25, vm0, $0xb8;
	[tilespmem:$0x10400] =	vst v63  }
0x426: {  	s24 =	simm.s32 $0x9100  }
0x427: {  	[tilespmem:s24], [sflag:$0x1] =	stream.indirect_vreg.gather [hbm4b:s11+s10], $0x80, v27, vm0, $0xb8;
	[tilespmem:$0x10400] =	vst v63  }
0x428: {  	s25 =	simm.s32 $0x9180  }
0x429: {  	[tilespmem:s25], [sflag:$0x1] =	stream.indirect_vreg.gather [hbm4b:s11+s10], $0x80, v19, vm0, $0xb8;
	[tilespmem:$0x10400] =	vst v63  }
0x42a: {  	v19 =	vld [tilespmem:$0x120];
	_ =	sdelay $0x4  }
0x42b: {  	v28 =	vshll.u32 v19, $0x4  }
0x42c: {  	v19 =	vand.u32 $0x7, v19;
	v20 =	vand.u32 $0xFFFFFF80, v28  }
0x42d: {  	v19 =	vor.u32 v19, v20  }
0x42e: {  	v20 =	vperm.xlane v19, v17;
	_ =	sdelay $0x1  }
0x42f: {  	v29 =	vperm.xlane v19, v18;
	v20 =	vadd.s32 v1, v20;
	_ =	sdelay $0x1  }
0x430: {  	v30 =	vperm.xlane v19, v15;
	v21 =	vadd.s32 v1, v29;
	_ =	sdelay $0x1  }
0x431: {  	s26 =	simm.s32 $0x9200;
	v31 =	vperm.xlane v19, v16;
	v22 =	vadd.s32 v1, v30  }
0x432: {  	[tilespmem:s26], [sflag:$0x1] =	stream.indirect_vreg.gather [hbm4b:s11+s10], $0x80, v20, vm0, $0xb8;
	[tilespmem:$0x10400] =	vst v63  }
0x433: {  	s28 =	simm.s32 $0x9280;
	v33 =	vperm.xlane v19, v12;
	v32 =	vadd.s32 v1, v31  }
0x434: {  	[tilespmem:s28], [sflag:$0x1] =	stream.indirect_vreg.gather [hbm4b:s11+s10], $0x80, v21, vm0, $0xb8;
	[tilespmem:$0x10400] =	vst v63  }
0x435: {  	s29 =	simm.s32 $0x9300;
	v35 =	vperm.xlane v19, v10;
	v34 =	vadd.s32 v1, v33  }
0x436: {  	[tilespmem:s29], [sflag:$0x1] =	stream.indirect_vreg.gather [hbm4b:s11+s10], $0x80, v22, vm0, $0xb8;
	[tilespmem:$0x10400] =	vst v63  }
0x437: {  	s30 =	simm.s32 $0x9380;
	v37 =	vperm.xlane v19, v13;
	v36 =	vadd.s32 v1, v35  }
0x438: {  	[tilespmem:s30], [sflag:$0x1] =	stream.indirect_vreg.gather [hbm4b:s11+s10], $0x80, v32, vm0, $0xb8;
	[tilespmem:$0x10400] =	vst v63  }
0x439: {  	s31 =	simm.s32 $0x9400;
	v39 =	vperm.xlane v19, v8;
	v38 =	vadd.s32 v1, v37  }
0x43a: {  	[tilespmem:s31], [sflag:$0x1] =	stream.indirect_vreg.gather [hbm4b:s11+s10], $0x80, v34, vm0, $0xb8;
	[tilespmem:$0x10400] =	vst v63  }
0x43b: {  	s13 =	simm.s32 $0x9480;
	v41 =	vperm.xlane v19, v11;
	v40 =	vadd.s32 v1, v39  }
0x43c: {  	[tilespmem:s13], [sflag:$0x1] =	stream.indirect_vreg.gather [hbm4b:s11+s10], $0x80, v36, vm0, $0xb8;
	[tilespmem:$0x10400] =	vst v63  }
0x43d: {  	s14 =	simm.s32 $0x9500;
	v43 =	vperm.xlane v19, v6;
	v42 =	vadd.s32 v1, v41  }
0x43e: {  	[tilespmem:s14], [sflag:$0x1] =	stream.indirect_vreg.gather [hbm4b:s11+s10], $0x80, v38, vm0, $0xb8;
	[tilespmem:$0x10400] =	vst v63  }
0x43f: {  	s15 =	simm.s32 $0x9580;
	v45 =	vperm.xlane v19, v9;
	v44 =	vadd.s32 v1, v43  }
0x440: {  	[tilespmem:s15], [sflag:$0x1] =	stream.indirect_vreg.gather [hbm4b:s11+s10], $0x80, v40, vm0, $0xb8;
	[tilespmem:$0x10400] =	vst v63  }
0x441: {  	s16 =	simm.s32 $0x9600;
	v47 =	vperm.xlane v19, v3;
	v46 =	vadd.s32 v1, v45  }
0x442: {  	[tilespmem:s16], [sflag:$0x1] =	stream.indirect_vreg.gather [hbm4b:s11+s10], $0x80, v42, vm0, $0xb8;
	[tilespmem:$0x10400] =	vst v63  }
0x443: {  	s17 =	simm.s32 $0x9680;
	v49 =	vperm.xlane v19, v7;
	v48 =	vadd.s32 v1, v47  }
0x444: {  	[tilespmem:s17], [sflag:$0x1] =	stream.indirect_vreg.gather [hbm4b:s11+s10], $0x80, v44, vm0, $0xb8;
	[tilespmem:$0x10400] =	vst v63  }
0x445: {  	s18 =	simm.s32 $0x9700;
	v51 =	vperm.xlane v19, v2;
	v50 =	vadd.s32 v1, v49  }
0x446: {  	[tilespmem:s18], [sflag:$0x1] =	stream.indirect_vreg.gather [hbm4b:s11+s10], $0x80, v46, vm0, $0xb8;
	[tilespmem:$0x10400] =	vst v63  }
0x447: {  	s19 =	simm.s32 $0x9780;
	v53 =	vperm.xlane v19, v4;
	v52 =	vadd.s32 v1, v51  }
0x448: {  	[tilespmem:s19], [sflag:$0x1] =	stream.indirect_vreg.gather [hbm4b:s11+s10], $0x80, v48, vm0, $0xb8;
	[tilespmem:$0x10400] =	vst v63  }
0x449: {  	s20 =	simm.s32 $0x9800;
	v19 =	vperm.xlane v19, v5;
	v54 =	vadd.s32 v1, v53  }
0x44a: {  	[tilespmem:s20], [sflag:$0x1] =	stream.indirect_vreg.gather [hbm4b:s11+s10], $0x80, v50, vm0, $0xb8;
	[tilespmem:$0x10400] =	vst v63  }
0x44b: {  	s21 =	simm.s32 $0x9880;
	v19 =	vadd.s32 v1, v19  }
0x44c: {  	[tilespmem:s21], [sflag:$0x1] =	stream.indirect_vreg.gather [hbm4b:s11+s10], $0x80, v52, vm0, $0xb8;
	[tilespmem:$0x10400] =	vst v63  }
0x44d: {  	s22 =	simm.s32 $0x9900  }
0x44e: {  	[tilespmem:s22], [sflag:$0x1] =	stream.indirect_vreg.gather [hbm4b:s11+s10], $0x80, v54, vm0, $0xb8;
	[tilespmem:$0x10400] =	vst v63  }
0x44f: {  	s23 =	simm.s32 $0x9980  }
0x450: {  	[tilespmem:s23], [sflag:$0x1] =	stream.indirect_vreg.gather [hbm4b:s11+s10], $0x80, v19, vm0, $0xb8;
	[tilespmem:$0x10400] =	vst v63  }
0x451: {  	v19 =	vld [tilespmem:$0x130];
	_ =	sdelay $0x4  }
0x452: {  	v55 =	vshll.u32 v19, $0x4  }
0x453: {  	v19 =	vand.u32 $0x7, v19;
	v20 =	vand.u32 $0xFFFFFF80, v55  }
0x454: {  	v19 =	vor.u32 v19, v20  }
0x455: {  	v20 =	vperm.xlane v19, v17;
	_ =	sdelay $0x1  }
0x456: {  	v56 =	vperm.xlane v19, v18;
	v20 =	vadd.s32 v1, v20;
	_ =	sdelay $0x1  }
0x457: {  	v57 =	vperm.xlane v19, v15;
	v21 =	vadd.s32 v1, v56;
	_ =	sdelay $0x1  }
0x458: {  	s24 =	simm.s32 $0x9A00;
	v58 =	vperm.xlane v19, v16;
	v22 =	vadd.s32 v1, v57  }
0x459: {  	[tilespmem:s24], [sflag:$0x1] =	stream.indirect_vreg.gather [hbm4b:s11+s10], $0x80, v20, vm0, $0xb8;
	[tilespmem:$0x10400] =	vst v63  }
0x45a: {  	s25 =	simm.s32 $0x9A80;
	v60 =	vperm.xlane v19, v12;
	v59 =	vadd.s32 v1, v58  }
0x45b: {  	[tilespmem:s25], [sflag:$0x1] =	stream.indirect_vreg.gather [hbm4b:s11+s10], $0x80, v21, vm0, $0xb8;
	[tilespmem:$0x10400] =	vst v63  }
0x45c: {  	s26 =	simm.s32 $0x9B00;
	v62 =	vperm.xlane v19, v10;
	v61 =	vadd.s32 v1, v60  }
0x45d: {  	[tilespmem:s26], [sflag:$0x1] =	stream.indirect_vreg.gather [hbm4b:s11+s10], $0x80, v22, vm0, $0xb8;
	[tilespmem:$0x10400] =	vst v63  }
0x45e: {  	s28 =	simm.s32 $0x9B80;
	v24 =	vperm.xlane v19, v13;
	v63 =	vadd.s32 v1, v62  }
0x45f: {  	[tilespmem:s28], [sflag:$0x1] =	stream.indirect_vreg.gather [hbm4b:s11+s10], $0x80, v59, vm0, $0xb8;
	[tilespmem:$0x10400] =	vst v63  }
0x460: {  	s29 =	simm.s32 $0x9C00;
	v26 =	vperm.xlane v19, v8;
	v25 =	vadd.s32 v1, v24  }
0x461: {  	[tilespmem:s29], [sflag:$0x1] =	stream.indirect_vreg.gather [hbm4b:s11+s10], $0x80, v61, vm0, $0xb8;
	[tilespmem:$0x10400] =	vst v63  }
0x462: {  	s30 =	simm.s32 $0x9C80;
	v28 =	vperm.xlane v19, v11;
	v27 =	vadd.s32 v1, v26  }
0x463: {  	[tilespmem:s30], [sflag:$0x1] =	stream.indirect_vreg.gather [hbm4b:s11+s10], $0x80, v63, vm0, $0xb8;
	[tilespmem:$0x10400] =	vst v63  }
0x464: {  	s31 =	simm.s32 $0x9D00;
	v30 =	vperm.xlane v19, v6;
	v29 =	vadd.s32 v1, v28  }
0x465: {  	[tilespmem:s31], [sflag:$0x1] =	stream.indirect_vreg.gather [hbm4b:s11+s10], $0x80, v25, vm0, $0xb8;
	[tilespmem:$0x10400] =	vst v63  }
0x466: {  	s13 =	simm.s32 $0x9D80;
	v32 =	vperm.xlane v19, v9;
	v31 =	vadd.s32 v1, v30  }
0x467: {  	[tilespmem:s13], [sflag:$0x1] =	stream.indirect_vreg.gather [hbm4b:s11+s10], $0x80, v27, vm0, $0xb8;
	[tilespmem:$0x10400] =	vst v63  }
0x468: {  	s14 =	simm.s32 $0x9E00;
	v34 =	vperm.xlane v19, v3;
	v33 =	vadd.s32 v1, v32  }
0x469: {  	[tilespmem:s14], [sflag:$0x1] =	stream.indirect_vreg.gather [hbm4b:s11+s10], $0x80, v29, vm0, $0xb8;
	[tilespmem:$0x10400] =	vst v63  }
0x46a: {  	s15 =	simm.s32 $0x9E80;
	v36 =	vperm.xlane v19, v7;
	v35 =	vadd.s32 v1, v34  }
0x46b: {  	[tilespmem:s15], [sflag:$0x1] =	stream.indirect_vreg.gather [hbm4b:s11+s10], $0x80, v31, vm0, $0xb8;
	[tilespmem:$0x10400] =	vst v63  }
0x46c: {  	s16 =	simm.s32 $0x9F00;
	v38 =	vperm.xlane v19, v2;
	v37 =	vadd.s32 v1, v36  }
0x46d: {  	[tilespmem:s16], [sflag:$0x1] =	stream.indirect_vreg.gather [hbm4b:s11+s10], $0x80, v33, vm0, $0xb8;
	[tilespmem:$0x10400] =	vst v63  }
0x46e: {  	s17 =	simm.s32 $0x9F80;
	v40 =	vperm.xlane v19, v4;
	v39 =	vadd.s32 v1, v38  }
0x46f: {  	[tilespmem:s17], [sflag:$0x1] =	stream.indirect_vreg.gather [hbm4b:s11+s10], $0x80, v35, vm0, $0xb8;
	[tilespmem:$0x10400] =	vst v63  }
0x470: {  	s18 =	simm.s32 $0xA000;
	v19 =	vperm.xlane v19, v5;
	v41 =	vadd.s32 v1, v40  }
0x471: {  	[tilespmem:s18], [sflag:$0x1] =	stream.indirect_vreg.gather [hbm4b:s11+s10], $0x80, v37, vm0, $0xb8;
	[tilespmem:$0x10400] =	vst v63  }
0x472: {  	s19 =	simm.s32 $0xA080;
	v19 =	vadd.s32 v1, v19  }
0x473: {  	[tilespmem:s19], [sflag:$0x1] =	stream.indirect_vreg.gather [hbm4b:s11+s10], $0x80, v39, vm0, $0xb8;
	[tilespmem:$0x10400] =	vst v63  }
0x474: {  	s20 =	simm.s32 $0xA100  }
0x475: {  	[tilespmem:s20], [sflag:$0x1] =	stream.indirect_vreg.gather [hbm4b:s11+s10], $0x80, v41, vm0, $0xb8;
	[tilespmem:$0x10400] =	vst v63  }
0x476: {  	s21 =	simm.s32 $0xA180  }
0x477: {  	[tilespmem:s21], [sflag:$0x1] =	stream.indirect_vreg.gather [hbm4b:s11+s10], $0x80, v19, vm0, $0xb8;
	[tilespmem:$0x10400] =	vst v63  }
0x478: {  	v19 =	vld [tilespmem:$0x140];
	_ =	sdelay $0x4  }
0x479: {  	v42 =	vshll.u32 v19, $0x4  }
0x47a: {  	v19 =	vand.u32 $0x7, v19;
	v20 =	vand.u32 $0xFFFFFF80, v42  }
0x47b: {  	v19 =	vor.u32 v19, v20  }
0x47c: {  	v20 =	vperm.xlane v19, v17;
	_ =	sdelay $0x1  }
0x47d: {  	v43 =	vperm.xlane v19, v18;
	v20 =	vadd.s32 v1, v20;
	_ =	sdelay $0x1  }
0x47e: {  	v44 =	vperm.xlane v19, v15;
	v21 =	vadd.s32 v1, v43;
	_ =	sdelay $0x1  }
0x47f: {  	s22 =	simm.s32 $0xA200;
	v45 =	vperm.xlane v19, v16;
	v22 =	vadd.s32 v1, v44  }
0x480: {  	[tilespmem:s22], [sflag:$0x1] =	stream.indirect_vreg.gather [hbm4b:s11+s10], $0x80, v20, vm0, $0xb8;
	[tilespmem:$0x10400] =	vst v63  }
0x481: {  	s23 =	simm.s32 $0xA280;
	v47 =	vperm.xlane v19, v12;
	v46 =	vadd.s32 v1, v45  }
0x482: {  	[tilespmem:s23], [sflag:$0x1] =	stream.indirect_vreg.gather [hbm4b:s11+s10], $0x80, v21, vm0, $0xb8;
	[tilespmem:$0x10400] =	vst v63  }
0x483: {  	s24 =	simm.s32 $0xA300;
	v49 =	vperm.xlane v19, v10;
	v48 =	vadd.s32 v1, v47  }
0x484: {  	[tilespmem:s24], [sflag:$0x1] =	stream.indirect_vreg.gather [hbm4b:s11+s10], $0x80, v22, vm0, $0xb8;
	[tilespmem:$0x10400] =	vst v63  }
0x485: {  	s25 =	simm.s32 $0xA380;
	v51 =	vperm.xlane v19, v13;
	v50 =	vadd.s32 v1, v49  }
0x486: {  	[tilespmem:s25], [sflag:$0x1] =	stream.indirect_vreg.gather [hbm4b:s11+s10], $0x80, v46, vm0, $0xb8;
	[tilespmem:$0x10400] =	vst v63  }
0x487: {  	s26 =	simm.s32 $0xA400;
	v53 =	vperm.xlane v19, v8;
	v52 =	vadd.s32 v1, v51  }
0x488: {  	[tilespmem:s26], [sflag:$0x1] =	stream.indirect_vreg.gather [hbm4b:s11+s10], $0x80, v48, vm0, $0xb8;
	[tilespmem:$0x10400] =	vst v63  }
0x489: {  	s28 =	simm.s32 $0xA480;
	v55 =	vperm.xlane v19, v11;
	v54 =	vadd.s32 v1, v53  }
0x48a: {  	[tilespmem:s28], [sflag:$0x1] =	stream.indirect_vreg.gather [hbm4b:s11+s10], $0x80, v50, vm0, $0xb8;
	[tilespmem:$0x10400] =	vst v63  }
0x48b: {  	s29 =	simm.s32 $0xA500;
	v57 =	vperm.xlane v19, v6;
	v56 =	vadd.s32 v1, v55  }
0x48c: {  	[tilespmem:s29], [sflag:$0x1] =	stream.indirect_vreg.gather [hbm4b:s11+s10], $0x80, v52, vm0, $0xb8;
	[tilespmem:$0x10400] =	vst v63  }
0x48d: {  	s30 =	simm.s32 $0xA580;
	v59 =	vperm.xlane v19, v9;
	v58 =	vadd.s32 v1, v57  }
0x48e: {  	[tilespmem:s30], [sflag:$0x1] =	stream.indirect_vreg.gather [hbm4b:s11+s10], $0x80, v54, vm0, $0xb8;
	[tilespmem:$0x10400] =	vst v63  }
0x48f: {  	s31 =	simm.s32 $0xA600;
	v61 =	vperm.xlane v19, v3;
	v60 =	vadd.s32 v1, v59  }
0x490: {  	[tilespmem:s31], [sflag:$0x1] =	stream.indirect_vreg.gather [hbm4b:s11+s10], $0x80, v56, vm0, $0xb8;
	[tilespmem:$0x10400] =	vst v63  }
0x491: {  	s13 =	simm.s32 $0xA680;
	v63 =	vperm.xlane v19, v7;
	v62 =	vadd.s32 v1, v61  }
0x492: {  	[tilespmem:s13], [sflag:$0x1] =	stream.indirect_vreg.gather [hbm4b:s11+s10], $0x80, v58, vm0, $0xb8;
	[tilespmem:$0x10400] =	vst v63  }
0x493: {  	s14 =	simm.s32 $0xA700;
	v25 =	vperm.xlane v19, v2;
	v24 =	vadd.s32 v1, v63  }
0x494: {  	[tilespmem:s14], [sflag:$0x1] =	stream.indirect_vreg.gather [hbm4b:s11+s10], $0x80, v60, vm0, $0xb8;
	[tilespmem:$0x10400] =	vst v63  }
0x495: {  	s15 =	simm.s32 $0xA780;
	v27 =	vperm.xlane v19, v4;
	v26 =	vadd.s32 v1, v25  }
0x496: {  	[tilespmem:s15], [sflag:$0x1] =	stream.indirect_vreg.gather [hbm4b:s11+s10], $0x80, v62, vm0, $0xb8;
	[tilespmem:$0x10400] =	vst v63  }
0x497: {  	s16 =	simm.s32 $0xA800;
	v19 =	vperm.xlane v19, v5;
	v28 =	vadd.s32 v1, v27  }
0x498: {  	[tilespmem:s16], [sflag:$0x1] =	stream.indirect_vreg.gather [hbm4b:s11+s10], $0x80, v24, vm0, $0xb8;
	[tilespmem:$0x10400] =	vst v63  }
0x499: {  	s17 =	simm.s32 $0xA880;
	v19 =	vadd.s32 v1, v19  }
0x49a: {  	[tilespmem:s17], [sflag:$0x1] =	stream.indirect_vreg.gather [hbm4b:s11+s10], $0x80, v26, vm0, $0xb8;
	[tilespmem:$0x10400] =	vst v63  }
0x49b: {  	s18 =	simm.s32 $0xA900  }
0x49c: {  	[tilespmem:s18], [sflag:$0x1] =	stream.indirect_vreg.gather [hbm4b:s11+s10], $0x80, v28, vm0, $0xb8;
	[tilespmem:$0x10400] =	vst v63  }
0x49d: {  	s19 =	simm.s32 $0xA980  }
0x49e: {  	[tilespmem:s19], [sflag:$0x1] =	stream.indirect_vreg.gather [hbm4b:s11+s10], $0x80, v19, vm0, $0xb8;
	[tilespmem:$0x10400] =	vst v63  }
0x49f: {  	v19 =	vld [tilespmem:$0x150];
	_ =	sdelay $0x4  }
0x4a0: {  	v29 =	vshll.u32 v19, $0x4  }
0x4a1: {  	v19 =	vand.u32 $0x7, v19;
	v20 =	vand.u32 $0xFFFFFF80, v29  }
0x4a2: {  	v19 =	vor.u32 v19, v20  }
0x4a3: {  	v20 =	vperm.xlane v19, v17;
	_ =	sdelay $0x1  }
0x4a4: {  	v30 =	vperm.xlane v19, v18;
	v20 =	vadd.s32 v1, v20;
	_ =	sdelay $0x1  }
0x4a5: {  	v31 =	vperm.xlane v19, v15;
	v21 =	vadd.s32 v1, v30;
	_ =	sdelay $0x1  }
0x4a6: {  	s20 =	simm.s32 $0xAA00;
	v32 =	vperm.xlane v19, v16;
	v22 =	vadd.s32 v1, v31  }
0x4a7: {  	[tilespmem:s20], [sflag:$0x1] =	stream.indirect_vreg.gather [hbm4b:s11+s10], $0x80, v20, vm0, $0xb8;
	[tilespmem:$0x10400] =	vst v63  }
0x4a8: {  	s21 =	simm.s32 $0xAA80;
	v34 =	vperm.xlane v19, v12;
	v33 =	vadd.s32 v1, v32  }
0x4a9: {  	[tilespmem:s21], [sflag:$0x1] =	stream.indirect_vreg.gather [hbm4b:s11+s10], $0x80, v21, vm0, $0xb8;
	[tilespmem:$0x10400] =	vst v63  }
0x4aa: {  	s22 =	simm.s32 $0xAB00;
	v36 =	vperm.xlane v19, v10;
	v35 =	vadd.s32 v1, v34  }
0x4ab: {  	[tilespmem:s22], [sflag:$0x1] =	stream.indirect_vreg.gather [hbm4b:s11+s10], $0x80, v22, vm0, $0xb8;
	[tilespmem:$0x10400] =	vst v63  }
0x4ac: {  	s23 =	simm.s32 $0xAB80;
	v38 =	vperm.xlane v19, v13;
	v37 =	vadd.s32 v1, v36  }
0x4ad: {  	[tilespmem:s23], [sflag:$0x1] =	stream.indirect_vreg.gather [hbm4b:s11+s10], $0x80, v33, vm0, $0xb8;
	[tilespmem:$0x10400] =	vst v63  }
0x4ae: {  	s24 =	simm.s32 $0xAC00;
	v40 =	vperm.xlane v19, v8;
	v39 =	vadd.s32 v1, v38  }
0x4af: {  	[tilespmem:s24], [sflag:$0x1] =	stream.indirect_vreg.gather [hbm4b:s11+s10], $0x80, v35, vm0, $0xb8;
	[tilespmem:$0x10400] =	vst v63  }
0x4b0: {  	s25 =	simm.s32 $0xAC80;
	v42 =	vperm.xlane v19, v11;
	v41 =	vadd.s32 v1, v40  }
0x4b1: {  	[tilespmem:s25], [sflag:$0x1] =	stream.indirect_vreg.gather [hbm4b:s11+s10], $0x80, v37, vm0, $0xb8;
	[tilespmem:$0x10400] =	vst v63  }
0x4b2: {  	s26 =	simm.s32 $0xAD00;
	v44 =	vperm.xlane v19, v6;
	v43 =	vadd.s32 v1, v42  }
0x4b3: {  	[tilespmem:s26], [sflag:$0x1] =	stream.indirect_vreg.gather [hbm4b:s11+s10], $0x80, v39, vm0, $0xb8;
	[tilespmem:$0x10400] =	vst v63  }
0x4b4: {  	s28 =	simm.s32 $0xAD80;
	v46 =	vperm.xlane v19, v9;
	v45 =	vadd.s32 v1, v44  }
0x4b5: {  	[tilespmem:s28], [sflag:$0x1] =	stream.indirect_vreg.gather [hbm4b:s11+s10], $0x80, v41, vm0, $0xb8;
	[tilespmem:$0x10400] =	vst v63  }
0x4b6: {  	s29 =	simm.s32 $0xAE00;
	v48 =	vperm.xlane v19, v3;
	v47 =	vadd.s32 v1, v46  }
0x4b7: {  	[tilespmem:s29], [sflag:$0x1] =	stream.indirect_vreg.gather [hbm4b:s11+s10], $0x80, v43, vm0, $0xb8;
	[tilespmem:$0x10400] =	vst v63  }
0x4b8: {  	s30 =	simm.s32 $0xAE80;
	v50 =	vperm.xlane v19, v7;
	v49 =	vadd.s32 v1, v48  }
0x4b9: {  	[tilespmem:s30], [sflag:$0x1] =	stream.indirect_vreg.gather [hbm4b:s11+s10], $0x80, v45, vm0, $0xb8;
	[tilespmem:$0x10400] =	vst v63  }
0x4ba: {  	s31 =	simm.s32 $0xAF00;
	v52 =	vperm.xlane v19, v2;
	v51 =	vadd.s32 v1, v50  }
0x4bb: {  	[tilespmem:s31], [sflag:$0x1] =	stream.indirect_vreg.gather [hbm4b:s11+s10], $0x80, v47, vm0, $0xb8;
	[tilespmem:$0x10400] =	vst v63  }
0x4bc: {  	s13 =	simm.s32 $0xAF80;
	v54 =	vperm.xlane v19, v4;
	v53 =	vadd.s32 v1, v52  }
0x4bd: {  	[tilespmem:s13], [sflag:$0x1] =	stream.indirect_vreg.gather [hbm4b:s11+s10], $0x80, v49, vm0, $0xb8;
	[tilespmem:$0x10400] =	vst v63  }
0x4be: {  	s14 =	simm.s32 $0xB000;
	v19 =	vperm.xlane v19, v5;
	v55 =	vadd.s32 v1, v54  }
0x4bf: {  	[tilespmem:s14], [sflag:$0x1] =	stream.indirect_vreg.gather [hbm4b:s11+s10], $0x80, v51, vm0, $0xb8;
	[tilespmem:$0x10400] =	vst v63  }
0x4c0: {  	s15 =	simm.s32 $0xB080;
	v19 =	vadd.s32 v1, v19  }
0x4c1: {  	[tilespmem:s15], [sflag:$0x1] =	stream.indirect_vreg.gather [hbm4b:s11+s10], $0x80, v53, vm0, $0xb8;
	[tilespmem:$0x10400] =	vst v63  }
0x4c2: {  	s16 =	simm.s32 $0xB100  }
0x4c3: {  	[tilespmem:s16], [sflag:$0x1] =	stream.indirect_vreg.gather [hbm4b:s11+s10], $0x80, v55, vm0, $0xb8;
	[tilespmem:$0x10400] =	vst v63  }
0x4c4: {  	s17 =	simm.s32 $0xB180  }
0x4c5: {  	[tilespmem:s17], [sflag:$0x1] =	stream.indirect_vreg.gather [hbm4b:s11+s10], $0x80, v19, vm0, $0xb8;
	[tilespmem:$0x10400] =	vst v63  }
0x4c6: {  	v19 =	vld [tilespmem:$0x160];
	_ =	sdelay $0x4  }
0x4c7: {  	v56 =	vshll.u32 v19, $0x4  }
0x4c8: {  	v19 =	vand.u32 $0x7, v19;
	v20 =	vand.u32 $0xFFFFFF80, v56  }
0x4c9: {  	v19 =	vor.u32 v19, v20  }
0x4ca: {  	v20 =	vperm.xlane v19, v17;
	_ =	sdelay $0x1  }
0x4cb: {  	v57 =	vperm.xlane v19, v18;
	v20 =	vadd.s32 v1, v20;
	_ =	sdelay $0x1  }
0x4cc: {  	v58 =	vperm.xlane v19, v15;
	v21 =	vadd.s32 v1, v57;
	_ =	sdelay $0x1  }
0x4cd: {  	s18 =	simm.s32 $0xB200;
	v59 =	vperm.xlane v19, v16;
	v22 =	vadd.s32 v1, v58  }
0x4ce: {  	[tilespmem:s18], [sflag:$0x1] =	stream.indirect_vreg.gather [hbm4b:s11+s10], $0x80, v20, vm0, $0xb8;
	[tilespmem:$0x10400] =	vst v63  }
0x4cf: {  	s19 =	simm.s32 $0xB280;
	v61 =	vperm.xlane v19, v12;
	v60 =	vadd.s32 v1, v59  }
0x4d0: {  	[tilespmem:s19], [sflag:$0x1] =	stream.indirect_vreg.gather [hbm4b:s11+s10], $0x80, v21, vm0, $0xb8;
	[tilespmem:$0x10400] =	vst v63  }
0x4d1: {  	s20 =	simm.s32 $0xB300;
	v63 =	vperm.xlane v19, v10;
	v62 =	vadd.s32 v1, v61  }
0x4d2: {  	[tilespmem:s20], [sflag:$0x1] =	stream.indirect_vreg.gather [hbm4b:s11+s10], $0x80, v22, vm0, $0xb8;
	[tilespmem:$0x10400] =	vst v63  }
0x4d3: {  	s21 =	simm.s32 $0xB380;
	v25 =	vperm.xlane v19, v13;
	v24 =	vadd.s32 v1, v63  }
0x4d4: {  	[tilespmem:s21], [sflag:$0x1] =	stream.indirect_vreg.gather [hbm4b:s11+s10], $0x80, v60, vm0, $0xb8;
	[tilespmem:$0x10400] =	vst v63  }
0x4d5: {  	s22 =	simm.s32 $0xB400;
	v27 =	vperm.xlane v19, v8;
	v26 =	vadd.s32 v1, v25  }
0x4d6: {  	[tilespmem:s22], [sflag:$0x1] =	stream.indirect_vreg.gather [hbm4b:s11+s10], $0x80, v62, vm0, $0xb8;
	[tilespmem:$0x10400] =	vst v63  }
0x4d7: {  	s23 =	simm.s32 $0xB480;
	v29 =	vperm.xlane v19, v11;
	v28 =	vadd.s32 v1, v27  }
0x4d8: {  	[tilespmem:s23], [sflag:$0x1] =	stream.indirect_vreg.gather [hbm4b:s11+s10], $0x80, v24, vm0, $0xb8;
	[tilespmem:$0x10400] =	vst v63  }
0x4d9: {  	s24 =	simm.s32 $0xB500;
	v31 =	vperm.xlane v19, v6;
	v30 =	vadd.s32 v1, v29  }
0x4da: {  	[tilespmem:s24], [sflag:$0x1] =	stream.indirect_vreg.gather [hbm4b:s11+s10], $0x80, v26, vm0, $0xb8;
	[tilespmem:$0x10400] =	vst v63  }
0x4db: {  	s25 =	simm.s32 $0xB580;
	v33 =	vperm.xlane v19, v9;
	v32 =	vadd.s32 v1, v31  }
0x4dc: {  	[tilespmem:s25], [sflag:$0x1] =	stream.indirect_vreg.gather [hbm4b:s11+s10], $0x80, v28, vm0, $0xb8;
	[tilespmem:$0x10400] =	vst v63  }
0x4dd: {  	s26 =	simm.s32 $0xB600;
	v35 =	vperm.xlane v19, v3;
	v34 =	vadd.s32 v1, v33  }
0x4de: {  	[tilespmem:s26], [sflag:$0x1] =	stream.indirect_vreg.gather [hbm4b:s11+s10], $0x80, v30, vm0, $0xb8;
	[tilespmem:$0x10400] =	vst v63  }
0x4df: {  	s28 =	simm.s32 $0xB680;
	v37 =	vperm.xlane v19, v7;
	v36 =	vadd.s32 v1, v35  }
0x4e0: {  	[tilespmem:s28], [sflag:$0x1] =	stream.indirect_vreg.gather [hbm4b:s11+s10], $0x80, v32, vm0, $0xb8;
	[tilespmem:$0x10400] =	vst v63  }
0x4e1: {  	s29 =	simm.s32 $0xB700;
	v39 =	vperm.xlane v19, v2;
	v38 =	vadd.s32 v1, v37  }
0x4e2: {  	[tilespmem:s29], [sflag:$0x1] =	stream.indirect_vreg.gather [hbm4b:s11+s10], $0x80, v34, vm0, $0xb8;
	[tilespmem:$0x10400] =	vst v63  }
0x4e3: {  	s30 =	simm.s32 $0xB780;
	v41 =	vperm.xlane v19, v4;
	v40 =	vadd.s32 v1, v39  }
0x4e4: {  	[tilespmem:s30], [sflag:$0x1] =	stream.indirect_vreg.gather [hbm4b:s11+s10], $0x80, v36, vm0, $0xb8;
	[tilespmem:$0x10400] =	vst v63  }
0x4e5: {  	s31 =	simm.s32 $0xB800;
	v19 =	vperm.xlane v19, v5;
	v42 =	vadd.s32 v1, v41  }
0x4e6: {  	[tilespmem:s31], [sflag:$0x1] =	stream.indirect_vreg.gather [hbm4b:s11+s10], $0x80, v38, vm0, $0xb8;
	[tilespmem:$0x10400] =	vst v63  }
0x4e7: {  	s13 =	simm.s32 $0xB880;
	v19 =	vadd.s32 v1, v19  }
0x4e8: {  	[tilespmem:s13], [sflag:$0x1] =	stream.indirect_vreg.gather [hbm4b:s11+s10], $0x80, v40, vm0, $0xb8;
	[tilespmem:$0x10400] =	vst v63  }
0x4e9: {  	s14 =	simm.s32 $0xB900  }
0x4ea: {  	[tilespmem:s14], [sflag:$0x1] =	stream.indirect_vreg.gather [hbm4b:s11+s10], $0x80, v42, vm0, $0xb8;
	[tilespmem:$0x10400] =	vst v63  }
0x4eb: {  	s15 =	simm.s32 $0xB980  }
0x4ec: {  	[tilespmem:s15], [sflag:$0x1] =	stream.indirect_vreg.gather [hbm4b:s11+s10], $0x80, v19, vm0, $0xb8;
	[tilespmem:$0x10400] =	vst v63  }
0x4ed: {  	v19 =	vld [tilespmem:$0x170];
	_ =	sdelay $0x4  }
0x4ee: {  	v43 =	vshll.u32 v19, $0x4  }
0x4ef: {  	v19 =	vand.u32 $0x7, v19;
	v20 =	vand.u32 $0xFFFFFF80, v43  }
0x4f0: {  	v19 =	vor.u32 v19, v20  }
0x4f1: {  	v20 =	vperm.xlane v19, v17  }
0x4f2: {  	s6 =	sadd.s32 $0x180, s6;
	v17 =	vadd.s32 $0xADD083F4, v14;
	v18 =	vperm.xlane v19, v18;
	v14 =	vadd.s32 $0xB1A83721, v14  }
0x4f3: {  	v15 =	vperm.xlane v19, v15;
	v16 =	vperm.xlane v19, v16;
	v44 =	vadd.s32 s6, v17  }
0x4f4: {  	v20 =	vadd.s32 v1, v20;
	v45 =	vshrl.u32 v44, $0x13;
	v21 =	vshll.u32 v44, $0xD  }
0x4f5: {  	v12 =	vperm.xlane v19, v12;
	v46 =	vadd.s32 s6, v14;
	v21 =	vor.u32 v45, v21  }
0x4f6: {  	v10 =	vperm.xlane v19, v10;
	v18 =	vadd.s32 v1, v18;
	v21 =	vxor.u32 v46, v21  }
0x4f7: {  	v13 =	vperm.xlane v19, v13;
	v47 =	vshrl.u32 v21, $0x11;
	v24 =	vshll.u32 v21, $0xF  }
0x4f8: {  	s16 =	simm.s32 $0xBA00;
	v15 =	vadd.s32 v1, v15;
	v21 =	vadd.s32 v46, v21;
	v22 =	vor.u32 v47, v24  }
0x4f9: {  	v8 =	vperm.xlane v19, v8;
	[tilespmem:s16], [sflag:$0x1] =	stream.indirect_vreg.gather [hbm4b:s11+s10], $0x80, v20, vm0, $0xb8;
	v48 =	vxor.u32 v21, v22;
	[tilespmem:$0x10400] =	vst v63  }
0x4fa: {  	s17 =	simm.s32 $0xBA80;
	v16 =	vadd.s32 v1, v16;
	v22 =	vshrl.u32 v48, $0x6;
	v49 =	vshll.u32 v48, $0x1A  }
0x4fb: {  	[tilespmem:s17], [sflag:$0x1] =	stream.indirect_vreg.gather [hbm4b:s11+s10], $0x80, v18, vm0, $0xb8;
	v18 =	vadd.s32 v21, v48;
	v50 =	vor.u32 v22, v49;
	[tilespmem:$0x10400] =	vst v63  }
0x4fc: {  	s18 =	simm.s32 $0xBB00;
	v11 =	vperm.xlane v19, v11;
	v12 =	vadd.s32 v1, v12;
	v20 =	vxor.u32 v18, v50  }
0x4fd: {  	v6 =	vperm.xlane v19, v6;
	[tilespmem:s18], [sflag:$0x1] =	stream.indirect_vreg.gather [hbm4b:s11+s10], $0x80, v15, vm0, $0xb8;
	v15 =	vshrl.u32 v20, $0x1A;
	v51 =	vshll.u32 v20, $0x6;
	[tilespmem:$0x10400] =	vst v63  }
0x4fe: {  	s19 =	simm.s32 $0xBB80;
	v10 =	vadd.s32 v1, v10;
	v18 =	vadd.s32 v18, v20;
	v15 =	vor.u32 v15, v51  }
0x4ff: {  	v9 =	vperm.xlane v19, v9;
	[tilespmem:s19], [sflag:$0x1] =	stream.indirect_vreg.gather [hbm4b:s11+s10], $0x80, v16, vm0, $0xb8;
	v15 =	vxor.u32 v18, v15;
	[tilespmem:$0x10400] =	vst v63  }
0x500: {  	s20 =	simm.s32 $0xBC00;
	v3 =	vperm.xlane v19, v3;
	v13 =	vadd.s32 v1, v13;
	v15 =	vadd.s32 $0xB5D62B04, v15  }
0x501: {  	[tilespmem:s20], [sflag:$0x1] =	stream.indirect_vreg.gather [hbm4b:s11+s10], $0x80, v12, vm0, $0xb8;
	v12 =	vadd.s32 v15, v18;
	v16 =	vshrl.u32 v15, $0xF;
	v15 =	vshll.u32 v15, $0x11;
	[tilespmem:$0x10400] =	vst v63  }
0x502: {  	s21 =	simm.s32 $0xBC80;
	v8 =	vadd.s32 v1, v8;
	v12 =	vadd.s32 $0xADD083F4, v12;
	v15 =	vor.u32 v16, v15  }
0x503: {  	v7 =	vperm.xlane v19, v7;
	[tilespmem:s21], [sflag:$0x1] =	stream.indirect_vreg.gather [hbm4b:s11+s10], $0x80, v10, vm0, $0xb8;
	v53 =	vxor.u32 v12, v15;
	[tilespmem:$0x10400] =	vst v63  }
0x504: {  	s22 =	simm.s32 $0xBD00;
	v52 =	vadd.s32 v1, v11;
	v15 =	vshrl.u32 v53, $0x3;
	v16 =	vshll.u32 v53, $0x1D  }
0x505: {  	v11 =	vadd.s32 v12, v53;
	[tilespmem:s22], [sflag:$0x1] =	stream.indirect_vreg.gather [hbm4b:s11+s10], $0x80, v13, vm0, $0xb8;
	v12 =	vor.u32 v15, v16;
	[tilespmem:$0x10400] =	vst v63  }
0x506: {  	s23 =	simm.s32 $0xBD80;
	v2 =	vperm.xlane v19, v2;
	v6 =	vadd.s32 v1, v6;
	v12 =	vxor.u32 v11, v12  }
0x507: {  	v4 =	vperm.xlane v19, v4;
	[tilespmem:s23], [sflag:$0x1] =	stream.indirect_vreg.gather [hbm4b:s11+s10], $0x80, v8, vm0, $0xb8;
	v54 =	vshrl.u32 v12, $0x10;
	v13 =	vshll.u32 v12, $0x10;
	[tilespmem:$0x10400] =	vst v63  }
0x508: {  	s24 =	simm.s32 $0xBE00;
	v9 =	vadd.s32 v1, v9;
	v11 =	vadd.s32 v11, v12;
	v8 =	vor.u32 v54, v13  }
0x509: {  	v5 =	vperm.xlane v19, v5;
	[tilespmem:s24], [sflag:$0x1] =	stream.indirect_vreg.gather [hbm4b:s11+s10], $0x80, v52, vm0, $0xb8;
	v8 =	vxor.u32 v11, v8;
	[tilespmem:$0x10400] =	vst v63  }
0x50a: {  	s25 =	simm.s32 $0xBE80;
	v3 =	vadd.s32 v1, v3;
	v55 =	vshrl.u32 v8, $0x8;
	v12 =	vshll.u32 v8, $0x18  }
0x50b: {  	[tilespmem:s25], [sflag:$0x1] =	stream.indirect_vreg.gather [hbm4b:s11+s10], $0x80, v6, vm0, $0xb8;
	v6 =	vadd.s32 v11, v8;
	v56 =	vor.u32 v55, v12;
	[tilespmem:$0x10400] =	vst v63  }
0x50c: {  	s13 =	simm.s32 $0xBF00;
	v7 =	vadd.s32 v1, v7;
	v2 =	vadd.s32 v1, v2;
	v8 =	vxor.u32 v6, v56  }
0x50d: {  	v4 =	vadd.s32 v1, v4;
	v1 =	vadd.s32 v1, v5;
	[tilespmem:s13], [sflag:$0x1] =	stream.indirect_vreg.gather [hbm4b:s11+s10], $0x80, v9, vm0, $0xb8;
	v8 =	vadd.s32 $0x3D7B32F, v8;
	[tilespmem:$0x10400] =	vst v63  }
0x50e: {  	s12 =	sadd.s32 $0x10, s6;
	s26 =	simm.s32 $0xBF80;
	v6 =	vadd.s32 v8, v6;
	v57 =	vshrl.u32 v8, $0x13;
	v8 =	vshll.u32 v8, $0xD  }
0x50f: {  	[tilespmem:s26], [sflag:$0x1] =	stream.indirect_vreg.gather [hbm4b:s11+s10], $0x80, v3, vm0, $0xb8;
	v3 =	vadd.s32 s12, v17;
	v6 =	vadd.s32 $0xB5D62B03, v6;
	v8 =	vor.u32 v57, v8;
	[tilespmem:$0x10400] =	vst v63  }
0x510: {  	s28 =	simm.s32 $0xC000;
	v58 =	vshrl.u32 v3, $0x13;
	v3 =	vshll.u32 v3, $0xD;
	v8 =	vxor.u32 v6, v8  }
0x511: {  	v5 =	vadd.s32 s12, v14;
	[tilespmem:s28], [sflag:$0x1] =	stream.indirect_vreg.gather [hbm4b:s11+s10], $0x80, v7, vm0, $0xb8;
	v3 =	vor.u32 v58, v3;
	v7 =	vshrl.u32 v8, $0x11;
	[tilespmem:$0x10400] =	vst v63  }
0x512: {  	s29 =	simm.s32 $0xC080;
	v59 =	vshll.u32 v8, $0xF;
	v6 =	vadd.s32 v6, v8;
	v3 =	vxor.u32 v5, v3  }
0x513: {  	v7 =	vor.u32 v7, v59;
	[tilespmem:s29], [sflag:$0x1] =	stream.indirect_vreg.gather [hbm4b:s11+s10], $0x80, v2, vm0, $0xb8;
	v2 =	vadd.s32 v5, v3;
	[tilespmem:$0x10400] =	vst v63  }
0x514: {  	v5 =	vshrl.u32 v3, $0x11;
	v7 =	vxor.u32 v6, v7;
	v3 =	vshll.u32 v3, $0xF  }
0x515: {  	s30 =	simm.s32 $0xC100;
	v60 =	vshrl.u32 v7, $0x6;
	v61 =	vshll.u32 v7, $0x1A;
	v3 =	vor.u32 v5, v3  }
0x516: {  	[tilespmem:s30], [sflag:$0x1] =	stream.indirect_vreg.gather [hbm4b:s11+s10], $0x80, v4, vm0, $0xb8;
	v4 =	vadd.s32 v6, v7;
	v5 =	vor.u32 v60, v61;
	[tilespmem:$0x10400] =	vst v63  }
0x517: {  	v3 =	vxor.u32 v2, v3;
	v5 =	vxor.u32 v4, v5  }
0x518: {  	s31 =	simm.s32 $0xC180;
	v6 =	vshrl.u32 v3, $0x6;
	v7 =	vshrl.u32 v5, $0x1A;
	v62 =	vshll.u32 v5, $0x6  }
0x519: {  	v63 =	vshll.u32 v3, $0x1A;
	[tilespmem:s31], [sflag:$0x1] =	stream.indirect_vreg.gather [hbm4b:s11+s10], $0x80, v1, vm0, $0xb8;
	v1 =	vadd.s32 v4, v5;
	v5 =	vor.u32 v7, v62;
	[tilespmem:$0x10400] =	vst v63  }
0x51a: {  	s6 =	simm.s32 $0x40;
	v3 =	vadd.s32 v2, v3;
	v4 =	vor.u32 v6, v63;
	s11 =	simm.s32 $0x80;
	v2 =	vxor.u32 v1, v5  }
.LBB2_7:
0x51b: {  	p0 =	sne.s32 s11, $0x1C0;
	v4 =	vxor.u32 v3, v4;
	v2 =	vadd.s32 $0xADD083F7, v2  }
0x51c: {  	v1 =	vadd.s32 v2, v1;
	v5 =	vshrl.u32 v2, $0xF;
	v2 =	vshll.u32 v2, $0x11  }
0x51d: {  	v3 =	vadd.s32 v3, v4;
	v1 =	vadd.s32 $0x3D7B32D, v1;
	v2 =	vor.u32 v5, v2  }
0x51e: {  	v5 =	vshrl.u32 v4, $0x1A;
	v4 =	vshll.u32 v4, $0x6;
	v2 =	vxor.u32 v1, v2  }
0x51f: {  	v4 =	vor.u32 v5, v4;
	v5 =	vshrl.u32 v2, $0x3;
	v6 =	vshll.u32 v2, $0x1D  }
0x520: {  	v4 =	vxor.u32 v3, v4;
	v1 =	vadd.s32 v1, v2;
	v2 =	vor.u32 v5, v6  }
0x521: {  	v4 =	vadd.s32 $0xB5D62B04, v4;
	v2 =	vxor.u32 v1, v2  }
0x522: {  	v3 =	vadd.s32 v4, v3;
	v5 =	vshrl.u32 v2, $0x10;
	v6 =	vshll.u32 v2, $0x10  }
0x523: {  	v7 =	vshrl.u32 v4, $0xF;
	v1 =	vadd.s32 v1, v2;
	v2 =	vor.u32 v5, v6  }
0x524: {  	v4 =	vshll.u32 v4, $0x11;
	v3 =	vadd.s32 $0xADD083F4, v3;
	v2 =	vxor.u32 v1, v2  }
0x525: {  	v4 =	vor.u32 v7, v4;
	v5 =	vshrl.u32 v2, $0x8;
	v6 =	vshll.u32 v2, $0x18  }
0x526: {  	s12 =	sadd.s32 $0x10, s12;
	v4 =	vxor.u32 v3, v4;
	v1 =	vadd.s32 v1, v2;
	v2 =	vor.u32 v5, v6  }
0x527: {  	v3 =	vadd.s32 v3, v4;
	v5 =	vadd.s32 s12, v14;
	v2 =	vxor.u32 v1, v2  }
0x528: {  	v6 =	vshrl.u32 v4, $0x3;
	v4 =	vshll.u32 v4, $0x1D;
	v2 =	vadd.s32 $0xB5D62B07, v2  }
0x529: {  	v1 =	vadd.s32 v2, v1;
	v7 =	vshrl.u32 v2, $0x13;
	v2 =	vshll.u32 v2, $0xD  }
0x52a: {  	v4 =	vor.u32 v6, v4;
	v1 =	vadd.s32 $0xADD083F4, v1;
	v2 =	vor.u32 v7, v2  }
0x52b: {  	v6 =	vadd.s32 s12, v17;
	v4 =	vxor.u32 v3, v4;
	v2 =	vxor.u32 v1, v2  }
0x52c: {  	v7 =	vshrl.u32 v4, $0x10;
	v8 =	vshrl.u32 v2, $0x11;
	v9 =	vshll.u32 v2, $0xF  }
0x52d: {  	v10 =	vshll.u32 v4, $0x10;
	v1 =	vadd.s32 v1, v2;
	v2 =	vor.u32 v8, v9  }
0x52e: {  	v3 =	vadd.s32 v3, v4;
	v4 =	vor.u32 v7, v10;
	v2 =	vxor.u32 v1, v2  }
0x52f: {  	v4 =	vxor.u32 v3, v4;
	v7 =	vshrl.u32 v2, $0x6;
	v8 =	vshll.u32 v2, $0x1A  }
0x530: {  	v3 =	vadd.s32 v3, v4;
	v1 =	vadd.s32 v1, v2;
	v2 =	vor.u32 v7, v8  }
0x531: {  	v7 =	vshrl.u32 v4, $0x8;
	v4 =	vshll.u32 v4, $0x18;
	v2 =	vxor.u32 v1, v2  }
0x532: {  	v4 =	vor.u32 v7, v4;
	v7 =	vshrl.u32 v2, $0x1A;
	v8 =	vshll.u32 v2, $0x6  }
0x533: {  	v4 =	vxor.u32 v3, v4;
	v1 =	vadd.s32 v1, v2;
	v2 =	vor.u32 v7, v8  }
0x534: {  	v7 =	vshrl.u32 v6, $0x13;
	v4 =	vadd.s32 $0x3D7B32F, v4;
	v2 =	vxor.u32 v1, v2  }
0x535: {  	v3 =	vadd.s32 v4, v3;
	v1 =	vadd.s32 $0xB03, v1;
	v2 =	vadd.s32 $0x332, v2  }
0x536: {  	v8 =	vshrl.u32 v4, $0x13;
	v4 =	vshll.u32 v4, $0xD;
	v1 =	vxor.u32 v1, v2  }
0x537: {  	v2 =	vadd.s32 $0xB5D62B03, v3;
	v3 =	vor.u32 v8, v4;
	v1 =	vand.u32 $0xFFF, v1  }
0x538: {  	s13 =	sshra.s32 s10, $0x2;
	s10 =	smov.u32 s6;
	s6 =	smov.u32 s11;
	v4 =	vshll.u32 v6, $0xD;
	v3 =	vxor.u32 v2, v3;
	v1 =	vor.u32 v0, v1  }
0x539: {  	v4 =	vor.u32 v7, v4;
	v6 =	vshrl.u32 v3, $0x11;
	v7 =	vshll.u32 v3, $0xF;
	[tilespmem:s13+$0x180] =	vst v1  }
0x53a: {  	v2 =	vadd.s32 v2, v3;
	v1 =	vxor.u32 v5, v4;
	v3 =	vor.u32 v6, v7  }
0x53b: {  	v4 =	vadd.s32 v5, v1;
	v5 =	vshrl.u32 v1, $0x11;
	v3 =	vxor.u32 v2, v3  }
0x53c: {  	v1 =	vshll.u32 v1, $0xF;
	v6 =	vshrl.u32 v3, $0x6;
	v7 =	vshll.u32 v3, $0x1A  }
.Ltmp3:
0x53d: {  	v1 =	vor.u32 v5, v1;
	v2 =	vadd.s32 v2, v3;
	v3 =	vor.u32 v6, v7;
	(pc) =	sbr.rel @p0 .LBB2_7-.Ltmp3, $4  }
0x53e: {  	v5 =	vxor.u32 v4, v1;
	v1 =	vxor.u32 v2, v3  }
0x53f: {  	v6 =	vshrl.u32 v5, $0x6;
	v3 =	vshrl.u32 v1, $0x1A;
	v7 =	vshll.u32 v1, $0x6  }
0x540: {  	v8 =	vshll.u32 v5, $0x1A;
	v1 =	vadd.s32 v2, v1;
	v2 =	vor.u32 v3, v7  }
0x541: {  	s11 =	sadd.s32 $0x40, s11;
	v3 =	vadd.s32 v4, v5;
	v4 =	vor.u32 v6, v8;
	v2 =	vxor.u32 v1, v2  }
0x542: {  	v4 =	vxor.u32 v3, v4  }
0x543: {  	v5 =	vshrl.u32 v4, $0x1A;
	v6 =	vshll.u32 v4, $0x6  }
0x544: {  	v3 =	vadd.s32 v3, v4;
	v18 =	vor.u32 v5, v6  }
0x545: {  	v4 =	vxor.u32 v3, v18  }
0x546: {  	v4 =	vadd.s32 $0xB5D62B04, v4  }
0x547: {  	v3 =	vadd.s32 v4, v3;
	v19 =	vshrl.u32 v4, $0xF;
	v4 =	vshll.u32 v4, $0x11  }
0x548: {  	v3 =	vadd.s32 $0xADD083F4, v3;
	v4 =	vor.u32 v19, v4  }
0x549: {  	v4 =	vxor.u32 v3, v4  }
0x54a: {  	v20 =	vshrl.u32 v4, $0x3;
	v21 =	vshll.u32 v4, $0x1D  }
0x54b: {  	v3 =	vadd.s32 v3, v4;
	v22 =	vor.u32 v20, v21  }
0x54c: {  	v4 =	vxor.u32 v3, v22  }
0x54d: {  	v23 =	vshrl.u32 v4, $0x10;
	v24 =	vshll.u32 v4, $0x10  }
0x54e: {  	v3 =	vadd.s32 v3, v4;
	v25 =	vor.u32 v23, v24  }
0x54f: {  	v4 =	vxor.u32 v3, v25  }
0x550: {  	v26 =	vshrl.u32 v4, $0x8;
	v27 =	vshll.u32 v4, $0x18  }
0x551: {  	v3 =	vadd.s32 v3, v4;
	v28 =	vor.u32 v26, v27  }
0x552: {  	v2 =	vadd.s32 $0xADD083F7, v2;
	v4 =	vxor.u32 v3, v28  }
0x553: {  	v1 =	vadd.s32 v2, v1;
	v4 =	vadd.s32 $0x3D7B32F, v4  }
0x554: {  	v3 =	vadd.s32 v4, v3;
	v29 =	vshrl.u32 v4, $0x13;
	v4 =	vshll.u32 v4, $0xD  }
0x555: {  	v30 =	vshrl.u32 v2, $0xF;
	v3 =	vadd.s32 $0xB5D62B03, v3;
	v4 =	vor.u32 v29, v4  }
0x556: {  	v2 =	vshll.u32 v2, $0x11;
	v1 =	vadd.s32 $0x3D7B32D, v1;
	v4 =	vxor.u32 v3, v4  }
0x557: {  	v2 =	vor.u32 v30, v2;
	v31 =	vshrl.u32 v4, $0x11;
	v32 =	vshll.u32 v4, $0xF  }
0x558: {  	v2 =	vxor.u32 v1, v2;
	v3 =	vadd.s32 v3, v4;
	v33 =	vor.u32 v31, v32  }
0x559: {  	v34 =	vshrl.u32 v2, $0x3;
	v35 =	vshll.u32 v2, $0x1D;
	v4 =	vxor.u32 v3, v33  }
0x55a: {  	v1 =	vadd.s32 v1, v2;
	v36 =	vshrl.u32 v4, $0x6;
	v7 =	vshll.u32 v4, $0x1A  }
0x55b: {  	v5 =	vor.u32 v34, v35;
	v3 =	vadd.s32 v3, v4;
	v2 =	vor.u32 v36, v7  }
0x55c: {  	v37 =	vxor.u32 v1, v5;
	v2 =	vxor.u32 v3, v2  }
0x55d: {  	v5 =	vshrl.u32 v37, $0x10;
	v38 =	vshrl.u32 v2, $0x1A;
	v39 =	vshll.u32 v2, $0x6  }
0x55e: {  	v8 =	vshll.u32 v37, $0x10;
	v2 =	vadd.s32 v3, v2;
	v40 =	vor.u32 v38, v39  }
0x55f: {  	v1 =	vadd.s32 v1, v37;
	v41 =	vor.u32 v5, v8;
	v3 =	vxor.u32 v2, v40  }
0x560: {  	v4 =	vxor.u32 v1, v41;
	v3 =	vadd.s32 $0xADD083F7, v3  }
0x561: {  	v2 =	vadd.s32 v3, v2;
	v42 =	vshrl.u32 v3, $0xF;
	v3 =	vshll.u32 v3, $0x11  }
0x562: {  	v43 =	vshrl.u32 v4, $0x8;
	v2 =	vadd.s32 $0x3D7B32D, v2;
	v3 =	vor.u32 v42, v3  }
0x563: {  	v44 =	vshll.u32 v4, $0x18;
	v1 =	vadd.s32 v1, v4;
	v3 =	vxor.u32 v2, v3  }
0x564: {  	v45 =	vor.u32 v43, v44;
	v46 =	vshrl.u32 v3, $0x3;
	v47 =	vshll.u32 v3, $0x1D  }
0x565: {  	v4 =	vxor.u32 v1, v45;
	v2 =	vadd.s32 v2, v3;
	v48 =	vor.u32 v46, v47  }
0x566: {  	v4 =	vadd.s32 $0xB5D62B07, v4;
	v3 =	vxor.u32 v2, v48  }
0x567: {  	v1 =	vadd.s32 v4, v1;
	v49 =	vshrl.u32 v3, $0x10;
	v50 =	vshll.u32 v3, $0x10  }
0x568: {  	v51 =	vshrl.u32 v4, $0x13;
	v2 =	vadd.s32 v2, v3;
	v52 =	vor.u32 v49, v50  }
0x569: {  	v4 =	vshll.u32 v4, $0xD;
	v1 =	vadd.s32 $0xADD083F4, v1;
	v3 =	vxor.u32 v2, v52  }
0x56a: {  	v4 =	vor.u32 v51, v4;
	v53 =	vshrl.u32 v3, $0x8;
	v54 =	vshll.u32 v3, $0x18  }
0x56b: {  	v4 =	vxor.u32 v1, v4;
	v2 =	vadd.s32 v2, v3;
	v55 =	vor.u32 v53, v54  }
0x56c: {  	v56 =	vshrl.u32 v4, $0x11;
	v3 =	vxor.u32 v2, v55  }
0x56d: {  	v57 =	vshll.u32 v4, $0xF;
	v1 =	vadd.s32 v1, v4;
	v3 =	vadd.s32 $0xB5D62B07, v3  }
0x56e: {  	v2 =	vadd.s32 v3, v2;
	v58 =	vshrl.u32 v3, $0x13;
	v3 =	vshll.u32 v3, $0xD  }
0x56f: {  	v5 =	vor.u32 v56, v57;
	v2 =	vadd.s32 $0xADD083F4, v2;
	v3 =	vor.u32 v58, v3  }
0x570: {  	v59 =	vxor.u32 v1, v5;
	v3 =	vxor.u32 v2, v3  }
0x571: {  	v5 =	vshrl.u32 v59, $0x6;
	v60 =	vshrl.u32 v3, $0x11;
	v61 =	vshll.u32 v3, $0xF  }
0x572: {  	v62 =	vshll.u32 v59, $0x1A;
	v2 =	vadd.s32 v2, v3;
	v63 =	vor.u32 v60, v61  }
0x573: {  	v1 =	vadd.s32 v1, v59;
	v8 =	vor.u32 v5, v62;
	v3 =	vxor.u32 v2, v63  }
0x574: {  	v4 =	vxor.u32 v1, v8;
	v9 =	vshrl.u32 v3, $0x6;
	v10 =	vshll.u32 v3, $0x1A  }
0x575: {  	v11 =	vshrl.u32 v4, $0x1A;
	v2 =	vadd.s32 v2, v3;
	v12 =	vor.u32 v9, v10  }
0x576: {  	v13 =	vshll.u32 v4, $0x6;
	v1 =	vadd.s32 v1, v4;
	v3 =	vxor.u32 v2, v12  }
0x577: {  	v14 =	vor.u32 v11, v13;
	v15 =	vshrl.u32 v3, $0x1A;
	v16 =	vshll.u32 v3, $0x6  }
0x578: {  	v4 =	vxor.u32 v1, v14;
	v2 =	vadd.s32 v2, v3;
	v17 =	vor.u32 v15, v16  }
0x579: {  	v1 =	vadd.s32 $0xB03, v1;
	v4 =	vadd.s32 $0x332, v4;
	v3 =	vxor.u32 v2, v17  }
0x57a: {  	v1 =	vxor.u32 v1, v4;
	v2 =	vadd.s32 $0xB03, v2;
	v3 =	vadd.s32 $0x332, v3  }
0x57b: {  	v1 =	vand.u32 $0xFFF, v1;
	v2 =	vxor.u32 v2, v3  }
0x57c: {  	s10 =	sshra.s32 s10, $0x2;
	v1 =	vor.u32 v0, v1;
	v2 =	vand.u32 $0xFFF, v2  }
0x57d: {  	s6 =	sshra.s32 s6, $0x2;
	[tilespmem:s10+$0x180] =	vst v1;
	v18 =	vor.u32 v0, v2  }
0x57e: {  	[tilespmem:s6+$0x180] =	vst v18  }
0x57f: {  	v0 =	vld [tilespmem:$0x180];
	_ =	sdelay $0x4  }
0x580: {  	v19 =	vshll.u32 v0, $0x4  }
0x581: {  	v0 =	vand.u32 $0x7, v0;
	v1 =	vand.u32 $0xFFFFFF80, v19  }
0x582: {  	v2 =	vimm.s32 $0x0;
	v18 =	vor.u32 v0, v1;
	v0 =	vlaneseq.u32  }
0x583: {  	v20 =	vperm.xlane v18, v2;
	v1 =	vmul.u32 $0x8, v0  }
0x584: {  	v3 =	vimm.s32 $0x1  }
0x585: {  	v22 =	vperm.xlane v18, v3;
	v21 =	vadd.s32 v1, v20  }
0x586: {  	v4 =	vimm.s32 $0x2  }
0x587: {  	s6 =	sor.u32 $0x3, s8;
	v24 =	vperm.xlane v18, v4;
	v23 =	vadd.s32 v1, v22  }
0x588: {  	v5 =	vimm.s32 $0x3;
	s8 =	sshll.u32 s6, $0x7  }
0x589: {  	s10 =	sadd.s32 s5, s8;
	s5 =	simm.s32 $0x0;
	s8 =	simm.s32 $0xC200;
	v10 =	vperm.xlane v18, v5;
	v9 =	vadd.s32 v1, v24  }
0x58a: {  	v6 =	vimm.s32 $0x4;
	[tilespmem:s8], [sflag:$0x1] =	stream.indirect_vreg.gather [hbm4b:s10+s5], $0x80, v21, vm0, $0xb8;
	[tilespmem:$0x10400] =	vst v63  }
0x58b: {  	s11 =	simm.s32 $0xC280;
	v11 =	vperm.xlane v18, v6;
	v10 =	vadd.s32 v1, v10  }
0x58c: {  	v7 =	vimm.s32 $0x5;
	[tilespmem:s11], [sflag:$0x1] =	stream.indirect_vreg.gather [hbm4b:s10+s5], $0x80, v23, vm0, $0xb8;
	[tilespmem:$0x10400] =	vst v63  }
0x58d: {  	s25 =	simm.s32 $0xC300;
	v25 =	vperm.xlane v18, v7;
	v11 =	vadd.s32 v1, v11  }
0x58e: {  	[tilespmem:s25], [sflag:$0x1] =	stream.indirect_vreg.gather [hbm4b:s10+s5], $0x80, v9, vm0, $0xb8;
	v9 =	vimm.s32 $0x6;
	[tilespmem:$0x10400] =	vst v63  }
0x58f: {  	s26 =	simm.s32 $0xC380;
	v12 =	vadd.s32 v1, v25;
	v13 =	vperm.xlane v18, v9  }
0x590: {  	v8 =	vimm.s32 $0x7;
	[tilespmem:s26], [sflag:$0x1] =	stream.indirect_vreg.gather [hbm4b:s10+s5], $0x80, v10, vm0, $0xb8;
	[tilespmem:$0x10400] =	vst v63  }
0x591: {  	s28 =	simm.s32 $0xC400;
	v14 =	vperm.xlane v18, v8;
	v13 =	vadd.s32 v1, v13  }
0x592: {  	v10 =	vimm.s32 $0x8;
	[tilespmem:s28], [sflag:$0x1] =	stream.indirect_vreg.gather [hbm4b:s10+s5], $0x80, v11, vm0, $0xb8;
	[tilespmem:$0x10400] =	vst v63  }
0x593: {  	s29 =	simm.s32 $0xC480;
	v14 =	vadd.s32 v1, v14;
	v15 =	vperm.xlane v18, v10  }
0x594: {  	v11 =	vimm.s32 $0x9;
	[tilespmem:s29], [sflag:$0x1] =	stream.indirect_vreg.gather [hbm4b:s10+s5], $0x80, v12, vm0, $0xb8;
	[tilespmem:$0x10400] =	vst v63  }
0x595: {  	s30 =	simm.s32 $0xC500;
	v15 =	vadd.s32 v1, v15;
	v16 =	vperm.xlane v18, v11  }
0x596: {  	v12 =	vimm.s32 $0xA;
	[tilespmem:s30], [sflag:$0x1] =	stream.indirect_vreg.gather [hbm4b:s10+s5], $0x80, v13, vm0, $0xb8;
	[tilespmem:$0x10400] =	vst v63  }
0x597: {  	s31 =	simm.s32 $0xC580;
	v16 =	vadd.s32 v1, v16;
	v17 =	vperm.xlane v18, v12  }
0x598: {  	v13 =	vimm.s32 $0xB;
	[tilespmem:s31], [sflag:$0x1] =	stream.indirect_vreg.gather [hbm4b:s10+s5], $0x80, v14, vm0, $0xb8;
	[tilespmem:$0x10400] =	vst v63  }
0x599: {  	s12 =	simm.s32 $0xC600;
	v17 =	vadd.s32 v1, v17;
	v19 =	vperm.xlane v18, v13  }
0x59a: {  	v14 =	vimm.s32 $0xC;
	[tilespmem:s12], [sflag:$0x1] =	stream.indirect_vreg.gather [hbm4b:s10+s5], $0x80, v15, vm0, $0xb8;
	[tilespmem:$0x10400] =	vst v63  }
0x59b: {  	s13 =	simm.s32 $0xC680;
	v19 =	vadd.s32 v1, v19;
	v20 =	vperm.xlane v18, v14  }
0x59c: {  	v15 =	vimm.s32 $0xD;
	[tilespmem:s13], [sflag:$0x1] =	stream.indirect_vreg.gather [hbm4b:s10+s5], $0x80, v16, vm0, $0xb8;
	[tilespmem:$0x10400] =	vst v63  }
0x59d: {  	s14 =	simm.s32 $0xC700;
	v20 =	vadd.s32 v1, v20;
	v21 =	vperm.xlane v18, v15  }
0x59e: {  	v16 =	vimm.s32 $0xE;
	[tilespmem:s14], [sflag:$0x1] =	stream.indirect_vreg.gather [hbm4b:s10+s5], $0x80, v17, vm0, $0xb8;
	[tilespmem:$0x10400] =	vst v63  }
0x59f: {  	s15 =	simm.s32 $0xC780;
	v21 =	vadd.s32 v1, v21;
	v22 =	vperm.xlane v18, v16  }
0x5a0: {  	v17 =	vimm.s32 $0xF;
	[tilespmem:s15], [sflag:$0x1] =	stream.indirect_vreg.gather [hbm4b:s10+s5], $0x80, v19, vm0, $0xb8;
	[tilespmem:$0x10400] =	vst v63  }
0x5a1: {  	s16 =	simm.s32 $0xC800;
	v26 =	vadd.s32 v1, v22;
	v18 =	vperm.xlane v18, v17  }
0x5a2: {  	[tilespmem:s16], [sflag:$0x1] =	stream.indirect_vreg.gather [hbm4b:s10+s5], $0x80, v20, vm0, $0xb8;
	[tilespmem:$0x10400] =	vst v63  }
0x5a3: {  	s17 =	simm.s32 $0xC880;
	v18 =	vadd.s32 v1, v18  }
0x5a4: {  	[tilespmem:s17], [sflag:$0x1] =	stream.indirect_vreg.gather [hbm4b:s10+s5], $0x80, v21, vm0, $0xb8;
	[tilespmem:$0x10400] =	vst v63  }
0x5a5: {  	s18 =	simm.s32 $0xC900  }
0x5a6: {  	[tilespmem:s18], [sflag:$0x1] =	stream.indirect_vreg.gather [hbm4b:s10+s5], $0x80, v26, vm0, $0xb8;
	[tilespmem:$0x10400] =	vst v63  }
0x5a7: {  	s19 =	simm.s32 $0xC980  }
0x5a8: {  	[tilespmem:s19], [sflag:$0x1] =	stream.indirect_vreg.gather [hbm4b:s10+s5], $0x80, v18, vm0, $0xb8;
	[tilespmem:$0x10400] =	vst v63  }
0x5a9: {  	v18 =	vld [tilespmem:$0x190];
	_ =	sdelay $0x4  }
0x5aa: {  	v27 =	vshll.u32 v18, $0x4  }
0x5ab: {  	v18 =	vand.u32 $0x7, v18;
	v19 =	vand.u32 $0xFFFFFF80, v27  }
0x5ac: {  	v18 =	vor.u32 v18, v19  }
0x5ad: {  	v19 =	vperm.xlane v18, v2;
	_ =	sdelay $0x1  }
0x5ae: {  	v28 =	vperm.xlane v18, v3;
	v19 =	vadd.s32 v1, v19;
	_ =	sdelay $0x1  }
0x5af: {  	v29 =	vperm.xlane v18, v4;
	v20 =	vadd.s32 v1, v28;
	_ =	sdelay $0x1  }
0x5b0: {  	s20 =	simm.s32 $0xCA00;
	v30 =	vperm.xlane v18, v5;
	v21 =	vadd.s32 v1, v29  }
0x5b1: {  	[tilespmem:s20], [sflag:$0x1] =	stream.indirect_vreg.gather [hbm4b:s10+s5], $0x80, v19, vm0, $0xb8;
	[tilespmem:$0x10400] =	vst v63  }
0x5b2: {  	s21 =	simm.s32 $0xCA80;
	v32 =	vperm.xlane v18, v6;
	v31 =	vadd.s32 v1, v30  }
0x5b3: {  	[tilespmem:s21], [sflag:$0x1] =	stream.indirect_vreg.gather [hbm4b:s10+s5], $0x80, v20, vm0, $0xb8;
	[tilespmem:$0x10400] =	vst v63  }
0x5b4: {  	s22 =	simm.s32 $0xCB00;
	v34 =	vperm.xlane v18, v7;
	v33 =	vadd.s32 v1, v32  }
0x5b5: {  	[tilespmem:s22], [sflag:$0x1] =	stream.indirect_vreg.gather [hbm4b:s10+s5], $0x80, v21, vm0, $0xb8;
	[tilespmem:$0x10400] =	vst v63  }
0x5b6: {  	s23 =	simm.s32 $0xCB80;
	v36 =	vperm.xlane v18, v9;
	v35 =	vadd.s32 v1, v34  }
0x5b7: {  	[tilespmem:s23], [sflag:$0x1] =	stream.indirect_vreg.gather [hbm4b:s10+s5], $0x80, v31, vm0, $0xb8;
	[tilespmem:$0x10400] =	vst v63  }
0x5b8: {  	s24 =	simm.s32 $0xCC00;
	v38 =	vperm.xlane v18, v8;
	v37 =	vadd.s32 v1, v36  }
0x5b9: {  	[tilespmem:s24], [sflag:$0x1] =	stream.indirect_vreg.gather [hbm4b:s10+s5], $0x80, v33, vm0, $0xb8;
	[tilespmem:$0x10400] =	vst v63  }
0x5ba: {  	s25 =	simm.s32 $0xCC80;
	v40 =	vperm.xlane v18, v10;
	v39 =	vadd.s32 v1, v38  }
0x5bb: {  	[tilespmem:s25], [sflag:$0x1] =	stream.indirect_vreg.gather [hbm4b:s10+s5], $0x80, v35, vm0, $0xb8;
	[tilespmem:$0x10400] =	vst v63  }
0x5bc: {  	s26 =	simm.s32 $0xCD00;
	v42 =	vperm.xlane v18, v11;
	v41 =	vadd.s32 v1, v40  }
0x5bd: {  	[tilespmem:s26], [sflag:$0x1] =	stream.indirect_vreg.gather [hbm4b:s10+s5], $0x80, v37, vm0, $0xb8;
	[tilespmem:$0x10400] =	vst v63  }
0x5be: {  	s28 =	simm.s32 $0xCD80;
	v44 =	vperm.xlane v18, v12;
	v43 =	vadd.s32 v1, v42  }
0x5bf: {  	[tilespmem:s28], [sflag:$0x1] =	stream.indirect_vreg.gather [hbm4b:s10+s5], $0x80, v39, vm0, $0xb8;
	[tilespmem:$0x10400] =	vst v63  }
0x5c0: {  	s29 =	simm.s32 $0xCE00;
	v46 =	vperm.xlane v18, v13;
	v45 =	vadd.s32 v1, v44  }
0x5c1: {  	[tilespmem:s29], [sflag:$0x1] =	stream.indirect_vreg.gather [hbm4b:s10+s5], $0x80, v41, vm0, $0xb8;
	[tilespmem:$0x10400] =	vst v63  }
0x5c2: {  	s30 =	simm.s32 $0xCE80;
	v48 =	vperm.xlane v18, v14;
	v47 =	vadd.s32 v1, v46  }
0x5c3: {  	[tilespmem:s30], [sflag:$0x1] =	stream.indirect_vreg.gather [hbm4b:s10+s5], $0x80, v43, vm0, $0xb8;
	[tilespmem:$0x10400] =	vst v63  }
0x5c4: {  	s31 =	simm.s32 $0xCF00;
	v50 =	vperm.xlane v18, v15;
	v49 =	vadd.s32 v1, v48  }
0x5c5: {  	[tilespmem:s31], [sflag:$0x1] =	stream.indirect_vreg.gather [hbm4b:s10+s5], $0x80, v45, vm0, $0xb8;
	[tilespmem:$0x10400] =	vst v63  }
0x5c6: {  	s12 =	simm.s32 $0xCF80;
	v52 =	vperm.xlane v18, v16;
	v51 =	vadd.s32 v1, v50  }
0x5c7: {  	[tilespmem:s12], [sflag:$0x1] =	stream.indirect_vreg.gather [hbm4b:s10+s5], $0x80, v47, vm0, $0xb8;
	[tilespmem:$0x10400] =	vst v63  }
0x5c8: {  	s13 =	simm.s32 $0xD000;
	v18 =	vperm.xlane v18, v17;
	v53 =	vadd.s32 v1, v52  }
0x5c9: {  	[tilespmem:s13], [sflag:$0x1] =	stream.indirect_vreg.gather [hbm4b:s10+s5], $0x80, v49, vm0, $0xb8;
	[tilespmem:$0x10400] =	vst v63  }
0x5ca: {  	s14 =	simm.s32 $0xD080;
	v18 =	vadd.s32 v1, v18  }
0x5cb: {  	[tilespmem:s14], [sflag:$0x1] =	stream.indirect_vreg.gather [hbm4b:s10+s5], $0x80, v51, vm0, $0xb8;
	[tilespmem:$0x10400] =	vst v63  }
0x5cc: {  	s15 =	simm.s32 $0xD100  }
0x5cd: {  	[tilespmem:s15], [sflag:$0x1] =	stream.indirect_vreg.gather [hbm4b:s10+s5], $0x80, v53, vm0, $0xb8;
	[tilespmem:$0x10400] =	vst v63  }
0x5ce: {  	s16 =	simm.s32 $0xD180  }
0x5cf: {  	[tilespmem:s16], [sflag:$0x1] =	stream.indirect_vreg.gather [hbm4b:s10+s5], $0x80, v18, vm0, $0xb8;
	[tilespmem:$0x10400] =	vst v63  }
0x5d0: {  	v18 =	vld [tilespmem:$0x1A0];
	_ =	sdelay $0x4  }
0x5d1: {  	v54 =	vshll.u32 v18, $0x4  }
0x5d2: {  	v18 =	vand.u32 $0x7, v18;
	v19 =	vand.u32 $0xFFFFFF80, v54  }
0x5d3: {  	v18 =	vor.u32 v18, v19  }
0x5d4: {  	v19 =	vperm.xlane v18, v2;
	_ =	sdelay $0x1  }
0x5d5: {  	v55 =	vperm.xlane v18, v3;
	v19 =	vadd.s32 v1, v19;
	_ =	sdelay $0x1  }
0x5d6: {  	v56 =	vperm.xlane v18, v4;
	v20 =	vadd.s32 v1, v55;
	_ =	sdelay $0x1  }
0x5d7: {  	s17 =	simm.s32 $0xD200;
	v57 =	vperm.xlane v18, v5;
	v21 =	vadd.s32 v1, v56  }
0x5d8: {  	[tilespmem:s17], [sflag:$0x1] =	stream.indirect_vreg.gather [hbm4b:s10+s5], $0x80, v19, vm0, $0xb8;
	[tilespmem:$0x10400] =	vst v63  }
0x5d9: {  	s18 =	simm.s32 $0xD280;
	v59 =	vperm.xlane v18, v6;
	v58 =	vadd.s32 v1, v57  }
0x5da: {  	[tilespmem:s18], [sflag:$0x1] =	stream.indirect_vreg.gather [hbm4b:s10+s5], $0x80, v20, vm0, $0xb8;
	[tilespmem:$0x10400] =	vst v63  }
0x5db: {  	s19 =	simm.s32 $0xD300;
	v61 =	vperm.xlane v18, v7;
	v60 =	vadd.s32 v1, v59  }
0x5dc: {  	[tilespmem:s19], [sflag:$0x1] =	stream.indirect_vreg.gather [hbm4b:s10+s5], $0x80, v21, vm0, $0xb8;
	[tilespmem:$0x10400] =	vst v63  }
0x5dd: {  	s20 =	simm.s32 $0xD380;
	v63 =	vperm.xlane v18, v9;
	v62 =	vadd.s32 v1, v61  }
0x5de: {  	[tilespmem:s20], [sflag:$0x1] =	stream.indirect_vreg.gather [hbm4b:s10+s5], $0x80, v58, vm0, $0xb8;
	[tilespmem:$0x10400] =	vst v63  }
0x5df: {  	s21 =	simm.s32 $0xD400;
	v25 =	vperm.xlane v18, v8;
	v24 =	vadd.s32 v1, v63  }
0x5e0: {  	[tilespmem:s21], [sflag:$0x1] =	stream.indirect_vreg.gather [hbm4b:s10+s5], $0x80, v60, vm0, $0xb8;
	[tilespmem:$0x10400] =	vst v63  }
0x5e1: {  	s22 =	simm.s32 $0xD480;
	v27 =	vperm.xlane v18, v10;
	v26 =	vadd.s32 v1, v25  }
0x5e2: {  	[tilespmem:s22], [sflag:$0x1] =	stream.indirect_vreg.gather [hbm4b:s10+s5], $0x80, v62, vm0, $0xb8;
	[tilespmem:$0x10400] =	vst v63  }
0x5e3: {  	s23 =	simm.s32 $0xD500;
	v29 =	vperm.xlane v18, v11;
	v28 =	vadd.s32 v1, v27  }
0x5e4: {  	[tilespmem:s23], [sflag:$0x1] =	stream.indirect_vreg.gather [hbm4b:s10+s5], $0x80, v24, vm0, $0xb8;
	[tilespmem:$0x10400] =	vst v63  }
0x5e5: {  	s24 =	simm.s32 $0xD580;
	v31 =	vperm.xlane v18, v12;
	v30 =	vadd.s32 v1, v29  }
0x5e6: {  	[tilespmem:s24], [sflag:$0x1] =	stream.indirect_vreg.gather [hbm4b:s10+s5], $0x80, v26, vm0, $0xb8;
	[tilespmem:$0x10400] =	vst v63  }
0x5e7: {  	s25 =	simm.s32 $0xD600;
	v33 =	vperm.xlane v18, v13;
	v32 =	vadd.s32 v1, v31  }
0x5e8: {  	[tilespmem:s25], [sflag:$0x1] =	stream.indirect_vreg.gather [hbm4b:s10+s5], $0x80, v28, vm0, $0xb8;
	[tilespmem:$0x10400] =	vst v63  }
0x5e9: {  	s26 =	simm.s32 $0xD680;
	v35 =	vperm.xlane v18, v14;
	v34 =	vadd.s32 v1, v33  }
0x5ea: {  	[tilespmem:s26], [sflag:$0x1] =	stream.indirect_vreg.gather [hbm4b:s10+s5], $0x80, v30, vm0, $0xb8;
	[tilespmem:$0x10400] =	vst v63  }
0x5eb: {  	s28 =	simm.s32 $0xD700;
	v37 =	vperm.xlane v18, v15;
	v36 =	vadd.s32 v1, v35  }
0x5ec: {  	[tilespmem:s28], [sflag:$0x1] =	stream.indirect_vreg.gather [hbm4b:s10+s5], $0x80, v32, vm0, $0xb8;
	[tilespmem:$0x10400] =	vst v63  }
0x5ed: {  	s29 =	simm.s32 $0xD780;
	v39 =	vperm.xlane v18, v16;
	v38 =	vadd.s32 v1, v37  }
0x5ee: {  	[tilespmem:s29], [sflag:$0x1] =	stream.indirect_vreg.gather [hbm4b:s10+s5], $0x80, v34, vm0, $0xb8;
	[tilespmem:$0x10400] =	vst v63  }
0x5ef: {  	s30 =	simm.s32 $0xD800;
	v18 =	vperm.xlane v18, v17;
	v40 =	vadd.s32 v1, v39  }
0x5f0: {  	[tilespmem:s30], [sflag:$0x1] =	stream.indirect_vreg.gather [hbm4b:s10+s5], $0x80, v36, vm0, $0xb8;
	[tilespmem:$0x10400] =	vst v63  }
0x5f1: {  	s31 =	simm.s32 $0xD880;
	v18 =	vadd.s32 v1, v18  }
0x5f2: {  	[tilespmem:s31], [sflag:$0x1] =	stream.indirect_vreg.gather [hbm4b:s10+s5], $0x80, v38, vm0, $0xb8;
	[tilespmem:$0x10400] =	vst v63  }
0x5f3: {  	s12 =	simm.s32 $0xD900  }
0x5f4: {  	[tilespmem:s12], [sflag:$0x1] =	stream.indirect_vreg.gather [hbm4b:s10+s5], $0x80, v40, vm0, $0xb8;
	[tilespmem:$0x10400] =	vst v63  }
0x5f5: {  	s13 =	simm.s32 $0xD980  }
0x5f6: {  	[tilespmem:s13], [sflag:$0x1] =	stream.indirect_vreg.gather [hbm4b:s10+s5], $0x80, v18, vm0, $0xb8;
	[tilespmem:$0x10400] =	vst v63  }
0x5f7: {  	v18 =	vld [tilespmem:$0x1B0];
	_ =	sdelay $0x4  }
0x5f8: {  	v41 =	vshll.u32 v18, $0x4  }
0x5f9: {  	v18 =	vand.u32 $0x7, v18;
	v19 =	vand.u32 $0xFFFFFF80, v41  }
0x5fa: {  	v18 =	vor.u32 v18, v19  }
0x5fb: {  	v19 =	vperm.xlane v18, v2;
	_ =	sdelay $0x1  }
0x5fc: {  	v42 =	vperm.xlane v18, v3;
	v19 =	vadd.s32 v1, v19;
	_ =	sdelay $0x1  }
0x5fd: {  	v43 =	vperm.xlane v18, v4;
	v20 =	vadd.s32 v1, v42;
	_ =	sdelay $0x1  }
0x5fe: {  	s14 =	simm.s32 $0xDA00;
	v44 =	vperm.xlane v18, v5;
	v21 =	vadd.s32 v1, v43  }
0x5ff: {  	[tilespmem:s14], [sflag:$0x1] =	stream.indirect_vreg.gather [hbm4b:s10+s5], $0x80, v19, vm0, $0xb8;
	[tilespmem:$0x10400] =	vst v63  }
0x600: {  	s15 =	simm.s32 $0xDA80;
	v46 =	vperm.xlane v18, v6;
	v45 =	vadd.s32 v1, v44  }
0x601: {  	[tilespmem:s15], [sflag:$0x1] =	stream.indirect_vreg.gather [hbm4b:s10+s5], $0x80, v20, vm0, $0xb8;
	[tilespmem:$0x10400] =	vst v63  }
0x602: {  	s16 =	simm.s32 $0xDB00;
	v48 =	vperm.xlane v18, v7;
	v47 =	vadd.s32 v1, v46  }
0x603: {  	[tilespmem:s16], [sflag:$0x1] =	stream.indirect_vreg.gather [hbm4b:s10+s5], $0x80, v21, vm0, $0xb8;
	[tilespmem:$0x10400] =	vst v63  }
0x604: {  	s17 =	simm.s32 $0xDB80;
	v50 =	vperm.xlane v18, v9;
	v49 =	vadd.s32 v1, v48  }
0x605: {  	[tilespmem:s17], [sflag:$0x1] =	stream.indirect_vreg.gather [hbm4b:s10+s5], $0x80, v45, vm0, $0xb8;
	[tilespmem:$0x10400] =	vst v63  }
0x606: {  	s18 =	simm.s32 $0xDC00;
	v52 =	vperm.xlane v18, v8;
	v51 =	vadd.s32 v1, v50  }
0x607: {  	[tilespmem:s18], [sflag:$0x1] =	stream.indirect_vreg.gather [hbm4b:s10+s5], $0x80, v47, vm0, $0xb8;
	[tilespmem:$0x10400] =	vst v63  }
0x608: {  	s19 =	simm.s32 $0xDC80;
	v54 =	vperm.xlane v18, v10;
	v53 =	vadd.s32 v1, v52  }
0x609: {  	[tilespmem:s19], [sflag:$0x1] =	stream.indirect_vreg.gather [hbm4b:s10+s5], $0x80, v49, vm0, $0xb8;
	[tilespmem:$0x10400] =	vst v63  }
0x60a: {  	s20 =	simm.s32 $0xDD00;
	v56 =	vperm.xlane v18, v11;
	v55 =	vadd.s32 v1, v54  }
0x60b: {  	[tilespmem:s20], [sflag:$0x1] =	stream.indirect_vreg.gather [hbm4b:s10+s5], $0x80, v51, vm0, $0xb8;
	[tilespmem:$0x10400] =	vst v63  }
0x60c: {  	s21 =	simm.s32 $0xDD80;
	v58 =	vperm.xlane v18, v12;
	v57 =	vadd.s32 v1, v56  }
0x60d: {  	[tilespmem:s21], [sflag:$0x1] =	stream.indirect_vreg.gather [hbm4b:s10+s5], $0x80, v53, vm0, $0xb8;
	[tilespmem:$0x10400] =	vst v63  }
0x60e: {  	s22 =	simm.s32 $0xDE00;
	v60 =	vperm.xlane v18, v13;
	v59 =	vadd.s32 v1, v58  }
0x60f: {  	[tilespmem:s22], [sflag:$0x1] =	stream.indirect_vreg.gather [hbm4b:s10+s5], $0x80, v55, vm0, $0xb8;
	[tilespmem:$0x10400] =	vst v63  }
0x610: {  	s23 =	simm.s32 $0xDE80;
	v62 =	vperm.xlane v18, v14;
	v61 =	vadd.s32 v1, v60  }
0x611: {  	[tilespmem:s23], [sflag:$0x1] =	stream.indirect_vreg.gather [hbm4b:s10+s5], $0x80, v57, vm0, $0xb8;
	[tilespmem:$0x10400] =	vst v63  }
0x612: {  	s24 =	simm.s32 $0xDF00;
	v24 =	vperm.xlane v18, v15;
	v63 =	vadd.s32 v1, v62  }
0x613: {  	[tilespmem:s24], [sflag:$0x1] =	stream.indirect_vreg.gather [hbm4b:s10+s5], $0x80, v59, vm0, $0xb8;
	[tilespmem:$0x10400] =	vst v63  }
0x614: {  	s25 =	simm.s32 $0xDF80;
	v26 =	vperm.xlane v18, v16;
	v25 =	vadd.s32 v1, v24  }
0x615: {  	[tilespmem:s25], [sflag:$0x1] =	stream.indirect_vreg.gather [hbm4b:s10+s5], $0x80, v61, vm0, $0xb8;
	[tilespmem:$0x10400] =	vst v63  }
0x616: {  	s26 =	simm.s32 $0xE000;
	v18 =	vperm.xlane v18, v17;
	v27 =	vadd.s32 v1, v26  }
0x617: {  	[tilespmem:s26], [sflag:$0x1] =	stream.indirect_vreg.gather [hbm4b:s10+s5], $0x80, v63, vm0, $0xb8;
	[tilespmem:$0x10400] =	vst v63  }
0x618: {  	s28 =	simm.s32 $0xE080;
	v18 =	vadd.s32 v1, v18  }
0x619: {  	[tilespmem:s28], [sflag:$0x1] =	stream.indirect_vreg.gather [hbm4b:s10+s5], $0x80, v25, vm0, $0xb8;
	[tilespmem:$0x10400] =	vst v63  }
0x61a: {  	s29 =	simm.s32 $0xE100  }
0x61b: {  	[tilespmem:s29], [sflag:$0x1] =	stream.indirect_vreg.gather [hbm4b:s10+s5], $0x80, v27, vm0, $0xb8;
	[tilespmem:$0x10400] =	vst v63  }
0x61c: {  	s30 =	simm.s32 $0xE180  }
0x61d: {  	[tilespmem:s30], [sflag:$0x1] =	stream.indirect_vreg.gather [hbm4b:s10+s5], $0x80, v18, vm0, $0xb8;
	[tilespmem:$0x10400] =	vst v63  }
0x61e: {  	v18 =	vld [tilespmem:$0x1C0];
	_ =	sdelay $0x4  }
0x61f: {  	v28 =	vshll.u32 v18, $0x4  }
0x620: {  	v18 =	vand.u32 $0x7, v18;
	v19 =	vand.u32 $0xFFFFFF80, v28  }
0x621: {  	v18 =	vor.u32 v18, v19  }
0x622: {  	v19 =	vperm.xlane v18, v2;
	_ =	sdelay $0x1  }
0x623: {  	v29 =	vperm.xlane v18, v3;
	v19 =	vadd.s32 v1, v19;
	_ =	sdelay $0x1  }
0x624: {  	v30 =	vperm.xlane v18, v4;
	v20 =	vadd.s32 v1, v29;
	_ =	sdelay $0x1  }
0x625: {  	s31 =	simm.s32 $0xE200;
	v31 =	vperm.xlane v18, v5;
	v21 =	vadd.s32 v1, v30  }
0x626: {  	[tilespmem:s31], [sflag:$0x1] =	stream.indirect_vreg.gather [hbm4b:s10+s5], $0x80, v19, vm0, $0xb8;
	[tilespmem:$0x10400] =	vst v63  }
0x627: {  	s12 =	simm.s32 $0xE280;
	v33 =	vperm.xlane v18, v6;
	v32 =	vadd.s32 v1, v31  }
0x628: {  	[tilespmem:s12], [sflag:$0x1] =	stream.indirect_vreg.gather [hbm4b:s10+s5], $0x80, v20, vm0, $0xb8;
	[tilespmem:$0x10400] =	vst v63  }
0x629: {  	s13 =	simm.s32 $0xE300;
	v35 =	vperm.xlane v18, v7;
	v34 =	vadd.s32 v1, v33  }
0x62a: {  	[tilespmem:s13], [sflag:$0x1] =	stream.indirect_vreg.gather [hbm4b:s10+s5], $0x80, v21, vm0, $0xb8;
	[tilespmem:$0x10400] =	vst v63  }
0x62b: {  	s14 =	simm.s32 $0xE380;
	v37 =	vperm.xlane v18, v9;
	v36 =	vadd.s32 v1, v35  }
0x62c: {  	[tilespmem:s14], [sflag:$0x1] =	stream.indirect_vreg.gather [hbm4b:s10+s5], $0x80, v32, vm0, $0xb8;
	[tilespmem:$0x10400] =	vst v63  }
0x62d: {  	s15 =	simm.s32 $0xE400;
	v39 =	vperm.xlane v18, v8;
	v38 =	vadd.s32 v1, v37  }
0x62e: {  	[tilespmem:s15], [sflag:$0x1] =	stream.indirect_vreg.gather [hbm4b:s10+s5], $0x80, v34, vm0, $0xb8;
	[tilespmem:$0x10400] =	vst v63  }
0x62f: {  	s16 =	simm.s32 $0xE480;
	v41 =	vperm.xlane v18, v10;
	v40 =	vadd.s32 v1, v39  }
0x630: {  	[tilespmem:s16], [sflag:$0x1] =	stream.indirect_vreg.gather [hbm4b:s10+s5], $0x80, v36, vm0, $0xb8;
	[tilespmem:$0x10400] =	vst v63  }
0x631: {  	s17 =	simm.s32 $0xE500;
	v43 =	vperm.xlane v18, v11;
	v42 =	vadd.s32 v1, v41  }
0x632: {  	[tilespmem:s17], [sflag:$0x1] =	stream.indirect_vreg.gather [hbm4b:s10+s5], $0x80, v38, vm0, $0xb8;
	[tilespmem:$0x10400] =	vst v63  }
0x633: {  	s18 =	simm.s32 $0xE580;
	v45 =	vperm.xlane v18, v12;
	v44 =	vadd.s32 v1, v43  }
0x634: {  	[tilespmem:s18], [sflag:$0x1] =	stream.indirect_vreg.gather [hbm4b:s10+s5], $0x80, v40, vm0, $0xb8;
	[tilespmem:$0x10400] =	vst v63  }
0x635: {  	s19 =	simm.s32 $0xE600;
	v47 =	vperm.xlane v18, v13;
	v46 =	vadd.s32 v1, v45  }
0x636: {  	[tilespmem:s19], [sflag:$0x1] =	stream.indirect_vreg.gather [hbm4b:s10+s5], $0x80, v42, vm0, $0xb8;
	[tilespmem:$0x10400] =	vst v63  }
0x637: {  	s20 =	simm.s32 $0xE680;
	v49 =	vperm.xlane v18, v14;
	v48 =	vadd.s32 v1, v47  }
0x638: {  	[tilespmem:s20], [sflag:$0x1] =	stream.indirect_vreg.gather [hbm4b:s10+s5], $0x80, v44, vm0, $0xb8;
	[tilespmem:$0x10400] =	vst v63  }
0x639: {  	s21 =	simm.s32 $0xE700;
	v51 =	vperm.xlane v18, v15;
	v50 =	vadd.s32 v1, v49  }
0x63a: {  	[tilespmem:s21], [sflag:$0x1] =	stream.indirect_vreg.gather [hbm4b:s10+s5], $0x80, v46, vm0, $0xb8;
	[tilespmem:$0x10400] =	vst v63  }
0x63b: {  	s22 =	simm.s32 $0xE780;
	v53 =	vperm.xlane v18, v16;
	v52 =	vadd.s32 v1, v51  }
0x63c: {  	[tilespmem:s22], [sflag:$0x1] =	stream.indirect_vreg.gather [hbm4b:s10+s5], $0x80, v48, vm0, $0xb8;
	[tilespmem:$0x10400] =	vst v63  }
0x63d: {  	s23 =	simm.s32 $0xE800;
	v18 =	vperm.xlane v18, v17;
	v54 =	vadd.s32 v1, v53  }
0x63e: {  	[tilespmem:s23], [sflag:$0x1] =	stream.indirect_vreg.gather [hbm4b:s10+s5], $0x80, v50, vm0, $0xb8;
	[tilespmem:$0x10400] =	vst v63  }
0x63f: {  	s24 =	simm.s32 $0xE880;
	v18 =	vadd.s32 v1, v18  }
0x640: {  	[tilespmem:s24], [sflag:$0x1] =	stream.indirect_vreg.gather [hbm4b:s10+s5], $0x80, v52, vm0, $0xb8;
	[tilespmem:$0x10400] =	vst v63  }
0x641: {  	s25 =	simm.s32 $0xE900  }
0x642: {  	[tilespmem:s25], [sflag:$0x1] =	stream.indirect_vreg.gather [hbm4b:s10+s5], $0x80, v54, vm0, $0xb8;
	[tilespmem:$0x10400] =	vst v63  }
0x643: {  	s26 =	simm.s32 $0xE980  }
0x644: {  	[tilespmem:s26], [sflag:$0x1] =	stream.indirect_vreg.gather [hbm4b:s10+s5], $0x80, v18, vm0, $0xb8;
	[tilespmem:$0x10400] =	vst v63  }
0x645: {  	v18 =	vld [tilespmem:$0x1D0];
	_ =	sdelay $0x4  }
0x646: {  	v55 =	vshll.u32 v18, $0x4  }
0x647: {  	v18 =	vand.u32 $0x7, v18;
	v19 =	vand.u32 $0xFFFFFF80, v55  }
0x648: {  	v18 =	vor.u32 v18, v19  }
0x649: {  	v19 =	vperm.xlane v18, v2;
	_ =	sdelay $0x1  }
0x64a: {  	v56 =	vperm.xlane v18, v3;
	v19 =	vadd.s32 v1, v19;
	_ =	sdelay $0x1  }
0x64b: {  	v57 =	vperm.xlane v18, v4;
	v20 =	vadd.s32 v1, v56;
	_ =	sdelay $0x1  }
0x64c: {  	s28 =	simm.s32 $0xEA00;
	v58 =	vperm.xlane v18, v5;
	v21 =	vadd.s32 v1, v57  }
0x64d: {  	[tilespmem:s28], [sflag:$0x1] =	stream.indirect_vreg.gather [hbm4b:s10+s5], $0x80, v19, vm0, $0xb8;
	[tilespmem:$0x10400] =	vst v63  }
0x64e: {  	s29 =	simm.s32 $0xEA80;
	v60 =	vperm.xlane v18, v6;
	v59 =	vadd.s32 v1, v58  }
0x64f: {  	[tilespmem:s29], [sflag:$0x1] =	stream.indirect_vreg.gather [hbm4b:s10+s5], $0x80, v20, vm0, $0xb8;
	[tilespmem:$0x10400] =	vst v63  }
0x650: {  	s30 =	simm.s32 $0xEB00;
	v62 =	vperm.xlane v18, v7;
	v61 =	vadd.s32 v1, v60  }
0x651: {  	[tilespmem:s30], [sflag:$0x1] =	stream.indirect_vreg.gather [hbm4b:s10+s5], $0x80, v21, vm0, $0xb8;
	[tilespmem:$0x10400] =	vst v63  }
0x652: {  	s31 =	simm.s32 $0xEB80;
	v24 =	vperm.xlane v18, v9;
	v63 =	vadd.s32 v1, v62  }
0x653: {  	[tilespmem:s31], [sflag:$0x1] =	stream.indirect_vreg.gather [hbm4b:s10+s5], $0x80, v59, vm0, $0xb8;
	[tilespmem:$0x10400] =	vst v63  }
0x654: {  	s12 =	simm.s32 $0xEC00;
	v26 =	vperm.xlane v18, v8;
	v25 =	vadd.s32 v1, v24  }
0x655: {  	[tilespmem:s12], [sflag:$0x1] =	stream.indirect_vreg.gather [hbm4b:s10+s5], $0x80, v61, vm0, $0xb8;
	[tilespmem:$0x10400] =	vst v63  }
0x656: {  	s13 =	simm.s32 $0xEC80;
	v28 =	vperm.xlane v18, v10;
	v27 =	vadd.s32 v1, v26  }
0x657: {  	[tilespmem:s13], [sflag:$0x1] =	stream.indirect_vreg.gather [hbm4b:s10+s5], $0x80, v63, vm0, $0xb8;
	[tilespmem:$0x10400] =	vst v63  }
0x658: {  	s14 =	simm.s32 $0xED00;
	v30 =	vperm.xlane v18, v11;
	v29 =	vadd.s32 v1, v28  }
0x659: {  	[tilespmem:s14], [sflag:$0x1] =	stream.indirect_vreg.gather [hbm4b:s10+s5], $0x80, v25, vm0, $0xb8;
	[tilespmem:$0x10400] =	vst v63  }
0x65a: {  	s15 =	simm.s32 $0xED80;
	v32 =	vperm.xlane v18, v12;
	v31 =	vadd.s32 v1, v30  }
0x65b: {  	[tilespmem:s15], [sflag:$0x1] =	stream.indirect_vreg.gather [hbm4b:s10+s5], $0x80, v27, vm0, $0xb8;
	[tilespmem:$0x10400] =	vst v63  }
0x65c: {  	s16 =	simm.s32 $0xEE00;
	v34 =	vperm.xlane v18, v13;
	v33 =	vadd.s32 v1, v32  }
0x65d: {  	[tilespmem:s16], [sflag:$0x1] =	stream.indirect_vreg.gather [hbm4b:s10+s5], $0x80, v29, vm0, $0xb8;
	[tilespmem:$0x10400] =	vst v63  }
0x65e: {  	s17 =	simm.s32 $0xEE80;
	v36 =	vperm.xlane v18, v14;
	v35 =	vadd.s32 v1, v34  }
0x65f: {  	[tilespmem:s17], [sflag:$0x1] =	stream.indirect_vreg.gather [hbm4b:s10+s5], $0x80, v31, vm0, $0xb8;
	[tilespmem:$0x10400] =	vst v63  }
0x660: {  	s18 =	simm.s32 $0xEF00;
	v38 =	vperm.xlane v18, v15;
	v37 =	vadd.s32 v1, v36  }
0x661: {  	[tilespmem:s18], [sflag:$0x1] =	stream.indirect_vreg.gather [hbm4b:s10+s5], $0x80, v33, vm0, $0xb8;
	[tilespmem:$0x10400] =	vst v63  }
0x662: {  	s19 =	simm.s32 $0xEF80;
	v40 =	vperm.xlane v18, v16;
	v39 =	vadd.s32 v1, v38  }
0x663: {  	[tilespmem:s19], [sflag:$0x1] =	stream.indirect_vreg.gather [hbm4b:s10+s5], $0x80, v35, vm0, $0xb8;
	[tilespmem:$0x10400] =	vst v63  }
0x664: {  	s20 =	simm.s32 $0xF000;
	v18 =	vperm.xlane v18, v17;
	v41 =	vadd.s32 v1, v40  }
0x665: {  	[tilespmem:s20], [sflag:$0x1] =	stream.indirect_vreg.gather [hbm4b:s10+s5], $0x80, v37, vm0, $0xb8;
	[tilespmem:$0x10400] =	vst v63  }
0x666: {  	s21 =	simm.s32 $0xF080;
	v18 =	vadd.s32 v1, v18  }
0x667: {  	[tilespmem:s21], [sflag:$0x1] =	stream.indirect_vreg.gather [hbm4b:s10+s5], $0x80, v39, vm0, $0xb8;
	[tilespmem:$0x10400] =	vst v63  }
0x668: {  	s22 =	simm.s32 $0xF100  }
0x669: {  	[tilespmem:s22], [sflag:$0x1] =	stream.indirect_vreg.gather [hbm4b:s10+s5], $0x80, v41, vm0, $0xb8;
	[tilespmem:$0x10400] =	vst v63  }
0x66a: {  	s23 =	simm.s32 $0xF180  }
0x66b: {  	[tilespmem:s23], [sflag:$0x1] =	stream.indirect_vreg.gather [hbm4b:s10+s5], $0x80, v18, vm0, $0xb8;
	[tilespmem:$0x10400] =	vst v63  }
0x66c: {  	v18 =	vld [tilespmem:$0x1E0];
	_ =	sdelay $0x4  }
0x66d: {  	v42 =	vshll.u32 v18, $0x4  }
0x66e: {  	v18 =	vand.u32 $0x7, v18;
	v19 =	vand.u32 $0xFFFFFF80, v42  }
0x66f: {  	v18 =	vor.u32 v18, v19  }
0x670: {  	v19 =	vperm.xlane v18, v2;
	_ =	sdelay $0x1  }
0x671: {  	v43 =	vperm.xlane v18, v3;
	v19 =	vadd.s32 v1, v19;
	_ =	sdelay $0x1  }
0x672: {  	v44 =	vperm.xlane v18, v4;
	v20 =	vadd.s32 v1, v43;
	_ =	sdelay $0x1  }
0x673: {  	s24 =	simm.s32 $0xF200;
	v45 =	vperm.xlane v18, v5;
	v21 =	vadd.s32 v1, v44  }
0x674: {  	[tilespmem:s24], [sflag:$0x1] =	stream.indirect_vreg.gather [hbm4b:s10+s5], $0x80, v19, vm0, $0xb8;
	[tilespmem:$0x10400] =	vst v63  }
0x675: {  	s25 =	simm.s32 $0xF280;
	v47 =	vperm.xlane v18, v6;
	v46 =	vadd.s32 v1, v45  }
0x676: {  	[tilespmem:s25], [sflag:$0x1] =	stream.indirect_vreg.gather [hbm4b:s10+s5], $0x80, v20, vm0, $0xb8;
	[tilespmem:$0x10400] =	vst v63  }
0x677: {  	s26 =	simm.s32 $0xF300;
	v49 =	vperm.xlane v18, v7;
	v48 =	vadd.s32 v1, v47  }
0x678: {  	[tilespmem:s26], [sflag:$0x1] =	stream.indirect_vreg.gather [hbm4b:s10+s5], $0x80, v21, vm0, $0xb8;
	[tilespmem:$0x10400] =	vst v63  }
0x679: {  	s28 =	simm.s32 $0xF380;
	v51 =	vperm.xlane v18, v9;
	v50 =	vadd.s32 v1, v49  }
0x67a: {  	[tilespmem:s28], [sflag:$0x1] =	stream.indirect_vreg.gather [hbm4b:s10+s5], $0x80, v46, vm0, $0xb8;
	[tilespmem:$0x10400] =	vst v63  }
0x67b: {  	s29 =	simm.s32 $0xF400;
	v53 =	vperm.xlane v18, v8;
	v52 =	vadd.s32 v1, v51  }
0x67c: {  	[tilespmem:s29], [sflag:$0x1] =	stream.indirect_vreg.gather [hbm4b:s10+s5], $0x80, v48, vm0, $0xb8;
	[tilespmem:$0x10400] =	vst v63  }
0x67d: {  	s30 =	simm.s32 $0xF480;
	v55 =	vperm.xlane v18, v10;
	v54 =	vadd.s32 v1, v53  }
0x67e: {  	[tilespmem:s30], [sflag:$0x1] =	stream.indirect_vreg.gather [hbm4b:s10+s5], $0x80, v50, vm0, $0xb8;
	[tilespmem:$0x10400] =	vst v63  }
0x67f: {  	s31 =	simm.s32 $0xF500;
	v57 =	vperm.xlane v18, v11;
	v56 =	vadd.s32 v1, v55  }
0x680: {  	[tilespmem:s31], [sflag:$0x1] =	stream.indirect_vreg.gather [hbm4b:s10+s5], $0x80, v52, vm0, $0xb8;
	[tilespmem:$0x10400] =	vst v63  }
0x681: {  	s12 =	simm.s32 $0xF580;
	v59 =	vperm.xlane v18, v12;
	v58 =	vadd.s32 v1, v57  }
0x682: {  	[tilespmem:s12], [sflag:$0x1] =	stream.indirect_vreg.gather [hbm4b:s10+s5], $0x80, v54, vm0, $0xb8;
	[tilespmem:$0x10400] =	vst v63  }
0x683: {  	s13 =	simm.s32 $0xF600;
	v61 =	vperm.xlane v18, v13;
	v60 =	vadd.s32 v1, v59  }
0x684: {  	[tilespmem:s13], [sflag:$0x1] =	stream.indirect_vreg.gather [hbm4b:s10+s5], $0x80, v56, vm0, $0xb8;
	[tilespmem:$0x10400] =	vst v63  }
0x685: {  	s14 =	simm.s32 $0xF680;
	v63 =	vperm.xlane v18, v14;
	v62 =	vadd.s32 v1, v61  }
0x686: {  	[tilespmem:s14], [sflag:$0x1] =	stream.indirect_vreg.gather [hbm4b:s10+s5], $0x80, v58, vm0, $0xb8;
	[tilespmem:$0x10400] =	vst v63  }
0x687: {  	s15 =	simm.s32 $0xF700;
	v25 =	vperm.xlane v18, v15;
	v24 =	vadd.s32 v1, v63  }
0x688: {  	[tilespmem:s15], [sflag:$0x1] =	stream.indirect_vreg.gather [hbm4b:s10+s5], $0x80, v60, vm0, $0xb8;
	[tilespmem:$0x10400] =	vst v63  }
0x689: {  	s16 =	simm.s32 $0xF780;
	v27 =	vperm.xlane v18, v16;
	v26 =	vadd.s32 v1, v25  }
0x68a: {  	[tilespmem:s16], [sflag:$0x1] =	stream.indirect_vreg.gather [hbm4b:s10+s5], $0x80, v62, vm0, $0xb8;
	[tilespmem:$0x10400] =	vst v63  }
0x68b: {  	s17 =	simm.s32 $0xF800;
	v18 =	vperm.xlane v18, v17;
	v28 =	vadd.s32 v1, v27  }
0x68c: {  	[tilespmem:s17], [sflag:$0x1] =	stream.indirect_vreg.gather [hbm4b:s10+s5], $0x80, v24, vm0, $0xb8;
	[tilespmem:$0x10400] =	vst v63  }
0x68d: {  	s18 =	simm.s32 $0xF880;
	v18 =	vadd.s32 v1, v18  }
0x68e: {  	[tilespmem:s18], [sflag:$0x1] =	stream.indirect_vreg.gather [hbm4b:s10+s5], $0x80, v26, vm0, $0xb8;
	[tilespmem:$0x10400] =	vst v63  }
0x68f: {  	s19 =	simm.s32 $0xF900  }
0x690: {  	[tilespmem:s19], [sflag:$0x1] =	stream.indirect_vreg.gather [hbm4b:s10+s5], $0x80, v28, vm0, $0xb8;
	[tilespmem:$0x10400] =	vst v63  }
0x691: {  	s20 =	simm.s32 $0xF980  }
0x692: {  	[tilespmem:s20], [sflag:$0x1] =	stream.indirect_vreg.gather [hbm4b:s10+s5], $0x80, v18, vm0, $0xb8;
	[tilespmem:$0x10400] =	vst v63  }
0x693: {  	v18 =	vld [tilespmem:$0x1F0];
	_ =	sdelay $0x4  }
0x694: {  	v29 =	vshll.u32 v18, $0x4  }
0x695: {  	v18 =	vand.u32 $0x7, v18;
	v19 =	vand.u32 $0xFFFFFF80, v29  }
0x696: {  	v18 =	vor.u32 v18, v19  }
0x697: {  	v2 =	vperm.xlane v18, v2;
	_ =	sdelay $0x1  }
0x698: {  	v3 =	vperm.xlane v18, v3;
	v2 =	vadd.s32 v1, v2;
	_ =	sdelay $0x1  }
0x699: {  	v4 =	vperm.xlane v18, v4;
	v3 =	vadd.s32 v1, v3;
	_ =	sdelay $0x1  }
0x69a: {  	s21 =	simm.s32 $0xFA00;
	v5 =	vperm.xlane v18, v5;
	v4 =	vadd.s32 v1, v4  }
0x69b: {  	[tilespmem:s21], [sflag:$0x1] =	stream.indirect_vreg.gather [hbm4b:s10+s5], $0x80, v2, vm0, $0xb8;
	[tilespmem:$0x10400] =	vst v63  }
0x69c: {  	s22 =	simm.s32 $0xFA80;
	v31 =	vperm.xlane v18, v6;
	v30 =	vadd.s32 v1, v5  }
0x69d: {  	[tilespmem:s22], [sflag:$0x1] =	stream.indirect_vreg.gather [hbm4b:s10+s5], $0x80, v3, vm0, $0xb8;
	[tilespmem:$0x10400] =	vst v63  }
0x69e: {  	s23 =	simm.s32 $0xFB00;
	v33 =	vperm.xlane v18, v7;
	v32 =	vadd.s32 v1, v31  }
0x69f: {  	[tilespmem:s23], [sflag:$0x1] =	stream.indirect_vreg.gather [hbm4b:s10+s5], $0x80, v4, vm0, $0xb8;
	[tilespmem:$0x10400] =	vst v63  }
0x6a0: {  	s24 =	simm.s32 $0xFB80;
	v35 =	vperm.xlane v18, v9;
	v34 =	vadd.s32 v1, v33  }
0x6a1: {  	[tilespmem:s24], [sflag:$0x1] =	stream.indirect_vreg.gather [hbm4b:s10+s5], $0x80, v30, vm0, $0xb8;
	[tilespmem:$0x10400] =	vst v63  }
0x6a2: {  	s25 =	simm.s32 $0xFC00;
	v37 =	vperm.xlane v18, v8;
	v36 =	vadd.s32 v1, v35  }
0x6a3: {  	[tilespmem:s25], [sflag:$0x1] =	stream.indirect_vreg.gather [hbm4b:s10+s5], $0x80, v32, vm0, $0xb8;
	[tilespmem:$0x10400] =	vst v63  }
0x6a4: {  	s26 =	simm.s32 $0xFC80;
	v39 =	vperm.xlane v18, v10;
	v38 =	vadd.s32 v1, v37  }
0x6a5: {  	[tilespmem:s26], [sflag:$0x1] =	stream.indirect_vreg.gather [hbm4b:s10+s5], $0x80, v34, vm0, $0xb8;
	[tilespmem:$0x10400] =	vst v63  }
0x6a6: {  	s28 =	simm.s32 $0xFD00;
	v41 =	vperm.xlane v18, v11;
	v40 =	vadd.s32 v1, v39  }
0x6a7: {  	[tilespmem:s28], [sflag:$0x1] =	stream.indirect_vreg.gather [hbm4b:s10+s5], $0x80, v36, vm0, $0xb8;
	[tilespmem:$0x10400] =	vst v63  }
0x6a8: {  	s29 =	simm.s32 $0xFD80;
	v43 =	vperm.xlane v18, v12;
	v42 =	vadd.s32 v1, v41  }
0x6a9: {  	[tilespmem:s29], [sflag:$0x1] =	stream.indirect_vreg.gather [hbm4b:s10+s5], $0x80, v38, vm0, $0xb8;
	[tilespmem:$0x10400] =	vst v63  }
0x6aa: {  	s30 =	simm.s32 $0xFE00;
	v45 =	vperm.xlane v18, v13;
	v44 =	vadd.s32 v1, v43  }
0x6ab: {  	[tilespmem:s30], [sflag:$0x1] =	stream.indirect_vreg.gather [hbm4b:s10+s5], $0x80, v40, vm0, $0xb8;
	[tilespmem:$0x10400] =	vst v63  }
0x6ac: {  	s31 =	simm.s32 $0xFE80;
	v47 =	vperm.xlane v18, v14;
	v46 =	vadd.s32 v1, v45  }
0x6ad: {  	[tilespmem:s31], [sflag:$0x1] =	stream.indirect_vreg.gather [hbm4b:s10+s5], $0x80, v42, vm0, $0xb8;
	[tilespmem:$0x10400] =	vst v63  }
0x6ae: {  	s12 =	simm.s32 $0xFF00;
	v49 =	vperm.xlane v18, v15;
	v48 =	vadd.s32 v1, v47  }
0x6af: {  	[tilespmem:s12], [sflag:$0x1] =	stream.indirect_vreg.gather [hbm4b:s10+s5], $0x80, v44, vm0, $0xb8;
	[tilespmem:$0x10400] =	vst v63  }
0x6b0: {  	s13 =	simm.s32 $0xFF80;
	v51 =	vperm.xlane v18, v16;
	v50 =	vadd.s32 v1, v49  }
0x6b1: {  	[tilespmem:s13], [sflag:$0x1] =	stream.indirect_vreg.gather [hbm4b:s10+s5], $0x80, v46, vm0, $0xb8;
	[tilespmem:$0x10400] =	vst v63  }
0x6b2: {  	s14 =	simm.s32 $0x10000;
	v53 =	vperm.xlane v18, v17;
	v52 =	vadd.s32 v1, v51  }
0x6b3: {  	[tilespmem:s14], [sflag:$0x1] =	stream.indirect_vreg.gather [hbm4b:s10+s5], $0x80, v48, vm0, $0xb8;
	[tilespmem:$0x10400] =	vst v63  }
0x6b4: {  	s15 =	simm.s32 $0x10080;
	v1 =	vadd.s32 v1, v53  }
0x6b5: {  	[tilespmem:s15], [sflag:$0x1] =	stream.indirect_vreg.gather [hbm4b:s10+s5], $0x80, v50, vm0, $0xb8;
	[tilespmem:$0x10400] =	vst v63  }
0x6b6: {  	s16 =	simm.s32 $0x10100  }
0x6b7: {  	v0 =	vmul.u32 $0x81, v0;
	[tilespmem:s16], [sflag:$0x1] =	stream.indirect_vreg.gather [hbm4b:s10+s5], $0x80, v52, vm0, $0xb8;
	[tilespmem:$0x10400] =	vst v63  }
0x6b8: {  	s17 =	simm.s32 $0x10180;
	s18 =	simm.s32 $0x1  }
0x6b9: {  	[tilespmem:s17], [sflag:$0x1] =	stream.indirect_vreg.gather [hbm4b:s10+s5], $0x80, v1, vm0, $0xb8;
	[tilespmem:$0x10400] =	vst v63  }
0x6ba: {  	_ =	swait.ge [sflag:s18], $0x4000  }
0x6bb: {  	[sflag:s18] =	ssyncset.done $0x0  }
0x6bc: {  	s19 =	simm.s32 $0x200;
	[sflag:s18] =	ssyncadd.s32 $0xFFFFC000  }
0x6bd: {  	v54 =	vld.idx.msk [tilespmem:v0+s19+$0x0], $0xffff  }
0x6be: {  	v55 =	vadd.s32 $0x810, v0;
	_ =	sdelay $0x3  }
0x6bf: {  	[tilespmem:$0x10200] =	vst v54  }
0x6c0: {  	v1 =	vld.idx.msk [tilespmem:v55+s19+$0x0], $0xffff  }
0x6c1: {  	v56 =	vadd.s32 $0x1020, v0;
	_ =	sdelay $0x3  }
0x6c2: {  	[tilespmem:$0x10210] =	vst v1  }
0x6c3: {  	v1 =	vld.idx.msk [tilespmem:v56+s19+$0x0], $0xffff  }
0x6c4: {  	v57 =	vadd.s32 $0x1830, v0;
	_ =	sdelay $0x3  }
0x6c5: {  	[tilespmem:$0x10220] =	vst v1  }
0x6c6: {  	v1 =	vld.idx.msk [tilespmem:v57+s19+$0x0], $0xffff  }
0x6c7: {  	v58 =	vadd.s32 $0x2040, v0;
	_ =	sdelay $0x3  }
0x6c8: {  	[tilespmem:$0x10230] =	vst v1  }
0x6c9: {  	v1 =	vld.idx.msk [tilespmem:v58+s19+$0x0], $0xffff  }
0x6ca: {  	v59 =	vadd.s32 $0x2850, v0;
	_ =	sdelay $0x3  }
0x6cb: {  	[tilespmem:$0x10240] =	vst v1  }
0x6cc: {  	v1 =	vld.idx.msk [tilespmem:v59+s19+$0x0], $0xffff  }
0x6cd: {  	v60 =	vadd.s32 $0x3060, v0;
	_ =	sdelay $0x3  }
0x6ce: {  	[tilespmem:$0x10250] =	vst v1  }
0x6cf: {  	v1 =	vld.idx.msk [tilespmem:v60+s19+$0x0], $0xffff  }
0x6d0: {  	v61 =	vadd.s32 $0x3870, v0;
	_ =	sdelay $0x3  }
0x6d1: {  	[tilespmem:$0x10260] =	vst v1  }
0x6d2: {  	v1 =	vld.idx.msk [tilespmem:v61+s19+$0x0], $0xffff;
	_ =	sdelay $0x1  }
0x6d3: {  	s3 =	sshll.u32 s3, $0x7;
	s4 =	sshll.u32 s4, $0x2  }
0x6d4: {  	s4 =	sor.u32 s3, s4  }
0x6d5: {  	s4 =	sshrl.u32 s4, $0x3  }
0x6d6: {  	s4 =	sadd.s32 s2, s4;
	s20 =	simm.s32 $0x10200;
	[tilespmem:$0x10270] =	vst v1  }
0x6d7: {  	[hbm4b:s4+s5] =	stream.linear.scatter [tilespmem:s20], [sflag:$0x2], $0x80, $0x38;
	[tilespmem:$0x10400] =	vst v63  }
0x6d8: {  	_ =	swait.ge [sflag:s18], $0x4000  }
0x6d9: {  	[sflag:s18] =	ssyncset.done $0x0  }
0x6da: {  	s21 =	simm.s32 $0x4200;
	[sflag:s18] =	ssyncadd.s32 $0xFFFFC000  }
0x6db: {  	v62 =	vld.idx.msk [tilespmem:v0+s21+$0x0], $0xffff;
	_ =	sdelay $0x4  }
0x6dc: {  	[tilespmem:$0x10280] =	vst v62  }
0x6dd: {  	v1 =	vld.idx.msk [tilespmem:v55+s21+$0x0], $0xffff;
	_ =	sdelay $0x4  }
0x6de: {  	[tilespmem:$0x10290] =	vst v1  }
0x6df: {  	v1 =	vld.idx.msk [tilespmem:v56+s21+$0x0], $0xffff;
	_ =	sdelay $0x4  }
0x6e0: {  	[tilespmem:$0x102A0] =	vst v1  }
0x6e1: {  	v1 =	vld.idx.msk [tilespmem:v57+s21+$0x0], $0xffff;
	_ =	sdelay $0x4  }
0x6e2: {  	[tilespmem:$0x102B0] =	vst v1  }
0x6e3: {  	v1 =	vld.idx.msk [tilespmem:v58+s21+$0x0], $0xffff;
	_ =	sdelay $0x4  }
0x6e4: {  	[tilespmem:$0x102C0] =	vst v1  }
0x6e5: {  	v1 =	vld.idx.msk [tilespmem:v59+s21+$0x0], $0xffff;
	_ =	sdelay $0x4  }
0x6e6: {  	[tilespmem:$0x102D0] =	vst v1  }
0x6e7: {  	v1 =	vld.idx.msk [tilespmem:v60+s21+$0x0], $0xffff;
	_ =	sdelay $0x4  }
0x6e8: {  	[tilespmem:$0x102E0] =	vst v1  }
0x6e9: {  	v1 =	vld.idx.msk [tilespmem:v61+s21+$0x0], $0xffff;
	_ =	sdelay $0x1  }
0x6ea: {  	s22 =	sshll.u32 s7, $0x9  }
0x6eb: {  	s4 =	sor.u32 s3, s22  }
0x6ec: {  	s4 =	sshrl.u32 s4, $0x3  }
0x6ed: {  	s23 =	simm.s32 $0x10280;
	s4 =	sadd.s32 s2, s4;
	[tilespmem:$0x102F0] =	vst v1  }
0x6ee: {  	[hbm4b:s4+s5] =	stream.linear.scatter [tilespmem:s23], [sflag:$0x2], $0x80, $0x38;
	[tilespmem:$0x10400] =	vst v63  }
0x6ef: {  	_ =	swait.ge [sflag:s18], $0x4000  }
0x6f0: {  	[sflag:s18] =	ssyncset.done $0x0  }
0x6f1: {  	s24 =	simm.s32 $0x8200;
	[sflag:s18] =	ssyncadd.s32 $0xFFFFC000  }
0x6f2: {  	v63 =	vld.idx.msk [tilespmem:v0+s24+$0x0], $0xffff;
	_ =	sdelay $0x4  }
0x6f3: {  	[tilespmem:$0x10300] =	vst v63  }
0x6f4: {  	v1 =	vld.idx.msk [tilespmem:v55+s24+$0x0], $0xffff;
	_ =	sdelay $0x4  }
0x6f5: {  	[tilespmem:$0x10310] =	vst v1  }
0x6f6: {  	v1 =	vld.idx.msk [tilespmem:v56+s24+$0x0], $0xffff;
	_ =	sdelay $0x4  }
0x6f7: {  	[tilespmem:$0x10320] =	vst v1  }
0x6f8: {  	v1 =	vld.idx.msk [tilespmem:v57+s24+$0x0], $0xffff;
	_ =	sdelay $0x4  }
0x6f9: {  	[tilespmem:$0x10330] =	vst v1  }
0x6fa: {  	v1 =	vld.idx.msk [tilespmem:v58+s24+$0x0], $0xffff;
	_ =	sdelay $0x4  }
0x6fb: {  	[tilespmem:$0x10340] =	vst v1  }
0x6fc: {  	v1 =	vld.idx.msk [tilespmem:v59+s24+$0x0], $0xffff;
	_ =	sdelay $0x4  }
0x6fd: {  	[tilespmem:$0x10350] =	vst v1  }
0x6fe: {  	v1 =	vld.idx.msk [tilespmem:v60+s24+$0x0], $0xffff;
	_ =	sdelay $0x4  }
0x6ff: {  	[tilespmem:$0x10360] =	vst v1  }
0x700: {  	v1 =	vld.idx.msk [tilespmem:v61+s24+$0x0], $0xffff;
	_ =	sdelay $0x1  }
0x701: {  	s25 =	sshll.u32 s9, $0x9  }
0x702: {  	s4 =	sor.u32 s3, s25  }
0x703: {  	s4 =	sshrl.u32 s4, $0x3  }
0x704: {  	s26 =	simm.s32 $0x10300;
	s4 =	sadd.s32 s2, s4;
	[tilespmem:$0x10370] =	vst v1  }
0x705: {  	[hbm4b:s4+s5] =	stream.linear.scatter [tilespmem:s26], [sflag:$0x2], $0x80, $0x38;
	[tilespmem:$0x10400] =	vst v63  }
0x706: {  	_ =	swait.ge [sflag:s18], $0x4000  }
0x707: {  	[sflag:s18] =	ssyncset.done $0x0  }
0x708: {  	[sflag:s18] =	ssyncadd.s32 $0xFFFFC000  }
0x709: {  	v0 =	vld.idx.msk [tilespmem:v0+s8+$0x0], $0xffff;
	_ =	sdelay $0x4  }
0x70a: {  	[tilespmem:$0x10380] =	vst v0  }
0x70b: {  	v0 =	vld.idx.msk [tilespmem:v55+s8+$0x0], $0xffff;
	_ =	sdelay $0x4  }
0x70c: {  	[tilespmem:$0x10390] =	vst v0  }
0x70d: {  	v0 =	vld.idx.msk [tilespmem:v56+s8+$0x0], $0xffff;
	_ =	sdelay $0x4  }
0x70e: {  	[tilespmem:$0x103A0] =	vst v0  }
0x70f: {  	v0 =	vld.idx.msk [tilespmem:v57+s8+$0x0], $0xffff;
	_ =	sdelay $0x4  }
0x710: {  	[tilespmem:$0x103B0] =	vst v0  }
0x711: {  	v0 =	vld.idx.msk [tilespmem:v58+s8+$0x0], $0xffff;
	_ =	sdelay $0x4  }
0x712: {  	[tilespmem:$0x103C0] =	vst v0  }
0x713: {  	v0 =	vld.idx.msk [tilespmem:v59+s8+$0x0], $0xffff;
	_ =	sdelay $0x4  }
0x714: {  	[tilespmem:$0x103D0] =	vst v0  }
0x715: {  	v0 =	vld.idx.msk [tilespmem:v60+s8+$0x0], $0xffff;
	_ =	sdelay $0x4  }
0x716: {  	[tilespmem:$0x103E0] =	vst v0  }
0x717: {  	v0 =	vld.idx.msk [tilespmem:v61+s8+$0x0], $0xffff;
	_ =	sdelay $0x1  }
0x718: {  	s28 =	sshll.u32 s6, $0x9  }
0x719: {  	s3 =	sor.u32 s3, s28  }
0x71a: {  	s3 =	sshrl.u32 s3, $0x3  }
0x71b: {  	s30 =	simm.s32 $0x10380;
	s31 =	simm.s32 $0x2;
	s29 =	sadd.s32 s2, s3;
	[tilespmem:$0x103F0] =	vst v0  }
0x71c: {  	[hbm4b:s29+s5] =	stream.linear.scatter [tilespmem:s30], [sflag:$0x2], $0x80, $0x38;
	[tilespmem:$0x10400] =	vst v63  }
0x71d: {  	_ =	swait.ge [sflag:s31], $0x80  }
0x71e: {  	[sflag:s31] =	ssyncset.done $0x0  }
0x71f: {  	[sflag:s31] =	ssyncadd.s32 $0xFFFFFF80  }
0x720: {  	_ =	swait.ge [sflag:s31], $0x80  }
0x721: {  	[sflag:s31] =	ssyncset.done $0x0  }
0x722: {  	[sflag:s31] =	ssyncadd.s32 $0xFFFFFF80  }
0x723: {  	_ =	swait.ge [sflag:s31], $0x80  }
0x724: {  	[sflag:s31] =	ssyncset.done $0x0  }
0x725: {  	[sflag:s31] =	ssyncadd.s32 $0xFFFFFF80  }
0x726: {  	_ =	swait.ge [sflag:s31], $0x80  }
0x727: {  	[sflag:s31] =	ssyncset.done $0x0  }
0x728: {  	[sflag:s31] =	ssyncadd.s32 $0xFFFFFF80  }
0x729: {  	_ =	sfence.sel $0x180000  }
0x72a: {  	[bflag:$0x0] =	sbarrier.arrive $0xFFFF  }
0x72b: {  	p0 =	sne.s32 s0, $0x0;
	_ =	strace $0x90000047  }
0x72c: {  	s0 =	sadd.s32 @!p0 $0x100000, s1;
	[bflag:$0x2] =	sbarrier.arrive $0xFFFF  }
0x72d: {  	[sflag:s0] =	ssyncadd.tile.s32 @!p0 $0x1;
	_ =	shalt  }
.Lfunc_end2:
_tile_overlayer_lowered:
.L_overlay_start_2:
0x72e: {  	(tag) =	ssettag $0x2  }
0x72f: {  	s0 =	rddreg [dreg:$0x0];
	s2 =	stileid.u32  }
0x730: {  	s1 =	rddreg [dreg:$0x1];
	p0 =	sne.s32 s2, $0x0  }
0x731: {  	s3 =	rddreg [dreg:$0x2];
	[bflag:$0x3] =	sbarrier.arrive $0xFFFF;
	s2 =	simm.s32 @!p0 $0x1C03  }
0x732: {  	[timem:s3], [sflag:s2] =	dma.local @!p0 [hbm:s0], s1  }
0x733: {  	s0 =	simm.s32 @!p0 $0x3  }
0x734: {  	_ =	swait.ge @!p0 [sflag:s0], s1  }
0x735: {  	s1 =	ssub.s32 @!p0 $0x0, s1;
	[sflag:s0] =	ssyncset.done @!p0 $0x0  }
0x736: {  	[sflag:s0] =	ssyncadd.s32 @!p0 s1  }
0x737: {  	[bflag:$0x3] =	sbarrier.arrive $0xFFFF  }
0x738: {  	_ =	shalt  }

</sc_bundles>
